<compile_context>
chip_gen: v7x
topology: tpu7x:2x2x1
jax: 0.10.2.dev20260603
libtpu: 0.0.44.dev20260713+nightly
codegen_flags: <defaults>
</compile_context>

<pallas_src>
import functools

import jax
import jax.numpy as jnp
from jax import lax
from jax.experimental import pallas as pl
from jax.experimental.pallas import tpu as pltpu
from jax.experimental.pallas import tpu_sc as plsc

N = 200000
H = 256
W = 256
T = 16
VOX = T * H * W

LANES = 128
N_PAD = 200704
NR = N_PAD // LANES
BR = 32
K = 27

E = K * N_PAD
ER = E // LANES

SC_TILES = 16
PT = E // SC_TILES
CH = 12096
NCH = PT // CH
SLICE = VOX // SC_TILES
BOUNCE = 16384
HOPS = SLICE // BOUNCE

_OFFS = [(dx, dy, dt) for dx in (-1, 0, 1) for dy in (-1, 0, 1)
         for dt in (-1, 0, 1)]


def _emit_body(xyz_ref, cho_ref, fea_ref, opa_ref, idx_ref, val_ref):
    j = pl.program_id(0)
    x3 = jnp.tanh(xyz_ref[0])
    y3 = jnp.tanh(xyz_ref[1])
    z3 = jnp.tanh(xyz_ref[2])
    px = (x3 + 1.0) * (0.5 * (W - 1))
    py = (y3 + 1.0) * (0.5 * (H - 1))
    pt = (z3 + 1.0) * (0.5 * (T - 1))
    cx = jnp.floor(px + 0.5)
    cy = jnp.floor(py + 0.5)
    ct = jnp.floor(pt + 0.5)

    c0 = cho_ref[0] + 0.5
    c1 = cho_ref[1]
    c2 = cho_ref[2] + 0.5
    c3 = cho_ref[3] + 0.5
    c4 = cho_ref[4]
    c5 = cho_ref[5] + 0.5
    eps = 1e-4
    v00 = c0 * c0 + eps
    v01 = c0 * c1
    v02 = c0 * c3
    v11 = c1 * c1 + c2 * c2 + eps
    v12 = c1 * c3 + c2 * c4
    v22 = c3 * c3 + c4 * c4 + c5 * c5 + eps
    m00 = v11 * v22 - v12 * v12
    m01 = v02 * v12 - v01 * v22
    m02 = v01 * v12 - v02 * v11
    det = v00 * m00 + v01 * m01 + v02 * m02
    rdet = 1.0 / det
    q00 = m00 * rdet
    q01 = m01 * rdet
    q02 = m02 * rdet
    q11 = (v00 * v22 - v02 * v02) * rdet
    q12 = (v01 * v02 - v00 * v12) * rdet
    q22 = (v00 * v11 - v01 * v01) * rdet

    alpha = jax.nn.sigmoid(opa_ref[0])
    colr = jax.nn.sigmoid(fea_ref[0])
    colg = jax.nn.sigmoid(fea_ref[1])
    colb = jax.nn.sigmoid(fea_ref[2])

    rows = jax.lax.broadcasted_iota(jnp.int32, (BR, LANES), 0)
    cols = jax.lax.broadcasted_iota(jnp.int32, (BR, LANES), 1)
    pos = (j * BR + rows) * LANES + cols
    valid = pos < N
    a_eff = jnp.where(valid, alpha, 0.0)

    for k, (dxo, dyo, dto) in enumerate(_OFFS):
        vx = jnp.clip(cx + dxo, 0.0, W - 1.0)
        vy = jnp.clip(cy + dyo, 0.0, H - 1.0)
        vt = jnp.clip(ct + dto, 0.0, T - 1.0)
        dxv = vx - px
        dyv = vy - py
        dtv = vt - pt
        quad = (q00 * dxv * dxv + q11 * dyv * dyv + q22 * dtv * dtv
                + 2.0 * (q01 * dxv * dyv + q02 * dxv * dtv
                         + q12 * dyv * dtv))
        w = jnp.exp(-0.5 * quad)
        contrib = a_eff * w
        ix = vx.astype(jnp.int32)
        iy = vy.astype(jnp.int32)
        it = vt.astype(jnp.int32)
        s = iy * (W * T) + ix * T + it
        idx_ref[k] = jnp.where(valid, s, pos)
        val_ref[k] = contrib * colr
        val_ref[K + k] = contrib * colg
        val_ref[2 * K + k] = contrib * colb
        val_ref[3 * K + k] = contrib


def _emit(xyz_t, cho_t, fea_t, opa_t):
    grid = NR // BR
    return pl.pallas_call(
        _emit_body,
        grid=(grid,),
        in_specs=[
            pl.BlockSpec((3, BR, LANES), lambda j: (0, j, 0)),
            pl.BlockSpec((6, BR, LANES), lambda j: (0, j, 0)),
            pl.BlockSpec((3, BR, LANES), lambda j: (0, j, 0)),
            pl.BlockSpec((1, BR, LANES), lambda j: (0, j, 0)),
        ],
        out_specs=[
            pl.BlockSpec((K, BR, LANES), lambda j: (0, j, 0)),
            pl.BlockSpec((4 * K, BR, LANES), lambda j: (0, j, 0)),
        ],
        out_shape=[
            jax.ShapeDtypeStruct((K, NR, LANES), jnp.int32),
            jax.ShapeDtypeStruct((4 * K, NR, LANES), jnp.float32),
        ],
    )(xyz_t, cho_t, fea_t, opa_t)


def _scatter_body(idx_hbm, val_hbm, acc_hbm, idx0, val0, idx1, val1, bounce,
                  shared, sem0, sem1):
    cid = lax.axis_index("c")
    sid = lax.axis_index("s")
    ent0 = sid * PT
    vox0 = sid * SLICE

    bufs = ((idx0, val0, sem0), (idx1, val1, sem1))

    for half in range(2):
        ch = 2 * cid + half

        def start(g, ib, vb, sem):
            e = pl.multiple_of(ent0 + g * CH, 64)
            pltpu.async_copy(idx_hbm.at[pl.ds(e, CH)], ib, sem)
            ve = pl.multiple_of(ch * E + e, 64)
            pltpu.async_copy(val_hbm.at[pl.ds(ve, CH)], vb, sem)

        def drain(ib, vb, sem):
            pltpu.make_async_copy(idx_hbm.at[pl.ds(0, CH)], ib, sem).wait()
            pltpu.make_async_copy(val_hbm.at[pl.ds(0, CH)], vb, sem).wait()

        def scatter(ib, vb):
            pltpu.sync_copy(vb, shared.at[ib], add=True)

        start(0, *bufs[0])

        def zero_body(i, _):
            bounce[pl.ds(i * 16, 16)] = jnp.zeros((16,), jnp.float32)
            return 0
        lax.fori_loop(0, BOUNCE // 16, zero_body, 0)
        for h in range(HOPS):
            pltpu.sync_copy(bounce,
                            shared.at[pl.ds(vox0 + h * BOUNCE, BOUNCE)])
        plsc.subcore_barrier()

        def pair_body(i, _):
            g = 2 * i
            start(g + 1, *bufs[1])
            drain(*bufs[0])
            scatter(bufs[0][0], bufs[0][1])
            start(g + 2, *bufs[0])
            drain(*bufs[1])
            scatter(bufs[1][0], bufs[1][1])
            return 0
        lax.fori_loop(0, (NCH - 1) // 2, pair_body, 0)
        if NCH % 2 == 0:
            start(NCH - 1, *bufs[1])
            drain(*bufs[0])
            scatter(bufs[0][0], bufs[0][1])
            drain(*bufs[1])
            scatter(bufs[1][0], bufs[1][1])
        else:
            drain(*bufs[0])
            scatter(bufs[0][0], bufs[0][1])
        plsc.subcore_barrier()

        for h in range(HOPS):
            pltpu.sync_copy(shared.at[pl.ds(vox0 + h * BOUNCE, BOUNCE)],
                            bounce)
            a = pl.multiple_of(ch * VOX + vox0 + h * BOUNCE, 64)
            pltpu.sync_copy(bounce, acc_hbm.at[pl.ds(a, BOUNCE)])


def _scatter(idx, vals):
    mesh = plsc.VectorSubcoreMesh(core_axis_name="c", subcore_axis_name="s")
    f = pl.kernel(
        _scatter_body,
        out_type=jax.ShapeDtypeStruct((4 * VOX,), jnp.float32),
        mesh=mesh,
        scratch_types=[
            pltpu.VMEM((CH,), jnp.int32),
            pltpu.VMEM((CH,), jnp.float32),
            pltpu.VMEM((CH,), jnp.int32),
            pltpu.VMEM((CH,), jnp.float32),
            pltpu.VMEM((BOUNCE,), jnp.float32),
            pltpu.VMEM_SHARED((VOX,), jnp.float32),
            pltpu.SemaphoreType.DMA,
            pltpu.SemaphoreType.DMA,
        ],
    )
    return f(idx, vals)


def _blend_body(acc_ref, out_ref):
    a = acc_ref[3]
    bg = jnp.clip(1.0 - a, 0.0, 1.0)
    for c in range(3):
        out_ref[c] = jnp.clip(acc_ref[c] + bg, 0.0, 1.0)


def _blend(acc):
    rows = VOX // LANES
    br = 1024
    return pl.pallas_call(
        _blend_body,
        grid=(rows // br,),
        in_specs=[pl.BlockSpec((4, br, LANES), lambda j: (0, j, 0))],
        out_specs=pl.BlockSpec((3, br, LANES), lambda j: (0, j, 0)),
        out_shape=jax.ShapeDtypeStruct((3, rows, LANES), jnp.float32),
    )(acc.reshape(4, rows, LANES))


def kernel(xyz_3d, cholesky_3d, features_dc, opacity):
    pad = N_PAD - N
    xyz_t = jnp.pad(xyz_3d, ((0, pad), (0, 0))).T.reshape(3, NR, LANES)
    cho_t = jnp.pad(cholesky_3d, ((0, pad), (0, 0))).T.reshape(6, NR, LANES)
    fea_t = jnp.pad(features_dc, ((0, pad), (0, 0))).T.reshape(3, NR, LANES)
    opa_t = jnp.pad(opacity, ((0, pad), (0, 0))).T.reshape(1, NR, LANES)

    idx, vals = _emit(xyz_t, cho_t, fea_t, opa_t)
    idx = idx.reshape(E)
    vals = vals.reshape(4 * E)

    acc = _scatter(idx, vals)
    out = _blend(acc)
    return out.reshape(1, 3, H, W, T)

# --- scband reference (transcript-rebuilt; emitter-appended) ---
"""Pipeline reference for scband-gaussian-video-layer-22582938042783 (READ-ONLY COPY).

The authoritative reference and input builder live on the scoring server;
editing this copy changes nothing except your own understanding.
"""

import jax, jax.numpy as jnp
import numpy as np

N = 200000
H = 256
W = 256
T = 16


def setup_inputs(seed: int = 0) -> dict:
    key = jax.random.key(seed)
    k1, k2, k3 = jax.random.split(key, 3)
    xyz_3d = jax.random.normal(k1, (N, 3), dtype=jnp.float32)
    cholesky_3d = jax.random.uniform(k2, (N, 6), dtype=jnp.float32)
    features_dc = jax.random.uniform(k3, (N, 3), dtype=jnp.float32)
    opacity = jnp.ones((N, 1), dtype=jnp.float32)
    return {"xyz_3d": xyz_3d, "cholesky_3d": cholesky_3d, "features_dc": features_dc, "opacity": opacity}


def _forward(xyz_3d, cholesky_3d, features_dc, opacity):
    cholesky_bound = jnp.array([0.5, 0.0, 0.5, 0.5, 0.0, 0.5], dtype=jnp.float32)
    background = jnp.ones(3, dtype=jnp.float32)
    # get_xyz: tanh-squashed positions in [-1,1]^3 (layer 0)
    xyz = jnp.tanh(xyz_3d)
    # get_cholesky_elements: lower-bounded cholesky factors
    c = cholesky_3d + cholesky_bound[None, :]
    n = c.shape[0]
    zeros = jnp.zeros((n,), dtype=jnp.float32)
    L = jnp.stack([
        jnp.stack([c[:, 0], zeros, zeros], axis=-1),
        jnp.stack([c[:, 1], c[:, 2], zeros], axis=-1),
        jnp.stack([c[:, 3], c[:, 4], c[:, 5]], axis=-1),
    ], axis=1)  # [N,3,3]
    cov = L @ jnp.swapaxes(L, 1, 2) + 1e-4 * jnp.eye(3, dtype=jnp.float32)[None]
    conic = jnp.linalg.inv(cov)  # [N,3,3]
    # project_gaussians_video: map [-1,1] -> pixel/frame coordinates
    px = (xyz[:, 0] + 1.0) * 0.5 * (W - 1)
    py = (xyz[:, 1] + 1.0) * 0.5 * (H - 1)
    pt = (xyz[:, 2] + 1.0) * 0.5 * (T - 1)
    cx = jnp.floor(px + 0.5)
    cy = jnp.floor(py + 0.5)
    ct = jnp.floor(pt + 0.5)
    # 3x3x3 voxel neighborhood per gaussian
    offs = np.stack(np.meshgrid(np.arange(-1, 2), np.arange(-1, 2), np.arange(-1, 2), indexing='ij'), axis=-1).reshape(-1, 3)
    offs = jnp.asarray(offs, dtype=jnp.float32)  # [27,3] -> (dx, dy, dt)
    vx = jnp.clip(cx[:, None] + offs[None, :, 0], 0.0, W - 1.0)
    vy = jnp.clip(cy[:, None] + offs[None, :, 1], 0.0, H - 1.0)
    vt = jnp.clip(ct[:, None] + offs[None, :, 2], 0.0, T - 1.0)
    d = jnp.stack([vx - px[:, None], vy - py[:, None], vt - pt[:, None]], axis=-1)  # [N,27,3]
    quad = jnp.einsum('nka,nab,nkb->nk', d, conic, d)
    w = jnp.exp(-0.5 * quad)  # [N,27]
    # opacity / rgb activations (sigmoid, as declared in __init__)
    alpha = jax.nn.sigmoid(opacity[:, 0])
    color = jax.nn.sigmoid(features_dc)
    contrib = alpha[:, None] * w  # [N,27]
    ix = vx.astype(jnp.int32)
    iy = vy.astype(jnp.int32)
    it = vt.astype(jnp.int32)
    flat = (it * H + iy) * W + ix  # [N,27]
    vals = (contrib[..., None] * color[:, None, :]).reshape(-1, 3)
    buf = jnp.zeros((T * H * W, 3), dtype=jnp.float32).at[flat.reshape(-1)].add(vals)
    abuf = jnp.zeros((T * H * W,), dtype=jnp.float32).at[flat.reshape(-1)].add(contrib.reshape(-1))
    out = buf + background[None, :] * jnp.clip(1.0 - abuf, 0.0, 1.0)[:, None]
    out = jnp.clip(out, 0.0, 1.0)
    out = out.reshape(1, T, H, W, 3).transpose(0, 4, 2, 3, 1)  # [1,3,H,W,T]
    return out


def reference(xyz_3d, cholesky_3d, features_dc, opacity):
    return _forward(xyz_3d, cholesky_3d, features_dc, opacity)

if __name__ == "__main__":
    import jax
    _d = setup_inputs()
    print(jax.jit(kernel)(*tuple(_d.values())))

</pallas_src>

<mosaic_0001>
#map = affine_map<(d0, d1) -> (0)>
module attributes {stable_mosaic.version = 14 : i64} {
  func.func @_scatter_body(%arg0: i32, %arg1: i32, %arg2: memref<5419008xi32, #tpu.memory_space<hbm>>, %arg3: memref<21676032xf32, #tpu.memory_space<hbm>>, %arg4: memref<4194304xf32, #tpu.memory_space<hbm>>, %arg5: memref<12096xi32, #tpu.memory_space<vmem>>, %arg6: memref<12096xf32, #tpu.memory_space<vmem>>, %arg7: memref<12096xi32, #tpu.memory_space<vmem>>, %arg8: memref<12096xf32, #tpu.memory_space<vmem>>, %arg9: memref<16384xf32, #tpu.memory_space<vmem>>, %arg10: memref<1048576xf32, #tpu.memory_space<vmem_shared>>, %arg11: memref<!tpu.dma_semaphore, #tpu.memory_space<semaphore_mem>>, %arg12: memref<!tpu.dma_semaphore, #tpu.memory_space<semaphore_mem>>) attributes {dimension_semantics = [#tpu.dimension_semantics<core_parallel>, #tpu.dimension_semantics<subcore_parallel>], iteration_bounds = array<i64: 2, 16>, scalar_prefetch = 0 : i64, scratch_operands = 8 : i64, tpu.core_type = #tpu.core_type<sc_vector_subcore>, window_params = [{transform_indices = #map}, {transform_indices = #map}, {transform_indices = #map}]} {
    %mul3A = arith.constant 338688 : i32
    %mul3A_0 = arith.muli %arg1, %mul3A : i32
    %mul3A_1 = arith.constant 65536 : i32
    %mul3A_2 = arith.muli %arg1, %mul3A_1 : i32
    %mul3A_3 = arith.constant 2 : i32
    %mul3A_4 = arith.muli %mul3A_3, %arg0 : i32
    %add3A = arith.constant 0 : i32
    %add3A_5 = arith.addi %mul3A_4, %add3A : i32
    %add3A_6 = arith.constant 0 : i32
    %add3A_7 = arith.addi %mul3A_0, %add3A_6 : i32
    %multiple_of3A = tpu.assume_multiple %add3A_7, 64 : i32
    %dma_start3A = tpu.memref_slice %arg2[%multiple_of3A] : memref<5419008xi32, #tpu.memory_space<hbm>> -> memref<12096xi32, #tpu.memory_space<hbm>>
    %dma_start3A_8 = tpu.memref_slice %arg2[%multiple_of3A] : memref<5419008xi32, #tpu.memory_space<hbm>> -> memref<12096xi32, #tpu.memory_space<hbm>>
    tpu.enqueue_dma source(%dma_start3A_8 : memref<12096xi32, #tpu.memory_space<hbm>>) target(%arg5 : memref<12096xi32, #tpu.memory_space<vmem>>) target_semaphore(%arg11 : memref<!tpu.dma_semaphore, #tpu.memory_space<semaphore_mem>>)
    %mul3A_9 = arith.constant 5419008 : i32
    %mul3A_10 = arith.muli %add3A_5, %mul3A_9 : i32
    %add3A_11 = arith.addi %mul3A_10, %multiple_of3A : i32
    %multiple_of3A_12 = tpu.assume_multiple %add3A_11, 64 : i32
    %dma_start3A_13 = tpu.memref_slice %arg3[%multiple_of3A_12] : memref<21676032xf32, #tpu.memory_space<hbm>> -> memref<12096xf32, #tpu.memory_space<hbm>>
    %dma_start3A_14 = tpu.memref_slice %arg3[%multiple_of3A_12] : memref<21676032xf32, #tpu.memory_space<hbm>> -> memref<12096xf32, #tpu.memory_space<hbm>>
    tpu.enqueue_dma source(%dma_start3A_14 : memref<12096xf32, #tpu.memory_space<hbm>>) target(%arg6 : memref<12096xf32, #tpu.memory_space<vmem>>) target_semaphore(%arg11 : memref<!tpu.dma_semaphore, #tpu.memory_space<semaphore_mem>>)
    %scan3A = arith.constant 0 : i32
    %scan3A_15 = arith.constant 0 : i32
    %scan3A_16 = arith.constant 1024 : i32
    %scan3A_17 = arith.addi %scan3A_15, %scan3A_16 : i32
    %scan3A_18 = arith.constant 1 : i32
    %scan3A_19 = scf.for %scan3A_193 = %scan3A_15 to %scan3A_17 step %scan3A_18 iter_args(%scan3A_194 = %scan3A) -> (i32)  : i32 {
      %broadcast_in_dim3A = arith.constant 0.000000e+00 : f32
      %broadcast_in_dim3A_195 = vector.broadcast %broadcast_in_dim3A : f32 to vector<16xf32>
      %mul3A_196 = arith.constant 16 : i32
      %mul3A_197 = arith.muli %scan3A_193, %mul3A_196 : i32
      %swap3A = arith.index_cast %mul3A_197 : i32 to index
      %swap3A_198 = tpu.vector_load %arg9[%swap3A] {strides = array<i32>} : memref<16384xf32, #tpu.memory_space<vmem>>, vector<16xf32>,
      %swap3A_199 = vector.shape_cast %swap3A_198 : vector<16xf32> to vector<16xf32>
      %swap3A_200 = vector.shape_cast %broadcast_in_dim3A_195 : vector<16xf32> to vector<16xf32>
      tpu.vector_store %arg9[%swap3A], %swap3A_200 {strides = array<i32>} : memref<16384xf32, #tpu.memory_space<vmem>>, vector<16xf32>,
      %scan3A_201 = arith.constant 0 : i32
      scf.yield %scan3A_201 : i32
    }
    %scan3A_20 = arith.constant 1024 : i32
    %add3A_21 = arith.constant 0 : i32
    %add3A_22 = arith.addi %mul3A_2, %add3A_21 : i32
    "tpu.region"() ({
      %run_scoped3A = tpu.sem_alloc : memref<!tpu.dma_semaphore, #tpu.memory_space<semaphore_mem>>
      %dma_start3A_193 = tpu.memref_slice %arg10[%add3A_22] : memref<1048576xf32, #tpu.memory_space<vmem_shared>> -> memref<16384xf32, #tpu.memory_space<vmem_shared>>
      %dma_start3A_194 = tpu.memref_slice %arg10[%add3A_22] : memref<1048576xf32, #tpu.memory_space<vmem_shared>> -> memref<16384xf32, #tpu.memory_space<vmem_shared>>
      tpu.enqueue_dma source(%arg9 : memref<16384xf32, #tpu.memory_space<vmem>>) target(%dma_start3A_194 : memref<16384xf32, #tpu.memory_space<vmem_shared>>) target_semaphore(%run_scoped3A : memref<!tpu.dma_semaphore, #tpu.memory_space<semaphore_mem>>)
      %dma_wait3A_195 = tpu.memref_slice %arg10[%add3A_22] : memref<1048576xf32, #tpu.memory_space<vmem_shared>> -> memref<16384xf32, #tpu.memory_space<vmem_shared>>
      %dma_wait3A_196 = tpu.memref_slice %arg10[%add3A_22] : memref<1048576xf32, #tpu.memory_space<vmem_shared>> -> memref<16384xf32, #tpu.memory_space<vmem_shared>>
      tpu.wait_dma2 semaphore(%run_scoped3A : memref<!tpu.dma_semaphore, #tpu.memory_space<semaphore_mem>>) src(%arg9 : memref<16384xf32, #tpu.memory_space<vmem>>) dst(%dma_wait3A_196 : memref<16384xf32, #tpu.memory_space<vmem_shared>>)
      tpu.yield
    }) : () -> ()
    %add3A_23 = arith.constant 16384 : i32
    %add3A_24 = arith.addi %mul3A_2, %add3A_23 : i32
    "tpu.region"() ({
      %run_scoped3A = tpu.sem_alloc : memref<!tpu.dma_semaphore, #tpu.memory_space<semaphore_mem>>
      %dma_start3A_193 = tpu.memref_slice %arg10[%add3A_24] : memref<1048576xf32, #tpu.memory_space<vmem_shared>> -> memref<16384xf32, #tpu.memory_space<vmem_shared>>
      %dma_start3A_194 = tpu.memref_slice %arg10[%add3A_24] : memref<1048576xf32, #tpu.memory_space<vmem_shared>> -> memref<16384xf32, #tpu.memory_space<vmem_shared>>
      tpu.enqueue_dma source(%arg9 : memref<16384xf32, #tpu.memory_space<vmem>>) target(%dma_start3A_194 : memref<16384xf32, #tpu.memory_space<vmem_shared>>) target_semaphore(%run_scoped3A : memref<!tpu.dma_semaphore, #tpu.memory_space<semaphore_mem>>)
      %dma_wait3A_195 = tpu.memref_slice %arg10[%add3A_24] : memref<1048576xf32, #tpu.memory_space<vmem_shared>> -> memref<16384xf32, #tpu.memory_space<vmem_shared>>
      %dma_wait3A_196 = tpu.memref_slice %arg10[%add3A_24] : memref<1048576xf32, #tpu.memory_space<vmem_shared>> -> memref<16384xf32, #tpu.memory_space<vmem_shared>>
      tpu.wait_dma2 semaphore(%run_scoped3A : memref<!tpu.dma_semaphore, #tpu.memory_space<semaphore_mem>>) src(%arg9 : memref<16384xf32, #tpu.memory_space<vmem>>) dst(%dma_wait3A_196 : memref<16384xf32, #tpu.memory_space<vmem_shared>>)
      tpu.yield
    }) : () -> ()
    %add3A_25 = arith.constant 32768 : i32
    %add3A_26 = arith.addi %mul3A_2, %add3A_25 : i32
    "tpu.region"() ({
      %run_scoped3A = tpu.sem_alloc : memref<!tpu.dma_semaphore, #tpu.memory_space<semaphore_mem>>
      %dma_start3A_193 = tpu.memref_slice %arg10[%add3A_26] : memref<1048576xf32, #tpu.memory_space<vmem_shared>> -> memref<16384xf32, #tpu.memory_space<vmem_shared>>
      %dma_start3A_194 = tpu.memref_slice %arg10[%add3A_26] : memref<1048576xf32, #tpu.memory_space<vmem_shared>> -> memref<16384xf32, #tpu.memory_space<vmem_shared>>
      tpu.enqueue_dma source(%arg9 : memref<16384xf32, #tpu.memory_space<vmem>>) target(%dma_start3A_194 : memref<16384xf32, #tpu.memory_space<vmem_shared>>) target_semaphore(%run_scoped3A : memref<!tpu.dma_semaphore, #tpu.memory_space<semaphore_mem>>)
      %dma_wait3A_195 = tpu.memref_slice %arg10[%add3A_26] : memref<1048576xf32, #tpu.memory_space<vmem_shared>> -> memref<16384xf32, #tpu.memory_space<vmem_shared>>
      %dma_wait3A_196 = tpu.memref_slice %arg10[%add3A_26] : memref<1048576xf32, #tpu.memory_space<vmem_shared>> -> memref<16384xf32, #tpu.memory_space<vmem_shared>>
      tpu.wait_dma2 semaphore(%run_scoped3A : memref<!tpu.dma_semaphore, #tpu.memory_space<semaphore_mem>>) src(%arg9 : memref<16384xf32, #tpu.memory_space<vmem>>) dst(%dma_wait3A_196 : memref<16384xf32, #tpu.memory_space<vmem_shared>>)
      tpu.yield
    }) : () -> ()
    %add3A_27 = arith.constant 49152 : i32
    %add3A_28 = arith.addi %mul3A_2, %add3A_27 : i32
    "tpu.region"() ({
      %run_scoped3A = tpu.sem_alloc : memref<!tpu.dma_semaphore, #tpu.memory_space<semaphore_mem>>
      %dma_start3A_193 = tpu.memref_slice %arg10[%add3A_28] : memref<1048576xf32, #tpu.memory_space<vmem_shared>> -> memref<16384xf32, #tpu.memory_space<vmem_shared>>
      %dma_start3A_194 = tpu.memref_slice %arg10[%add3A_28] : memref<1048576xf32, #tpu.memory_space<vmem_shared>> -> memref<16384xf32, #tpu.memory_space<vmem_shared>>
      tpu.enqueue_dma source(%arg9 : memref<16384xf32, #tpu.memory_space<vmem>>) target(%dma_start3A_194 : memref<16384xf32, #tpu.memory_space<vmem_shared>>) target_semaphore(%run_scoped3A : memref<!tpu.dma_semaphore, #tpu.memory_space<semaphore_mem>>)
      %dma_wait3A_195 = tpu.memref_slice %arg10[%add3A_28] : memref<1048576xf32, #tpu.memory_space<vmem_shared>> -> memref<16384xf32, #tpu.memory_space<vmem_shared>>
      %dma_wait3A_196 = tpu.memref_slice %arg10[%add3A_28] : memref<1048576xf32, #tpu.memory_space<vmem_shared>> -> memref<16384xf32, #tpu.memory_space<vmem_shared>>
      tpu.wait_dma2 semaphore(%run_scoped3A : memref<!tpu.dma_semaphore, #tpu.memory_space<semaphore_mem>>) src(%arg9 : memref<16384xf32, #tpu.memory_space<vmem>>) dst(%dma_wait3A_196 : memref<16384xf32, #tpu.memory_space<vmem_shared>>)
      tpu.yield
    }) : () -> ()
    %barrier3A = arith.constant 0 : index
    tpu.barrier barrier_id(%barrier3A)
    %scan3A_29 = arith.constant 0 : i32
    %scan3A_30 = arith.constant 0 : i32
    %scan3A_31 = arith.constant 13 : i32
    %scan3A_32 = arith.addi %scan3A_30, %scan3A_31 : i32
    %scan3A_33 = arith.constant 1 : i32
    %scan3A_34 = scf.for %scan3A_193 = %scan3A_30 to %scan3A_32 step %scan3A_33 iter_args(%scan3A_194 = %scan3A_29) -> (i32)  : i32 {
      %mul3A_195 = arith.constant 2 : i32
      %mul3A_196 = arith.muli %mul3A_195, %scan3A_193 : i32
      %add3A_197 = arith.constant 1 : i32
      %add3A_198 = arith.addi %mul3A_196, %add3A_197 : i32
      %mul3A_199 = arith.constant 12096 : i32
      %mul3A_200 = arith.muli %add3A_198, %mul3A_199 : i32
      %add3A_201 = arith.addi %mul3A_0, %mul3A_200 : i32
      %multiple_of3A_202 = tpu.assume_multiple %add3A_201, 64 : i32
      %dma_start3A_203 = tpu.memref_slice %arg2[%multiple_of3A_202] : memref<5419008xi32, #tpu.memory_space<hbm>> -> memref<12096xi32, #tpu.memory_space<hbm>>
      %dma_start3A_204 = tpu.memref_slice %arg2[%multiple_of3A_202] : memref<5419008xi32, #tpu.memory_space<hbm>> -> memref<12096xi32, #tpu.memory_space<hbm>>
      tpu.enqueue_dma source(%dma_start3A_204 : memref<12096xi32, #tpu.memory_space<hbm>>) target(%arg7 : memref<12096xi32, #tpu.memory_space<vmem>>) target_semaphore(%arg12 : memref<!tpu.dma_semaphore, #tpu.memory_space<semaphore_mem>>)
      %mul3A_205 = arith.constant 5419008 : i32
      %mul3A_206 = arith.muli %add3A_5, %mul3A_205 : i32
      %add3A_207 = arith.addi %mul3A_206, %multiple_of3A_202 : i32
      %multiple_of3A_208 = tpu.assume_multiple %add3A_207, 64 : i32
      %dma_start3A_209 = tpu.memref_slice %arg3[%multiple_of3A_208] : memref<21676032xf32, #tpu.memory_space<hbm>> -> memref<12096xf32, #tpu.memory_space<hbm>>
      %dma_start3A_210 = tpu.memref_slice %arg3[%multiple_of3A_208] : memref<21676032xf32, #tpu.memory_space<hbm>> -> memref<12096xf32, #tpu.memory_space<hbm>>
      tpu.enqueue_dma source(%dma_start3A_210 : memref<12096xf32, #tpu.memory_space<hbm>>) target(%arg8 : memref<12096xf32, #tpu.memory_space<vmem>>) target_semaphore(%arg12 : memref<!tpu.dma_semaphore, #tpu.memory_space<semaphore_mem>>)
      %dma_wait3A_211 = arith.constant 0 : i32
      %dma_wait3A_212 = tpu.memref_slice %arg2[%dma_wait3A_211] : memref<5419008xi32, #tpu.memory_space<hbm>> -> memref<12096xi32, #tpu.memory_space<hbm>>
      %dma_wait3A_213 = arith.constant 0 : i32
      %dma_wait3A_214 = tpu.memref_slice %arg2[%dma_wait3A_213] : memref<5419008xi32, #tpu.memory_space<hbm>> -> memref<12096xi32, #tpu.memory_space<hbm>>
      tpu.wait_dma2 semaphore(%arg11 : memref<!tpu.dma_semaphore, #tpu.memory_space<semaphore_mem>>) src(%dma_wait3A_214 : memref<12096xi32, #tpu.memory_space<hbm>>) dst(%arg5 : memref<12096xi32, #tpu.memory_space<vmem>>)
      %dma_wait3A_215 = arith.constant 0 : i32
      %dma_wait3A_216 = tpu.memref_slice %arg3[%dma_wait3A_215] : memref<21676032xf32, #tpu.memory_space<hbm>> -> memref<12096xf32, #tpu.memory_space<hbm>>
      %dma_wait3A_217 = arith.constant 0 : i32
      %dma_wait3A_218 = tpu.memref_slice %arg3[%dma_wait3A_217] : memref<21676032xf32, #tpu.memory_space<hbm>> -> memref<12096xf32, #tpu.memory_space<hbm>>
      tpu.wait_dma2 semaphore(%arg11 : memref<!tpu.dma_semaphore, #tpu.memory_space<semaphore_mem>>) src(%dma_wait3A_218 : memref<12096xf32, #tpu.memory_space<hbm>>) dst(%arg6 : memref<12096xf32, #tpu.memory_space<vmem>>)
      "tpu.region"() ({
        %run_scoped3A = tpu.sem_alloc : memref<!tpu.dma_semaphore, #tpu.memory_space<semaphore_mem>>
        %dma_start3A_242 = arith.constant 0 : i32
        %dma_start3A_243 = tpu.memref_slice %arg10[%dma_start3A_242] : memref<1048576xf32, #tpu.memory_space<vmem_shared>> -> memref<1048576xf32, #tpu.memory_space<vmem_shared>>
        tpu.enqueue_indirect_dma source(%arg6 : memref<12096xf32, #tpu.memory_space<vmem>>) target(%dma_start3A_243 : memref<1048576xf32, #tpu.memory_space<vmem_shared>>) offsets(%arg5 : memref<12096xi32, #tpu.memory_space<vmem>>) semaphore(%run_scoped3A : memref<!tpu.dma_semaphore, #tpu.memory_space<semaphore_mem>>) {add = true}
        %dma_wait3A_244 = arith.constant 0 : i32
        %dma_wait3A_245 = tpu.memref_slice %arg10[%dma_wait3A_244] : memref<1048576xf32, #tpu.memory_space<vmem_shared>> -> memref<1048576xf32, #tpu.memory_space<vmem_shared>>
        tpu.wait_indirect_dma semaphore(%run_scoped3A : memref<!tpu.dma_semaphore, #tpu.memory_space<semaphore_mem>>) src(%arg6 : memref<12096xf32, #tpu.memory_space<vmem>>) dst(%dma_wait3A_245 : memref<1048576xf32, #tpu.memory_space<vmem_shared>>)
        tpu.yield
      }) : () -> ()
      %add3A_219 = arith.constant 2 : i32
      %add3A_220 = arith.addi %mul3A_196, %add3A_219 : i32
      %mul3A_221 = arith.constant 12096 : i32
      %mul3A_222 = arith.muli %add3A_220, %mul3A_221 : i32
      %add3A_223 = arith.addi %mul3A_0, %mul3A_222 : i32
      %multiple_of3A_224 = tpu.assume_multiple %add3A_223, 64 : i32
      %dma_start3A_225 = tpu.memref_slice %arg2[%multiple_of3A_224] : memref<5419008xi32, #tpu.memory_space<hbm>> -> memref<12096xi32, #tpu.memory_space<hbm>>
      %dma_start3A_226 = tpu.memref_slice %arg2[%multiple_of3A_224] : memref<5419008xi32, #tpu.memory_space<hbm>> -> memref<12096xi32, #tpu.memory_space<hbm>>
      tpu.enqueue_dma source(%dma_start3A_226 : memref<12096xi32, #tpu.memory_space<hbm>>) target(%arg5 : memref<12096xi32, #tpu.memory_space<vmem>>) target_semaphore(%arg11 : memref<!tpu.dma_semaphore, #tpu.memory_space<semaphore_mem>>)
      %mul3A_227 = arith.constant 5419008 : i32
      %mul3A_228 = arith.muli %add3A_5, %mul3A_227 : i32
      %add3A_229 = arith.addi %mul3A_228, %multiple_of3A_224 : i32
      %multiple_of3A_230 = tpu.assume_multiple %add3A_229, 64 : i32
      %dma_start3A_231 = tpu.memref_slice %arg3[%multiple_of3A_230] : memref<21676032xf32, #tpu.memory_space<hbm>> -> memref<12096xf32, #tpu.memory_space<hbm>>
      %dma_start3A_232 = tpu.memref_slice %arg3[%multiple_of3A_230] : memref<21676032xf32, #tpu.memory_space<hbm>> -> memref<12096xf32, #tpu.memory_space<hbm>>
      tpu.enqueue_dma source(%dma_start3A_232 : memref<12096xf32, #tpu.memory_space<hbm>>) target(%arg6 : memref<12096xf32, #tpu.memory_space<vmem>>) target_semaphore(%arg11 : memref<!tpu.dma_semaphore, #tpu.memory_space<semaphore_mem>>)
      %dma_wait3A_233 = arith.constant 0 : i32
      %dma_wait3A_234 = tpu.memref_slice %arg2[%dma_wait3A_233] : memref<5419008xi32, #tpu.memory_space<hbm>> -> memref<12096xi32, #tpu.memory_space<hbm>>
      %dma_wait3A_235 = arith.constant 0 : i32
      %dma_wait3A_236 = tpu.memref_slice %arg2[%dma_wait3A_235] : memref<5419008xi32, #tpu.memory_space<hbm>> -> memref<12096xi32, #tpu.memory_space<hbm>>
      tpu.wait_dma2 semaphore(%arg12 : memref<!tpu.dma_semaphore, #tpu.memory_space<semaphore_mem>>) src(%dma_wait3A_236 : memref<12096xi32, #tpu.memory_space<hbm>>) dst(%arg7 : memref<12096xi32, #tpu.memory_space<vmem>>)
      %dma_wait3A_237 = arith.constant 0 : i32
      %dma_wait3A_238 = tpu.memref_slice %arg3[%dma_wait3A_237] : memref<21676032xf32, #tpu.memory_space<hbm>> -> memref<12096xf32, #tpu.memory_space<hbm>>
      %dma_wait3A_239 = arith.constant 0 : i32
      %dma_wait3A_240 = tpu.memref_slice %arg3[%dma_wait3A_239] : memref<21676032xf32, #tpu.memory_space<hbm>> -> memref<12096xf32, #tpu.memory_space<hbm>>
      tpu.wait_dma2 semaphore(%arg12 : memref<!tpu.dma_semaphore, #tpu.memory_space<semaphore_mem>>) src(%dma_wait3A_240 : memref<12096xf32, #tpu.memory_space<hbm>>) dst(%arg8 : memref<12096xf32, #tpu.memory_space<vmem>>)
      "tpu.region"() ({
        %run_scoped3A = tpu.sem_alloc : memref<!tpu.dma_semaphore, #tpu.memory_space<semaphore_mem>>
        %dma_start3A_242 = arith.constant 0 : i32
        %dma_start3A_243 = tpu.memref_slice %arg10[%dma_start3A_242] : memref<1048576xf32, #tpu.memory_space<vmem_shared>> -> memref<1048576xf32, #tpu.memory_space<vmem_shared>>
        tpu.enqueue_indirect_dma source(%arg8 : memref<12096xf32, #tpu.memory_space<vmem>>) target(%dma_start3A_243 : memref<1048576xf32, #tpu.memory_space<vmem_shared>>) offsets(%arg7 : memref<12096xi32, #tpu.memory_space<vmem>>) semaphore(%run_scoped3A : memref<!tpu.dma_semaphore, #tpu.memory_space<semaphore_mem>>) {add = true}
        %dma_wait3A_244 = arith.constant 0 : i32
        %dma_wait3A_245 = tpu.memref_slice %arg10[%dma_wait3A_244] : memref<1048576xf32, #tpu.memory_space<vmem_shared>> -> memref<1048576xf32, #tpu.memory_space<vmem_shared>>
        tpu.wait_indirect_dma semaphore(%run_scoped3A : memref<!tpu.dma_semaphore, #tpu.memory_space<semaphore_mem>>) src(%arg8 : memref<12096xf32, #tpu.memory_space<vmem>>) dst(%dma_wait3A_245 : memref<1048576xf32, #tpu.memory_space<vmem_shared>>)
        tpu.yield
      }) : () -> ()
      %scan3A_241 = arith.constant 0 : i32
      scf.yield %scan3A_241 : i32
    }
    %scan3A_35 = arith.constant 13 : i32
    %add3A_36 = arith.constant 326592 : i32
    %add3A_37 = arith.addi %mul3A_0, %add3A_36 : i32
    %multiple_of3A_38 = tpu.assume_multiple %add3A_37, 64 : i32
    %dma_start3A_39 = tpu.memref_slice %arg2[%multiple_of3A_38] : memref<5419008xi32, #tpu.memory_space<hbm>> -> memref<12096xi32, #tpu.memory_space<hbm>>
    %dma_start3A_40 = tpu.memref_slice %arg2[%multiple_of3A_38] : memref<5419008xi32, #tpu.memory_space<hbm>> -> memref<12096xi32, #tpu.memory_space<hbm>>
    tpu.enqueue_dma source(%dma_start3A_40 : memref<12096xi32, #tpu.memory_space<hbm>>) target(%arg7 : memref<12096xi32, #tpu.memory_space<vmem>>) target_semaphore(%arg12 : memref<!tpu.dma_semaphore, #tpu.memory_space<semaphore_mem>>)
    %mul3A_41 = arith.constant 5419008 : i32
    %mul3A_42 = arith.muli %add3A_5, %mul3A_41 : i32
    %add3A_43 = arith.addi %mul3A_42, %multiple_of3A_38 : i32
    %multiple_of3A_44 = tpu.assume_multiple %add3A_43, 64 : i32
    %dma_start3A_45 = tpu.memref_slice %arg3[%multiple_of3A_44] : memref<21676032xf32, #tpu.memory_space<hbm>> -> memref<12096xf32, #tpu.memory_space<hbm>>
    %dma_start3A_46 = tpu.memref_slice %arg3[%multiple_of3A_44] : memref<21676032xf32, #tpu.memory_space<hbm>> -> memref<12096xf32, #tpu.memory_space<hbm>>
    tpu.enqueue_dma source(%dma_start3A_46 : memref<12096xf32, #tpu.memory_space<hbm>>) target(%arg8 : memref<12096xf32, #tpu.memory_space<vmem>>) target_semaphore(%arg12 : memref<!tpu.dma_semaphore, #tpu.memory_space<semaphore_mem>>)
    %dma_wait3A = arith.constant 0 : i32
    %dma_wait3A_47 = tpu.memref_slice %arg2[%dma_wait3A] : memref<5419008xi32, #tpu.memory_space<hbm>> -> memref<12096xi32, #tpu.memory_space<hbm>>
    %dma_wait3A_48 = arith.constant 0 : i32
    %dma_wait3A_49 = tpu.memref_slice %arg2[%dma_wait3A_48] : memref<5419008xi32, #tpu.memory_space<hbm>> -> memref<12096xi32, #tpu.memory_space<hbm>>
    tpu.wait_dma2 semaphore(%arg11 : memref<!tpu.dma_semaphore, #tpu.memory_space<semaphore_mem>>) src(%dma_wait3A_49 : memref<12096xi32, #tpu.memory_space<hbm>>) dst(%arg5 : memref<12096xi32, #tpu.memory_space<vmem>>)
    %dma_wait3A_50 = arith.constant 0 : i32
    %dma_wait3A_51 = tpu.memref_slice %arg3[%dma_wait3A_50] : memref<21676032xf32, #tpu.memory_space<hbm>> -> memref<12096xf32, #tpu.memory_space<hbm>>
    %dma_wait3A_52 = arith.constant 0 : i32
    %dma_wait3A_53 = tpu.memref_slice %arg3[%dma_wait3A_52] : memref<21676032xf32, #tpu.memory_space<hbm>> -> memref<12096xf32, #tpu.memory_space<hbm>>
    tpu.wait_dma2 semaphore(%arg11 : memref<!tpu.dma_semaphore, #tpu.memory_space<semaphore_mem>>) src(%dma_wait3A_53 : memref<12096xf32, #tpu.memory_space<hbm>>) dst(%arg6 : memref<12096xf32, #tpu.memory_space<vmem>>)
    "tpu.region"() ({
      %run_scoped3A = tpu.sem_alloc : memref<!tpu.dma_semaphore, #tpu.memory_space<semaphore_mem>>
      %dma_start3A_193 = arith.constant 0 : i32
      %dma_start3A_194 = tpu.memref_slice %arg10[%dma_start3A_193] : memref<1048576xf32, #tpu.memory_space<vmem_shared>> -> memref<1048576xf32, #tpu.memory_space<vmem_shared>>
      tpu.enqueue_indirect_dma source(%arg6 : memref<12096xf32, #tpu.memory_space<vmem>>) target(%dma_start3A_194 : memref<1048576xf32, #tpu.memory_space<vmem_shared>>) offsets(%arg5 : memref<12096xi32, #tpu.memory_space<vmem>>) semaphore(%run_scoped3A : memref<!tpu.dma_semaphore, #tpu.memory_space<semaphore_mem>>) {add = true}
      %dma_wait3A_195 = arith.constant 0 : i32
      %dma_wait3A_196 = tpu.memref_slice %arg10[%dma_wait3A_195] : memref<1048576xf32, #tpu.memory_space<vmem_shared>> -> memref<1048576xf32, #tpu.memory_space<vmem_shared>>
      tpu.wait_indirect_dma semaphore(%run_scoped3A : memref<!tpu.dma_semaphore, #tpu.memory_space<semaphore_mem>>) src(%arg6 : memref<12096xf32, #tpu.memory_space<vmem>>) dst(%dma_wait3A_196 : memref<1048576xf32, #tpu.memory_space<vmem_shared>>)
      tpu.yield
    }) : () -> ()
    %dma_wait3A_54 = arith.constant 0 : i32
    %dma_wait3A_55 = tpu.memref_slice %arg2[%dma_wait3A_54] : memref<5419008xi32, #tpu.memory_space<hbm>> -> memref<12096xi32, #tpu.memory_space<hbm>>
    %dma_wait3A_56 = arith.constant 0 : i32
    %dma_wait3A_57 = tpu.memref_slice %arg2[%dma_wait3A_56] : memref<5419008xi32, #tpu.memory_space<hbm>> -> memref<12096xi32, #tpu.memory_space<hbm>>
    tpu.wait_dma2 semaphore(%arg12 : memref<!tpu.dma_semaphore, #tpu.memory_space<semaphore_mem>>) src(%dma_wait3A_57 : memref<12096xi32, #tpu.memory_space<hbm>>) dst(%arg7 : memref<12096xi32, #tpu.memory_space<vmem>>)
    %dma_wait3A_58 = arith.constant 0 : i32
    %dma_wait3A_59 = tpu.memref_slice %arg3[%dma_wait3A_58] : memref<21676032xf32, #tpu.memory_space<hbm>> -> memref<12096xf32, #tpu.memory_space<hbm>>
    %dma_wait3A_60 = arith.constant 0 : i32
    %dma_wait3A_61 = tpu.memref_slice %arg3[%dma_wait3A_60] : memref<21676032xf32, #tpu.memory_space<hbm>> -> memref<12096xf32, #tpu.memory_space<hbm>>
    tpu.wait_dma2 semaphore(%arg12 : memref<!tpu.dma_semaphore, #tpu.memory_space<semaphore_mem>>) src(%dma_wait3A_61 : memref<12096xf32, #tpu.memory_space<hbm>>) dst(%arg8 : memref<12096xf32, #tpu.memory_space<vmem>>)
    "tpu.region"() ({
      %run_scoped3A = tpu.sem_alloc : memref<!tpu.dma_semaphore, #tpu.memory_space<semaphore_mem>>
      %dma_start3A_193 = arith.constant 0 : i32
      %dma_start3A_194 = tpu.memref_slice %arg10[%dma_start3A_193] : memref<1048576xf32, #tpu.memory_space<vmem_shared>> -> memref<1048576xf32, #tpu.memory_space<vmem_shared>>
      tpu.enqueue_indirect_dma source(%arg8 : memref<12096xf32, #tpu.memory_space<vmem>>) target(%dma_start3A_194 : memref<1048576xf32, #tpu.memory_space<vmem_shared>>) offsets(%arg7 : memref<12096xi32, #tpu.memory_space<vmem>>) semaphore(%run_scoped3A : memref<!tpu.dma_semaphore, #tpu.memory_space<semaphore_mem>>) {add = true}
      %dma_wait3A_195 = arith.constant 0 : i32
      %dma_wait3A_196 = tpu.memref_slice %arg10[%dma_wait3A_195] : memref<1048576xf32, #tpu.memory_space<vmem_shared>> -> memref<1048576xf32, #tpu.memory_space<vmem_shared>>
      tpu.wait_indirect_dma semaphore(%run_scoped3A : memref<!tpu.dma_semaphore, #tpu.memory_space<semaphore_mem>>) src(%arg8 : memref<12096xf32, #tpu.memory_space<vmem>>) dst(%dma_wait3A_196 : memref<1048576xf32, #tpu.memory_space<vmem_shared>>)
      tpu.yield
    }) : () -> ()
    %barrier3A_62 = arith.constant 0 : index
    tpu.barrier barrier_id(%barrier3A_62)
    %add3A_63 = arith.constant 0 : i32
    %add3A_64 = arith.addi %mul3A_2, %add3A_63 : i32
    "tpu.region"() ({
      %run_scoped3A = tpu.sem_alloc : memref<!tpu.dma_semaphore, #tpu.memory_space<semaphore_mem>>
      %dma_start3A_193 = tpu.memref_slice %arg10[%add3A_64] : memref<1048576xf32, #tpu.memory_space<vmem_shared>> -> memref<16384xf32, #tpu.memory_space<vmem_shared>>
      %dma_start3A_194 = tpu.memref_slice %arg10[%add3A_64] : memref<1048576xf32, #tpu.memory_space<vmem_shared>> -> memref<16384xf32, #tpu.memory_space<vmem_shared>>
      tpu.enqueue_dma source(%dma_start3A_194 : memref<16384xf32, #tpu.memory_space<vmem_shared>>) target(%arg9 : memref<16384xf32, #tpu.memory_space<vmem>>) target_semaphore(%run_scoped3A : memref<!tpu.dma_semaphore, #tpu.memory_space<semaphore_mem>>)
      %dma_wait3A_195 = tpu.memref_slice %arg10[%add3A_64] : memref<1048576xf32, #tpu.memory_space<vmem_shared>> -> memref<16384xf32, #tpu.memory_space<vmem_shared>>
      %dma_wait3A_196 = tpu.memref_slice %arg10[%add3A_64] : memref<1048576xf32, #tpu.memory_space<vmem_shared>> -> memref<16384xf32, #tpu.memory_space<vmem_shared>>
      tpu.wait_dma2 semaphore(%run_scoped3A : memref<!tpu.dma_semaphore, #tpu.memory_space<semaphore_mem>>) src(%dma_wait3A_196 : memref<16384xf32, #tpu.memory_space<vmem_shared>>) dst(%arg9 : memref<16384xf32, #tpu.memory_space<vmem>>)
      tpu.yield
    }) : () -> ()
    %mul3A_65 = arith.constant 1048576 : i32
    %mul3A_66 = arith.muli %add3A_5, %mul3A_65 : i32
    %add3A_67 = arith.addi %mul3A_66, %mul3A_2 : i32
    %add3A_68 = arith.constant 0 : i32
    %add3A_69 = arith.addi %add3A_67, %add3A_68 : i32
    %multiple_of3A_70 = tpu.assume_multiple %add3A_69, 64 : i32
    "tpu.region"() ({
      %run_scoped3A = tpu.sem_alloc : memref<!tpu.dma_semaphore, #tpu.memory_space<semaphore_mem>>
      %dma_start3A_193 = tpu.memref_slice %arg4[%multiple_of3A_70] : memref<4194304xf32, #tpu.memory_space<hbm>> -> memref<16384xf32, #tpu.memory_space<hbm>>
      %dma_start3A_194 = tpu.memref_slice %arg4[%multiple_of3A_70] : memref<4194304xf32, #tpu.memory_space<hbm>> -> memref<16384xf32, #tpu.memory_space<hbm>>
      tpu.enqueue_dma source(%arg9 : memref<16384xf32, #tpu.memory_space<vmem>>) target(%dma_start3A_194 : memref<16384xf32, #tpu.memory_space<hbm>>) target_semaphore(%run_scoped3A : memref<!tpu.dma_semaphore, #tpu.memory_space<semaphore_mem>>)
      %dma_wait3A_195 = tpu.memref_slice %arg4[%multiple_of3A_70] : memref<4194304xf32, #tpu.memory_space<hbm>> -> memref<16384xf32, #tpu.memory_space<hbm>>
      %dma_wait3A_196 = tpu.memref_slice %arg4[%multiple_of3A_70] : memref<4194304xf32, #tpu.memory_space<hbm>> -> memref<16384xf32, #tpu.memory_space<hbm>>
      tpu.wait_dma2 semaphore(%run_scoped3A : memref<!tpu.dma_semaphore, #tpu.memory_space<semaphore_mem>>) src(%arg9 : memref<16384xf32, #tpu.memory_space<vmem>>) dst(%dma_wait3A_196 : memref<16384xf32, #tpu.memory_space<hbm>>)
      tpu.yield
    }) : () -> ()
    %add3A_71 = arith.constant 16384 : i32
    %add3A_72 = arith.addi %mul3A_2, %add3A_71 : i32
    "tpu.region"() ({
      %run_scoped3A = tpu.sem_alloc : memref<!tpu.dma_semaphore, #tpu.memory_space<semaphore_mem>>
      %dma_start3A_193 = tpu.memref_slice %arg10[%add3A_72] : memref<1048576xf32, #tpu.memory_space<vmem_shared>> -> memref<16384xf32, #tpu.memory_space<vmem_shared>>
      %dma_start3A_194 = tpu.memref_slice %arg10[%add3A_72] : memref<1048576xf32, #tpu.memory_space<vmem_shared>> -> memref<16384xf32, #tpu.memory_space<vmem_shared>>
      tpu.enqueue_dma source(%dma_start3A_194 : memref<16384xf32, #tpu.memory_space<vmem_shared>>) target(%arg9 : memref<16384xf32, #tpu.memory_space<vmem>>) target_semaphore(%run_scoped3A : memref<!tpu.dma_semaphore, #tpu.memory_space<semaphore_mem>>)
      %dma_wait3A_195 = tpu.memref_slice %arg10[%add3A_72] : memref<1048576xf32, #tpu.memory_space<vmem_shared>> -> memref<16384xf32, #tpu.memory_space<vmem_shared>>
      %dma_wait3A_196 = tpu.memref_slice %arg10[%add3A_72] : memref<1048576xf32, #tpu.memory_space<vmem_shared>> -> memref<16384xf32, #tpu.memory_space<vmem_shared>>
      tpu.wait_dma2 semaphore(%run_scoped3A : memref<!tpu.dma_semaphore, #tpu.memory_space<semaphore_mem>>) src(%dma_wait3A_196 : memref<16384xf32, #tpu.memory_space<vmem_shared>>) dst(%arg9 : memref<16384xf32, #tpu.memory_space<vmem>>)
      tpu.yield
    }) : () -> ()
    %mul3A_73 = arith.constant 1048576 : i32
    %mul3A_74 = arith.muli %add3A_5, %mul3A_73 : i32
    %add3A_75 = arith.addi %mul3A_74, %mul3A_2 : i32
    %add3A_76 = arith.constant 16384 : i32
    %add3A_77 = arith.addi %add3A_75, %add3A_76 : i32
    %multiple_of3A_78 = tpu.assume_multiple %add3A_77, 64 : i32
    "tpu.region"() ({
      %run_scoped3A = tpu.sem_alloc : memref<!tpu.dma_semaphore, #tpu.memory_space<semaphore_mem>>
      %dma_start3A_193 = tpu.memref_slice %arg4[%multiple_of3A_78] : memref<4194304xf32, #tpu.memory_space<hbm>> -> memref<16384xf32, #tpu.memory_space<hbm>>
      %dma_start3A_194 = tpu.memref_slice %arg4[%multiple_of3A_78] : memref<4194304xf32, #tpu.memory_space<hbm>> -> memref<16384xf32, #tpu.memory_space<hbm>>
      tpu.enqueue_dma source(%arg9 : memref<16384xf32, #tpu.memory_space<vmem>>) target(%dma_start3A_194 : memref<16384xf32, #tpu.memory_space<hbm>>) target_semaphore(%run_scoped3A : memref<!tpu.dma_semaphore, #tpu.memory_space<semaphore_mem>>)
      %dma_wait3A_195 = tpu.memref_slice %arg4[%multiple_of3A_78] : memref<4194304xf32, #tpu.memory_space<hbm>> -> memref<16384xf32, #tpu.memory_space<hbm>>
      %dma_wait3A_196 = tpu.memref_slice %arg4[%multiple_of3A_78] : memref<4194304xf32, #tpu.memory_space<hbm>> -> memref<16384xf32, #tpu.memory_space<hbm>>
      tpu.wait_dma2 semaphore(%run_scoped3A : memref<!tpu.dma_semaphore, #tpu.memory_space<semaphore_mem>>) src(%arg9 : memref<16384xf32, #tpu.memory_space<vmem>>) dst(%dma_wait3A_196 : memref<16384xf32, #tpu.memory_space<hbm>>)
      tpu.yield
    }) : () -> ()
    %add3A_79 = arith.constant 32768 : i32
    %add3A_80 = arith.addi %mul3A_2, %add3A_79 : i32
    "tpu.region"() ({
      %run_scoped3A = tpu.sem_alloc : memref<!tpu.dma_semaphore, #tpu.memory_space<semaphore_mem>>
      %dma_start3A_193 = tpu.memref_slice %arg10[%add3A_80] : memref<1048576xf32, #tpu.memory_space<vmem_shared>> -> memref<16384xf32, #tpu.memory_space<vmem_shared>>
      %dma_start3A_194 = tpu.memref_slice %arg10[%add3A_80] : memref<1048576xf32, #tpu.memory_space<vmem_shared>> -> memref<16384xf32, #tpu.memory_space<vmem_shared>>
      tpu.enqueue_dma source(%dma_start3A_194 : memref<16384xf32, #tpu.memory_space<vmem_shared>>) target(%arg9 : memref<16384xf32, #tpu.memory_space<vmem>>) target_semaphore(%run_scoped3A : memref<!tpu.dma_semaphore, #tpu.memory_space<semaphore_mem>>)
      %dma_wait3A_195 = tpu.memref_slice %arg10[%add3A_80] : memref<1048576xf32, #tpu.memory_space<vmem_shared>> -> memref<16384xf32, #tpu.memory_space<vmem_shared>>
      %dma_wait3A_196 = tpu.memref_slice %arg10[%add3A_80] : memref<1048576xf32, #tpu.memory_space<vmem_shared>> -> memref<16384xf32, #tpu.memory_space<vmem_shared>>
      tpu.wait_dma2 semaphore(%run_scoped3A : memref<!tpu.dma_semaphore, #tpu.memory_space<semaphore_mem>>) src(%dma_wait3A_196 : memref<16384xf32, #tpu.memory_space<vmem_shared>>) dst(%arg9 : memref<16384xf32, #tpu.memory_space<vmem>>)
      tpu.yield
    }) : () -> ()
    %mul3A_81 = arith.constant 1048576 : i32
    %mul3A_82 = arith.muli %add3A_5, %mul3A_81 : i32
    %add3A_83 = arith.addi %mul3A_82, %mul3A_2 : i32
    %add3A_84 = arith.constant 32768 : i32
    %add3A_85 = arith.addi %add3A_83, %add3A_84 : i32
    %multiple_of3A_86 = tpu.assume_multiple %add3A_85, 64 : i32
    "tpu.region"() ({
      %run_scoped3A = tpu.sem_alloc : memref<!tpu.dma_semaphore, #tpu.memory_space<semaphore_mem>>
      %dma_start3A_193 = tpu.memref_slice %arg4[%multiple_of3A_86] : memref<4194304xf32, #tpu.memory_space<hbm>> -> memref<16384xf32, #tpu.memory_space<hbm>>
      %dma_start3A_194 = tpu.memref_slice %arg4[%multiple_of3A_86] : memref<4194304xf32, #tpu.memory_space<hbm>> -> memref<16384xf32, #tpu.memory_space<hbm>>
      tpu.enqueue_dma source(%arg9 : memref<16384xf32, #tpu.memory_space<vmem>>) target(%dma_start3A_194 : memref<16384xf32, #tpu.memory_space<hbm>>) target_semaphore(%run_scoped3A : memref<!tpu.dma_semaphore, #tpu.memory_space<semaphore_mem>>)
      %dma_wait3A_195 = tpu.memref_slice %arg4[%multiple_of3A_86] : memref<4194304xf32, #tpu.memory_space<hbm>> -> memref<16384xf32, #tpu.memory_space<hbm>>
      %dma_wait3A_196 = tpu.memref_slice %arg4[%multiple_of3A_86] : memref<4194304xf32, #tpu.memory_space<hbm>> -> memref<16384xf32, #tpu.memory_space<hbm>>
      tpu.wait_dma2 semaphore(%run_scoped3A : memref<!tpu.dma_semaphore, #tpu.memory_space<semaphore_mem>>) src(%arg9 : memref<16384xf32, #tpu.memory_space<vmem>>) dst(%dma_wait3A_196 : memref<16384xf32, #tpu.memory_space<hbm>>)
      tpu.yield
    }) : () -> ()
    %add3A_87 = arith.constant 49152 : i32
    %add3A_88 = arith.addi %mul3A_2, %add3A_87 : i32
    "tpu.region"() ({
      %run_scoped3A = tpu.sem_alloc : memref<!tpu.dma_semaphore, #tpu.memory_space<semaphore_mem>>
      %dma_start3A_193 = tpu.memref_slice %arg10[%add3A_88] : memref<1048576xf32, #tpu.memory_space<vmem_shared>> -> memref<16384xf32, #tpu.memory_space<vmem_shared>>
      %dma_start3A_194 = tpu.memref_slice %arg10[%add3A_88] : memref<1048576xf32, #tpu.memory_space<vmem_shared>> -> memref<16384xf32, #tpu.memory_space<vmem_shared>>
      tpu.enqueue_dma source(%dma_start3A_194 : memref<16384xf32, #tpu.memory_space<vmem_shared>>) target(%arg9 : memref<16384xf32, #tpu.memory_space<vmem>>) target_semaphore(%run_scoped3A : memref<!tpu.dma_semaphore, #tpu.memory_space<semaphore_mem>>)
      %dma_wait3A_195 = tpu.memref_slice %arg10[%add3A_88] : memref<1048576xf32, #tpu.memory_space<vmem_shared>> -> memref<16384xf32, #tpu.memory_space<vmem_shared>>
      %dma_wait3A_196 = tpu.memref_slice %arg10[%add3A_88] : memref<1048576xf32, #tpu.memory_space<vmem_shared>> -> memref<16384xf32, #tpu.memory_space<vmem_shared>>
      tpu.wait_dma2 semaphore(%run_scoped3A : memref<!tpu.dma_semaphore, #tpu.memory_space<semaphore_mem>>) src(%dma_wait3A_196 : memref<16384xf32, #tpu.memory_space<vmem_shared>>) dst(%arg9 : memref<16384xf32, #tpu.memory_space<vmem>>)
      tpu.yield
    }) : () -> ()
    %mul3A_89 = arith.constant 1048576 : i32
    %mul3A_90 = arith.muli %add3A_5, %mul3A_89 : i32
    %add3A_91 = arith.addi %mul3A_90, %mul3A_2 : i32
    %add3A_92 = arith.constant 49152 : i32
    %add3A_93 = arith.addi %add3A_91, %add3A_92 : i32
    %multiple_of3A_94 = tpu.assume_multiple %add3A_93, 64 : i32
    "tpu.region"() ({
      %run_scoped3A = tpu.sem_alloc : memref<!tpu.dma_semaphore, #tpu.memory_space<semaphore_mem>>
      %dma_start3A_193 = tpu.memref_slice %arg4[%multiple_of3A_94] : memref<4194304xf32, #tpu.memory_space<hbm>> -> memref<16384xf32, #tpu.memory_space<hbm>>
      %dma_start3A_194 = tpu.memref_slice %arg4[%multiple_of3A_94] : memref<4194304xf32, #tpu.memory_space<hbm>> -> memref<16384xf32, #tpu.memory_space<hbm>>
      tpu.enqueue_dma source(%arg9 : memref<16384xf32, #tpu.memory_space<vmem>>) target(%dma_start3A_194 : memref<16384xf32, #tpu.memory_space<hbm>>) target_semaphore(%run_scoped3A : memref<!tpu.dma_semaphore, #tpu.memory_space<semaphore_mem>>)
      %dma_wait3A_195 = tpu.memref_slice %arg4[%multiple_of3A_94] : memref<4194304xf32, #tpu.memory_space<hbm>> -> memref<16384xf32, #tpu.memory_space<hbm>>
      %dma_wait3A_196 = tpu.memref_slice %arg4[%multiple_of3A_94] : memref<4194304xf32, #tpu.memory_space<hbm>> -> memref<16384xf32, #tpu.memory_space<hbm>>
      tpu.wait_dma2 semaphore(%run_scoped3A : memref<!tpu.dma_semaphore, #tpu.memory_space<semaphore_mem>>) src(%arg9 : memref<16384xf32, #tpu.memory_space<vmem>>) dst(%dma_wait3A_196 : memref<16384xf32, #tpu.memory_space<hbm>>)
      tpu.yield
    }) : () -> ()
    %mul3A_95 = arith.constant 2 : i32
    %mul3A_96 = arith.muli %mul3A_95, %arg0 : i32
    %add3A_97 = arith.constant 1 : i32
    %add3A_98 = arith.addi %mul3A_96, %add3A_97 : i32
    %add3A_99 = arith.constant 0 : i32
    %add3A_100 = arith.addi %mul3A_0, %add3A_99 : i32
    %multiple_of3A_101 = tpu.assume_multiple %add3A_100, 64 : i32
    %dma_start3A_102 = tpu.memref_slice %arg2[%multiple_of3A_101] : memref<5419008xi32, #tpu.memory_space<hbm>> -> memref<12096xi32, #tpu.memory_space<hbm>>
    %dma_start3A_103 = tpu.memref_slice %arg2[%multiple_of3A_101] : memref<5419008xi32, #tpu.memory_space<hbm>> -> memref<12096xi32, #tpu.memory_space<hbm>>
    tpu.enqueue_dma source(%dma_start3A_103 : memref<12096xi32, #tpu.memory_space<hbm>>) target(%arg5 : memref<12096xi32, #tpu.memory_space<vmem>>) target_semaphore(%arg11 : memref<!tpu.dma_semaphore, #tpu.memory_space<semaphore_mem>>)
    %mul3A_104 = arith.constant 5419008 : i32
    %mul3A_105 = arith.muli %add3A_98, %mul3A_104 : i32
    %add3A_106 = arith.addi %mul3A_105, %multiple_of3A_101 : i32
    %multiple_of3A_107 = tpu.assume_multiple %add3A_106, 64 : i32
    %dma_start3A_108 = tpu.memref_slice %arg3[%multiple_of3A_107] : memref<21676032xf32, #tpu.memory_space<hbm>> -> memref<12096xf32, #tpu.memory_space<hbm>>
    %dma_start3A_109 = tpu.memref_slice %arg3[%multiple_of3A_107] : memref<21676032xf32, #tpu.memory_space<hbm>> -> memref<12096xf32, #tpu.memory_space<hbm>>
    tpu.enqueue_dma source(%dma_start3A_109 : memref<12096xf32, #tpu.memory_space<hbm>>) target(%arg6 : memref<12096xf32, #tpu.memory_space<vmem>>) target_semaphore(%arg11 : memref<!tpu.dma_semaphore, #tpu.memory_space<semaphore_mem>>)
    %scan3A_110 = arith.constant 0 : i32
    %scan3A_111 = arith.constant 0 : i32
    %scan3A_112 = arith.constant 1024 : i32
    %scan3A_113 = arith.addi %scan3A_111, %scan3A_112 : i32
    %scan3A_114 = arith.constant 1 : i32
    %scan3A_115 = scf.for %scan3A_193 = %scan3A_111 to %scan3A_113 step %scan3A_114 iter_args(%scan3A_194 = %scan3A_110) -> (i32)  : i32 {
      %broadcast_in_dim3A = arith.constant 0.000000e+00 : f32
      %broadcast_in_dim3A_195 = vector.broadcast %broadcast_in_dim3A : f32 to vector<16xf32>
      %mul3A_196 = arith.constant 16 : i32
      %mul3A_197 = arith.muli %scan3A_193, %mul3A_196 : i32
      %swap3A = arith.index_cast %mul3A_197 : i32 to index
      %swap3A_198 = tpu.vector_load %arg9[%swap3A] {strides = array<i32>} : memref<16384xf32, #tpu.memory_space<vmem>>, vector<16xf32>,
      %swap3A_199 = vector.shape_cast %swap3A_198 : vector<16xf32> to vector<16xf32>
      %swap3A_200 = vector.shape_cast %broadcast_in_dim3A_195 : vector<16xf32> to vector<16xf32>
      tpu.vector_store %arg9[%swap3A], %swap3A_200 {strides = array<i32>} : memref<16384xf32, #tpu.memory_space<vmem>>, vector<16xf32>,
      %scan3A_201 = arith.constant 0 : i32
      scf.yield %scan3A_201 : i32
    }
    %scan3A_116 = arith.constant 1024 : i32
    %add3A_117 = arith.constant 0 : i32
    %add3A_118 = arith.addi %mul3A_2, %add3A_117 : i32
    "tpu.region"() ({
      %run_scoped3A = tpu.sem_alloc : memref<!tpu.dma_semaphore, #tpu.memory_space<semaphore_mem>>
      %dma_start3A_193 = tpu.memref_slice %arg10[%add3A_118] : memref<1048576xf32, #tpu.memory_space<vmem_shared>> -> memref<16384xf32, #tpu.memory_space<vmem_shared>>
      %dma_start3A_194 = tpu.memref_slice %arg10[%add3A_118] : memref<1048576xf32, #tpu.memory_space<vmem_shared>> -> memref<16384xf32, #tpu.memory_space<vmem_shared>>
      tpu.enqueue_dma source(%arg9 : memref<16384xf32, #tpu.memory_space<vmem>>) target(%dma_start3A_194 : memref<16384xf32, #tpu.memory_space<vmem_shared>>) target_semaphore(%run_scoped3A : memref<!tpu.dma_semaphore, #tpu.memory_space<semaphore_mem>>)
      %dma_wait3A_195 = tpu.memref_slice %arg10[%add3A_118] : memref<1048576xf32, #tpu.memory_space<vmem_shared>> -> memref<16384xf32, #tpu.memory_space<vmem_shared>>
      %dma_wait3A_196 = tpu.memref_slice %arg10[%add3A_118] : memref<1048576xf32, #tpu.memory_space<vmem_shared>> -> memref<16384xf32, #tpu.memory_space<vmem_shared>>
      tpu.wait_dma2 semaphore(%run_scoped3A : memref<!tpu.dma_semaphore, #tpu.memory_space<semaphore_mem>>) src(%arg9 : memref<16384xf32, #tpu.memory_space<vmem>>) dst(%dma_wait3A_196 : memref<16384xf32, #tpu.memory_space<vmem_shared>>)
      tpu.yield
    }) : () -> ()
    %add3A_119 = arith.constant 16384 : i32
    %add3A_120 = arith.addi %mul3A_2, %add3A_119 : i32
    "tpu.region"() ({
      %run_scoped3A = tpu.sem_alloc : memref<!tpu.dma_semaphore, #tpu.memory_space<semaphore_mem>>
      %dma_start3A_193 = tpu.memref_slice %arg10[%add3A_120] : memref<1048576xf32, #tpu.memory_space<vmem_shared>> -> memref<16384xf32, #tpu.memory_space<vmem_shared>>
      %dma_start3A_194 = tpu.memref_slice %arg10[%add3A_120] : memref<1048576xf32, #tpu.memory_space<vmem_shared>> -> memref<16384xf32, #tpu.memory_space<vmem_shared>>
      tpu.enqueue_dma source(%arg9 : memref<16384xf32, #tpu.memory_space<vmem>>) target(%dma_start3A_194 : memref<16384xf32, #tpu.memory_space<vmem_shared>>) target_semaphore(%run_scoped3A : memref<!tpu.dma_semaphore, #tpu.memory_space<semaphore_mem>>)
      %dma_wait3A_195 = tpu.memref_slice %arg10[%add3A_120] : memref<1048576xf32, #tpu.memory_space<vmem_shared>> -> memref<16384xf32, #tpu.memory_space<vmem_shared>>
      %dma_wait3A_196 = tpu.memref_slice %arg10[%add3A_120] : memref<1048576xf32, #tpu.memory_space<vmem_shared>> -> memref<16384xf32, #tpu.memory_space<vmem_shared>>
      tpu.wait_dma2 semaphore(%run_scoped3A : memref<!tpu.dma_semaphore, #tpu.memory_space<semaphore_mem>>) src(%arg9 : memref<16384xf32, #tpu.memory_space<vmem>>) dst(%dma_wait3A_196 : memref<16384xf32, #tpu.memory_space<vmem_shared>>)
      tpu.yield
    }) : () -> ()
    %add3A_121 = arith.constant 32768 : i32
    %add3A_122 = arith.addi %mul3A_2, %add3A_121 : i32
    "tpu.region"() ({
      %run_scoped3A = tpu.sem_alloc : memref<!tpu.dma_semaphore, #tpu.memory_space<semaphore_mem>>
      %dma_start3A_193 = tpu.memref_slice %arg10[%add3A_122] : memref<1048576xf32, #tpu.memory_space<vmem_shared>> -> memref<16384xf32, #tpu.memory_space<vmem_shared>>
      %dma_start3A_194 = tpu.memref_slice %arg10[%add3A_122] : memref<1048576xf32, #tpu.memory_space<vmem_shared>> -> memref<16384xf32, #tpu.memory_space<vmem_shared>>
      tpu.enqueue_dma source(%arg9 : memref<16384xf32, #tpu.memory_space<vmem>>) target(%dma_start3A_194 : memref<16384xf32, #tpu.memory_space<vmem_shared>>) target_semaphore(%run_scoped3A : memref<!tpu.dma_semaphore, #tpu.memory_space<semaphore_mem>>)
      %dma_wait3A_195 = tpu.memref_slice %arg10[%add3A_122] : memref<1048576xf32, #tpu.memory_space<vmem_shared>> -> memref<16384xf32, #tpu.memory_space<vmem_shared>>
      %dma_wait3A_196 = tpu.memref_slice %arg10[%add3A_122] : memref<1048576xf32, #tpu.memory_space<vmem_shared>> -> memref<16384xf32, #tpu.memory_space<vmem_shared>>
      tpu.wait_dma2 semaphore(%run_scoped3A : memref<!tpu.dma_semaphore, #tpu.memory_space<semaphore_mem>>) src(%arg9 : memref<16384xf32, #tpu.memory_space<vmem>>) dst(%dma_wait3A_196 : memref<16384xf32, #tpu.memory_space<vmem_shared>>)
      tpu.yield
    }) : () -> ()
    %add3A_123 = arith.constant 49152 : i32
    %add3A_124 = arith.addi %mul3A_2, %add3A_123 : i32
    "tpu.region"() ({
      %run_scoped3A = tpu.sem_alloc : memref<!tpu.dma_semaphore, #tpu.memory_space<semaphore_mem>>
      %dma_start3A_193 = tpu.memref_slice %arg10[%add3A_124] : memref<1048576xf32, #tpu.memory_space<vmem_shared>> -> memref<16384xf32, #tpu.memory_space<vmem_shared>>
      %dma_start3A_194 = tpu.memref_slice %arg10[%add3A_124] : memref<1048576xf32, #tpu.memory_space<vmem_shared>> -> memref<16384xf32, #tpu.memory_space<vmem_shared>>
      tpu.enqueue_dma source(%arg9 : memref<16384xf32, #tpu.memory_space<vmem>>) target(%dma_start3A_194 : memref<16384xf32, #tpu.memory_space<vmem_shared>>) target_semaphore(%run_scoped3A : memref<!tpu.dma_semaphore, #tpu.memory_space<semaphore_mem>>)
      %dma_wait3A_195 = tpu.memref_slice %arg10[%add3A_124] : memref<1048576xf32, #tpu.memory_space<vmem_shared>> -> memref<16384xf32, #tpu.memory_space<vmem_shared>>
      %dma_wait3A_196 = tpu.memref_slice %arg10[%add3A_124] : memref<1048576xf32, #tpu.memory_space<vmem_shared>> -> memref<16384xf32, #tpu.memory_space<vmem_shared>>
      tpu.wait_dma2 semaphore(%run_scoped3A : memref<!tpu.dma_semaphore, #tpu.memory_space<semaphore_mem>>) src(%arg9 : memref<16384xf32, #tpu.memory_space<vmem>>) dst(%dma_wait3A_196 : memref<16384xf32, #tpu.memory_space<vmem_shared>>)
      tpu.yield
    }) : () -> ()
    %barrier3A_125 = arith.constant 0 : index
    tpu.barrier barrier_id(%barrier3A_125)
    %scan3A_126 = arith.constant 0 : i32
    %scan3A_127 = arith.constant 0 : i32
    %scan3A_128 = arith.constant 13 : i32
    %scan3A_129 = arith.addi %scan3A_127, %scan3A_128 : i32
    %scan3A_130 = arith.constant 1 : i32
    %scan3A_131 = scf.for %scan3A_193 = %scan3A_127 to %scan3A_129 step %scan3A_130 iter_args(%scan3A_194 = %scan3A_126) -> (i32)  : i32 {
      %mul3A_195 = arith.constant 2 : i32
      %mul3A_196 = arith.muli %mul3A_195, %scan3A_193 : i32
      %add3A_197 = arith.constant 1 : i32
      %add3A_198 = arith.addi %mul3A_196, %add3A_197 : i32
      %mul3A_199 = arith.constant 12096 : i32
      %mul3A_200 = arith.muli %add3A_198, %mul3A_199 : i32
      %add3A_201 = arith.addi %mul3A_0, %mul3A_200 : i32
      %multiple_of3A_202 = tpu.assume_multiple %add3A_201, 64 : i32
      %dma_start3A_203 = tpu.memref_slice %arg2[%multiple_of3A_202] : memref<5419008xi32, #tpu.memory_space<hbm>> -> memref<12096xi32, #tpu.memory_space<hbm>>
      %dma_start3A_204 = tpu.memref_slice %arg2[%multiple_of3A_202] : memref<5419008xi32, #tpu.memory_space<hbm>> -> memref<12096xi32, #tpu.memory_space<hbm>>
      tpu.enqueue_dma source(%dma_start3A_204 : memref<12096xi32, #tpu.memory_space<hbm>>) target(%arg7 : memref<12096xi32, #tpu.memory_space<vmem>>) target_semaphore(%arg12 : memref<!tpu.dma_semaphore, #tpu.memory_space<semaphore_mem>>)
      %mul3A_205 = arith.constant 5419008 : i32
      %mul3A_206 = arith.muli %add3A_98, %mul3A_205 : i32
      %add3A_207 = arith.addi %mul3A_206, %multiple_of3A_202 : i32
      %multiple_of3A_208 = tpu.assume_multiple %add3A_207, 64 : i32
      %dma_start3A_209 = tpu.memref_slice %arg3[%multiple_of3A_208] : memref<21676032xf32, #tpu.memory_space<hbm>> -> memref<12096xf32, #tpu.memory_space<hbm>>
      %dma_start3A_210 = tpu.memref_slice %arg3[%multiple_of3A_208] : memref<21676032xf32, #tpu.memory_space<hbm>> -> memref<12096xf32, #tpu.memory_space<hbm>>
      tpu.enqueue_dma source(%dma_start3A_210 : memref<12096xf32, #tpu.memory_space<hbm>>) target(%arg8 : memref<12096xf32, #tpu.memory_space<vmem>>) target_semaphore(%arg12 : memref<!tpu.dma_semaphore, #tpu.memory_space<semaphore_mem>>)
      %dma_wait3A_211 = arith.constant 0 : i32
      %dma_wait3A_212 = tpu.memref_slice %arg2[%dma_wait3A_211] : memref<5419008xi32, #tpu.memory_space<hbm>> -> memref<12096xi32, #tpu.memory_space<hbm>>
      %dma_wait3A_213 = arith.constant 0 : i32
      %dma_wait3A_214 = tpu.memref_slice %arg2[%dma_wait3A_213] : memref<5419008xi32, #tpu.memory_space<hbm>> -> memref<12096xi32, #tpu.memory_space<hbm>>
      tpu.wait_dma2 semaphore(%arg11 : memref<!tpu.dma_semaphore, #tpu.memory_space<semaphore_mem>>) src(%dma_wait3A_214 : memref<12096xi32, #tpu.memory_space<hbm>>) dst(%arg5 : memref<12096xi32, #tpu.memory_space<vmem>>)
      %dma_wait3A_215 = arith.constant 0 : i32
      %dma_wait3A_216 = tpu.memref_slice %arg3[%dma_wait3A_215] : memref<21676032xf32, #tpu.memory_space<hbm>> -> memref<12096xf32, #tpu.memory_space<hbm>>
      %dma_wait3A_217 = arith.constant 0 : i32
      %dma_wait3A_218 = tpu.memref_slice %arg3[%dma_wait3A_217] : memref<21676032xf32, #tpu.memory_space<hbm>> -> memref<12096xf32, #tpu.memory_space<hbm>>
      tpu.wait_dma2 semaphore(%arg11 : memref<!tpu.dma_semaphore, #tpu.memory_space<semaphore_mem>>) src(%dma_wait3A_218 : memref<12096xf32, #tpu.memory_space<hbm>>) dst(%arg6 : memref<12096xf32, #tpu.memory_space<vmem>>)
      "tpu.region"() ({
        %run_scoped3A = tpu.sem_alloc : memref<!tpu.dma_semaphore, #tpu.memory_space<semaphore_mem>>
        %dma_start3A_242 = arith.constant 0 : i32
        %dma_start3A_243 = tpu.memref_slice %arg10[%dma_start3A_242] : memref<1048576xf32, #tpu.memory_space<vmem_shared>> -> memref<1048576xf32, #tpu.memory_space<vmem_shared>>
        tpu.enqueue_indirect_dma source(%arg6 : memref<12096xf32, #tpu.memory_space<vmem>>) target(%dma_start3A_243 : memref<1048576xf32, #tpu.memory_space<vmem_shared>>) offsets(%arg5 : memref<12096xi32, #tpu.memory_space<vmem>>) semaphore(%run_scoped3A : memref<!tpu.dma_semaphore, #tpu.memory_space<semaphore_mem>>) {add = true}
        %dma_wait3A_244 = arith.constant 0 : i32
        %dma_wait3A_245 = tpu.memref_slice %arg10[%dma_wait3A_244] : memref<1048576xf32, #tpu.memory_space<vmem_shared>> -> memref<1048576xf32, #tpu.memory_space<vmem_shared>>
        tpu.wait_indirect_dma semaphore(%run_scoped3A : memref<!tpu.dma_semaphore, #tpu.memory_space<semaphore_mem>>) src(%arg6 : memref<12096xf32, #tpu.memory_space<vmem>>) dst(%dma_wait3A_245 : memref<1048576xf32, #tpu.memory_space<vmem_shared>>)
        tpu.yield
      }) : () -> ()
      %add3A_219 = arith.constant 2 : i32
      %add3A_220 = arith.addi %mul3A_196, %add3A_219 : i32
      %mul3A_221 = arith.constant 12096 : i32
      %mul3A_222 = arith.muli %add3A_220, %mul3A_221 : i32
      %add3A_223 = arith.addi %mul3A_0, %mul3A_222 : i32
      %multiple_of3A_224 = tpu.assume_multiple %add3A_223, 64 : i32
      %dma_start3A_225 = tpu.memref_slice %arg2[%multiple_of3A_224] : memref<5419008xi32, #tpu.memory_space<hbm>> -> memref<12096xi32, #tpu.memory_space<hbm>>
      %dma_start3A_226 = tpu.memref_slice %arg2[%multiple_of3A_224] : memref<5419008xi32, #tpu.memory_space<hbm>> -> memref<12096xi32, #tpu.memory_space<hbm>>
      tpu.enqueue_dma source(%dma_start3A_226 : memref<12096xi32, #tpu.memory_space<hbm>>) target(%arg5 : memref<12096xi32, #tpu.memory_space<vmem>>) target_semaphore(%arg11 : memref<!tpu.dma_semaphore, #tpu.memory_space<semaphore_mem>>)
      %mul3A_227 = arith.constant 5419008 : i32
      %mul3A_228 = arith.muli %add3A_98, %mul3A_227 : i32
      %add3A_229 = arith.addi %mul3A_228, %multiple_of3A_224 : i32
      %multiple_of3A_230 = tpu.assume_multiple %add3A_229, 64 : i32
      %dma_start3A_231 = tpu.memref_slice %arg3[%multiple_of3A_230] : memref<21676032xf32, #tpu.memory_space<hbm>> -> memref<12096xf32, #tpu.memory_space<hbm>>
      %dma_start3A_232 = tpu.memref_slice %arg3[%multiple_of3A_230] : memref<21676032xf32, #tpu.memory_space<hbm>> -> memref<12096xf32, #tpu.memory_space<hbm>>
      tpu.enqueue_dma source(%dma_start3A_232 : memref<12096xf32, #tpu.memory_space<hbm>>) target(%arg6 : memref<12096xf32, #tpu.memory_space<vmem>>) target_semaphore(%arg11 : memref<!tpu.dma_semaphore, #tpu.memory_space<semaphore_mem>>)
      %dma_wait3A_233 = arith.constant 0 : i32
      %dma_wait3A_234 = tpu.memref_slice %arg2[%dma_wait3A_233] : memref<5419008xi32, #tpu.memory_space<hbm>> -> memref<12096xi32, #tpu.memory_space<hbm>>
      %dma_wait3A_235 = arith.constant 0 : i32
      %dma_wait3A_236 = tpu.memref_slice %arg2[%dma_wait3A_235] : memref<5419008xi32, #tpu.memory_space<hbm>> -> memref<12096xi32, #tpu.memory_space<hbm>>
      tpu.wait_dma2 semaphore(%arg12 : memref<!tpu.dma_semaphore, #tpu.memory_space<semaphore_mem>>) src(%dma_wait3A_236 : memref<12096xi32, #tpu.memory_space<hbm>>) dst(%arg7 : memref<12096xi32, #tpu.memory_space<vmem>>)
      %dma_wait3A_237 = arith.constant 0 : i32
      %dma_wait3A_238 = tpu.memref_slice %arg3[%dma_wait3A_237] : memref<21676032xf32, #tpu.memory_space<hbm>> -> memref<12096xf32, #tpu.memory_space<hbm>>
      %dma_wait3A_239 = arith.constant 0 : i32
      %dma_wait3A_240 = tpu.memref_slice %arg3[%dma_wait3A_239] : memref<21676032xf32, #tpu.memory_space<hbm>> -> memref<12096xf32, #tpu.memory_space<hbm>>
      tpu.wait_dma2 semaphore(%arg12 : memref<!tpu.dma_semaphore, #tpu.memory_space<semaphore_mem>>) src(%dma_wait3A_240 : memref<12096xf32, #tpu.memory_space<hbm>>) dst(%arg8 : memref<12096xf32, #tpu.memory_space<vmem>>)
      "tpu.region"() ({
        %run_scoped3A = tpu.sem_alloc : memref<!tpu.dma_semaphore, #tpu.memory_space<semaphore_mem>>
        %dma_start3A_242 = arith.constant 0 : i32
        %dma_start3A_243 = tpu.memref_slice %arg10[%dma_start3A_242] : memref<1048576xf32, #tpu.memory_space<vmem_shared>> -> memref<1048576xf32, #tpu.memory_space<vmem_shared>>
        tpu.enqueue_indirect_dma source(%arg8 : memref<12096xf32, #tpu.memory_space<vmem>>) target(%dma_start3A_243 : memref<1048576xf32, #tpu.memory_space<vmem_shared>>) offsets(%arg7 : memref<12096xi32, #tpu.memory_space<vmem>>) semaphore(%run_scoped3A : memref<!tpu.dma_semaphore, #tpu.memory_space<semaphore_mem>>) {add = true}
        %dma_wait3A_244 = arith.constant 0 : i32
        %dma_wait3A_245 = tpu.memref_slice %arg10[%dma_wait3A_244] : memref<1048576xf32, #tpu.memory_space<vmem_shared>> -> memref<1048576xf32, #tpu.memory_space<vmem_shared>>
        tpu.wait_indirect_dma semaphore(%run_scoped3A : memref<!tpu.dma_semaphore, #tpu.memory_space<semaphore_mem>>) src(%arg8 : memref<12096xf32, #tpu.memory_space<vmem>>) dst(%dma_wait3A_245 : memref<1048576xf32, #tpu.memory_space<vmem_shared>>)
        tpu.yield
      }) : () -> ()
      %scan3A_241 = arith.constant 0 : i32
      scf.yield %scan3A_241 : i32
    }
    %scan3A_132 = arith.constant 13 : i32
    %add3A_133 = arith.constant 326592 : i32
    %add3A_134 = arith.addi %mul3A_0, %add3A_133 : i32
    %multiple_of3A_135 = tpu.assume_multiple %add3A_134, 64 : i32
    %dma_start3A_136 = tpu.memref_slice %arg2[%multiple_of3A_135] : memref<5419008xi32, #tpu.memory_space<hbm>> -> memref<12096xi32, #tpu.memory_space<hbm>>
    %dma_start3A_137 = tpu.memref_slice %arg2[%multiple_of3A_135] : memref<5419008xi32, #tpu.memory_space<hbm>> -> memref<12096xi32, #tpu.memory_space<hbm>>
    tpu.enqueue_dma source(%dma_start3A_137 : memref<12096xi32, #tpu.memory_space<hbm>>) target(%arg7 : memref<12096xi32, #tpu.memory_space<vmem>>) target_semaphore(%arg12 : memref<!tpu.dma_semaphore, #tpu.memory_space<semaphore_mem>>)
    %mul3A_138 = arith.constant 5419008 : i32
    %mul3A_139 = arith.muli %add3A_98, %mul3A_138 : i32
    %add3A_140 = arith.addi %mul3A_139, %multiple_of3A_135 : i32
    %multiple_of3A_141 = tpu.assume_multiple %add3A_140, 64 : i32
    %dma_start3A_142 = tpu.memref_slice %arg3[%multiple_of3A_141] : memref<21676032xf32, #tpu.memory_space<hbm>> -> memref<12096xf32, #tpu.memory_space<hbm>>
    %dma_start3A_143 = tpu.memref_slice %arg3[%multiple_of3A_141] : memref<21676032xf32, #tpu.memory_space<hbm>> -> memref<12096xf32, #tpu.memory_space<hbm>>
    tpu.enqueue_dma source(%dma_start3A_143 : memref<12096xf32, #tpu.memory_space<hbm>>) target(%arg8 : memref<12096xf32, #tpu.memory_space<vmem>>) target_semaphore(%arg12 : memref<!tpu.dma_semaphore, #tpu.memory_space<semaphore_mem>>)
    %dma_wait3A_144 = arith.constant 0 : i32
    %dma_wait3A_145 = tpu.memref_slice %arg2[%dma_wait3A_144] : memref<5419008xi32, #tpu.memory_space<hbm>> -> memref<12096xi32, #tpu.memory_space<hbm>>
    %dma_wait3A_146 = arith.constant 0 : i32
    %dma_wait3A_147 = tpu.memref_slice %arg2[%dma_wait3A_146] : memref<5419008xi32, #tpu.memory_space<hbm>> -> memref<12096xi32, #tpu.memory_space<hbm>>
    tpu.wait_dma2 semaphore(%arg11 : memref<!tpu.dma_semaphore, #tpu.memory_space<semaphore_mem>>) src(%dma_wait3A_147 : memref<12096xi32, #tpu.memory_space<hbm>>) dst(%arg5 : memref<12096xi32, #tpu.memory_space<vmem>>)
    %dma_wait3A_148 = arith.constant 0 : i32
    %dma_wait3A_149 = tpu.memref_slice %arg3[%dma_wait3A_148] : memref<21676032xf32, #tpu.memory_space<hbm>> -> memref<12096xf32, #tpu.memory_space<hbm>>
    %dma_wait3A_150 = arith.constant 0 : i32
    %dma_wait3A_151 = tpu.memref_slice %arg3[%dma_wait3A_150] : memref<21676032xf32, #tpu.memory_space<hbm>> -> memref<12096xf32, #tpu.memory_space<hbm>>
    tpu.wait_dma2 semaphore(%arg11 : memref<!tpu.dma_semaphore, #tpu.memory_space<semaphore_mem>>) src(%dma_wait3A_151 : memref<12096xf32, #tpu.memory_space<hbm>>) dst(%arg6 : memref<12096xf32, #tpu.memory_space<vmem>>)
    "tpu.region"() ({
      %run_scoped3A = tpu.sem_alloc : memref<!tpu.dma_semaphore, #tpu.memory_space<semaphore_mem>>
      %dma_start3A_193 = arith.constant 0 : i32
      %dma_start3A_194 = tpu.memref_slice %arg10[%dma_start3A_193] : memref<1048576xf32, #tpu.memory_space<vmem_shared>> -> memref<1048576xf32, #tpu.memory_space<vmem_shared>>
      tpu.enqueue_indirect_dma source(%arg6 : memref<12096xf32, #tpu.memory_space<vmem>>) target(%dma_start3A_194 : memref<1048576xf32, #tpu.memory_space<vmem_shared>>) offsets(%arg5 : memref<12096xi32, #tpu.memory_space<vmem>>) semaphore(%run_scoped3A : memref<!tpu.dma_semaphore, #tpu.memory_space<semaphore_mem>>) {add = true}
      %dma_wait3A_195 = arith.constant 0 : i32
      %dma_wait3A_196 = tpu.memref_slice %arg10[%dma_wait3A_195] : memref<1048576xf32, #tpu.memory_space<vmem_shared>> -> memref<1048576xf32, #tpu.memory_space<vmem_shared>>
      tpu.wait_indirect_dma semaphore(%run_scoped3A : memref<!tpu.dma_semaphore, #tpu.memory_space<semaphore_mem>>) src(%arg6 : memref<12096xf32, #tpu.memory_space<vmem>>) dst(%dma_wait3A_196 : memref<1048576xf32, #tpu.memory_space<vmem_shared>>)
      tpu.yield
    }) : () -> ()
    %dma_wait3A_152 = arith.constant 0 : i32
    %dma_wait3A_153 = tpu.memref_slice %arg2[%dma_wait3A_152] : memref<5419008xi32, #tpu.memory_space<hbm>> -> memref<12096xi32, #tpu.memory_space<hbm>>
    %dma_wait3A_154 = arith.constant 0 : i32
    %dma_wait3A_155 = tpu.memref_slice %arg2[%dma_wait3A_154] : memref<5419008xi32, #tpu.memory_space<hbm>> -> memref<12096xi32, #tpu.memory_space<hbm>>
    tpu.wait_dma2 semaphore(%arg12 : memref<!tpu.dma_semaphore, #tpu.memory_space<semaphore_mem>>) src(%dma_wait3A_155 : memref<12096xi32, #tpu.memory_space<hbm>>) dst(%arg7 : memref<12096xi32, #tpu.memory_space<vmem>>)
    %dma_wait3A_156 = arith.constant 0 : i32
    %dma_wait3A_157 = tpu.memref_slice %arg3[%dma_wait3A_156] : memref<21676032xf32, #tpu.memory_space<hbm>> -> memref<12096xf32, #tpu.memory_space<hbm>>
    %dma_wait3A_158 = arith.constant 0 : i32
    %dma_wait3A_159 = tpu.memref_slice %arg3[%dma_wait3A_158] : memref<21676032xf32, #tpu.memory_space<hbm>> -> memref<12096xf32, #tpu.memory_space<hbm>>
    tpu.wait_dma2 semaphore(%arg12 : memref<!tpu.dma_semaphore, #tpu.memory_space<semaphore_mem>>) src(%dma_wait3A_159 : memref<12096xf32, #tpu.memory_space<hbm>>) dst(%arg8 : memref<12096xf32, #tpu.memory_space<vmem>>)
    "tpu.region"() ({
      %run_scoped3A = tpu.sem_alloc : memref<!tpu.dma_semaphore, #tpu.memory_space<semaphore_mem>>
      %dma_start3A_193 = arith.constant 0 : i32
      %dma_start3A_194 = tpu.memref_slice %arg10[%dma_start3A_193] : memref<1048576xf32, #tpu.memory_space<vmem_shared>> -> memref<1048576xf32, #tpu.memory_space<vmem_shared>>
      tpu.enqueue_indirect_dma source(%arg8 : memref<12096xf32, #tpu.memory_space<vmem>>) target(%dma_start3A_194 : memref<1048576xf32, #tpu.memory_space<vmem_shared>>) offsets(%arg7 : memref<12096xi32, #tpu.memory_space<vmem>>) semaphore(%run_scoped3A : memref<!tpu.dma_semaphore, #tpu.memory_space<semaphore_mem>>) {add = true}
      %dma_wait3A_195 = arith.constant 0 : i32
      %dma_wait3A_196 = tpu.memref_slice %arg10[%dma_wait3A_195] : memref<1048576xf32, #tpu.memory_space<vmem_shared>> -> memref<1048576xf32, #tpu.memory_space<vmem_shared>>
      tpu.wait_indirect_dma semaphore(%run_scoped3A : memref<!tpu.dma_semaphore, #tpu.memory_space<semaphore_mem>>) src(%arg8 : memref<12096xf32, #tpu.memory_space<vmem>>) dst(%dma_wait3A_196 : memref<1048576xf32, #tpu.memory_space<vmem_shared>>)
      tpu.yield
    }) : () -> ()
    %barrier3A_160 = arith.constant 0 : index
    tpu.barrier barrier_id(%barrier3A_160)
    %add3A_161 = arith.constant 0 : i32
    %add3A_162 = arith.addi %mul3A_2, %add3A_161 : i32
    "tpu.region"() ({
      %run_scoped3A = tpu.sem_alloc : memref<!tpu.dma_semaphore, #tpu.memory_space<semaphore_mem>>
      %dma_start3A_193 = tpu.memref_slice %arg10[%add3A_162] : memref<1048576xf32, #tpu.memory_space<vmem_shared>> -> memref<16384xf32, #tpu.memory_space<vmem_shared>>
      %dma_start3A_194 = tpu.memref_slice %arg10[%add3A_162] : memref<1048576xf32, #tpu.memory_space<vmem_shared>> -> memref<16384xf32, #tpu.memory_space<vmem_shared>>
      tpu.enqueue_dma source(%dma_start3A_194 : memref<16384xf32, #tpu.memory_space<vmem_shared>>) target(%arg9 : memref<16384xf32, #tpu.memory_space<vmem>>) target_semaphore(%run_scoped3A : memref<!tpu.dma_semaphore, #tpu.memory_space<semaphore_mem>>)
      %dma_wait3A_195 = tpu.memref_slice %arg10[%add3A_162] : memref<1048576xf32, #tpu.memory_space<vmem_shared>> -> memref<16384xf32, #tpu.memory_space<vmem_shared>>
      %dma_wait3A_196 = tpu.memref_slice %arg10[%add3A_162] : memref<1048576xf32, #tpu.memory_space<vmem_shared>> -> memref<16384xf32, #tpu.memory_space<vmem_shared>>
      tpu.wait_dma2 semaphore(%run_scoped3A : memref<!tpu.dma_semaphore, #tpu.memory_space<semaphore_mem>>) src(%dma_wait3A_196 : memref<16384xf32, #tpu.memory_space<vmem_shared>>) dst(%arg9 : memref<16384xf32, #tpu.memory_space<vmem>>)
      tpu.yield
    }) : () -> ()
    %mul3A_163 = arith.constant 1048576 : i32
    %mul3A_164 = arith.muli %add3A_98, %mul3A_163 : i32
    %add3A_165 = arith.addi %mul3A_164, %mul3A_2 : i32
    %add3A_166 = arith.constant 0 : i32
    %add3A_167 = arith.addi %add3A_165, %add3A_166 : i32
    %multiple_of3A_168 = tpu.assume_multiple %add3A_167, 64 : i32
    "tpu.region"() ({
      %run_scoped3A = tpu.sem_alloc : memref<!tpu.dma_semaphore, #tpu.memory_space<semaphore_mem>>
      %dma_start3A_193 = tpu.memref_slice %arg4[%multiple_of3A_168] : memref<4194304xf32, #tpu.memory_space<hbm>> -> memref<16384xf32, #tpu.memory_space<hbm>>
      %dma_start3A_194 = tpu.memref_slice %arg4[%multiple_of3A_168] : memref<4194304xf32, #tpu.memory_space<hbm>> -> memref<16384xf32, #tpu.memory_space<hbm>>
      tpu.enqueue_dma source(%arg9 : memref<16384xf32, #tpu.memory_space<vmem>>) target(%dma_start3A_194 : memref<16384xf32, #tpu.memory_space<hbm>>) target_semaphore(%run_scoped3A : memref<!tpu.dma_semaphore, #tpu.memory_space<semaphore_mem>>)
      %dma_wait3A_195 = tpu.memref_slice %arg4[%multiple_of3A_168] : memref<4194304xf32, #tpu.memory_space<hbm>> -> memref<16384xf32, #tpu.memory_space<hbm>>
      %dma_wait3A_196 = tpu.memref_slice %arg4[%multiple_of3A_168] : memref<4194304xf32, #tpu.memory_space<hbm>> -> memref<16384xf32, #tpu.memory_space<hbm>>
      tpu.wait_dma2 semaphore(%run_scoped3A : memref<!tpu.dma_semaphore, #tpu.memory_space<semaphore_mem>>) src(%arg9 : memref<16384xf32, #tpu.memory_space<vmem>>) dst(%dma_wait3A_196 : memref<16384xf32, #tpu.memory_space<hbm>>)
      tpu.yield
    }) : () -> ()
    %add3A_169 = arith.constant 16384 : i32
    %add3A_170 = arith.addi %mul3A_2, %add3A_169 : i32
    "tpu.region"() ({
      %run_scoped3A = tpu.sem_alloc : memref<!tpu.dma_semaphore, #tpu.memory_space<semaphore_mem>>
      %dma_start3A_193 = tpu.memref_slice %arg10[%add3A_170] : memref<1048576xf32, #tpu.memory_space<vmem_shared>> -> memref<16384xf32, #tpu.memory_space<vmem_shared>>
      %dma_start3A_194 = tpu.memref_slice %arg10[%add3A_170] : memref<1048576xf32, #tpu.memory_space<vmem_shared>> -> memref<16384xf32, #tpu.memory_space<vmem_shared>>
      tpu.enqueue_dma source(%dma_start3A_194 : memref<16384xf32, #tpu.memory_space<vmem_shared>>) target(%arg9 : memref<16384xf32, #tpu.memory_space<vmem>>) target_semaphore(%run_scoped3A : memref<!tpu.dma_semaphore, #tpu.memory_space<semaphore_mem>>)
      %dma_wait3A_195 = tpu.memref_slice %arg10[%add3A_170] : memref<1048576xf32, #tpu.memory_space<vmem_shared>> -> memref<16384xf32, #tpu.memory_space<vmem_shared>>
      %dma_wait3A_196 = tpu.memref_slice %arg10[%add3A_170] : memref<1048576xf32, #tpu.memory_space<vmem_shared>> -> memref<16384xf32, #tpu.memory_space<vmem_shared>>
      tpu.wait_dma2 semaphore(%run_scoped3A : memref<!tpu.dma_semaphore, #tpu.memory_space<semaphore_mem>>) src(%dma_wait3A_196 : memref<16384xf32, #tpu.memory_space<vmem_shared>>) dst(%arg9 : memref<16384xf32, #tpu.memory_space<vmem>>)
      tpu.yield
    }) : () -> ()
    %mul3A_171 = arith.constant 1048576 : i32
    %mul3A_172 = arith.muli %add3A_98, %mul3A_171 : i32
    %add3A_173 = arith.addi %mul3A_172, %mul3A_2 : i32
    %add3A_174 = arith.constant 16384 : i32
    %add3A_175 = arith.addi %add3A_173, %add3A_174 : i32
    %multiple_of3A_176 = tpu.assume_multiple %add3A_175, 64 : i32
    "tpu.region"() ({
      %run_scoped3A = tpu.sem_alloc : memref<!tpu.dma_semaphore, #tpu.memory_space<semaphore_mem>>
      %dma_start3A_193 = tpu.memref_slice %arg4[%multiple_of3A_176] : memref<4194304xf32, #tpu.memory_space<hbm>> -> memref<16384xf32, #tpu.memory_space<hbm>>
      %dma_start3A_194 = tpu.memref_slice %arg4[%multiple_of3A_176] : memref<4194304xf32, #tpu.memory_space<hbm>> -> memref<16384xf32, #tpu.memory_space<hbm>>
      tpu.enqueue_dma source(%arg9 : memref<16384xf32, #tpu.memory_space<vmem>>) target(%dma_start3A_194 : memref<16384xf32, #tpu.memory_space<hbm>>) target_semaphore(%run_scoped3A : memref<!tpu.dma_semaphore, #tpu.memory_space<semaphore_mem>>)
      %dma_wait3A_195 = tpu.memref_slice %arg4[%multiple_of3A_176] : memref<4194304xf32, #tpu.memory_space<hbm>> -> memref<16384xf32, #tpu.memory_space<hbm>>
      %dma_wait3A_196 = tpu.memref_slice %arg4[%multiple_of3A_176] : memref<4194304xf32, #tpu.memory_space<hbm>> -> memref<16384xf32, #tpu.memory_space<hbm>>
      tpu.wait_dma2 semaphore(%run_scoped3A : memref<!tpu.dma_semaphore, #tpu.memory_space<semaphore_mem>>) src(%arg9 : memref<16384xf32, #tpu.memory_space<vmem>>) dst(%dma_wait3A_196 : memref<16384xf32, #tpu.memory_space<hbm>>)
      tpu.yield
    }) : () -> ()
    %add3A_177 = arith.constant 32768 : i32
    %add3A_178 = arith.addi %mul3A_2, %add3A_177 : i32
    "tpu.region"() ({
      %run_scoped3A = tpu.sem_alloc : memref<!tpu.dma_semaphore, #tpu.memory_space<semaphore_mem>>
      %dma_start3A_193 = tpu.memref_slice %arg10[%add3A_178] : memref<1048576xf32, #tpu.memory_space<vmem_shared>> -> memref<16384xf32, #tpu.memory_space<vmem_shared>>
      %dma_start3A_194 = tpu.memref_slice %arg10[%add3A_178] : memref<1048576xf32, #tpu.memory_space<vmem_shared>> -> memref<16384xf32, #tpu.memory_space<vmem_shared>>
      tpu.enqueue_dma source(%dma_start3A_194 : memref<16384xf32, #tpu.memory_space<vmem_shared>>) target(%arg9 : memref<16384xf32, #tpu.memory_space<vmem>>) target_semaphore(%run_scoped3A : memref<!tpu.dma_semaphore, #tpu.memory_space<semaphore_mem>>)
      %dma_wait3A_195 = tpu.memref_slice %arg10[%add3A_178] : memref<1048576xf32, #tpu.memory_space<vmem_shared>> -> memref<16384xf32, #tpu.memory_space<vmem_shared>>
      %dma_wait3A_196 = tpu.memref_slice %arg10[%add3A_178] : memref<1048576xf32, #tpu.memory_space<vmem_shared>> -> memref<16384xf32, #tpu.memory_space<vmem_shared>>
      tpu.wait_dma2 semaphore(%run_scoped3A : memref<!tpu.dma_semaphore, #tpu.memory_space<semaphore_mem>>) src(%dma_wait3A_196 : memref<16384xf32, #tpu.memory_space<vmem_shared>>) dst(%arg9 : memref<16384xf32, #tpu.memory_space<vmem>>)
      tpu.yield
    }) : () -> ()
    %mul3A_179 = arith.constant 1048576 : i32
    %mul3A_180 = arith.muli %add3A_98, %mul3A_179 : i32
    %add3A_181 = arith.addi %mul3A_180, %mul3A_2 : i32
    %add3A_182 = arith.constant 32768 : i32
    %add3A_183 = arith.addi %add3A_181, %add3A_182 : i32
    %multiple_of3A_184 = tpu.assume_multiple %add3A_183, 64 : i32
    "tpu.region"() ({
      %run_scoped3A = tpu.sem_alloc : memref<!tpu.dma_semaphore, #tpu.memory_space<semaphore_mem>>
      %dma_start3A_193 = tpu.memref_slice %arg4[%multiple_of3A_184] : memref<4194304xf32, #tpu.memory_space<hbm>> -> memref<16384xf32, #tpu.memory_space<hbm>>
      %dma_start3A_194 = tpu.memref_slice %arg4[%multiple_of3A_184] : memref<4194304xf32, #tpu.memory_space<hbm>> -> memref<16384xf32, #tpu.memory_space<hbm>>
      tpu.enqueue_dma source(%arg9 : memref<16384xf32, #tpu.memory_space<vmem>>) target(%dma_start3A_194 : memref<16384xf32, #tpu.memory_space<hbm>>) target_semaphore(%run_scoped3A : memref<!tpu.dma_semaphore, #tpu.memory_space<semaphore_mem>>)
      %dma_wait3A_195 = tpu.memref_slice %arg4[%multiple_of3A_184] : memref<4194304xf32, #tpu.memory_space<hbm>> -> memref<16384xf32, #tpu.memory_space<hbm>>
      %dma_wait3A_196 = tpu.memref_slice %arg4[%multiple_of3A_184] : memref<4194304xf32, #tpu.memory_space<hbm>> -> memref<16384xf32, #tpu.memory_space<hbm>>
      tpu.wait_dma2 semaphore(%run_scoped3A : memref<!tpu.dma_semaphore, #tpu.memory_space<semaphore_mem>>) src(%arg9 : memref<16384xf32, #tpu.memory_space<vmem>>) dst(%dma_wait3A_196 : memref<16384xf32, #tpu.memory_space<hbm>>)
      tpu.yield
    }) : () -> ()
    %add3A_185 = arith.constant 49152 : i32
    %add3A_186 = arith.addi %mul3A_2, %add3A_185 : i32
    "tpu.region"() ({
      %run_scoped3A = tpu.sem_alloc : memref<!tpu.dma_semaphore, #tpu.memory_space<semaphore_mem>>
      %dma_start3A_193 = tpu.memref_slice %arg10[%add3A_186] : memref<1048576xf32, #tpu.memory_space<vmem_shared>> -> memref<16384xf32, #tpu.memory_space<vmem_shared>>
      %dma_start3A_194 = tpu.memref_slice %arg10[%add3A_186] : memref<1048576xf32, #tpu.memory_space<vmem_shared>> -> memref<16384xf32, #tpu.memory_space<vmem_shared>>
      tpu.enqueue_dma source(%dma_start3A_194 : memref<16384xf32, #tpu.memory_space<vmem_shared>>) target(%arg9 : memref<16384xf32, #tpu.memory_space<vmem>>) target_semaphore(%run_scoped3A : memref<!tpu.dma_semaphore, #tpu.memory_space<semaphore_mem>>)
      %dma_wait3A_195 = tpu.memref_slice %arg10[%add3A_186] : memref<1048576xf32, #tpu.memory_space<vmem_shared>> -> memref<16384xf32, #tpu.memory_space<vmem_shared>>
      %dma_wait3A_196 = tpu.memref_slice %arg10[%add3A_186] : memref<1048576xf32, #tpu.memory_space<vmem_shared>> -> memref<16384xf32, #tpu.memory_space<vmem_shared>>
      tpu.wait_dma2 semaphore(%run_scoped3A : memref<!tpu.dma_semaphore, #tpu.memory_space<semaphore_mem>>) src(%dma_wait3A_196 : memref<16384xf32, #tpu.memory_space<vmem_shared>>) dst(%arg9 : memref<16384xf32, #tpu.memory_space<vmem>>)
      tpu.yield
    }) : () -> ()
    %mul3A_187 = arith.constant 1048576 : i32
    %mul3A_188 = arith.muli %add3A_98, %mul3A_187 : i32
    %add3A_189 = arith.addi %mul3A_188, %mul3A_2 : i32
    %add3A_190 = arith.constant 49152 : i32
    %add3A_191 = arith.addi %add3A_189, %add3A_190 : i32
    %multiple_of3A_192 = tpu.assume_multiple %add3A_191, 64 : i32
    "tpu.region"() ({
      %run_scoped3A = tpu.sem_alloc : memref<!tpu.dma_semaphore, #tpu.memory_space<semaphore_mem>>
      %dma_start3A_193 = tpu.memref_slice %arg4[%multiple_of3A_192] : memref<4194304xf32, #tpu.memory_space<hbm>> -> memref<16384xf32, #tpu.memory_space<hbm>>
      %dma_start3A_194 = tpu.memref_slice %arg4[%multiple_of3A_192] : memref<4194304xf32, #tpu.memory_space<hbm>> -> memref<16384xf32, #tpu.memory_space<hbm>>
      tpu.enqueue_dma source(%arg9 : memref<16384xf32, #tpu.memory_space<vmem>>) target(%dma_start3A_194 : memref<16384xf32, #tpu.memory_space<hbm>>) target_semaphore(%run_scoped3A : memref<!tpu.dma_semaphore, #tpu.memory_space<semaphore_mem>>)
      %dma_wait3A_195 = tpu.memref_slice %arg4[%multiple_of3A_192] : memref<4194304xf32, #tpu.memory_space<hbm>> -> memref<16384xf32, #tpu.memory_space<hbm>>
      %dma_wait3A_196 = tpu.memref_slice %arg4[%multiple_of3A_192] : memref<4194304xf32, #tpu.memory_space<hbm>> -> memref<16384xf32, #tpu.memory_space<hbm>>
      tpu.wait_dma2 semaphore(%run_scoped3A : memref<!tpu.dma_semaphore, #tpu.memory_space<semaphore_mem>>) src(%arg9 : memref<16384xf32, #tpu.memory_space<vmem>>) dst(%dma_wait3A_196 : memref<16384xf32, #tpu.memory_space<hbm>>)
      tpu.yield
    }) : () -> ()
    return
  }
}

module attributes {stable_mosaic.version = 14 : i64} {
  func.func @_emit_body(%arg0: i32, %arg1: memref<3x32x128xf32, #tpu.memory_space<vmem>>, %arg2: memref<6x32x128xf32, #tpu.memory_space<vmem>>, %arg3: memref<3x32x128xf32, #tpu.memory_space<vmem>>, %arg4: memref<1x32x128xf32, #tpu.memory_space<vmem>>, %arg5: memref<27x32x128xi32, #tpu.memory_space<vmem>>, %arg6: memref<108x32x128xf32, #tpu.memory_space<vmem>>) attributes {dimension_semantics = [#tpu.dimension_semantics<arbitrary>], iteration_bounds = array<i64: 49>, scalar_prefetch = 0 : i64, scratch_operands = 0 : i64, tpu.core_type = #tpu.core_type<tc>, window_params = [{transform_indices = @transform_0, window_bounds = array<i64: 3, 32, 128>}, {transform_indices = @transform_1, window_bounds = array<i64: 6, 32, 128>}, {transform_indices = @transform_2, window_bounds = array<i64: 3, 32, 128>}, {transform_indices = @transform_3, window_bounds = array<i64: 1, 32, 128>}, {transform_indices = @transform_4, window_bounds = array<i64: 27, 32, 128>}, {transform_indices = @transform_5, window_bounds = array<i64: 108, 32, 128>}]} {
    %get3A = arith.constant 0 : index
    %get3A_0 = arith.constant 0 : index
    %get3A_1 = arith.constant 0 : index
    %get3A_2 = vector.load %arg1[%get3A, %get3A_0, %get3A_1] : memref<3x32x128xf32, #tpu.memory_space<vmem>>, vector<1x32x128xf32>
    %get3A_3 = vector.shape_cast %get3A_2 : vector<1x32x128xf32> to vector<32x128xf32>
    %tanh3A = math.tanh %get3A_3 : vector<32x128xf32>
    %get3A_4 = arith.constant 1 : index
    %get3A_5 = arith.constant 0 : index
    %get3A_6 = arith.constant 0 : index
    %get3A_7 = vector.load %arg1[%get3A_4, %get3A_5, %get3A_6] : memref<3x32x128xf32, #tpu.memory_space<vmem>>, vector<1x32x128xf32>
    %get3A_8 = vector.shape_cast %get3A_7 : vector<1x32x128xf32> to vector<32x128xf32>
    %tanh3A_9 = math.tanh %get3A_8 : vector<32x128xf32>
    %get3A_10 = arith.constant 2 : index
    %get3A_11 = arith.constant 0 : index
    %get3A_12 = arith.constant 0 : index
    %get3A_13 = vector.load %arg1[%get3A_10, %get3A_11, %get3A_12] : memref<3x32x128xf32, #tpu.memory_space<vmem>>, vector<1x32x128xf32>
    %get3A_14 = vector.shape_cast %get3A_13 : vector<1x32x128xf32> to vector<32x128xf32>
    %tanh3A_15 = math.tanh %get3A_14 : vector<32x128xf32>
    %add3A = arith.constant 1.000000e+00 : f32
    %add3A_16 = vector.broadcast %add3A : f32 to vector<32x128xf32>
    %add3A_17 = arith.addf %tanh3A, %add3A_16 : vector<32x128xf32>
    %mul3A = arith.constant 1.275000e+02 : f32
    %mul3A_18 = vector.broadcast %mul3A : f32 to vector<32x128xf32>
    %mul3A_19 = arith.mulf %add3A_17, %mul3A_18 : vector<32x128xf32>
    %add3A_20 = arith.constant 1.000000e+00 : f32
    %add3A_21 = vector.broadcast %add3A_20 : f32 to vector<32x128xf32>
    %add3A_22 = arith.addf %tanh3A_9, %add3A_21 : vector<32x128xf32>
    %mul3A_23 = arith.constant 1.275000e+02 : f32
    %mul3A_24 = vector.broadcast %mul3A_23 : f32 to vector<32x128xf32>
    %mul3A_25 = arith.mulf %add3A_22, %mul3A_24 : vector<32x128xf32>
    %add3A_26 = arith.constant 1.000000e+00 : f32
    %add3A_27 = vector.broadcast %add3A_26 : f32 to vector<32x128xf32>
    %add3A_28 = arith.addf %tanh3A_15, %add3A_27 : vector<32x128xf32>
    %mul3A_29 = arith.constant 7.500000e+00 : f32
    %mul3A_30 = vector.broadcast %mul3A_29 : f32 to vector<32x128xf32>
    %mul3A_31 = arith.mulf %add3A_28, %mul3A_30 : vector<32x128xf32>
    %add3A_32 = arith.constant 5.000000e-01 : f32
    %add3A_33 = vector.broadcast %add3A_32 : f32 to vector<32x128xf32>
    %add3A_34 = arith.addf %mul3A_19, %add3A_33 : vector<32x128xf32>
    %floor3A = math.floor %add3A_34 : vector<32x128xf32>
    %add3A_35 = arith.constant 5.000000e-01 : f32
    %add3A_36 = vector.broadcast %add3A_35 : f32 to vector<32x128xf32>
    %add3A_37 = arith.addf %mul3A_25, %add3A_36 : vector<32x128xf32>
    %floor3A_38 = math.floor %add3A_37 : vector<32x128xf32>
    %add3A_39 = arith.constant 5.000000e-01 : f32
    %add3A_40 = vector.broadcast %add3A_39 : f32 to vector<32x128xf32>
    %add3A_41 = arith.addf %mul3A_31, %add3A_40 : vector<32x128xf32>
    %floor3A_42 = math.floor %add3A_41 : vector<32x128xf32>
    %get3A_43 = arith.constant 0 : index
    %get3A_44 = arith.constant 0 : index
    %get3A_45 = arith.constant 0 : index
    %get3A_46 = vector.load %arg2[%get3A_43, %get3A_44, %get3A_45] : memref<6x32x128xf32, #tpu.memory_space<vmem>>, vector<1x32x128xf32>
    %get3A_47 = vector.shape_cast %get3A_46 : vector<1x32x128xf32> to vector<32x128xf32>
    %add3A_48 = arith.constant 5.000000e-01 : f32
    %add3A_49 = vector.broadcast %add3A_48 : f32 to vector<32x128xf32>
    %add3A_50 = arith.addf %get3A_47, %add3A_49 : vector<32x128xf32>
    %get3A_51 = arith.constant 1 : index
    %get3A_52 = arith.constant 0 : index
    %get3A_53 = arith.constant 0 : index
    %get3A_54 = vector.load %arg2[%get3A_51, %get3A_52, %get3A_53] : memref<6x32x128xf32, #tpu.memory_space<vmem>>, vector<1x32x128xf32>
    %get3A_55 = vector.shape_cast %get3A_54 : vector<1x32x128xf32> to vector<32x128xf32>
    %get3A_56 = arith.constant 2 : index
    %get3A_57 = arith.constant 0 : index
    %get3A_58 = arith.constant 0 : index
    %get3A_59 = vector.load %arg2[%get3A_56, %get3A_57, %get3A_58] : memref<6x32x128xf32, #tpu.memory_space<vmem>>, vector<1x32x128xf32>
    %get3A_60 = vector.shape_cast %get3A_59 : vector<1x32x128xf32> to vector<32x128xf32>
    %add3A_61 = arith.constant 5.000000e-01 : f32
    %add3A_62 = vector.broadcast %add3A_61 : f32 to vector<32x128xf32>
    %add3A_63 = arith.addf %get3A_60, %add3A_62 : vector<32x128xf32>
    %get3A_64 = arith.constant 3 : index
    %get3A_65 = arith.constant 0 : index
    %get3A_66 = arith.constant 0 : index
    %get3A_67 = vector.load %arg2[%get3A_64, %get3A_65, %get3A_66] : memref<6x32x128xf32, #tpu.memory_space<vmem>>, vector<1x32x128xf32>
    %get3A_68 = vector.shape_cast %get3A_67 : vector<1x32x128xf32> to vector<32x128xf32>
    %add3A_69 = arith.constant 5.000000e-01 : f32
    %add3A_70 = vector.broadcast %add3A_69 : f32 to vector<32x128xf32>
    %add3A_71 = arith.addf %get3A_68, %add3A_70 : vector<32x128xf32>
    %get3A_72 = arith.constant 4 : index
    %get3A_73 = arith.constant 0 : index
    %get3A_74 = arith.constant 0 : index
    %get3A_75 = vector.load %arg2[%get3A_72, %get3A_73, %get3A_74] : memref<6x32x128xf32, #tpu.memory_space<vmem>>, vector<1x32x128xf32>
    %get3A_76 = vector.shape_cast %get3A_75 : vector<1x32x128xf32> to vector<32x128xf32>
    %get3A_77 = arith.constant 5 : index
    %get3A_78 = arith.constant 0 : index
    %get3A_79 = arith.constant 0 : index
    %get3A_80 = vector.load %arg2[%get3A_77, %get3A_78, %get3A_79] : memref<6x32x128xf32, #tpu.memory_space<vmem>>, vector<1x32x128xf32>
    %get3A_81 = vector.shape_cast %get3A_80 : vector<1x32x128xf32> to vector<32x128xf32>
    %add3A_82 = arith.constant 5.000000e-01 : f32
    %add3A_83 = vector.broadcast %add3A_82 : f32 to vector<32x128xf32>
    %add3A_84 = arith.addf %get3A_81, %add3A_83 : vector<32x128xf32>
    %mul3A_85 = arith.mulf %add3A_50, %add3A_50 : vector<32x128xf32>
    %add3A_86 = arith.constant 9.99999974E-5 : f32
    %add3A_87 = vector.broadcast %add3A_86 : f32 to vector<32x128xf32>
    %add3A_88 = arith.addf %mul3A_85, %add3A_87 : vector<32x128xf32>
    %mul3A_89 = arith.mulf %add3A_50, %get3A_55 : vector<32x128xf32>
    %mul3A_90 = arith.mulf %add3A_50, %add3A_71 : vector<32x128xf32>
    %mul3A_91 = arith.mulf %get3A_55, %get3A_55 : vector<32x128xf32>
    %mul3A_92 = arith.mulf %add3A_63, %add3A_63 : vector<32x128xf32>
    %add3A_93 = arith.addf %mul3A_91, %mul3A_92 : vector<32x128xf32>
    %add3A_94 = arith.constant 9.99999974E-5 : f32
    %add3A_95 = vector.broadcast %add3A_94 : f32 to vector<32x128xf32>
    %add3A_96 = arith.addf %add3A_93, %add3A_95 : vector<32x128xf32>
    %mul3A_97 = arith.mulf %get3A_55, %add3A_71 : vector<32x128xf32>
    %mul3A_98 = arith.mulf %add3A_63, %get3A_76 : vector<32x128xf32>
    %add3A_99 = arith.addf %mul3A_97, %mul3A_98 : vector<32x128xf32>
    %mul3A_100 = arith.mulf %add3A_71, %add3A_71 : vector<32x128xf32>
    %mul3A_101 = arith.mulf %get3A_76, %get3A_76 : vector<32x128xf32>
    %add3A_102 = arith.addf %mul3A_100, %mul3A_101 : vector<32x128xf32>
    %mul3A_103 = arith.mulf %add3A_84, %add3A_84 : vector<32x128xf32>
    %add3A_104 = arith.addf %add3A_102, %mul3A_103 : vector<32x128xf32>
    %add3A_105 = arith.constant 9.99999974E-5 : f32
    %add3A_106 = vector.broadcast %add3A_105 : f32 to vector<32x128xf32>
    %add3A_107 = arith.addf %add3A_104, %add3A_106 : vector<32x128xf32>
    %mul3A_108 = arith.mulf %add3A_96, %add3A_107 : vector<32x128xf32>
    %mul3A_109 = arith.mulf %add3A_99, %add3A_99 : vector<32x128xf32>
    %sub3A = arith.subf %mul3A_108, %mul3A_109 : vector<32x128xf32>
    %mul3A_110 = arith.mulf %mul3A_90, %add3A_99 : vector<32x128xf32>
    %mul3A_111 = arith.mulf %mul3A_89, %add3A_107 : vector<32x128xf32>
    %sub3A_112 = arith.subf %mul3A_110, %mul3A_111 : vector<32x128xf32>
    %mul3A_113 = arith.mulf %mul3A_89, %add3A_99 : vector<32x128xf32>
    %mul3A_114 = arith.mulf %mul3A_90, %add3A_96 : vector<32x128xf32>
    %sub3A_115 = arith.subf %mul3A_113, %mul3A_114 : vector<32x128xf32>
    %mul3A_116 = arith.mulf %add3A_88, %sub3A : vector<32x128xf32>
    %mul3A_117 = arith.mulf %mul3A_89, %sub3A_112 : vector<32x128xf32>
    %add3A_118 = arith.addf %mul3A_116, %mul3A_117 : vector<32x128xf32>
    %mul3A_119 = arith.mulf %mul3A_90, %sub3A_115 : vector<32x128xf32>
    %add3A_120 = arith.addf %add3A_118, %mul3A_119 : vector<32x128xf32>
    %div3A = arith.constant 1.000000e+00 : f32
    %div3A_121 = vector.broadcast %div3A : f32 to vector<32x128xf32>
    %div3A_122 = arith.divf %div3A_121, %add3A_120 : vector<32x128xf32>
    %mul3A_123 = arith.mulf %sub3A, %div3A_122 : vector<32x128xf32>
    %mul3A_124 = arith.mulf %sub3A_112, %div3A_122 : vector<32x128xf32>
    %mul3A_125 = arith.mulf %sub3A_115, %div3A_122 : vector<32x128xf32>
    %mul3A_126 = arith.mulf %add3A_88, %add3A_107 : vector<32x128xf32>
    %mul3A_127 = arith.mulf %mul3A_90, %mul3A_90 : vector<32x128xf32>
    %sub3A_128 = arith.subf %mul3A_126, %mul3A_127 : vector<32x128xf32>
    %mul3A_129 = arith.mulf %sub3A_128, %div3A_122 : vector<32x128xf32>
    %mul3A_130 = arith.mulf %mul3A_89, %mul3A_90 : vector<32x128xf32>
    %mul3A_131 = arith.mulf %add3A_88, %add3A_99 : vector<32x128xf32>
    %sub3A_132 = arith.subf %mul3A_130, %mul3A_131 : vector<32x128xf32>
    %mul3A_133 = arith.mulf %sub3A_132, %div3A_122 : vector<32x128xf32>
    %mul3A_134 = arith.mulf %add3A_88, %add3A_96 : vector<32x128xf32>
    %mul3A_135 = arith.mulf %mul3A_89, %mul3A_89 : vector<32x128xf32>
    %sub3A_136 = arith.subf %mul3A_134, %mul3A_135 : vector<32x128xf32>
    %mul3A_137 = arith.mulf %sub3A_136, %div3A_122 : vector<32x128xf32>
    %get3A_138 = arith.constant 0 : index
    %get3A_139 = arith.constant 0 : index
    %get3A_140 = arith.constant 0 : index
    %get3A_141 = vector.load %arg4[%get3A_138, %get3A_139, %get3A_140] : memref<1x32x128xf32, #tpu.memory_space<vmem>>, vector<1x32x128xf32>
    %get3A_142 = vector.shape_cast %get3A_141 : vector<1x32x128xf32> to vector<32x128xf32>
    %logistic3A = arith.negf %get3A_142 : vector<32x128xf32>
    %logistic3A_143 = math.exp %logistic3A : vector<32x128xf32>
    %logistic3A_144 = arith.constant 1.000000e+00 : f32
    %logistic3A_145 = vector.broadcast %logistic3A_144 : f32 to vector<32x128xf32>
    %logistic3A_146 = arith.addf %logistic3A_145, %logistic3A_143 : vector<32x128xf32>
    %logistic3A_147 = arith.divf %logistic3A_145, %logistic3A_146 : vector<32x128xf32>
    %get3A_148 = arith.constant 0 : index
    %get3A_149 = arith.constant 0 : index
    %get3A_150 = arith.constant 0 : index
    %get3A_151 = vector.load %arg3[%get3A_148, %get3A_149, %get3A_150] : memref<3x32x128xf32, #tpu.memory_space<vmem>>, vector<1x32x128xf32>
    %get3A_152 = vector.shape_cast %get3A_151 : vector<1x32x128xf32> to vector<32x128xf32>
    %logistic3A_153 = arith.negf %get3A_152 : vector<32x128xf32>
    %logistic3A_154 = math.exp %logistic3A_153 : vector<32x128xf32>
    %logistic3A_155 = arith.constant 1.000000e+00 : f32
    %logistic3A_156 = vector.broadcast %logistic3A_155 : f32 to vector<32x128xf32>
    %logistic3A_157 = arith.addf %logistic3A_156, %logistic3A_154 : vector<32x128xf32>
    %logistic3A_158 = arith.divf %logistic3A_156, %logistic3A_157 : vector<32x128xf32>
    %get3A_159 = arith.constant 1 : index
    %get3A_160 = arith.constant 0 : index
    %get3A_161 = arith.constant 0 : index
    %get3A_162 = vector.load %arg3[%get3A_159, %get3A_160, %get3A_161] : memref<3x32x128xf32, #tpu.memory_space<vmem>>, vector<1x32x128xf32>
    %get3A_163 = vector.shape_cast %get3A_162 : vector<1x32x128xf32> to vector<32x128xf32>
    %logistic3A_164 = arith.negf %get3A_163 : vector<32x128xf32>
    %logistic3A_165 = math.exp %logistic3A_164 : vector<32x128xf32>
    %logistic3A_166 = arith.constant 1.000000e+00 : f32
    %logistic3A_167 = vector.broadcast %logistic3A_166 : f32 to vector<32x128xf32>
    %logistic3A_168 = arith.addf %logistic3A_167, %logistic3A_165 : vector<32x128xf32>
    %logistic3A_169 = arith.divf %logistic3A_167, %logistic3A_168 : vector<32x128xf32>
    %get3A_170 = arith.constant 2 : index
    %get3A_171 = arith.constant 0 : index
    %get3A_172 = arith.constant 0 : index
    %get3A_173 = vector.load %arg3[%get3A_170, %get3A_171, %get3A_172] : memref<3x32x128xf32, #tpu.memory_space<vmem>>, vector<1x32x128xf32>
    %get3A_174 = vector.shape_cast %get3A_173 : vector<1x32x128xf32> to vector<32x128xf32>
    %logistic3A_175 = arith.negf %get3A_174 : vector<32x128xf32>
    %logistic3A_176 = math.exp %logistic3A_175 : vector<32x128xf32>
    %logistic3A_177 = arith.constant 1.000000e+00 : f32
    %logistic3A_178 = vector.broadcast %logistic3A_177 : f32 to vector<32x128xf32>
    %logistic3A_179 = arith.addf %logistic3A_178, %logistic3A_176 : vector<32x128xf32>
    %logistic3A_180 = arith.divf %logistic3A_178, %logistic3A_179 : vector<32x128xf32>
    %iota3A = tpu.iota {dimensions = array<i32: 0>} : vector<32x128xi32>
    %iota3A_181 = tpu.iota {dimensions = array<i32: 1>} : vector<32x128xi32>
    %mul3A_182 = arith.constant 32 : i32
    %mul3A_183 = arith.muli %arg0, %mul3A_182 : i32
    %add3A_184 = vector.broadcast %mul3A_183 : i32 to vector<32x128xi32>
    %add3A_185 = arith.addi %add3A_184, %iota3A : vector<32x128xi32>
    %mul3A_186 = arith.constant 128 : i32
    %mul3A_187 = vector.broadcast %mul3A_186 : i32 to vector<32x128xi32>
    %mul3A_188 = arith.muli %add3A_185, %mul3A_187 : vector<32x128xi32>
    %add3A_189 = arith.addi %mul3A_188, %iota3A_181 : vector<32x128xi32>
    %lt3A = arith.constant 200000 : i32
    %lt3A_190 = vector.broadcast %lt3A : i32 to vector<32x128xi32>
    %lt3A_191 = arith.cmpi slt, %add3A_189, %lt3A_190 : vector<32x128xi32>
    %jit3A = arith.constant 0.000000e+00 : f32
    %broadcast_in_dim3A = vector.broadcast %jit3A : f32 to vector<32x128xf32>
    %select_n3A = arith.select %lt3A_191, %logistic3A_147, %broadcast_in_dim3A : vector<32x128xi1>, vector<32x128xf32>
    %add3A_192 = arith.constant -1.000000e+00 : f32
    %add3A_193 = vector.broadcast %add3A_192 : f32 to vector<32x128xf32>
    %add3A_194 = arith.addf %floor3A, %add3A_193 : vector<32x128xf32>
    %jit3A_195 = arith.constant 0.000000e+00 : f32
    %jit3A_196 = arith.constant 2.550000e+02 : f32
    %max3A = vector.broadcast %jit3A_195 : f32 to vector<32x128xf32>
    %max3A_197 = arith.maximumf %max3A, %add3A_194 : vector<32x128xf32>
    %min3A = vector.broadcast %jit3A_196 : f32 to vector<32x128xf32>
    %min3A_198 = arith.minimumf %min3A, %max3A_197 : vector<32x128xf32>
    %add3A_199 = arith.constant -1.000000e+00 : f32
    %add3A_200 = vector.broadcast %add3A_199 : f32 to vector<32x128xf32>
    %add3A_201 = arith.addf %floor3A_38, %add3A_200 : vector<32x128xf32>
    %jit3A_202 = arith.constant 0.000000e+00 : f32
    %jit3A_203 = arith.constant 2.550000e+02 : f32
    %max3A_204 = vector.broadcast %jit3A_202 : f32 to vector<32x128xf32>
    %max3A_205 = arith.maximumf %max3A_204, %add3A_201 : vector<32x128xf32>
    %min3A_206 = vector.broadcast %jit3A_203 : f32 to vector<32x128xf32>
    %min3A_207 = arith.minimumf %min3A_206, %max3A_205 : vector<32x128xf32>
    %add3A_208 = arith.constant -1.000000e+00 : f32
    %add3A_209 = vector.broadcast %add3A_208 : f32 to vector<32x128xf32>
    %add3A_210 = arith.addf %floor3A_42, %add3A_209 : vector<32x128xf32>
    %jit3A_211 = arith.constant 0.000000e+00 : f32
    %jit3A_212 = arith.constant 1.500000e+01 : f32
    %max3A_213 = vector.broadcast %jit3A_211 : f32 to vector<32x128xf32>
    %max3A_214 = arith.maximumf %max3A_213, %add3A_210 : vector<32x128xf32>
    %min3A_215 = vector.broadcast %jit3A_212 : f32 to vector<32x128xf32>
    %min3A_216 = arith.minimumf %min3A_215, %max3A_214 : vector<32x128xf32>
    %sub3A_217 = arith.subf %min3A_198, %mul3A_19 : vector<32x128xf32>
    %sub3A_218 = arith.subf %min3A_207, %mul3A_25 : vector<32x128xf32>
    %sub3A_219 = arith.subf %min3A_216, %mul3A_31 : vector<32x128xf32>
    %mul3A_220 = arith.mulf %mul3A_123, %sub3A_217 : vector<32x128xf32>
    %mul3A_221 = arith.mulf %mul3A_220, %sub3A_217 : vector<32x128xf32>
    %mul3A_222 = arith.mulf %mul3A_129, %sub3A_218 : vector<32x128xf32>
    %mul3A_223 = arith.mulf %mul3A_222, %sub3A_218 : vector<32x128xf32>
    %add3A_224 = arith.addf %mul3A_221, %mul3A_223 : vector<32x128xf32>
    %mul3A_225 = arith.mulf %mul3A_137, %sub3A_219 : vector<32x128xf32>
    %mul3A_226 = arith.mulf %mul3A_225, %sub3A_219 : vector<32x128xf32>
    %add3A_227 = arith.addf %add3A_224, %mul3A_226 : vector<32x128xf32>
    %mul3A_228 = arith.mulf %mul3A_124, %sub3A_217 : vector<32x128xf32>
    %mul3A_229 = arith.mulf %mul3A_228, %sub3A_218 : vector<32x128xf32>
    %mul3A_230 = arith.mulf %mul3A_125, %sub3A_217 : vector<32x128xf32>
    %mul3A_231 = arith.mulf %mul3A_230, %sub3A_219 : vector<32x128xf32>
    %add3A_232 = arith.addf %mul3A_229, %mul3A_231 : vector<32x128xf32>
    %mul3A_233 = arith.mulf %mul3A_133, %sub3A_218 : vector<32x128xf32>
    %mul3A_234 = arith.mulf %mul3A_233, %sub3A_219 : vector<32x128xf32>
    %add3A_235 = arith.addf %add3A_232, %mul3A_234 : vector<32x128xf32>
    %mul3A_236 = arith.constant 2.000000e+00 : f32
    %mul3A_237 = vector.broadcast %mul3A_236 : f32 to vector<32x128xf32>
    %mul3A_238 = arith.mulf %mul3A_237, %add3A_235 : vector<32x128xf32>
    %add3A_239 = arith.addf %add3A_227, %mul3A_238 : vector<32x128xf32>
    %mul3A_240 = arith.constant -5.000000e-01 : f32
    %mul3A_241 = vector.broadcast %mul3A_240 : f32 to vector<32x128xf32>
    %mul3A_242 = arith.mulf %mul3A_241, %add3A_239 : vector<32x128xf32>
    %exp3A = math.exp %mul3A_242 : vector<32x128xf32>
    %mul3A_243 = arith.mulf %select_n3A, %exp3A : vector<32x128xf32>
    %convert_element_type3A = arith.fptosi %min3A_198 : vector<32x128xf32> to vector<32x128xi32>
    %convert_element_type3A_244 = arith.fptosi %min3A_207 : vector<32x128xf32> to vector<32x128xi32>
    %convert_element_type3A_245 = arith.fptosi %min3A_216 : vector<32x128xf32> to vector<32x128xi32>
    %mul3A_246 = arith.constant 4096 : i32
    %mul3A_247 = vector.broadcast %mul3A_246 : i32 to vector<32x128xi32>
    %mul3A_248 = arith.muli %convert_element_type3A_244, %mul3A_247 : vector<32x128xi32>
    %mul3A_249 = arith.constant 16 : i32
    %mul3A_250 = vector.broadcast %mul3A_249 : i32 to vector<32x128xi32>
    %mul3A_251 = arith.muli %convert_element_type3A, %mul3A_250 : vector<32x128xi32>
    %add3A_252 = arith.addi %mul3A_248, %mul3A_251 : vector<32x128xi32>
    %add3A_253 = arith.addi %add3A_252, %convert_element_type3A_245 : vector<32x128xi32>
    %select_n3A_254 = arith.select %lt3A_191, %add3A_253, %add3A_189 : vector<32x128xi1>, vector<32x128xi32>
    %swap3A = arith.constant 0 : index
    %swap3A_255 = arith.constant 0 : index
    %swap3A_256 = arith.constant 0 : index
    %swap3A_257 = vector.load %arg5[%swap3A, %swap3A_255, %swap3A_256] : memref<27x32x128xi32, #tpu.memory_space<vmem>>, vector<1x32x128xi32>
    %swap3A_258 = vector.shape_cast %swap3A_257 : vector<1x32x128xi32> to vector<32x128xi32>
    %swap3A_259 = vector.shape_cast %select_n3A_254 : vector<32x128xi32> to vector<1x32x128xi32>
    tpu.vector_store %arg5[%swap3A, %swap3A_255, %swap3A_256], %swap3A_259 {strides = array<i32>} : memref<27x32x128xi32, #tpu.memory_space<vmem>>, vector<1x32x128xi32>,
    %mul3A_260 = arith.mulf %mul3A_243, %logistic3A_158 : vector<32x128xf32>
    %swap3A_261 = arith.constant 0 : index
    %swap3A_262 = arith.constant 0 : index
    %swap3A_263 = arith.constant 0 : index
    %swap3A_264 = vector.load %arg6[%swap3A_261, %swap3A_262, %swap3A_263] : memref<108x32x128xf32, #tpu.memory_space<vmem>>, vector<1x32x128xf32>
    %swap3A_265 = vector.shape_cast %swap3A_264 : vector<1x32x128xf32> to vector<32x128xf32>
    %swap3A_266 = vector.shape_cast %mul3A_260 : vector<32x128xf32> to vector<1x32x128xf32>
    tpu.vector_store %arg6[%swap3A_261, %swap3A_262, %swap3A_263], %swap3A_266 {strides = array<i32>} : memref<108x32x128xf32, #tpu.memory_space<vmem>>, vector<1x32x128xf32>,
    %mul3A_267 = arith.mulf %mul3A_243, %logistic3A_169 : vector<32x128xf32>
    %swap3A_268 = arith.constant 27 : index
    %swap3A_269 = arith.constant 0 : index
    %swap3A_270 = arith.constant 0 : index
    %swap3A_271 = vector.load %arg6[%swap3A_268, %swap3A_269, %swap3A_270] : memref<108x32x128xf32, #tpu.memory_space<vmem>>, vector<1x32x128xf32>
    %swap3A_272 = vector.shape_cast %swap3A_271 : vector<1x32x128xf32> to vector<32x128xf32>
    %swap3A_273 = vector.shape_cast %mul3A_267 : vector<32x128xf32> to vector<1x32x128xf32>
    tpu.vector_store %arg6[%swap3A_268, %swap3A_269, %swap3A_270], %swap3A_273 {strides = array<i32>} : memref<108x32x128xf32, #tpu.memory_space<vmem>>, vector<1x32x128xf32>,
    %mul3A_274 = arith.mulf %mul3A_243, %logistic3A_180 : vector<32x128xf32>
    %swap3A_275 = arith.constant 54 : index
    %swap3A_276 = arith.constant 0 : index
    %swap3A_277 = arith.constant 0 : index
    %swap3A_278 = vector.load %arg6[%swap3A_275, %swap3A_276, %swap3A_277] : memref<108x32x128xf32, #tpu.memory_space<vmem>>, vector<1x32x128xf32>
    %swap3A_279 = vector.shape_cast %swap3A_278 : vector<1x32x128xf32> to vector<32x128xf32>
    %swap3A_280 = vector.shape_cast %mul3A_274 : vector<32x128xf32> to vector<1x32x128xf32>
    tpu.vector_store %arg6[%swap3A_275, %swap3A_276, %swap3A_277], %swap3A_280 {strides = array<i32>} : memref<108x32x128xf32, #tpu.memory_space<vmem>>, vector<1x32x128xf32>,
    %swap3A_281 = arith.constant 81 : index
    %swap3A_282 = arith.constant 0 : index
    %swap3A_283 = arith.constant 0 : index
    %swap3A_284 = vector.load %arg6[%swap3A_281, %swap3A_282, %swap3A_283] : memref<108x32x128xf32, #tpu.memory_space<vmem>>, vector<1x32x128xf32>
    %swap3A_285 = vector.shape_cast %swap3A_284 : vector<1x32x128xf32> to vector<32x128xf32>
    %swap3A_286 = vector.shape_cast %mul3A_243 : vector<32x128xf32> to vector<1x32x128xf32>
    tpu.vector_store %arg6[%swap3A_281, %swap3A_282, %swap3A_283], %swap3A_286 {strides = array<i32>} : memref<108x32x128xf32, #tpu.memory_space<vmem>>, vector<1x32x128xf32>,
    %add3A_287 = arith.constant -1.000000e+00 : f32
    %add3A_288 = vector.broadcast %add3A_287 : f32 to vector<32x128xf32>
    %add3A_289 = arith.addf %floor3A, %add3A_288 : vector<32x128xf32>
    %jit3A_290 = arith.constant 0.000000e+00 : f32
    %jit3A_291 = arith.constant 2.550000e+02 : f32
    %max3A_292 = vector.broadcast %jit3A_290 : f32 to vector<32x128xf32>
    %max3A_293 = arith.maximumf %max3A_292, %add3A_289 : vector<32x128xf32>
    %min3A_294 = vector.broadcast %jit3A_291 : f32 to vector<32x128xf32>
    %min3A_295 = arith.minimumf %min3A_294, %max3A_293 : vector<32x128xf32>
    %add3A_296 = arith.constant -1.000000e+00 : f32
    %add3A_297 = vector.broadcast %add3A_296 : f32 to vector<32x128xf32>
    %add3A_298 = arith.addf %floor3A_38, %add3A_297 : vector<32x128xf32>
    %jit3A_299 = arith.constant 0.000000e+00 : f32
    %jit3A_300 = arith.constant 2.550000e+02 : f32
    %max3A_301 = vector.broadcast %jit3A_299 : f32 to vector<32x128xf32>
    %max3A_302 = arith.maximumf %max3A_301, %add3A_298 : vector<32x128xf32>
    %min3A_303 = vector.broadcast %jit3A_300 : f32 to vector<32x128xf32>
    %min3A_304 = arith.minimumf %min3A_303, %max3A_302 : vector<32x128xf32>
    %add3A_305 = arith.constant 0.000000e+00 : f32
    %add3A_306 = vector.broadcast %add3A_305 : f32 to vector<32x128xf32>
    %add3A_307 = arith.addf %floor3A_42, %add3A_306 : vector<32x128xf32>
    %jit3A_308 = arith.constant 0.000000e+00 : f32
    %jit3A_309 = arith.constant 1.500000e+01 : f32
    %max3A_310 = vector.broadcast %jit3A_308 : f32 to vector<32x128xf32>
    %max3A_311 = arith.maximumf %max3A_310, %add3A_307 : vector<32x128xf32>
    %min3A_312 = vector.broadcast %jit3A_309 : f32 to vector<32x128xf32>
    %min3A_313 = arith.minimumf %min3A_312, %max3A_311 : vector<32x128xf32>
    %sub3A_314 = arith.subf %min3A_295, %mul3A_19 : vector<32x128xf32>
    %sub3A_315 = arith.subf %min3A_304, %mul3A_25 : vector<32x128xf32>
    %sub3A_316 = arith.subf %min3A_313, %mul3A_31 : vector<32x128xf32>
    %mul3A_317 = arith.mulf %mul3A_123, %sub3A_314 : vector<32x128xf32>
    %mul3A_318 = arith.mulf %mul3A_317, %sub3A_314 : vector<32x128xf32>
    %mul3A_319 = arith.mulf %mul3A_129, %sub3A_315 : vector<32x128xf32>
    %mul3A_320 = arith.mulf %mul3A_319, %sub3A_315 : vector<32x128xf32>
    %add3A_321 = arith.addf %mul3A_318, %mul3A_320 : vector<32x128xf32>
    %mul3A_322 = arith.mulf %mul3A_137, %sub3A_316 : vector<32x128xf32>
    %mul3A_323 = arith.mulf %mul3A_322, %sub3A_316 : vector<32x128xf32>
    %add3A_324 = arith.addf %add3A_321, %mul3A_323 : vector<32x128xf32>
    %mul3A_325 = arith.mulf %mul3A_124, %sub3A_314 : vector<32x128xf32>
    %mul3A_326 = arith.mulf %mul3A_325, %sub3A_315 : vector<32x128xf32>
    %mul3A_327 = arith.mulf %mul3A_125, %sub3A_314 : vector<32x128xf32>
    %mul3A_328 = arith.mulf %mul3A_327, %sub3A_316 : vector<32x128xf32>
    %add3A_329 = arith.addf %mul3A_326, %mul3A_328 : vector<32x128xf32>
    %mul3A_330 = arith.mulf %mul3A_133, %sub3A_315 : vector<32x128xf32>
    %mul3A_331 = arith.mulf %mul3A_330, %sub3A_316 : vector<32x128xf32>
    %add3A_332 = arith.addf %add3A_329, %mul3A_331 : vector<32x128xf32>
    %mul3A_333 = arith.constant 2.000000e+00 : f32
    %mul3A_334 = vector.broadcast %mul3A_333 : f32 to vector<32x128xf32>
    %mul3A_335 = arith.mulf %mul3A_334, %add3A_332 : vector<32x128xf32>
    %add3A_336 = arith.addf %add3A_324, %mul3A_335 : vector<32x128xf32>
    %mul3A_337 = arith.constant -5.000000e-01 : f32
    %mul3A_338 = vector.broadcast %mul3A_337 : f32 to vector<32x128xf32>
    %mul3A_339 = arith.mulf %mul3A_338, %add3A_336 : vector<32x128xf32>
    %exp3A_340 = math.exp %mul3A_339 : vector<32x128xf32>
    %mul3A_341 = arith.mulf %select_n3A, %exp3A_340 : vector<32x128xf32>
    %convert_element_type3A_342 = arith.fptosi %min3A_295 : vector<32x128xf32> to vector<32x128xi32>
    %convert_element_type3A_343 = arith.fptosi %min3A_304 : vector<32x128xf32> to vector<32x128xi32>
    %convert_element_type3A_344 = arith.fptosi %min3A_313 : vector<32x128xf32> to vector<32x128xi32>
    %mul3A_345 = arith.constant 4096 : i32
    %mul3A_346 = vector.broadcast %mul3A_345 : i32 to vector<32x128xi32>
    %mul3A_347 = arith.muli %convert_element_type3A_343, %mul3A_346 : vector<32x128xi32>
    %mul3A_348 = arith.constant 16 : i32
    %mul3A_349 = vector.broadcast %mul3A_348 : i32 to vector<32x128xi32>
    %mul3A_350 = arith.muli %convert_element_type3A_342, %mul3A_349 : vector<32x128xi32>
    %add3A_351 = arith.addi %mul3A_347, %mul3A_350 : vector<32x128xi32>
    %add3A_352 = arith.addi %add3A_351, %convert_element_type3A_344 : vector<32x128xi32>
    %select_n3A_353 = arith.select %lt3A_191, %add3A_352, %add3A_189 : vector<32x128xi1>, vector<32x128xi32>
    %swap3A_354 = arith.constant 1 : index
    %swap3A_355 = arith.constant 0 : index
    %swap3A_356 = arith.constant 0 : index
    %swap3A_357 = vector.load %arg5[%swap3A_354, %swap3A_355, %swap3A_356] : memref<27x32x128xi32, #tpu.memory_space<vmem>>, vector<1x32x128xi32>
    %swap3A_358 = vector.shape_cast %swap3A_357 : vector<1x32x128xi32> to vector<32x128xi32>
    %swap3A_359 = vector.shape_cast %select_n3A_353 : vector<32x128xi32> to vector<1x32x128xi32>
    tpu.vector_store %arg5[%swap3A_354, %swap3A_355, %swap3A_356], %swap3A_359 {strides = array<i32>} : memref<27x32x128xi32, #tpu.memory_space<vmem>>, vector<1x32x128xi32>,
    %mul3A_360 = arith.mulf %mul3A_341, %logistic3A_158 : vector<32x128xf32>
    %swap3A_361 = arith.constant 1 : index
    %swap3A_362 = arith.constant 0 : index
    %swap3A_363 = arith.constant 0 : index
    %swap3A_364 = vector.load %arg6[%swap3A_361, %swap3A_362, %swap3A_363] : memref<108x32x128xf32, #tpu.memory_space<vmem>>, vector<1x32x128xf32>
    %swap3A_365 = vector.shape_cast %swap3A_364 : vector<1x32x128xf32> to vector<32x128xf32>
    %swap3A_366 = vector.shape_cast %mul3A_360 : vector<32x128xf32> to vector<1x32x128xf32>
    tpu.vector_store %arg6[%swap3A_361, %swap3A_362, %swap3A_363], %swap3A_366 {strides = array<i32>} : memref<108x32x128xf32, #tpu.memory_space<vmem>>, vector<1x32x128xf32>,
    %mul3A_367 = arith.mulf %mul3A_341, %logistic3A_169 : vector<32x128xf32>
    %swap3A_368 = arith.constant 28 : index
    %swap3A_369 = arith.constant 0 : index
    %swap3A_370 = arith.constant 0 : index
    %swap3A_371 = vector.load %arg6[%swap3A_368, %swap3A_369, %swap3A_370] : memref<108x32x128xf32, #tpu.memory_space<vmem>>, vector<1x32x128xf32>
    %swap3A_372 = vector.shape_cast %swap3A_371 : vector<1x32x128xf32> to vector<32x128xf32>
    %swap3A_373 = vector.shape_cast %mul3A_367 : vector<32x128xf32> to vector<1x32x128xf32>
    tpu.vector_store %arg6[%swap3A_368, %swap3A_369, %swap3A_370], %swap3A_373 {strides = array<i32>} : memref<108x32x128xf32, #tpu.memory_space<vmem>>, vector<1x32x128xf32>,
    %mul3A_374 = arith.mulf %mul3A_341, %logistic3A_180 : vector<32x128xf32>
    %swap3A_375 = arith.constant 55 : index
    %swap3A_376 = arith.constant 0 : index
    %swap3A_377 = arith.constant 0 : index
    %swap3A_378 = vector.load %arg6[%swap3A_375, %swap3A_376, %swap3A_377] : memref<108x32x128xf32, #tpu.memory_space<vmem>>, vector<1x32x128xf32>
    %swap3A_379 = vector.shape_cast %swap3A_378 : vector<1x32x128xf32> to vector<32x128xf32>
    %swap3A_380 = vector.shape_cast %mul3A_374 : vector<32x128xf32> to vector<1x32x128xf32>
    tpu.vector_store %arg6[%swap3A_375, %swap3A_376, %swap3A_377], %swap3A_380 {strides = array<i32>} : memref<108x32x128xf32, #tpu.memory_space<vmem>>, vector<1x32x128xf32>,
    %swap3A_381 = arith.constant 82 : index
    %swap3A_382 = arith.constant 0 : index
    %swap3A_383 = arith.constant 0 : index
    %swap3A_384 = vector.load %arg6[%swap3A_381, %swap3A_382, %swap3A_383] : memref<108x32x128xf32, #tpu.memory_space<vmem>>, vector<1x32x128xf32>
    %swap3A_385 = vector.shape_cast %swap3A_384 : vector<1x32x128xf32> to vector<32x128xf32>
    %swap3A_386 = vector.shape_cast %mul3A_341 : vector<32x128xf32> to vector<1x32x128xf32>
    tpu.vector_store %arg6[%swap3A_381, %swap3A_382, %swap3A_383], %swap3A_386 {strides = array<i32>} : memref<108x32x128xf32, #tpu.memory_space<vmem>>, vector<1x32x128xf32>,
    %add3A_387 = arith.constant -1.000000e+00 : f32
    %add3A_388 = vector.broadcast %add3A_387 : f32 to vector<32x128xf32>
    %add3A_389 = arith.addf %floor3A, %add3A_388 : vector<32x128xf32>
    %jit3A_390 = arith.constant 0.000000e+00 : f32
    %jit3A_391 = arith.constant 2.550000e+02 : f32
    %max3A_392 = vector.broadcast %jit3A_390 : f32 to vector<32x128xf32>
    %max3A_393 = arith.maximumf %max3A_392, %add3A_389 : vector<32x128xf32>
    %min3A_394 = vector.broadcast %jit3A_391 : f32 to vector<32x128xf32>
    %min3A_395 = arith.minimumf %min3A_394, %max3A_393 : vector<32x128xf32>
    %add3A_396 = arith.constant -1.000000e+00 : f32
    %add3A_397 = vector.broadcast %add3A_396 : f32 to vector<32x128xf32>
    %add3A_398 = arith.addf %floor3A_38, %add3A_397 : vector<32x128xf32>
    %jit3A_399 = arith.constant 0.000000e+00 : f32
    %jit3A_400 = arith.constant 2.550000e+02 : f32
    %max3A_401 = vector.broadcast %jit3A_399 : f32 to vector<32x128xf32>
    %max3A_402 = arith.maximumf %max3A_401, %add3A_398 : vector<32x128xf32>
    %min3A_403 = vector.broadcast %jit3A_400 : f32 to vector<32x128xf32>
    %min3A_404 = arith.minimumf %min3A_403, %max3A_402 : vector<32x128xf32>
    %add3A_405 = arith.constant 1.000000e+00 : f32
    %add3A_406 = vector.broadcast %add3A_405 : f32 to vector<32x128xf32>
    %add3A_407 = arith.addf %floor3A_42, %add3A_406 : vector<32x128xf32>
    %jit3A_408 = arith.constant 0.000000e+00 : f32
    %jit3A_409 = arith.constant 1.500000e+01 : f32
    %max3A_410 = vector.broadcast %jit3A_408 : f32 to vector<32x128xf32>
    %max3A_411 = arith.maximumf %max3A_410, %add3A_407 : vector<32x128xf32>
    %min3A_412 = vector.broadcast %jit3A_409 : f32 to vector<32x128xf32>
    %min3A_413 = arith.minimumf %min3A_412, %max3A_411 : vector<32x128xf32>
    %sub3A_414 = arith.subf %min3A_395, %mul3A_19 : vector<32x128xf32>
    %sub3A_415 = arith.subf %min3A_404, %mul3A_25 : vector<32x128xf32>
    %sub3A_416 = arith.subf %min3A_413, %mul3A_31 : vector<32x128xf32>
    %mul3A_417 = arith.mulf %mul3A_123, %sub3A_414 : vector<32x128xf32>
    %mul3A_418 = arith.mulf %mul3A_417, %sub3A_414 : vector<32x128xf32>
    %mul3A_419 = arith.mulf %mul3A_129, %sub3A_415 : vector<32x128xf32>
    %mul3A_420 = arith.mulf %mul3A_419, %sub3A_415 : vector<32x128xf32>
    %add3A_421 = arith.addf %mul3A_418, %mul3A_420 : vector<32x128xf32>
    %mul3A_422 = arith.mulf %mul3A_137, %sub3A_416 : vector<32x128xf32>
    %mul3A_423 = arith.mulf %mul3A_422, %sub3A_416 : vector<32x128xf32>
    %add3A_424 = arith.addf %add3A_421, %mul3A_423 : vector<32x128xf32>
    %mul3A_425 = arith.mulf %mul3A_124, %sub3A_414 : vector<32x128xf32>
    %mul3A_426 = arith.mulf %mul3A_425, %sub3A_415 : vector<32x128xf32>
    %mul3A_427 = arith.mulf %mul3A_125, %sub3A_414 : vector<32x128xf32>
    %mul3A_428 = arith.mulf %mul3A_427, %sub3A_416 : vector<32x128xf32>
    %add3A_429 = arith.addf %mul3A_426, %mul3A_428 : vector<32x128xf32>
    %mul3A_430 = arith.mulf %mul3A_133, %sub3A_415 : vector<32x128xf32>
    %mul3A_431 = arith.mulf %mul3A_430, %sub3A_416 : vector<32x128xf32>
    %add3A_432 = arith.addf %add3A_429, %mul3A_431 : vector<32x128xf32>
    %mul3A_433 = arith.constant 2.000000e+00 : f32
    %mul3A_434 = vector.broadcast %mul3A_433 : f32 to vector<32x128xf32>
    %mul3A_435 = arith.mulf %mul3A_434, %add3A_432 : vector<32x128xf32>
    %add3A_436 = arith.addf %add3A_424, %mul3A_435 : vector<32x128xf32>
    %mul3A_437 = arith.constant -5.000000e-01 : f32
    %mul3A_438 = vector.broadcast %mul3A_437 : f32 to vector<32x128xf32>
    %mul3A_439 = arith.mulf %mul3A_438, %add3A_436 : vector<32x128xf32>
    %exp3A_440 = math.exp %mul3A_439 : vector<32x128xf32>
    %mul3A_441 = arith.mulf %select_n3A, %exp3A_440 : vector<32x128xf32>
    %convert_element_type3A_442 = arith.fptosi %min3A_395 : vector<32x128xf32> to vector<32x128xi32>
    %convert_element_type3A_443 = arith.fptosi %min3A_404 : vector<32x128xf32> to vector<32x128xi32>
    %convert_element_type3A_444 = arith.fptosi %min3A_413 : vector<32x128xf32> to vector<32x128xi32>
    %mul3A_445 = arith.constant 4096 : i32
    %mul3A_446 = vector.broadcast %mul3A_445 : i32 to vector<32x128xi32>
    %mul3A_447 = arith.muli %convert_element_type3A_443, %mul3A_446 : vector<32x128xi32>
    %mul3A_448 = arith.constant 16 : i32
    %mul3A_449 = vector.broadcast %mul3A_448 : i32 to vector<32x128xi32>
    %mul3A_450 = arith.muli %convert_element_type3A_442, %mul3A_449 : vector<32x128xi32>
    %add3A_451 = arith.addi %mul3A_447, %mul3A_450 : vector<32x128xi32>
    %add3A_452 = arith.addi %add3A_451, %convert_element_type3A_444 : vector<32x128xi32>
    %select_n3A_453 = arith.select %lt3A_191, %add3A_452, %add3A_189 : vector<32x128xi1>, vector<32x128xi32>
    %swap3A_454 = arith.constant 2 : index
    %swap3A_455 = arith.constant 0 : index
    %swap3A_456 = arith.constant 0 : index
    %swap3A_457 = vector.load %arg5[%swap3A_454, %swap3A_455, %swap3A_456] : memref<27x32x128xi32, #tpu.memory_space<vmem>>, vector<1x32x128xi32>
    %swap3A_458 = vector.shape_cast %swap3A_457 : vector<1x32x128xi32> to vector<32x128xi32>
    %swap3A_459 = vector.shape_cast %select_n3A_453 : vector<32x128xi32> to vector<1x32x128xi32>
    tpu.vector_store %arg5[%swap3A_454, %swap3A_455, %swap3A_456], %swap3A_459 {strides = array<i32>} : memref<27x32x128xi32, #tpu.memory_space<vmem>>, vector<1x32x128xi32>,
    %mul3A_460 = arith.mulf %mul3A_441, %logistic3A_158 : vector<32x128xf32>
    %swap3A_461 = arith.constant 2 : index
    %swap3A_462 = arith.constant 0 : index
    %swap3A_463 = arith.constant 0 : index
    %swap3A_464 = vector.load %arg6[%swap3A_461, %swap3A_462, %swap3A_463] : memref<108x32x128xf32, #tpu.memory_space<vmem>>, vector<1x32x128xf32>
    %swap3A_465 = vector.shape_cast %swap3A_464 : vector<1x32x128xf32> to vector<32x128xf32>
    %swap3A_466 = vector.shape_cast %mul3A_460 : vector<32x128xf32> to vector<1x32x128xf32>
    tpu.vector_store %arg6[%swap3A_461, %swap3A_462, %swap3A_463], %swap3A_466 {strides = array<i32>} : memref<108x32x128xf32, #tpu.memory_space<vmem>>, vector<1x32x128xf32>,
    %mul3A_467 = arith.mulf %mul3A_441, %logistic3A_169 : vector<32x128xf32>
    %swap3A_468 = arith.constant 29 : index
    %swap3A_469 = arith.constant 0 : index
    %swap3A_470 = arith.constant 0 : index
    %swap3A_471 = vector.load %arg6[%swap3A_468, %swap3A_469, %swap3A_470] : memref<108x32x128xf32, #tpu.memory_space<vmem>>, vector<1x32x128xf32>
    %swap3A_472 = vector.shape_cast %swap3A_471 : vector<1x32x128xf32> to vector<32x128xf32>
    %swap3A_473 = vector.shape_cast %mul3A_467 : vector<32x128xf32> to vector<1x32x128xf32>
    tpu.vector_store %arg6[%swap3A_468, %swap3A_469, %swap3A_470], %swap3A_473 {strides = array<i32>} : memref<108x32x128xf32, #tpu.memory_space<vmem>>, vector<1x32x128xf32>,
    %mul3A_474 = arith.mulf %mul3A_441, %logistic3A_180 : vector<32x128xf32>
    %swap3A_475 = arith.constant 56 : index
    %swap3A_476 = arith.constant 0 : index
    %swap3A_477 = arith.constant 0 : index
    %swap3A_478 = vector.load %arg6[%swap3A_475, %swap3A_476, %swap3A_477] : memref<108x32x128xf32, #tpu.memory_space<vmem>>, vector<1x32x128xf32>
    %swap3A_479 = vector.shape_cast %swap3A_478 : vector<1x32x128xf32> to vector<32x128xf32>
    %swap3A_480 = vector.shape_cast %mul3A_474 : vector<32x128xf32> to vector<1x32x128xf32>
    tpu.vector_store %arg6[%swap3A_475, %swap3A_476, %swap3A_477], %swap3A_480 {strides = array<i32>} : memref<108x32x128xf32, #tpu.memory_space<vmem>>, vector<1x32x128xf32>,
    %swap3A_481 = arith.constant 83 : index
    %swap3A_482 = arith.constant 0 : index
    %swap3A_483 = arith.constant 0 : index
    %swap3A_484 = vector.load %arg6[%swap3A_481, %swap3A_482, %swap3A_483] : memref<108x32x128xf32, #tpu.memory_space<vmem>>, vector<1x32x128xf32>
    %swap3A_485 = vector.shape_cast %swap3A_484 : vector<1x32x128xf32> to vector<32x128xf32>
    %swap3A_486 = vector.shape_cast %mul3A_441 : vector<32x128xf32> to vector<1x32x128xf32>
    tpu.vector_store %arg6[%swap3A_481, %swap3A_482, %swap3A_483], %swap3A_486 {strides = array<i32>} : memref<108x32x128xf32, #tpu.memory_space<vmem>>, vector<1x32x128xf32>,
    %add3A_487 = arith.constant -1.000000e+00 : f32
    %add3A_488 = vector.broadcast %add3A_487 : f32 to vector<32x128xf32>
    %add3A_489 = arith.addf %floor3A, %add3A_488 : vector<32x128xf32>
    %jit3A_490 = arith.constant 0.000000e+00 : f32
    %jit3A_491 = arith.constant 2.550000e+02 : f32
    %max3A_492 = vector.broadcast %jit3A_490 : f32 to vector<32x128xf32>
    %max3A_493 = arith.maximumf %max3A_492, %add3A_489 : vector<32x128xf32>
    %min3A_494 = vector.broadcast %jit3A_491 : f32 to vector<32x128xf32>
    %min3A_495 = arith.minimumf %min3A_494, %max3A_493 : vector<32x128xf32>
    %add3A_496 = arith.constant 0.000000e+00 : f32
    %add3A_497 = vector.broadcast %add3A_496 : f32 to vector<32x128xf32>
    %add3A_498 = arith.addf %floor3A_38, %add3A_497 : vector<32x128xf32>
    %jit3A_499 = arith.constant 0.000000e+00 : f32
    %jit3A_500 = arith.constant 2.550000e+02 : f32
    %max3A_501 = vector.broadcast %jit3A_499 : f32 to vector<32x128xf32>
    %max3A_502 = arith.maximumf %max3A_501, %add3A_498 : vector<32x128xf32>
    %min3A_503 = vector.broadcast %jit3A_500 : f32 to vector<32x128xf32>
    %min3A_504 = arith.minimumf %min3A_503, %max3A_502 : vector<32x128xf32>
    %add3A_505 = arith.constant -1.000000e+00 : f32
    %add3A_506 = vector.broadcast %add3A_505 : f32 to vector<32x128xf32>
    %add3A_507 = arith.addf %floor3A_42, %add3A_506 : vector<32x128xf32>
    %jit3A_508 = arith.constant 0.000000e+00 : f32
    %jit3A_509 = arith.constant 1.500000e+01 : f32
    %max3A_510 = vector.broadcast %jit3A_508 : f32 to vector<32x128xf32>
    %max3A_511 = arith.maximumf %max3A_510, %add3A_507 : vector<32x128xf32>
    %min3A_512 = vector.broadcast %jit3A_509 : f32 to vector<32x128xf32>
    %min3A_513 = arith.minimumf %min3A_512, %max3A_511 : vector<32x128xf32>
    %sub3A_514 = arith.subf %min3A_495, %mul3A_19 : vector<32x128xf32>
    %sub3A_515 = arith.subf %min3A_504, %mul3A_25 : vector<32x128xf32>
    %sub3A_516 = arith.subf %min3A_513, %mul3A_31 : vector<32x128xf32>
    %mul3A_517 = arith.mulf %mul3A_123, %sub3A_514 : vector<32x128xf32>
    %mul3A_518 = arith.mulf %mul3A_517, %sub3A_514 : vector<32x128xf32>
    %mul3A_519 = arith.mulf %mul3A_129, %sub3A_515 : vector<32x128xf32>
    %mul3A_520 = arith.mulf %mul3A_519, %sub3A_515 : vector<32x128xf32>
    %add3A_521 = arith.addf %mul3A_518, %mul3A_520 : vector<32x128xf32>
    %mul3A_522 = arith.mulf %mul3A_137, %sub3A_516 : vector<32x128xf32>
    %mul3A_523 = arith.mulf %mul3A_522, %sub3A_516 : vector<32x128xf32>
    %add3A_524 = arith.addf %add3A_521, %mul3A_523 : vector<32x128xf32>
    %mul3A_525 = arith.mulf %mul3A_124, %sub3A_514 : vector<32x128xf32>
    %mul3A_526 = arith.mulf %mul3A_525, %sub3A_515 : vector<32x128xf32>
    %mul3A_527 = arith.mulf %mul3A_125, %sub3A_514 : vector<32x128xf32>
    %mul3A_528 = arith.mulf %mul3A_527, %sub3A_516 : vector<32x128xf32>
    %add3A_529 = arith.addf %mul3A_526, %mul3A_528 : vector<32x128xf32>
    %mul3A_530 = arith.mulf %mul3A_133, %sub3A_515 : vector<32x128xf32>
    %mul3A_531 = arith.mulf %mul3A_530, %sub3A_516 : vector<32x128xf32>
    %add3A_532 = arith.addf %add3A_529, %mul3A_531 : vector<32x128xf32>
    %mul3A_533 = arith.constant 2.000000e+00 : f32
    %mul3A_534 = vector.broadcast %mul3A_533 : f32 to vector<32x128xf32>
    %mul3A_535 = arith.mulf %mul3A_534, %add3A_532 : vector<32x128xf32>
    %add3A_536 = arith.addf %add3A_524, %mul3A_535 : vector<32x128xf32>
    %mul3A_537 = arith.constant -5.000000e-01 : f32
    %mul3A_538 = vector.broadcast %mul3A_537 : f32 to vector<32x128xf32>
    %mul3A_539 = arith.mulf %mul3A_538, %add3A_536 : vector<32x128xf32>
    %exp3A_540 = math.exp %mul3A_539 : vector<32x128xf32>
    %mul3A_541 = arith.mulf %select_n3A, %exp3A_540 : vector<32x128xf32>
    %convert_element_type3A_542 = arith.fptosi %min3A_495 : vector<32x128xf32> to vector<32x128xi32>
    %convert_element_type3A_543 = arith.fptosi %min3A_504 : vector<32x128xf32> to vector<32x128xi32>
    %convert_element_type3A_544 = arith.fptosi %min3A_513 : vector<32x128xf32> to vector<32x128xi32>
    %mul3A_545 = arith.constant 4096 : i32
    %mul3A_546 = vector.broadcast %mul3A_545 : i32 to vector<32x128xi32>
    %mul3A_547 = arith.muli %convert_element_type3A_543, %mul3A_546 : vector<32x128xi32>
    %mul3A_548 = arith.constant 16 : i32
    %mul3A_549 = vector.broadcast %mul3A_548 : i32 to vector<32x128xi32>
    %mul3A_550 = arith.muli %convert_element_type3A_542, %mul3A_549 : vector<32x128xi32>
    %add3A_551 = arith.addi %mul3A_547, %mul3A_550 : vector<32x128xi32>
    %add3A_552 = arith.addi %add3A_551, %convert_element_type3A_544 : vector<32x128xi32>
    %select_n3A_553 = arith.select %lt3A_191, %add3A_552, %add3A_189 : vector<32x128xi1>, vector<32x128xi32>
    %swap3A_554 = arith.constant 3 : index
    %swap3A_555 = arith.constant 0 : index
    %swap3A_556 = arith.constant 0 : index
    %swap3A_557 = vector.load %arg5[%swap3A_554, %swap3A_555, %swap3A_556] : memref<27x32x128xi32, #tpu.memory_space<vmem>>, vector<1x32x128xi32>
    %swap3A_558 = vector.shape_cast %swap3A_557 : vector<1x32x128xi32> to vector<32x128xi32>
    %swap3A_559 = vector.shape_cast %select_n3A_553 : vector<32x128xi32> to vector<1x32x128xi32>
    tpu.vector_store %arg5[%swap3A_554, %swap3A_555, %swap3A_556], %swap3A_559 {strides = array<i32>} : memref<27x32x128xi32, #tpu.memory_space<vmem>>, vector<1x32x128xi32>,
    %mul3A_560 = arith.mulf %mul3A_541, %logistic3A_158 : vector<32x128xf32>
    %swap3A_561 = arith.constant 3 : index
    %swap3A_562 = arith.constant 0 : index
    %swap3A_563 = arith.constant 0 : index
    %swap3A_564 = vector.load %arg6[%swap3A_561, %swap3A_562, %swap3A_563] : memref<108x32x128xf32, #tpu.memory_space<vmem>>, vector<1x32x128xf32>
    %swap3A_565 = vector.shape_cast %swap3A_564 : vector<1x32x128xf32> to vector<32x128xf32>
    %swap3A_566 = vector.shape_cast %mul3A_560 : vector<32x128xf32> to vector<1x32x128xf32>
    tpu.vector_store %arg6[%swap3A_561, %swap3A_562, %swap3A_563], %swap3A_566 {strides = array<i32>} : memref<108x32x128xf32, #tpu.memory_space<vmem>>, vector<1x32x128xf32>,
    %mul3A_567 = arith.mulf %mul3A_541, %logistic3A_169 : vector<32x128xf32>
    %swap3A_568 = arith.constant 30 : index
    %swap3A_569 = arith.constant 0 : index
    %swap3A_570 = arith.constant 0 : index
    %swap3A_571 = vector.load %arg6[%swap3A_568, %swap3A_569, %swap3A_570] : memref<108x32x128xf32, #tpu.memory_space<vmem>>, vector<1x32x128xf32>
    %swap3A_572 = vector.shape_cast %swap3A_571 : vector<1x32x128xf32> to vector<32x128xf32>
    %swap3A_573 = vector.shape_cast %mul3A_567 : vector<32x128xf32> to vector<1x32x128xf32>
    tpu.vector_store %arg6[%swap3A_568, %swap3A_569, %swap3A_570], %swap3A_573 {strides = array<i32>} : memref<108x32x128xf32, #tpu.memory_space<vmem>>, vector<1x32x128xf32>,
    %mul3A_574 = arith.mulf %mul3A_541, %logistic3A_180 : vector<32x128xf32>
    %swap3A_575 = arith.constant 57 : index
    %swap3A_576 = arith.constant 0 : index
    %swap3A_577 = arith.constant 0 : index
    %swap3A_578 = vector.load %arg6[%swap3A_575, %swap3A_576, %swap3A_577] : memref<108x32x128xf32, #tpu.memory_space<vmem>>, vector<1x32x128xf32>
    %swap3A_579 = vector.shape_cast %swap3A_578 : vector<1x32x128xf32> to vector<32x128xf32>
    %swap3A_580 = vector.shape_cast %mul3A_574 : vector<32x128xf32> to vector<1x32x128xf32>
    tpu.vector_store %arg6[%swap3A_575, %swap3A_576, %swap3A_577], %swap3A_580 {strides = array<i32>} : memref<108x32x128xf32, #tpu.memory_space<vmem>>, vector<1x32x128xf32>,
    %swap3A_581 = arith.constant 84 : index
    %swap3A_582 = arith.constant 0 : index
    %swap3A_583 = arith.constant 0 : index
    %swap3A_584 = vector.load %arg6[%swap3A_581, %swap3A_582, %swap3A_583] : memref<108x32x128xf32, #tpu.memory_space<vmem>>, vector<1x32x128xf32>
    %swap3A_585 = vector.shape_cast %swap3A_584 : vector<1x32x128xf32> to vector<32x128xf32>
    %swap3A_586 = vector.shape_cast %mul3A_541 : vector<32x128xf32> to vector<1x32x128xf32>
    tpu.vector_store %arg6[%swap3A_581, %swap3A_582, %swap3A_583], %swap3A_586 {strides = array<i32>} : memref<108x32x128xf32, #tpu.memory_space<vmem>>, vector<1x32x128xf32>,
    %add3A_587 = arith.constant -1.000000e+00 : f32
    %add3A_588 = vector.broadcast %add3A_587 : f32 to vector<32x128xf32>
    %add3A_589 = arith.addf %floor3A, %add3A_588 : vector<32x128xf32>
    %jit3A_590 = arith.constant 0.000000e+00 : f32
    %jit3A_591 = arith.constant 2.550000e+02 : f32
    %max3A_592 = vector.broadcast %jit3A_590 : f32 to vector<32x128xf32>
    %max3A_593 = arith.maximumf %max3A_592, %add3A_589 : vector<32x128xf32>
    %min3A_594 = vector.broadcast %jit3A_591 : f32 to vector<32x128xf32>
    %min3A_595 = arith.minimumf %min3A_594, %max3A_593 : vector<32x128xf32>
    %add3A_596 = arith.constant 0.000000e+00 : f32
    %add3A_597 = vector.broadcast %add3A_596 : f32 to vector<32x128xf32>
    %add3A_598 = arith.addf %floor3A_38, %add3A_597 : vector<32x128xf32>
    %jit3A_599 = arith.constant 0.000000e+00 : f32
    %jit3A_600 = arith.constant 2.550000e+02 : f32
    %max3A_601 = vector.broadcast %jit3A_599 : f32 to vector<32x128xf32>
    %max3A_602 = arith.maximumf %max3A_601, %add3A_598 : vector<32x128xf32>
    %min3A_603 = vector.broadcast %jit3A_600 : f32 to vector<32x128xf32>
    %min3A_604 = arith.minimumf %min3A_603, %max3A_602 : vector<32x128xf32>
    %add3A_605 = arith.constant 0.000000e+00 : f32
    %add3A_606 = vector.broadcast %add3A_605 : f32 to vector<32x128xf32>
    %add3A_607 = arith.addf %floor3A_42, %add3A_606 : vector<32x128xf32>
    %jit3A_608 = arith.constant 0.000000e+00 : f32
    %jit3A_609 = arith.constant 1.500000e+01 : f32
    %max3A_610 = vector.broadcast %jit3A_608 : f32 to vector<32x128xf32>
    %max3A_611 = arith.maximumf %max3A_610, %add3A_607 : vector<32x128xf32>
    %min3A_612 = vector.broadcast %jit3A_609 : f32 to vector<32x128xf32>
    %min3A_613 = arith.minimumf %min3A_612, %max3A_611 : vector<32x128xf32>
    %sub3A_614 = arith.subf %min3A_595, %mul3A_19 : vector<32x128xf32>
    %sub3A_615 = arith.subf %min3A_604, %mul3A_25 : vector<32x128xf32>
    %sub3A_616 = arith.subf %min3A_613, %mul3A_31 : vector<32x128xf32>
    %mul3A_617 = arith.mulf %mul3A_123, %sub3A_614 : vector<32x128xf32>
    %mul3A_618 = arith.mulf %mul3A_617, %sub3A_614 : vector<32x128xf32>
    %mul3A_619 = arith.mulf %mul3A_129, %sub3A_615 : vector<32x128xf32>
    %mul3A_620 = arith.mulf %mul3A_619, %sub3A_615 : vector<32x128xf32>
    %add3A_621 = arith.addf %mul3A_618, %mul3A_620 : vector<32x128xf32>
    %mul3A_622 = arith.mulf %mul3A_137, %sub3A_616 : vector<32x128xf32>
    %mul3A_623 = arith.mulf %mul3A_622, %sub3A_616 : vector<32x128xf32>
    %add3A_624 = arith.addf %add3A_621, %mul3A_623 : vector<32x128xf32>
    %mul3A_625 = arith.mulf %mul3A_124, %sub3A_614 : vector<32x128xf32>
    %mul3A_626 = arith.mulf %mul3A_625, %sub3A_615 : vector<32x128xf32>
    %mul3A_627 = arith.mulf %mul3A_125, %sub3A_614 : vector<32x128xf32>
    %mul3A_628 = arith.mulf %mul3A_627, %sub3A_616 : vector<32x128xf32>
    %add3A_629 = arith.addf %mul3A_626, %mul3A_628 : vector<32x128xf32>
    %mul3A_630 = arith.mulf %mul3A_133, %sub3A_615 : vector<32x128xf32>
    %mul3A_631 = arith.mulf %mul3A_630, %sub3A_616 : vector<32x128xf32>
    %add3A_632 = arith.addf %add3A_629, %mul3A_631 : vector<32x128xf32>
    %mul3A_633 = arith.constant 2.000000e+00 : f32
    %mul3A_634 = vector.broadcast %mul3A_633 : f32 to vector<32x128xf32>
    %mul3A_635 = arith.mulf %mul3A_634, %add3A_632 : vector<32x128xf32>
    %add3A_636 = arith.addf %add3A_624, %mul3A_635 : vector<32x128xf32>
    %mul3A_637 = arith.constant -5.000000e-01 : f32
    %mul3A_638 = vector.broadcast %mul3A_637 : f32 to vector<32x128xf32>
    %mul3A_639 = arith.mulf %mul3A_638, %add3A_636 : vector<32x128xf32>
    %exp3A_640 = math.exp %mul3A_639 : vector<32x128xf32>
    %mul3A_641 = arith.mulf %select_n3A, %exp3A_640 : vector<32x128xf32>
    %convert_element_type3A_642 = arith.fptosi %min3A_595 : vector<32x128xf32> to vector<32x128xi32>
    %convert_element_type3A_643 = arith.fptosi %min3A_604 : vector<32x128xf32> to vector<32x128xi32>
    %convert_element_type3A_644 = arith.fptosi %min3A_613 : vector<32x128xf32> to vector<32x128xi32>
    %mul3A_645 = arith.constant 4096 : i32
    %mul3A_646 = vector.broadcast %mul3A_645 : i32 to vector<32x128xi32>
    %mul3A_647 = arith.muli %convert_element_type3A_643, %mul3A_646 : vector<32x128xi32>
    %mul3A_648 = arith.constant 16 : i32
    %mul3A_649 = vector.broadcast %mul3A_648 : i32 to vector<32x128xi32>
    %mul3A_650 = arith.muli %convert_element_type3A_642, %mul3A_649 : vector<32x128xi32>
    %add3A_651 = arith.addi %mul3A_647, %mul3A_650 : vector<32x128xi32>
    %add3A_652 = arith.addi %add3A_651, %convert_element_type3A_644 : vector<32x128xi32>
    %select_n3A_653 = arith.select %lt3A_191, %add3A_652, %add3A_189 : vector<32x128xi1>, vector<32x128xi32>
    %swap3A_654 = arith.constant 4 : index
    %swap3A_655 = arith.constant 0 : index
    %swap3A_656 = arith.constant 0 : index
    %swap3A_657 = vector.load %arg5[%swap3A_654, %swap3A_655, %swap3A_656] : memref<27x32x128xi32, #tpu.memory_space<vmem>>, vector<1x32x128xi32>
    %swap3A_658 = vector.shape_cast %swap3A_657 : vector<1x32x128xi32> to vector<32x128xi32>
    %swap3A_659 = vector.shape_cast %select_n3A_653 : vector<32x128xi32> to vector<1x32x128xi32>
    tpu.vector_store %arg5[%swap3A_654, %swap3A_655, %swap3A_656], %swap3A_659 {strides = array<i32>} : memref<27x32x128xi32, #tpu.memory_space<vmem>>, vector<1x32x128xi32>,
    %mul3A_660 = arith.mulf %mul3A_641, %logistic3A_158 : vector<32x128xf32>
    %swap3A_661 = arith.constant 4 : index
    %swap3A_662 = arith.constant 0 : index
    %swap3A_663 = arith.constant 0 : index
    %swap3A_664 = vector.load %arg6[%swap3A_661, %swap3A_662, %swap3A_663] : memref<108x32x128xf32, #tpu.memory_space<vmem>>, vector<1x32x128xf32>
    %swap3A_665 = vector.shape_cast %swap3A_664 : vector<1x32x128xf32> to vector<32x128xf32>
    %swap3A_666 = vector.shape_cast %mul3A_660 : vector<32x128xf32> to vector<1x32x128xf32>
    tpu.vector_store %arg6[%swap3A_661, %swap3A_662, %swap3A_663], %swap3A_666 {strides = array<i32>} : memref<108x32x128xf32, #tpu.memory_space<vmem>>, vector<1x32x128xf32>,
    %mul3A_667 = arith.mulf %mul3A_641, %logistic3A_169 : vector<32x128xf32>
    %swap3A_668 = arith.constant 31 : index
    %swap3A_669 = arith.constant 0 : index
    %swap3A_670 = arith.constant 0 : index
    %swap3A_671 = vector.load %arg6[%swap3A_668, %swap3A_669, %swap3A_670] : memref<108x32x128xf32, #tpu.memory_space<vmem>>, vector<1x32x128xf32>
    %swap3A_672 = vector.shape_cast %swap3A_671 : vector<1x32x128xf32> to vector<32x128xf32>
    %swap3A_673 = vector.shape_cast %mul3A_667 : vector<32x128xf32> to vector<1x32x128xf32>
    tpu.vector_store %arg6[%swap3A_668, %swap3A_669, %swap3A_670], %swap3A_673 {strides = array<i32>} : memref<108x32x128xf32, #tpu.memory_space<vmem>>, vector<1x32x128xf32>,
    %mul3A_674 = arith.mulf %mul3A_641, %logistic3A_180 : vector<32x128xf32>
    %swap3A_675 = arith.constant 58 : index
    %swap3A_676 = arith.constant 0 : index
    %swap3A_677 = arith.constant 0 : index
    %swap3A_678 = vector.load %arg6[%swap3A_675, %swap3A_676, %swap3A_677] : memref<108x32x128xf32, #tpu.memory_space<vmem>>, vector<1x32x128xf32>
    %swap3A_679 = vector.shape_cast %swap3A_678 : vector<1x32x128xf32> to vector<32x128xf32>
    %swap3A_680 = vector.shape_cast %mul3A_674 : vector<32x128xf32> to vector<1x32x128xf32>
    tpu.vector_store %arg6[%swap3A_675, %swap3A_676, %swap3A_677], %swap3A_680 {strides = array<i32>} : memref<108x32x128xf32, #tpu.memory_space<vmem>>, vector<1x32x128xf32>,
    %swap3A_681 = arith.constant 85 : index
    %swap3A_682 = arith.constant 0 : index
    %swap3A_683 = arith.constant 0 : index
    %swap3A_684 = vector.load %arg6[%swap3A_681, %swap3A_682, %swap3A_683] : memref<108x32x128xf32, #tpu.memory_space<vmem>>, vector<1x32x128xf32>
    %swap3A_685 = vector.shape_cast %swap3A_684 : vector<1x32x128xf32> to vector<32x128xf32>
    %swap3A_686 = vector.shape_cast %mul3A_641 : vector<32x128xf32> to vector<1x32x128xf32>
    tpu.vector_store %arg6[%swap3A_681, %swap3A_682, %swap3A_683], %swap3A_686 {strides = array<i32>} : memref<108x32x128xf32, #tpu.memory_space<vmem>>, vector<1x32x128xf32>,
    %add3A_687 = arith.constant -1.000000e+00 : f32
    %add3A_688 = vector.broadcast %add3A_687 : f32 to vector<32x128xf32>
    %add3A_689 = arith.addf %floor3A, %add3A_688 : vector<32x128xf32>
    %jit3A_690 = arith.constant 0.000000e+00 : f32
    %jit3A_691 = arith.constant 2.550000e+02 : f32
    %max3A_692 = vector.broadcast %jit3A_690 : f32 to vector<32x128xf32>
    %max3A_693 = arith.maximumf %max3A_692, %add3A_689 : vector<32x128xf32>
    %min3A_694 = vector.broadcast %jit3A_691 : f32 to vector<32x128xf32>
    %min3A_695 = arith.minimumf %min3A_694, %max3A_693 : vector<32x128xf32>
    %add3A_696 = arith.constant 0.000000e+00 : f32
    %add3A_697 = vector.broadcast %add3A_696 : f32 to vector<32x128xf32>
    %add3A_698 = arith.addf %floor3A_38, %add3A_697 : vector<32x128xf32>
    %jit3A_699 = arith.constant 0.000000e+00 : f32
    %jit3A_700 = arith.constant 2.550000e+02 : f32
    %max3A_701 = vector.broadcast %jit3A_699 : f32 to vector<32x128xf32>
    %max3A_702 = arith.maximumf %max3A_701, %add3A_698 : vector<32x128xf32>
    %min3A_703 = vector.broadcast %jit3A_700 : f32 to vector<32x128xf32>
    %min3A_704 = arith.minimumf %min3A_703, %max3A_702 : vector<32x128xf32>
    %add3A_705 = arith.constant 1.000000e+00 : f32
    %add3A_706 = vector.broadcast %add3A_705 : f32 to vector<32x128xf32>
    %add3A_707 = arith.addf %floor3A_42, %add3A_706 : vector<32x128xf32>
    %jit3A_708 = arith.constant 0.000000e+00 : f32
    %jit3A_709 = arith.constant 1.500000e+01 : f32
    %max3A_710 = vector.broadcast %jit3A_708 : f32 to vector<32x128xf32>
    %max3A_711 = arith.maximumf %max3A_710, %add3A_707 : vector<32x128xf32>
    %min3A_712 = vector.broadcast %jit3A_709 : f32 to vector<32x128xf32>
    %min3A_713 = arith.minimumf %min3A_712, %max3A_711 : vector<32x128xf32>
    %sub3A_714 = arith.subf %min3A_695, %mul3A_19 : vector<32x128xf32>
    %sub3A_715 = arith.subf %min3A_704, %mul3A_25 : vector<32x128xf32>
    %sub3A_716 = arith.subf %min3A_713, %mul3A_31 : vector<32x128xf32>
    %mul3A_717 = arith.mulf %mul3A_123, %sub3A_714 : vector<32x128xf32>
    %mul3A_718 = arith.mulf %mul3A_717, %sub3A_714 : vector<32x128xf32>
    %mul3A_719 = arith.mulf %mul3A_129, %sub3A_715 : vector<32x128xf32>
    %mul3A_720 = arith.mulf %mul3A_719, %sub3A_715 : vector<32x128xf32>
    %add3A_721 = arith.addf %mul3A_718, %mul3A_720 : vector<32x128xf32>
    %mul3A_722 = arith.mulf %mul3A_137, %sub3A_716 : vector<32x128xf32>
    %mul3A_723 = arith.mulf %mul3A_722, %sub3A_716 : vector<32x128xf32>
    %add3A_724 = arith.addf %add3A_721, %mul3A_723 : vector<32x128xf32>
    %mul3A_725 = arith.mulf %mul3A_124, %sub3A_714 : vector<32x128xf32>
    %mul3A_726 = arith.mulf %mul3A_725, %sub3A_715 : vector<32x128xf32>
    %mul3A_727 = arith.mulf %mul3A_125, %sub3A_714 : vector<32x128xf32>
    %mul3A_728 = arith.mulf %mul3A_727, %sub3A_716 : vector<32x128xf32>
    %add3A_729 = arith.addf %mul3A_726, %mul3A_728 : vector<32x128xf32>
    %mul3A_730 = arith.mulf %mul3A_133, %sub3A_715 : vector<32x128xf32>
    %mul3A_731 = arith.mulf %mul3A_730, %sub3A_716 : vector<32x128xf32>
    %add3A_732 = arith.addf %add3A_729, %mul3A_731 : vector<32x128xf32>
    %mul3A_733 = arith.constant 2.000000e+00 : f32
    %mul3A_734 = vector.broadcast %mul3A_733 : f32 to vector<32x128xf32>
    %mul3A_735 = arith.mulf %mul3A_734, %add3A_732 : vector<32x128xf32>
    %add3A_736 = arith.addf %add3A_724, %mul3A_735 : vector<32x128xf32>
    %mul3A_737 = arith.constant -5.000000e-01 : f32
    %mul3A_738 = vector.broadcast %mul3A_737 : f32 to vector<32x128xf32>
    %mul3A_739 = arith.mulf %mul3A_738, %add3A_736 : vector<32x128xf32>
    %exp3A_740 = math.exp %mul3A_739 : vector<32x128xf32>
    %mul3A_741 = arith.mulf %select_n3A, %exp3A_740 : vector<32x128xf32>
    %convert_element_type3A_742 = arith.fptosi %min3A_695 : vector<32x128xf32> to vector<32x128xi32>
    %convert_element_type3A_743 = arith.fptosi %min3A_704 : vector<32x128xf32> to vector<32x128xi32>
    %convert_element_type3A_744 = arith.fptosi %min3A_713 : vector<32x128xf32> to vector<32x128xi32>
    %mul3A_745 = arith.constant 4096 : i32
    %mul3A_746 = vector.broadcast %mul3A_745 : i32 to vector<32x128xi32>
    %mul3A_747 = arith.muli %convert_element_type3A_743, %mul3A_746 : vector<32x128xi32>
    %mul3A_748 = arith.constant 16 : i32
    %mul3A_749 = vector.broadcast %mul3A_748 : i32 to vector<32x128xi32>
    %mul3A_750 = arith.muli %convert_element_type3A_742, %mul3A_749 : vector<32x128xi32>
    %add3A_751 = arith.addi %mul3A_747, %mul3A_750 : vector<32x128xi32>
    %add3A_752 = arith.addi %add3A_751, %convert_element_type3A_744 : vector<32x128xi32>
    %select_n3A_753 = arith.select %lt3A_191, %add3A_752, %add3A_189 : vector<32x128xi1>, vector<32x128xi32>
    %swap3A_754 = arith.constant 5 : index
    %swap3A_755 = arith.constant 0 : index
    %swap3A_756 = arith.constant 0 : index
    %swap3A_757 = vector.load %arg5[%swap3A_754, %swap3A_755, %swap3A_756] : memref<27x32x128xi32, #tpu.memory_space<vmem>>, vector<1x32x128xi32>
    %swap3A_758 = vector.shape_cast %swap3A_757 : vector<1x32x128xi32> to vector<32x128xi32>
    %swap3A_759 = vector.shape_cast %select_n3A_753 : vector<32x128xi32> to vector<1x32x128xi32>
    tpu.vector_store %arg5[%swap3A_754, %swap3A_755, %swap3A_756], %swap3A_759 {strides = array<i32>} : memref<27x32x128xi32, #tpu.memory_space<vmem>>, vector<1x32x128xi32>,
    %mul3A_760 = arith.mulf %mul3A_741, %logistic3A_158 : vector<32x128xf32>
    %swap3A_761 = arith.constant 5 : index
    %swap3A_762 = arith.constant 0 : index
    %swap3A_763 = arith.constant 0 : index
    %swap3A_764 = vector.load %arg6[%swap3A_761, %swap3A_762, %swap3A_763] : memref<108x32x128xf32, #tpu.memory_space<vmem>>, vector<1x32x128xf32>
    %swap3A_765 = vector.shape_cast %swap3A_764 : vector<1x32x128xf32> to vector<32x128xf32>
    %swap3A_766 = vector.shape_cast %mul3A_760 : vector<32x128xf32> to vector<1x32x128xf32>
    tpu.vector_store %arg6[%swap3A_761, %swap3A_762, %swap3A_763], %swap3A_766 {strides = array<i32>} : memref<108x32x128xf32, #tpu.memory_space<vmem>>, vector<1x32x128xf32>,
    %mul3A_767 = arith.mulf %mul3A_741, %logistic3A_169 : vector<32x128xf32>
    %swap3A_768 = arith.constant 32 : index
    %swap3A_769 = arith.constant 0 : index
    %swap3A_770 = arith.constant 0 : index
    %swap3A_771 = vector.load %arg6[%swap3A_768, %swap3A_769, %swap3A_770] : memref<108x32x128xf32, #tpu.memory_space<vmem>>, vector<1x32x128xf32>
    %swap3A_772 = vector.shape_cast %swap3A_771 : vector<1x32x128xf32> to vector<32x128xf32>
    %swap3A_773 = vector.shape_cast %mul3A_767 : vector<32x128xf32> to vector<1x32x128xf32>
    tpu.vector_store %arg6[%swap3A_768, %swap3A_769, %swap3A_770], %swap3A_773 {strides = array<i32>} : memref<108x32x128xf32, #tpu.memory_space<vmem>>, vector<1x32x128xf32>,
    %mul3A_774 = arith.mulf %mul3A_741, %logistic3A_180 : vector<32x128xf32>
    %swap3A_775 = arith.constant 59 : index
    %swap3A_776 = arith.constant 0 : index
    %swap3A_777 = arith.constant 0 : index
    %swap3A_778 = vector.load %arg6[%swap3A_775, %swap3A_776, %swap3A_777] : memref<108x32x128xf32, #tpu.memory_space<vmem>>, vector<1x32x128xf32>
    %swap3A_779 = vector.shape_cast %swap3A_778 : vector<1x32x128xf32> to vector<32x128xf32>
    %swap3A_780 = vector.shape_cast %mul3A_774 : vector<32x128xf32> to vector<1x32x128xf32>
    tpu.vector_store %arg6[%swap3A_775, %swap3A_776, %swap3A_777], %swap3A_780 {strides = array<i32>} : memref<108x32x128xf32, #tpu.memory_space<vmem>>, vector<1x32x128xf32>,
    %swap3A_781 = arith.constant 86 : index
    %swap3A_782 = arith.constant 0 : index
    %swap3A_783 = arith.constant 0 : index
    %swap3A_784 = vector.load %arg6[%swap3A_781, %swap3A_782, %swap3A_783] : memref<108x32x128xf32, #tpu.memory_space<vmem>>, vector<1x32x128xf32>
    %swap3A_785 = vector.shape_cast %swap3A_784 : vector<1x32x128xf32> to vector<32x128xf32>
    %swap3A_786 = vector.shape_cast %mul3A_741 : vector<32x128xf32> to vector<1x32x128xf32>
    tpu.vector_store %arg6[%swap3A_781, %swap3A_782, %swap3A_783], %swap3A_786 {strides = array<i32>} : memref<108x32x128xf32, #tpu.memory_space<vmem>>, vector<1x32x128xf32>,
    %add3A_787 = arith.constant -1.000000e+00 : f32
    %add3A_788 = vector.broadcast %add3A_787 : f32 to vector<32x128xf32>
    %add3A_789 = arith.addf %floor3A, %add3A_788 : vector<32x128xf32>
    %jit3A_790 = arith.constant 0.000000e+00 : f32
    %jit3A_791 = arith.constant 2.550000e+02 : f32
    %max3A_792 = vector.broadcast %jit3A_790 : f32 to vector<32x128xf32>
    %max3A_793 = arith.maximumf %max3A_792, %add3A_789 : vector<32x128xf32>
    %min3A_794 = vector.broadcast %jit3A_791 : f32 to vector<32x128xf32>
    %min3A_795 = arith.minimumf %min3A_794, %max3A_793 : vector<32x128xf32>
    %add3A_796 = arith.constant 1.000000e+00 : f32
    %add3A_797 = vector.broadcast %add3A_796 : f32 to vector<32x128xf32>
    %add3A_798 = arith.addf %floor3A_38, %add3A_797 : vector<32x128xf32>
    %jit3A_799 = arith.constant 0.000000e+00 : f32
    %jit3A_800 = arith.constant 2.550000e+02 : f32
    %max3A_801 = vector.broadcast %jit3A_799 : f32 to vector<32x128xf32>
    %max3A_802 = arith.maximumf %max3A_801, %add3A_798 : vector<32x128xf32>
    %min3A_803 = vector.broadcast %jit3A_800 : f32 to vector<32x128xf32>
    %min3A_804 = arith.minimumf %min3A_803, %max3A_802 : vector<32x128xf32>
    %add3A_805 = arith.constant -1.000000e+00 : f32
    %add3A_806 = vector.broadcast %add3A_805 : f32 to vector<32x128xf32>
    %add3A_807 = arith.addf %floor3A_42, %add3A_806 : vector<32x128xf32>
    %jit3A_808 = arith.constant 0.000000e+00 : f32
    %jit3A_809 = arith.constant 1.500000e+01 : f32
    %max3A_810 = vector.broadcast %jit3A_808 : f32 to vector<32x128xf32>
    %max3A_811 = arith.maximumf %max3A_810, %add3A_807 : vector<32x128xf32>
    %min3A_812 = vector.broadcast %jit3A_809 : f32 to vector<32x128xf32>
    %min3A_813 = arith.minimumf %min3A_812, %max3A_811 : vector<32x128xf32>
    %sub3A_814 = arith.subf %min3A_795, %mul3A_19 : vector<32x128xf32>
    %sub3A_815 = arith.subf %min3A_804, %mul3A_25 : vector<32x128xf32>
    %sub3A_816 = arith.subf %min3A_813, %mul3A_31 : vector<32x128xf32>
    %mul3A_817 = arith.mulf %mul3A_123, %sub3A_814 : vector<32x128xf32>
    %mul3A_818 = arith.mulf %mul3A_817, %sub3A_814 : vector<32x128xf32>
    %mul3A_819 = arith.mulf %mul3A_129, %sub3A_815 : vector<32x128xf32>
    %mul3A_820 = arith.mulf %mul3A_819, %sub3A_815 : vector<32x128xf32>
    %add3A_821 = arith.addf %mul3A_818, %mul3A_820 : vector<32x128xf32>
    %mul3A_822 = arith.mulf %mul3A_137, %sub3A_816 : vector<32x128xf32>
    %mul3A_823 = arith.mulf %mul3A_822, %sub3A_816 : vector<32x128xf32>
    %add3A_824 = arith.addf %add3A_821, %mul3A_823 : vector<32x128xf32>
    %mul3A_825 = arith.mulf %mul3A_124, %sub3A_814 : vector<32x128xf32>
    %mul3A_826 = arith.mulf %mul3A_825, %sub3A_815 : vector<32x128xf32>
    %mul3A_827 = arith.mulf %mul3A_125, %sub3A_814 : vector<32x128xf32>
    %mul3A_828 = arith.mulf %mul3A_827, %sub3A_816 : vector<32x128xf32>
    %add3A_829 = arith.addf %mul3A_826, %mul3A_828 : vector<32x128xf32>
    %mul3A_830 = arith.mulf %mul3A_133, %sub3A_815 : vector<32x128xf32>
    %mul3A_831 = arith.mulf %mul3A_830, %sub3A_816 : vector<32x128xf32>
    %add3A_832 = arith.addf %add3A_829, %mul3A_831 : vector<32x128xf32>
    %mul3A_833 = arith.constant 2.000000e+00 : f32
    %mul3A_834 = vector.broadcast %mul3A_833 : f32 to vector<32x128xf32>
    %mul3A_835 = arith.mulf %mul3A_834, %add3A_832 : vector<32x128xf32>
    %add3A_836 = arith.addf %add3A_824, %mul3A_835 : vector<32x128xf32>
    %mul3A_837 = arith.constant -5.000000e-01 : f32
    %mul3A_838 = vector.broadcast %mul3A_837 : f32 to vector<32x128xf32>
    %mul3A_839 = arith.mulf %mul3A_838, %add3A_836 : vector<32x128xf32>
    %exp3A_840 = math.exp %mul3A_839 : vector<32x128xf32>
    %mul3A_841 = arith.mulf %select_n3A, %exp3A_840 : vector<32x128xf32>
    %convert_element_type3A_842 = arith.fptosi %min3A_795 : vector<32x128xf32> to vector<32x128xi32>
    %convert_element_type3A_843 = arith.fptosi %min3A_804 : vector<32x128xf32> to vector<32x128xi32>
    %convert_element_type3A_844 = arith.fptosi %min3A_813 : vector<32x128xf32> to vector<32x128xi32>
    %mul3A_845 = arith.constant 4096 : i32
    %mul3A_846 = vector.broadcast %mul3A_845 : i32 to vector<32x128xi32>
    %mul3A_847 = arith.muli %convert_element_type3A_843, %mul3A_846 : vector<32x128xi32>
    %mul3A_848 = arith.constant 16 : i32
    %mul3A_849 = vector.broadcast %mul3A_848 : i32 to vector<32x128xi32>
    %mul3A_850 = arith.muli %convert_element_type3A_842, %mul3A_849 : vector<32x128xi32>
    %add3A_851 = arith.addi %mul3A_847, %mul3A_850 : vector<32x128xi32>
    %add3A_852 = arith.addi %add3A_851, %convert_element_type3A_844 : vector<32x128xi32>
    %select_n3A_853 = arith.select %lt3A_191, %add3A_852, %add3A_189 : vector<32x128xi1>, vector<32x128xi32>
    %swap3A_854 = arith.constant 6 : index
    %swap3A_855 = arith.constant 0 : index
    %swap3A_856 = arith.constant 0 : index
    %swap3A_857 = vector.load %arg5[%swap3A_854, %swap3A_855, %swap3A_856] : memref<27x32x128xi32, #tpu.memory_space<vmem>>, vector<1x32x128xi32>
    %swap3A_858 = vector.shape_cast %swap3A_857 : vector<1x32x128xi32> to vector<32x128xi32>
    %swap3A_859 = vector.shape_cast %select_n3A_853 : vector<32x128xi32> to vector<1x32x128xi32>
    tpu.vector_store %arg5[%swap3A_854, %swap3A_855, %swap3A_856], %swap3A_859 {strides = array<i32>} : memref<27x32x128xi32, #tpu.memory_space<vmem>>, vector<1x32x128xi32>,
    %mul3A_860 = arith.mulf %mul3A_841, %logistic3A_158 : vector<32x128xf32>
    %swap3A_861 = arith.constant 6 : index
    %swap3A_862 = arith.constant 0 : index
    %swap3A_863 = arith.constant 0 : index
    %swap3A_864 = vector.load %arg6[%swap3A_861, %swap3A_862, %swap3A_863] : memref<108x32x128xf32, #tpu.memory_space<vmem>>, vector<1x32x128xf32>
    %swap3A_865 = vector.shape_cast %swap3A_864 : vector<1x32x128xf32> to vector<32x128xf32>
    %swap3A_866 = vector.shape_cast %mul3A_860 : vector<32x128xf32> to vector<1x32x128xf32>
    tpu.vector_store %arg6[%swap3A_861, %swap3A_862, %swap3A_863], %swap3A_866 {strides = array<i32>} : memref<108x32x128xf32, #tpu.memory_space<vmem>>, vector<1x32x128xf32>,
    %mul3A_867 = arith.mulf %mul3A_841, %logistic3A_169 : vector<32x128xf32>
    %swap3A_868 = arith.constant 33 : index
    %swap3A_869 = arith.constant 0 : index
    %swap3A_870 = arith.constant 0 : index
    %swap3A_871 = vector.load %arg6[%swap3A_868, %swap3A_869, %swap3A_870] : memref<108x32x128xf32, #tpu.memory_space<vmem>>, vector<1x32x128xf32>
    %swap3A_872 = vector.shape_cast %swap3A_871 : vector<1x32x128xf32> to vector<32x128xf32>
    %swap3A_873 = vector.shape_cast %mul3A_867 : vector<32x128xf32> to vector<1x32x128xf32>
    tpu.vector_store %arg6[%swap3A_868, %swap3A_869, %swap3A_870], %swap3A_873 {strides = array<i32>} : memref<108x32x128xf32, #tpu.memory_space<vmem>>, vector<1x32x128xf32>,
    %mul3A_874 = arith.mulf %mul3A_841, %logistic3A_180 : vector<32x128xf32>
    %swap3A_875 = arith.constant 60 : index
    %swap3A_876 = arith.constant 0 : index
    %swap3A_877 = arith.constant 0 : index
    %swap3A_878 = vector.load %arg6[%swap3A_875, %swap3A_876, %swap3A_877] : memref<108x32x128xf32, #tpu.memory_space<vmem>>, vector<1x32x128xf32>
    %swap3A_879 = vector.shape_cast %swap3A_878 : vector<1x32x128xf32> to vector<32x128xf32>
    %swap3A_880 = vector.shape_cast %mul3A_874 : vector<32x128xf32> to vector<1x32x128xf32>
    tpu.vector_store %arg6[%swap3A_875, %swap3A_876, %swap3A_877], %swap3A_880 {strides = array<i32>} : memref<108x32x128xf32, #tpu.memory_space<vmem>>, vector<1x32x128xf32>,
    %swap3A_881 = arith.constant 87 : index
    %swap3A_882 = arith.constant 0 : index
    %swap3A_883 = arith.constant 0 : index
    %swap3A_884 = vector.load %arg6[%swap3A_881, %swap3A_882, %swap3A_883] : memref<108x32x128xf32, #tpu.memory_space<vmem>>, vector<1x32x128xf32>
    %swap3A_885 = vector.shape_cast %swap3A_884 : vector<1x32x128xf32> to vector<32x128xf32>
    %swap3A_886 = vector.shape_cast %mul3A_841 : vector<32x128xf32> to vector<1x32x128xf32>
    tpu.vector_store %arg6[%swap3A_881, %swap3A_882, %swap3A_883], %swap3A_886 {strides = array<i32>} : memref<108x32x128xf32, #tpu.memory_space<vmem>>, vector<1x32x128xf32>,
    %add3A_887 = arith.constant -1.000000e+00 : f32
    %add3A_888 = vector.broadcast %add3A_887 : f32 to vector<32x128xf32>
    %add3A_889 = arith.addf %floor3A, %add3A_888 : vector<32x128xf32>
    %jit3A_890 = arith.constant 0.000000e+00 : f32
    %jit3A_891 = arith.constant 2.550000e+02 : f32
    %max3A_892 = vector.broadcast %jit3A_890 : f32 to vector<32x128xf32>
    %max3A_893 = arith.maximumf %max3A_892, %add3A_889 : vector<32x128xf32>
    %min3A_894 = vector.broadcast %jit3A_891 : f32 to vector<32x128xf32>
    %min3A_895 = arith.minimumf %min3A_894, %max3A_893 : vector<32x128xf32>
    %add3A_896 = arith.constant 1.000000e+00 : f32
    %add3A_897 = vector.broadcast %add3A_896 : f32 to vector<32x128xf32>
    %add3A_898 = arith.addf %floor3A_38, %add3A_897 : vector<32x128xf32>
    %jit3A_899 = arith.constant 0.000000e+00 : f32
    %jit3A_900 = arith.constant 2.550000e+02 : f32
    %max3A_901 = vector.broadcast %jit3A_899 : f32 to vector<32x128xf32>
    %max3A_902 = arith.maximumf %max3A_901, %add3A_898 : vector<32x128xf32>
    %min3A_903 = vector.broadcast %jit3A_900 : f32 to vector<32x128xf32>
    %min3A_904 = arith.minimumf %min3A_903, %max3A_902 : vector<32x128xf32>
    %add3A_905 = arith.constant 0.000000e+00 : f32
    %add3A_906 = vector.broadcast %add3A_905 : f32 to vector<32x128xf32>
    %add3A_907 = arith.addf %floor3A_42, %add3A_906 : vector<32x128xf32>
    %jit3A_908 = arith.constant 0.000000e+00 : f32
    %jit3A_909 = arith.constant 1.500000e+01 : f32
    %max3A_910 = vector.broadcast %jit3A_908 : f32 to vector<32x128xf32>
    %max3A_911 = arith.maximumf %max3A_910, %add3A_907 : vector<32x128xf32>
    %min3A_912 = vector.broadcast %jit3A_909 : f32 to vector<32x128xf32>
    %min3A_913 = arith.minimumf %min3A_912, %max3A_911 : vector<32x128xf32>
    %sub3A_914 = arith.subf %min3A_895, %mul3A_19 : vector<32x128xf32>
    %sub3A_915 = arith.subf %min3A_904, %mul3A_25 : vector<32x128xf32>
    %sub3A_916 = arith.subf %min3A_913, %mul3A_31 : vector<32x128xf32>
    %mul3A_917 = arith.mulf %mul3A_123, %sub3A_914 : vector<32x128xf32>
    %mul3A_918 = arith.mulf %mul3A_917, %sub3A_914 : vector<32x128xf32>
    %mul3A_919 = arith.mulf %mul3A_129, %sub3A_915 : vector<32x128xf32>
    %mul3A_920 = arith.mulf %mul3A_919, %sub3A_915 : vector<32x128xf32>
    %add3A_921 = arith.addf %mul3A_918, %mul3A_920 : vector<32x128xf32>
    %mul3A_922 = arith.mulf %mul3A_137, %sub3A_916 : vector<32x128xf32>
    %mul3A_923 = arith.mulf %mul3A_922, %sub3A_916 : vector<32x128xf32>
    %add3A_924 = arith.addf %add3A_921, %mul3A_923 : vector<32x128xf32>
    %mul3A_925 = arith.mulf %mul3A_124, %sub3A_914 : vector<32x128xf32>
    %mul3A_926 = arith.mulf %mul3A_925, %sub3A_915 : vector<32x128xf32>
    %mul3A_927 = arith.mulf %mul3A_125, %sub3A_914 : vector<32x128xf32>
    %mul3A_928 = arith.mulf %mul3A_927, %sub3A_916 : vector<32x128xf32>
    %add3A_929 = arith.addf %mul3A_926, %mul3A_928 : vector<32x128xf32>
    %mul3A_930 = arith.mulf %mul3A_133, %sub3A_915 : vector<32x128xf32>
    %mul3A_931 = arith.mulf %mul3A_930, %sub3A_916 : vector<32x128xf32>
    %add3A_932 = arith.addf %add3A_929, %mul3A_931 : vector<32x128xf32>
    %mul3A_933 = arith.constant 2.000000e+00 : f32
    %mul3A_934 = vector.broadcast %mul3A_933 : f32 to vector<32x128xf32>
    %mul3A_935 = arith.mulf %mul3A_934, %add3A_932 : vector<32x128xf32>
    %add3A_936 = arith.addf %add3A_924, %mul3A_935 : vector<32x128xf32>
    %mul3A_937 = arith.constant -5.000000e-01 : f32
    %mul3A_938 = vector.broadcast %mul3A_937 : f32 to vector<32x128xf32>
    %mul3A_939 = arith.mulf %mul3A_938, %add3A_936 : vector<32x128xf32>
    %exp3A_940 = math.exp %mul3A_939 : vector<32x128xf32>
    %mul3A_941 = arith.mulf %select_n3A, %exp3A_940 : vector<32x128xf32>
    %convert_element_type3A_942 = arith.fptosi %min3A_895 : vector<32x128xf32> to vector<32x128xi32>
    %convert_element_type3A_943 = arith.fptosi %min3A_904 : vector<32x128xf32> to vector<32x128xi32>
    %convert_element_type3A_944 = arith.fptosi %min3A_913 : vector<32x128xf32> to vector<32x128xi32>
    %mul3A_945 = arith.constant 4096 : i32
    %mul3A_946 = vector.broadcast %mul3A_945 : i32 to vector<32x128xi32>
    %mul3A_947 = arith.muli %convert_element_type3A_943, %mul3A_946 : vector<32x128xi32>
    %mul3A_948 = arith.constant 16 : i32
    %mul3A_949 = vector.broadcast %mul3A_948 : i32 to vector<32x128xi32>
    %mul3A_950 = arith.muli %convert_element_type3A_942, %mul3A_949 : vector<32x128xi32>
    %add3A_951 = arith.addi %mul3A_947, %mul3A_950 : vector<32x128xi32>
    %add3A_952 = arith.addi %add3A_951, %convert_element_type3A_944 : vector<32x128xi32>
    %select_n3A_953 = arith.select %lt3A_191, %add3A_952, %add3A_189 : vector<32x128xi1>, vector<32x128xi32>
    %swap3A_954 = arith.constant 7 : index
    %swap3A_955 = arith.constant 0 : index
    %swap3A_956 = arith.constant 0 : index
    %swap3A_957 = vector.load %arg5[%swap3A_954, %swap3A_955, %swap3A_956] : memref<27x32x128xi32, #tpu.memory_space<vmem>>, vector<1x32x128xi32>
    %swap3A_958 = vector.shape_cast %swap3A_957 : vector<1x32x128xi32> to vector<32x128xi32>
    %swap3A_959 = vector.shape_cast %select_n3A_953 : vector<32x128xi32> to vector<1x32x128xi32>
    tpu.vector_store %arg5[%swap3A_954, %swap3A_955, %swap3A_956], %swap3A_959 {strides = array<i32>} : memref<27x32x128xi32, #tpu.memory_space<vmem>>, vector<1x32x128xi32>,
    %mul3A_960 = arith.mulf %mul3A_941, %logistic3A_158 : vector<32x128xf32>
    %swap3A_961 = arith.constant 7 : index
    %swap3A_962 = arith.constant 0 : index
    %swap3A_963 = arith.constant 0 : index
    %swap3A_964 = vector.load %arg6[%swap3A_961, %swap3A_962, %swap3A_963] : memref<108x32x128xf32, #tpu.memory_space<vmem>>, vector<1x32x128xf32>
    %swap3A_965 = vector.shape_cast %swap3A_964 : vector<1x32x128xf32> to vector<32x128xf32>
    %swap3A_966 = vector.shape_cast %mul3A_960 : vector<32x128xf32> to vector<1x32x128xf32>
    tpu.vector_store %arg6[%swap3A_961, %swap3A_962, %swap3A_963], %swap3A_966 {strides = array<i32>} : memref<108x32x128xf32, #tpu.memory_space<vmem>>, vector<1x32x128xf32>,
    %mul3A_967 = arith.mulf %mul3A_941, %logistic3A_169 : vector<32x128xf32>
    %swap3A_968 = arith.constant 34 : index
    %swap3A_969 = arith.constant 0 : index
    %swap3A_970 = arith.constant 0 : index
    %swap3A_971 = vector.load %arg6[%swap3A_968, %swap3A_969, %swap3A_970] : memref<108x32x128xf32, #tpu.memory_space<vmem>>, vector<1x32x128xf32>
    %swap3A_972 = vector.shape_cast %swap3A_971 : vector<1x32x128xf32> to vector<32x128xf32>
    %swap3A_973 = vector.shape_cast %mul3A_967 : vector<32x128xf32> to vector<1x32x128xf32>
    tpu.vector_store %arg6[%swap3A_968, %swap3A_969, %swap3A_970], %swap3A_973 {strides = array<i32>} : memref<108x32x128xf32, #tpu.memory_space<vmem>>, vector<1x32x128xf32>,
    %mul3A_974 = arith.mulf %mul3A_941, %logistic3A_180 : vector<32x128xf32>
    %swap3A_975 = arith.constant 61 : index
    %swap3A_976 = arith.constant 0 : index
    %swap3A_977 = arith.constant 0 : index
    %swap3A_978 = vector.load %arg6[%swap3A_975, %swap3A_976, %swap3A_977] : memref<108x32x128xf32, #tpu.memory_space<vmem>>, vector<1x32x128xf32>
    %swap3A_979 = vector.shape_cast %swap3A_978 : vector<1x32x128xf32> to vector<32x128xf32>
    %swap3A_980 = vector.shape_cast %mul3A_974 : vector<32x128xf32> to vector<1x32x128xf32>
    tpu.vector_store %arg6[%swap3A_975, %swap3A_976, %swap3A_977], %swap3A_980 {strides = array<i32>} : memref<108x32x128xf32, #tpu.memory_space<vmem>>, vector<1x32x128xf32>,
    %swap3A_981 = arith.constant 88 : index
    %swap3A_982 = arith.constant 0 : index
    %swap3A_983 = arith.constant 0 : index
    %swap3A_984 = vector.load %arg6[%swap3A_981, %swap3A_982, %swap3A_983] : memref<108x32x128xf32, #tpu.memory_space<vmem>>, vector<1x32x128xf32>
    %swap3A_985 = vector.shape_cast %swap3A_984 : vector<1x32x128xf32> to vector<32x128xf32>
    %swap3A_986 = vector.shape_cast %mul3A_941 : vector<32x128xf32> to vector<1x32x128xf32>
    tpu.vector_store %arg6[%swap3A_981, %swap3A_982, %swap3A_983], %swap3A_986 {strides = array<i32>} : memref<108x32x128xf32, #tpu.memory_space<vmem>>, vector<1x32x128xf32>,
    %add3A_987 = arith.constant -1.000000e+00 : f32
    %add3A_988 = vector.broadcast %add3A_987 : f32 to vector<32x128xf32>
    %add3A_989 = arith.addf %floor3A, %add3A_988 : vector<32x128xf32>
    %jit3A_990 = arith.constant 0.000000e+00 : f32
    %jit3A_991 = arith.constant 2.550000e+02 : f32
    %max3A_992 = vector.broadcast %jit3A_990 : f32 to vector<32x128xf32>
    %max3A_993 = arith.maximumf %max3A_992, %add3A_989 : vector<32x128xf32>
    %min3A_994 = vector.broadcast %jit3A_991 : f32 to vector<32x128xf32>
    %min3A_995 = arith.minimumf %min3A_994, %max3A_993 : vector<32x128xf32>
    %add3A_996 = arith.constant 1.000000e+00 : f32
    %add3A_997 = vector.broadcast %add3A_996 : f32 to vector<32x128xf32>
    %add3A_998 = arith.addf %floor3A_38, %add3A_997 : vector<32x128xf32>
    %jit3A_999 = arith.constant 0.000000e+00 : f32
    %jit3A_1000 = arith.constant 2.550000e+02 : f32
    %max3A_1001 = vector.broadcast %jit3A_999 : f32 to vector<32x128xf32>
    %max3A_1002 = arith.maximumf %max3A_1001, %add3A_998 : vector<32x128xf32>
    %min3A_1003 = vector.broadcast %jit3A_1000 : f32 to vector<32x128xf32>
    %min3A_1004 = arith.minimumf %min3A_1003, %max3A_1002 : vector<32x128xf32>
    %add3A_1005 = arith.constant 1.000000e+00 : f32
    %add3A_1006 = vector.broadcast %add3A_1005 : f32 to vector<32x128xf32>
    %add3A_1007 = arith.addf %floor3A_42, %add3A_1006 : vector<32x128xf32>
    %jit3A_1008 = arith.constant 0.000000e+00 : f32
    %jit3A_1009 = arith.constant 1.500000e+01 : f32
    %max3A_1010 = vector.broadcast %jit3A_1008 : f32 to vector<32x128xf32>
    %max3A_1011 = arith.maximumf %max3A_1010, %add3A_1007 : vector<32x128xf32>
    %min3A_1012 = vector.broadcast %jit3A_1009 : f32 to vector<32x128xf32>
    %min3A_1013 = arith.minimumf %min3A_1012, %max3A_1011 : vector<32x128xf32>
    %sub3A_1014 = arith.subf %min3A_995, %mul3A_19 : vector<32x128xf32>
    %sub3A_1015 = arith.subf %min3A_1004, %mul3A_25 : vector<32x128xf32>
    %sub3A_1016 = arith.subf %min3A_1013, %mul3A_31 : vector<32x128xf32>
    %mul3A_1017 = arith.mulf %mul3A_123, %sub3A_1014 : vector<32x128xf32>
    %mul3A_1018 = arith.mulf %mul3A_1017, %sub3A_1014 : vector<32x128xf32>
    %mul3A_1019 = arith.mulf %mul3A_129, %sub3A_1015 : vector<32x128xf32>
    %mul3A_1020 = arith.mulf %mul3A_1019, %sub3A_1015 : vector<32x128xf32>
    %add3A_1021 = arith.addf %mul3A_1018, %mul3A_1020 : vector<32x128xf32>
    %mul3A_1022 = arith.mulf %mul3A_137, %sub3A_1016 : vector<32x128xf32>
    %mul3A_1023 = arith.mulf %mul3A_1022, %sub3A_1016 : vector<32x128xf32>
    %add3A_1024 = arith.addf %add3A_1021, %mul3A_1023 : vector<32x128xf32>
    %mul3A_1025 = arith.mulf %mul3A_124, %sub3A_1014 : vector<32x128xf32>
    %mul3A_1026 = arith.mulf %mul3A_1025, %sub3A_1015 : vector<32x128xf32>
    %mul3A_1027 = arith.mulf %mul3A_125, %sub3A_1014 : vector<32x128xf32>
    %mul3A_1028 = arith.mulf %mul3A_1027, %sub3A_1016 : vector<32x128xf32>
    %add3A_1029 = arith.addf %mul3A_1026, %mul3A_1028 : vector<32x128xf32>
    %mul3A_1030 = arith.mulf %mul3A_133, %sub3A_1015 : vector<32x128xf32>
    %mul3A_1031 = arith.mulf %mul3A_1030, %sub3A_1016 : vector<32x128xf32>
    %add3A_1032 = arith.addf %add3A_1029, %mul3A_1031 : vector<32x128xf32>
    %mul3A_1033 = arith.constant 2.000000e+00 : f32
    %mul3A_1034 = vector.broadcast %mul3A_1033 : f32 to vector<32x128xf32>
    %mul3A_1035 = arith.mulf %mul3A_1034, %add3A_1032 : vector<32x128xf32>
    %add3A_1036 = arith.addf %add3A_1024, %mul3A_1035 : vector<32x128xf32>
    %mul3A_1037 = arith.constant -5.000000e-01 : f32
    %mul3A_1038 = vector.broadcast %mul3A_1037 : f32 to vector<32x128xf32>
    %mul3A_1039 = arith.mulf %mul3A_1038, %add3A_1036 : vector<32x128xf32>
    %exp3A_1040 = math.exp %mul3A_1039 : vector<32x128xf32>
    %mul3A_1041 = arith.mulf %select_n3A, %exp3A_1040 : vector<32x128xf32>
    %convert_element_type3A_1042 = arith.fptosi %min3A_995 : vector<32x128xf32> to vector<32x128xi32>
    %convert_element_type3A_1043 = arith.fptosi %min3A_1004 : vector<32x128xf32> to vector<32x128xi32>
    %convert_element_type3A_1044 = arith.fptosi %min3A_1013 : vector<32x128xf32> to vector<32x128xi32>
    %mul3A_1045 = arith.constant 4096 : i32
    %mul3A_1046 = vector.broadcast %mul3A_1045 : i32 to vector<32x128xi32>
    %mul3A_1047 = arith.muli %convert_element_type3A_1043, %mul3A_1046 : vector<32x128xi32>
    %mul3A_1048 = arith.constant 16 : i32
    %mul3A_1049 = vector.broadcast %mul3A_1048 : i32 to vector<32x128xi32>
    %mul3A_1050 = arith.muli %convert_element_type3A_1042, %mul3A_1049 : vector<32x128xi32>
    %add3A_1051 = arith.addi %mul3A_1047, %mul3A_1050 : vector<32x128xi32>
    %add3A_1052 = arith.addi %add3A_1051, %convert_element_type3A_1044 : vector<32x128xi32>
    %select_n3A_1053 = arith.select %lt3A_191, %add3A_1052, %add3A_189 : vector<32x128xi1>, vector<32x128xi32>
    %swap3A_1054 = arith.constant 8 : index
    %swap3A_1055 = arith.constant 0 : index
    %swap3A_1056 = arith.constant 0 : index
    %swap3A_1057 = vector.load %arg5[%swap3A_1054, %swap3A_1055, %swap3A_1056] : memref<27x32x128xi32, #tpu.memory_space<vmem>>, vector<1x32x128xi32>
    %swap3A_1058 = vector.shape_cast %swap3A_1057 : vector<1x32x128xi32> to vector<32x128xi32>
    %swap3A_1059 = vector.shape_cast %select_n3A_1053 : vector<32x128xi32> to vector<1x32x128xi32>
    tpu.vector_store %arg5[%swap3A_1054, %swap3A_1055, %swap3A_1056], %swap3A_1059 {strides = array<i32>} : memref<27x32x128xi32, #tpu.memory_space<vmem>>, vector<1x32x128xi32>,
    %mul3A_1060 = arith.mulf %mul3A_1041, %logistic3A_158 : vector<32x128xf32>
    %swap3A_1061 = arith.constant 8 : index
    %swap3A_1062 = arith.constant 0 : index
    %swap3A_1063 = arith.constant 0 : index
    %swap3A_1064 = vector.load %arg6[%swap3A_1061, %swap3A_1062, %swap3A_1063] : memref<108x32x128xf32, #tpu.memory_space<vmem>>, vector<1x32x128xf32>
    %swap3A_1065 = vector.shape_cast %swap3A_1064 : vector<1x32x128xf32> to vector<32x128xf32>
    %swap3A_1066 = vector.shape_cast %mul3A_1060 : vector<32x128xf32> to vector<1x32x128xf32>
    tpu.vector_store %arg6[%swap3A_1061, %swap3A_1062, %swap3A_1063], %swap3A_1066 {strides = array<i32>} : memref<108x32x128xf32, #tpu.memory_space<vmem>>, vector<1x32x128xf32>,
    %mul3A_1067 = arith.mulf %mul3A_1041, %logistic3A_169 : vector<32x128xf32>
    %swap3A_1068 = arith.constant 35 : index
    %swap3A_1069 = arith.constant 0 : index
    %swap3A_1070 = arith.constant 0 : index
    %swap3A_1071 = vector.load %arg6[%swap3A_1068, %swap3A_1069, %swap3A_1070] : memref<108x32x128xf32, #tpu.memory_space<vmem>>, vector<1x32x128xf32>
    %swap3A_1072 = vector.shape_cast %swap3A_1071 : vector<1x32x128xf32> to vector<32x128xf32>
    %swap3A_1073 = vector.shape_cast %mul3A_1067 : vector<32x128xf32> to vector<1x32x128xf32>
    tpu.vector_store %arg6[%swap3A_1068, %swap3A_1069, %swap3A_1070], %swap3A_1073 {strides = array<i32>} : memref<108x32x128xf32, #tpu.memory_space<vmem>>, vector<1x32x128xf32>,
    %mul3A_1074 = arith.mulf %mul3A_1041, %logistic3A_180 : vector<32x128xf32>
    %swap3A_1075 = arith.constant 62 : index
    %swap3A_1076 = arith.constant 0 : index
    %swap3A_1077 = arith.constant 0 : index
    %swap3A_1078 = vector.load %arg6[%swap3A_1075, %swap3A_1076, %swap3A_1077] : memref<108x32x128xf32, #tpu.memory_space<vmem>>, vector<1x32x128xf32>
    %swap3A_1079 = vector.shape_cast %swap3A_1078 : vector<1x32x128xf32> to vector<32x128xf32>
    %swap3A_1080 = vector.shape_cast %mul3A_1074 : vector<32x128xf32> to vector<1x32x128xf32>
    tpu.vector_store %arg6[%swap3A_1075, %swap3A_1076, %swap3A_1077], %swap3A_1080 {strides = array<i32>} : memref<108x32x128xf32, #tpu.memory_space<vmem>>, vector<1x32x128xf32>,
    %swap3A_1081 = arith.constant 89 : index
    %swap3A_1082 = arith.constant 0 : index
    %swap3A_1083 = arith.constant 0 : index
    %swap3A_1084 = vector.load %arg6[%swap3A_1081, %swap3A_1082, %swap3A_1083] : memref<108x32x128xf32, #tpu.memory_space<vmem>>, vector<1x32x128xf32>
    %swap3A_1085 = vector.shape_cast %swap3A_1084 : vector<1x32x128xf32> to vector<32x128xf32>
    %swap3A_1086 = vector.shape_cast %mul3A_1041 : vector<32x128xf32> to vector<1x32x128xf32>
    tpu.vector_store %arg6[%swap3A_1081, %swap3A_1082, %swap3A_1083], %swap3A_1086 {strides = array<i32>} : memref<108x32x128xf32, #tpu.memory_space<vmem>>, vector<1x32x128xf32>,
    %add3A_1087 = arith.constant 0.000000e+00 : f32
    %add3A_1088 = vector.broadcast %add3A_1087 : f32 to vector<32x128xf32>
    %add3A_1089 = arith.addf %floor3A, %add3A_1088 : vector<32x128xf32>
    %jit3A_1090 = arith.constant 0.000000e+00 : f32
    %jit3A_1091 = arith.constant 2.550000e+02 : f32
    %max3A_1092 = vector.broadcast %jit3A_1090 : f32 to vector<32x128xf32>
    %max3A_1093 = arith.maximumf %max3A_1092, %add3A_1089 : vector<32x128xf32>
    %min3A_1094 = vector.broadcast %jit3A_1091 : f32 to vector<32x128xf32>
    %min3A_1095 = arith.minimumf %min3A_1094, %max3A_1093 : vector<32x128xf32>
    %add3A_1096 = arith.constant -1.000000e+00 : f32
    %add3A_1097 = vector.broadcast %add3A_1096 : f32 to vector<32x128xf32>
    %add3A_1098 = arith.addf %floor3A_38, %add3A_1097 : vector<32x128xf32>
    %jit3A_1099 = arith.constant 0.000000e+00 : f32
    %jit3A_1100 = arith.constant 2.550000e+02 : f32
    %max3A_1101 = vector.broadcast %jit3A_1099 : f32 to vector<32x128xf32>
    %max3A_1102 = arith.maximumf %max3A_1101, %add3A_1098 : vector<32x128xf32>
    %min3A_1103 = vector.broadcast %jit3A_1100 : f32 to vector<32x128xf32>
    %min3A_1104 = arith.minimumf %min3A_1103, %max3A_1102 : vector<32x128xf32>
    %add3A_1105 = arith.constant -1.000000e+00 : f32
    %add3A_1106 = vector.broadcast %add3A_1105 : f32 to vector<32x128xf32>
    %add3A_1107 = arith.addf %floor3A_42, %add3A_1106 : vector<32x128xf32>
    %jit3A_1108 = arith.constant 0.000000e+00 : f32
    %jit3A_1109 = arith.constant 1.500000e+01 : f32
    %max3A_1110 = vector.broadcast %jit3A_1108 : f32 to vector<32x128xf32>
    %max3A_1111 = arith.maximumf %max3A_1110, %add3A_1107 : vector<32x128xf32>
    %min3A_1112 = vector.broadcast %jit3A_1109 : f32 to vector<32x128xf32>
    %min3A_1113 = arith.minimumf %min3A_1112, %max3A_1111 : vector<32x128xf32>
    %sub3A_1114 = arith.subf %min3A_1095, %mul3A_19 : vector<32x128xf32>
    %sub3A_1115 = arith.subf %min3A_1104, %mul3A_25 : vector<32x128xf32>
    %sub3A_1116 = arith.subf %min3A_1113, %mul3A_31 : vector<32x128xf32>
    %mul3A_1117 = arith.mulf %mul3A_123, %sub3A_1114 : vector<32x128xf32>
    %mul3A_1118 = arith.mulf %mul3A_1117, %sub3A_1114 : vector<32x128xf32>
    %mul3A_1119 = arith.mulf %mul3A_129, %sub3A_1115 : vector<32x128xf32>
    %mul3A_1120 = arith.mulf %mul3A_1119, %sub3A_1115 : vector<32x128xf32>
    %add3A_1121 = arith.addf %mul3A_1118, %mul3A_1120 : vector<32x128xf32>
    %mul3A_1122 = arith.mulf %mul3A_137, %sub3A_1116 : vector<32x128xf32>
    %mul3A_1123 = arith.mulf %mul3A_1122, %sub3A_1116 : vector<32x128xf32>
    %add3A_1124 = arith.addf %add3A_1121, %mul3A_1123 : vector<32x128xf32>
    %mul3A_1125 = arith.mulf %mul3A_124, %sub3A_1114 : vector<32x128xf32>
    %mul3A_1126 = arith.mulf %mul3A_1125, %sub3A_1115 : vector<32x128xf32>
    %mul3A_1127 = arith.mulf %mul3A_125, %sub3A_1114 : vector<32x128xf32>
    %mul3A_1128 = arith.mulf %mul3A_1127, %sub3A_1116 : vector<32x128xf32>
    %add3A_1129 = arith.addf %mul3A_1126, %mul3A_1128 : vector<32x128xf32>
    %mul3A_1130 = arith.mulf %mul3A_133, %sub3A_1115 : vector<32x128xf32>
    %mul3A_1131 = arith.mulf %mul3A_1130, %sub3A_1116 : vector<32x128xf32>
    %add3A_1132 = arith.addf %add3A_1129, %mul3A_1131 : vector<32x128xf32>
    %mul3A_1133 = arith.constant 2.000000e+00 : f32
    %mul3A_1134 = vector.broadcast %mul3A_1133 : f32 to vector<32x128xf32>
    %mul3A_1135 = arith.mulf %mul3A_1134, %add3A_1132 : vector<32x128xf32>
    %add3A_1136 = arith.addf %add3A_1124, %mul3A_1135 : vector<32x128xf32>
    %mul3A_1137 = arith.constant -5.000000e-01 : f32
    %mul3A_1138 = vector.broadcast %mul3A_1137 : f32 to vector<32x128xf32>
    %mul3A_1139 = arith.mulf %mul3A_1138, %add3A_1136 : vector<32x128xf32>
    %exp3A_1140 = math.exp %mul3A_1139 : vector<32x128xf32>
    %mul3A_1141 = arith.mulf %select_n3A, %exp3A_1140 : vector<32x128xf32>
    %convert_element_type3A_1142 = arith.fptosi %min3A_1095 : vector<32x128xf32> to vector<32x128xi32>
    %convert_element_type3A_1143 = arith.fptosi %min3A_1104 : vector<32x128xf32> to vector<32x128xi32>
    %convert_element_type3A_1144 = arith.fptosi %min3A_1113 : vector<32x128xf32> to vector<32x128xi32>
    %mul3A_1145 = arith.constant 4096 : i32
    %mul3A_1146 = vector.broadcast %mul3A_1145 : i32 to vector<32x128xi32>
    %mul3A_1147 = arith.muli %convert_element_type3A_1143, %mul3A_1146 : vector<32x128xi32>
    %mul3A_1148 = arith.constant 16 : i32
    %mul3A_1149 = vector.broadcast %mul3A_1148 : i32 to vector<32x128xi32>
    %mul3A_1150 = arith.muli %convert_element_type3A_1142, %mul3A_1149 : vector<32x128xi32>
    %add3A_1151 = arith.addi %mul3A_1147, %mul3A_1150 : vector<32x128xi32>
    %add3A_1152 = arith.addi %add3A_1151, %convert_element_type3A_1144 : vector<32x128xi32>
    %select_n3A_1153 = arith.select %lt3A_191, %add3A_1152, %add3A_189 : vector<32x128xi1>, vector<32x128xi32>
    %swap3A_1154 = arith.constant 9 : index
    %swap3A_1155 = arith.constant 0 : index
    %swap3A_1156 = arith.constant 0 : index
    %swap3A_1157 = vector.load %arg5[%swap3A_1154, %swap3A_1155, %swap3A_1156] : memref<27x32x128xi32, #tpu.memory_space<vmem>>, vector<1x32x128xi32>
    %swap3A_1158 = vector.shape_cast %swap3A_1157 : vector<1x32x128xi32> to vector<32x128xi32>
    %swap3A_1159 = vector.shape_cast %select_n3A_1153 : vector<32x128xi32> to vector<1x32x128xi32>
    tpu.vector_store %arg5[%swap3A_1154, %swap3A_1155, %swap3A_1156], %swap3A_1159 {strides = array<i32>} : memref<27x32x128xi32, #tpu.memory_space<vmem>>, vector<1x32x128xi32>,
    %mul3A_1160 = arith.mulf %mul3A_1141, %logistic3A_158 : vector<32x128xf32>
    %swap3A_1161 = arith.constant 9 : index
    %swap3A_1162 = arith.constant 0 : index
    %swap3A_1163 = arith.constant 0 : index
    %swap3A_1164 = vector.load %arg6[%swap3A_1161, %swap3A_1162, %swap3A_1163] : memref<108x32x128xf32, #tpu.memory_space<vmem>>, vector<1x32x128xf32>
    %swap3A_1165 = vector.shape_cast %swap3A_1164 : vector<1x32x128xf32> to vector<32x128xf32>
    %swap3A_1166 = vector.shape_cast %mul3A_1160 : vector<32x128xf32> to vector<1x32x128xf32>
    tpu.vector_store %arg6[%swap3A_1161, %swap3A_1162, %swap3A_1163], %swap3A_1166 {strides = array<i32>} : memref<108x32x128xf32, #tpu.memory_space<vmem>>, vector<1x32x128xf32>,
    %mul3A_1167 = arith.mulf %mul3A_1141, %logistic3A_169 : vector<32x128xf32>
    %swap3A_1168 = arith.constant 36 : index
    %swap3A_1169 = arith.constant 0 : index
    %swap3A_1170 = arith.constant 0 : index
    %swap3A_1171 = vector.load %arg6[%swap3A_1168, %swap3A_1169, %swap3A_1170] : memref<108x32x128xf32, #tpu.memory_space<vmem>>, vector<1x32x128xf32>
    %swap3A_1172 = vector.shape_cast %swap3A_1171 : vector<1x32x128xf32> to vector<32x128xf32>
    %swap3A_1173 = vector.shape_cast %mul3A_1167 : vector<32x128xf32> to vector<1x32x128xf32>
    tpu.vector_store %arg6[%swap3A_1168, %swap3A_1169, %swap3A_1170], %swap3A_1173 {strides = array<i32>} : memref<108x32x128xf32, #tpu.memory_space<vmem>>, vector<1x32x128xf32>,
    %mul3A_1174 = arith.mulf %mul3A_1141, %logistic3A_180 : vector<32x128xf32>
    %swap3A_1175 = arith.constant 63 : index
    %swap3A_1176 = arith.constant 0 : index
    %swap3A_1177 = arith.constant 0 : index
    %swap3A_1178 = vector.load %arg6[%swap3A_1175, %swap3A_1176, %swap3A_1177] : memref<108x32x128xf32, #tpu.memory_space<vmem>>, vector<1x32x128xf32>
    %swap3A_1179 = vector.shape_cast %swap3A_1178 : vector<1x32x128xf32> to vector<32x128xf32>
    %swap3A_1180 = vector.shape_cast %mul3A_1174 : vector<32x128xf32> to vector<1x32x128xf32>
    tpu.vector_store %arg6[%swap3A_1175, %swap3A_1176, %swap3A_1177], %swap3A_1180 {strides = array<i32>} : memref<108x32x128xf32, #tpu.memory_space<vmem>>, vector<1x32x128xf32>,
    %swap3A_1181 = arith.constant 90 : index
    %swap3A_1182 = arith.constant 0 : index
    %swap3A_1183 = arith.constant 0 : index
    %swap3A_1184 = vector.load %arg6[%swap3A_1181, %swap3A_1182, %swap3A_1183] : memref<108x32x128xf32, #tpu.memory_space<vmem>>, vector<1x32x128xf32>
    %swap3A_1185 = vector.shape_cast %swap3A_1184 : vector<1x32x128xf32> to vector<32x128xf32>
    %swap3A_1186 = vector.shape_cast %mul3A_1141 : vector<32x128xf32> to vector<1x32x128xf32>
    tpu.vector_store %arg6[%swap3A_1181, %swap3A_1182, %swap3A_1183], %swap3A_1186 {strides = array<i32>} : memref<108x32x128xf32, #tpu.memory_space<vmem>>, vector<1x32x128xf32>,
    %add3A_1187 = arith.constant 0.000000e+00 : f32
    %add3A_1188 = vector.broadcast %add3A_1187 : f32 to vector<32x128xf32>
    %add3A_1189 = arith.addf %floor3A, %add3A_1188 : vector<32x128xf32>
    %jit3A_1190 = arith.constant 0.000000e+00 : f32
    %jit3A_1191 = arith.constant 2.550000e+02 : f32
    %max3A_1192 = vector.broadcast %jit3A_1190 : f32 to vector<32x128xf32>
    %max3A_1193 = arith.maximumf %max3A_1192, %add3A_1189 : vector<32x128xf32>
    %min3A_1194 = vector.broadcast %jit3A_1191 : f32 to vector<32x128xf32>
    %min3A_1195 = arith.minimumf %min3A_1194, %max3A_1193 : vector<32x128xf32>
    %add3A_1196 = arith.constant -1.000000e+00 : f32
    %add3A_1197 = vector.broadcast %add3A_1196 : f32 to vector<32x128xf32>
    %add3A_1198 = arith.addf %floor3A_38, %add3A_1197 : vector<32x128xf32>
    %jit3A_1199 = arith.constant 0.000000e+00 : f32
    %jit3A_1200 = arith.constant 2.550000e+02 : f32
    %max3A_1201 = vector.broadcast %jit3A_1199 : f32 to vector<32x128xf32>
    %max3A_1202 = arith.maximumf %max3A_1201, %add3A_1198 : vector<32x128xf32>
    %min3A_1203 = vector.broadcast %jit3A_1200 : f32 to vector<32x128xf32>
    %min3A_1204 = arith.minimumf %min3A_1203, %max3A_1202 : vector<32x128xf32>
    %add3A_1205 = arith.constant 0.000000e+00 : f32
    %add3A_1206 = vector.broadcast %add3A_1205 : f32 to vector<32x128xf32>
    %add3A_1207 = arith.addf %floor3A_42, %add3A_1206 : vector<32x128xf32>
    %jit3A_1208 = arith.constant 0.000000e+00 : f32
    %jit3A_1209 = arith.constant 1.500000e+01 : f32
    %max3A_1210 = vector.broadcast %jit3A_1208 : f32 to vector<32x128xf32>
    %max3A_1211 = arith.maximumf %max3A_1210, %add3A_1207 : vector<32x128xf32>
    %min3A_1212 = vector.broadcast %jit3A_1209 : f32 to vector<32x128xf32>
    %min3A_1213 = arith.minimumf %min3A_1212, %max3A_1211 : vector<32x128xf32>
    %sub3A_1214 = arith.subf %min3A_1195, %mul3A_19 : vector<32x128xf32>
    %sub3A_1215 = arith.subf %min3A_1204, %mul3A_25 : vector<32x128xf32>
    %sub3A_1216 = arith.subf %min3A_1213, %mul3A_31 : vector<32x128xf32>
    %mul3A_1217 = arith.mulf %mul3A_123, %sub3A_1214 : vector<32x128xf32>
    %mul3A_1218 = arith.mulf %mul3A_1217, %sub3A_1214 : vector<32x128xf32>
    %mul3A_1219 = arith.mulf %mul3A_129, %sub3A_1215 : vector<32x128xf32>
    %mul3A_1220 = arith.mulf %mul3A_1219, %sub3A_1215 : vector<32x128xf32>
    %add3A_1221 = arith.addf %mul3A_1218, %mul3A_1220 : vector<32x128xf32>
    %mul3A_1222 = arith.mulf %mul3A_137, %sub3A_1216 : vector<32x128xf32>
    %mul3A_1223 = arith.mulf %mul3A_1222, %sub3A_1216 : vector<32x128xf32>
    %add3A_1224 = arith.addf %add3A_1221, %mul3A_1223 : vector<32x128xf32>
    %mul3A_1225 = arith.mulf %mul3A_124, %sub3A_1214 : vector<32x128xf32>
    %mul3A_1226 = arith.mulf %mul3A_1225, %sub3A_1215 : vector<32x128xf32>
    %mul3A_1227 = arith.mulf %mul3A_125, %sub3A_1214 : vector<32x128xf32>
    %mul3A_1228 = arith.mulf %mul3A_1227, %sub3A_1216 : vector<32x128xf32>
    %add3A_1229 = arith.addf %mul3A_1226, %mul3A_1228 : vector<32x128xf32>
    %mul3A_1230 = arith.mulf %mul3A_133, %sub3A_1215 : vector<32x128xf32>
    %mul3A_1231 = arith.mulf %mul3A_1230, %sub3A_1216 : vector<32x128xf32>
    %add3A_1232 = arith.addf %add3A_1229, %mul3A_1231 : vector<32x128xf32>
    %mul3A_1233 = arith.constant 2.000000e+00 : f32
    %mul3A_1234 = vector.broadcast %mul3A_1233 : f32 to vector<32x128xf32>
    %mul3A_1235 = arith.mulf %mul3A_1234, %add3A_1232 : vector<32x128xf32>
    %add3A_1236 = arith.addf %add3A_1224, %mul3A_1235 : vector<32x128xf32>
    %mul3A_1237 = arith.constant -5.000000e-01 : f32
    %mul3A_1238 = vector.broadcast %mul3A_1237 : f32 to vector<32x128xf32>
    %mul3A_1239 = arith.mulf %mul3A_1238, %add3A_1236 : vector<32x128xf32>
    %exp3A_1240 = math.exp %mul3A_1239 : vector<32x128xf32>
    %mul3A_1241 = arith.mulf %select_n3A, %exp3A_1240 : vector<32x128xf32>
    %convert_element_type3A_1242 = arith.fptosi %min3A_1195 : vector<32x128xf32> to vector<32x128xi32>
    %convert_element_type3A_1243 = arith.fptosi %min3A_1204 : vector<32x128xf32> to vector<32x128xi32>
    %convert_element_type3A_1244 = arith.fptosi %min3A_1213 : vector<32x128xf32> to vector<32x128xi32>
    %mul3A_1245 = arith.constant 4096 : i32
    %mul3A_1246 = vector.broadcast %mul3A_1245 : i32 to vector<32x128xi32>
    %mul3A_1247 = arith.muli %convert_element_type3A_1243, %mul3A_1246 : vector<32x128xi32>
    %mul3A_1248 = arith.constant 16 : i32
    %mul3A_1249 = vector.broadcast %mul3A_1248 : i32 to vector<32x128xi32>
    %mul3A_1250 = arith.muli %convert_element_type3A_1242, %mul3A_1249 : vector<32x128xi32>
    %add3A_1251 = arith.addi %mul3A_1247, %mul3A_1250 : vector<32x128xi32>
    %add3A_1252 = arith.addi %add3A_1251, %convert_element_type3A_1244 : vector<32x128xi32>
    %select_n3A_1253 = arith.select %lt3A_191, %add3A_1252, %add3A_189 : vector<32x128xi1>, vector<32x128xi32>
    %swap3A_1254 = arith.constant 10 : index
    %swap3A_1255 = arith.constant 0 : index
    %swap3A_1256 = arith.constant 0 : index
    %swap3A_1257 = vector.load %arg5[%swap3A_1254, %swap3A_1255, %swap3A_1256] : memref<27x32x128xi32, #tpu.memory_space<vmem>>, vector<1x32x128xi32>
    %swap3A_1258 = vector.shape_cast %swap3A_1257 : vector<1x32x128xi32> to vector<32x128xi32>
    %swap3A_1259 = vector.shape_cast %select_n3A_1253 : vector<32x128xi32> to vector<1x32x128xi32>
    tpu.vector_store %arg5[%swap3A_1254, %swap3A_1255, %swap3A_1256], %swap3A_1259 {strides = array<i32>} : memref<27x32x128xi32, #tpu.memory_space<vmem>>, vector<1x32x128xi32>,
    %mul3A_1260 = arith.mulf %mul3A_1241, %logistic3A_158 : vector<32x128xf32>
    %swap3A_1261 = arith.constant 10 : index
    %swap3A_1262 = arith.constant 0 : index
    %swap3A_1263 = arith.constant 0 : index
    %swap3A_1264 = vector.load %arg6[%swap3A_1261, %swap3A_1262, %swap3A_1263] : memref<108x32x128xf32, #tpu.memory_space<vmem>>, vector<1x32x128xf32>
    %swap3A_1265 = vector.shape_cast %swap3A_1264 : vector<1x32x128xf32> to vector<32x128xf32>
    %swap3A_1266 = vector.shape_cast %mul3A_1260 : vector<32x128xf32> to vector<1x32x128xf32>
    tpu.vector_store %arg6[%swap3A_1261, %swap3A_1262, %swap3A_1263], %swap3A_1266 {strides = array<i32>} : memref<108x32x128xf32, #tpu.memory_space<vmem>>, vector<1x32x128xf32>,
    %mul3A_1267 = arith.mulf %mul3A_1241, %logistic3A_169 : vector<32x128xf32>
    %swap3A_1268 = arith.constant 37 : index
    %swap3A_1269 = arith.constant 0 : index
    %swap3A_1270 = arith.constant 0 : index
    %swap3A_1271 = vector.load %arg6[%swap3A_1268, %swap3A_1269, %swap3A_1270] : memref<108x32x128xf32, #tpu.memory_space<vmem>>, vector<1x32x128xf32>
    %swap3A_1272 = vector.shape_cast %swap3A_1271 : vector<1x32x128xf32> to vector<32x128xf32>
    %swap3A_1273 = vector.shape_cast %mul3A_1267 : vector<32x128xf32> to vector<1x32x128xf32>
    tpu.vector_store %arg6[%swap3A_1268, %swap3A_1269, %swap3A_1270], %swap3A_1273 {strides = array<i32>} : memref<108x32x128xf32, #tpu.memory_space<vmem>>, vector<1x32x128xf32>,
    %mul3A_1274 = arith.mulf %mul3A_1241, %logistic3A_180 : vector<32x128xf32>
    %swap3A_1275 = arith.constant 64 : index
    %swap3A_1276 = arith.constant 0 : index
    %swap3A_1277 = arith.constant 0 : index
    %swap3A_1278 = vector.load %arg6[%swap3A_1275, %swap3A_1276, %swap3A_1277] : memref<108x32x128xf32, #tpu.memory_space<vmem>>, vector<1x32x128xf32>
    %swap3A_1279 = vector.shape_cast %swap3A_1278 : vector<1x32x128xf32> to vector<32x128xf32>
    %swap3A_1280 = vector.shape_cast %mul3A_1274 : vector<32x128xf32> to vector<1x32x128xf32>
    tpu.vector_store %arg6[%swap3A_1275, %swap3A_1276, %swap3A_1277], %swap3A_1280 {strides = array<i32>} : memref<108x32x128xf32, #tpu.memory_space<vmem>>, vector<1x32x128xf32>,
    %swap3A_1281 = arith.constant 91 : index
    %swap3A_1282 = arith.constant 0 : index
    %swap3A_1283 = arith.constant 0 : index
    %swap3A_1284 = vector.load %arg6[%swap3A_1281, %swap3A_1282, %swap3A_1283] : memref<108x32x128xf32, #tpu.memory_space<vmem>>, vector<1x32x128xf32>
    %swap3A_1285 = vector.shape_cast %swap3A_1284 : vector<1x32x128xf32> to vector<32x128xf32>
    %swap3A_1286 = vector.shape_cast %mul3A_1241 : vector<32x128xf32> to vector<1x32x128xf32>
    tpu.vector_store %arg6[%swap3A_1281, %swap3A_1282, %swap3A_1283], %swap3A_1286 {strides = array<i32>} : memref<108x32x128xf32, #tpu.memory_space<vmem>>, vector<1x32x128xf32>,
    %add3A_1287 = arith.constant 0.000000e+00 : f32
    %add3A_1288 = vector.broadcast %add3A_1287 : f32 to vector<32x128xf32>
    %add3A_1289 = arith.addf %floor3A, %add3A_1288 : vector<32x128xf32>
    %jit3A_1290 = arith.constant 0.000000e+00 : f32
    %jit3A_1291 = arith.constant 2.550000e+02 : f32
    %max3A_1292 = vector.broadcast %jit3A_1290 : f32 to vector<32x128xf32>
    %max3A_1293 = arith.maximumf %max3A_1292, %add3A_1289 : vector<32x128xf32>
    %min3A_1294 = vector.broadcast %jit3A_1291 : f32 to vector<32x128xf32>
    %min3A_1295 = arith.minimumf %min3A_1294, %max3A_1293 : vector<32x128xf32>
    %add3A_1296 = arith.constant -1.000000e+00 : f32
    %add3A_1297 = vector.broadcast %add3A_1296 : f32 to vector<32x128xf32>
    %add3A_1298 = arith.addf %floor3A_38, %add3A_1297 : vector<32x128xf32>
    %jit3A_1299 = arith.constant 0.000000e+00 : f32
    %jit3A_1300 = arith.constant 2.550000e+02 : f32
    %max3A_1301 = vector.broadcast %jit3A_1299 : f32 to vector<32x128xf32>
    %max3A_1302 = arith.maximumf %max3A_1301, %add3A_1298 : vector<32x128xf32>
    %min3A_1303 = vector.broadcast %jit3A_1300 : f32 to vector<32x128xf32>
    %min3A_1304 = arith.minimumf %min3A_1303, %max3A_1302 : vector<32x128xf32>
    %add3A_1305 = arith.constant 1.000000e+00 : f32
    %add3A_1306 = vector.broadcast %add3A_1305 : f32 to vector<32x128xf32>
    %add3A_1307 = arith.addf %floor3A_42, %add3A_1306 : vector<32x128xf32>
    %jit3A_1308 = arith.constant 0.000000e+00 : f32
    %jit3A_1309 = arith.constant 1.500000e+01 : f32
    %max3A_1310 = vector.broadcast %jit3A_1308 : f32 to vector<32x128xf32>
    %max3A_1311 = arith.maximumf %max3A_1310, %add3A_1307 : vector<32x128xf32>
    %min3A_1312 = vector.broadcast %jit3A_1309 : f32 to vector<32x128xf32>
    %min3A_1313 = arith.minimumf %min3A_1312, %max3A_1311 : vector<32x128xf32>
    %sub3A_1314 = arith.subf %min3A_1295, %mul3A_19 : vector<32x128xf32>
    %sub3A_1315 = arith.subf %min3A_1304, %mul3A_25 : vector<32x128xf32>
    %sub3A_1316 = arith.subf %min3A_1313, %mul3A_31 : vector<32x128xf32>
    %mul3A_1317 = arith.mulf %mul3A_123, %sub3A_1314 : vector<32x128xf32>
    %mul3A_1318 = arith.mulf %mul3A_1317, %sub3A_1314 : vector<32x128xf32>
    %mul3A_1319 = arith.mulf %mul3A_129, %sub3A_1315 : vector<32x128xf32>
    %mul3A_1320 = arith.mulf %mul3A_1319, %sub3A_1315 : vector<32x128xf32>
    %add3A_1321 = arith.addf %mul3A_1318, %mul3A_1320 : vector<32x128xf32>
    %mul3A_1322 = arith.mulf %mul3A_137, %sub3A_1316 : vector<32x128xf32>
    %mul3A_1323 = arith.mulf %mul3A_1322, %sub3A_1316 : vector<32x128xf32>
    %add3A_1324 = arith.addf %add3A_1321, %mul3A_1323 : vector<32x128xf32>
    %mul3A_1325 = arith.mulf %mul3A_124, %sub3A_1314 : vector<32x128xf32>
    %mul3A_1326 = arith.mulf %mul3A_1325, %sub3A_1315 : vector<32x128xf32>
    %mul3A_1327 = arith.mulf %mul3A_125, %sub3A_1314 : vector<32x128xf32>
    %mul3A_1328 = arith.mulf %mul3A_1327, %sub3A_1316 : vector<32x128xf32>
    %add3A_1329 = arith.addf %mul3A_1326, %mul3A_1328 : vector<32x128xf32>
    %mul3A_1330 = arith.mulf %mul3A_133, %sub3A_1315 : vector<32x128xf32>
    %mul3A_1331 = arith.mulf %mul3A_1330, %sub3A_1316 : vector<32x128xf32>
    %add3A_1332 = arith.addf %add3A_1329, %mul3A_1331 : vector<32x128xf32>
    %mul3A_1333 = arith.constant 2.000000e+00 : f32
    %mul3A_1334 = vector.broadcast %mul3A_1333 : f32 to vector<32x128xf32>
    %mul3A_1335 = arith.mulf %mul3A_1334, %add3A_1332 : vector<32x128xf32>
    %add3A_1336 = arith.addf %add3A_1324, %mul3A_1335 : vector<32x128xf32>
    %mul3A_1337 = arith.constant -5.000000e-01 : f32
    %mul3A_1338 = vector.broadcast %mul3A_1337 : f32 to vector<32x128xf32>
    %mul3A_1339 = arith.mulf %mul3A_1338, %add3A_1336 : vector<32x128xf32>
    %exp3A_1340 = math.exp %mul3A_1339 : vector<32x128xf32>
    %mul3A_1341 = arith.mulf %select_n3A, %exp3A_1340 : vector<32x128xf32>
    %convert_element_type3A_1342 = arith.fptosi %min3A_1295 : vector<32x128xf32> to vector<32x128xi32>
    %convert_element_type3A_1343 = arith.fptosi %min3A_1304 : vector<32x128xf32> to vector<32x128xi32>
    %convert_element_type3A_1344 = arith.fptosi %min3A_1313 : vector<32x128xf32> to vector<32x128xi32>
    %mul3A_1345 = arith.constant 4096 : i32
    %mul3A_1346 = vector.broadcast %mul3A_1345 : i32 to vector<32x128xi32>
    %mul3A_1347 = arith.muli %convert_element_type3A_1343, %mul3A_1346 : vector<32x128xi32>
    %mul3A_1348 = arith.constant 16 : i32
    %mul3A_1349 = vector.broadcast %mul3A_1348 : i32 to vector<32x128xi32>
    %mul3A_1350 = arith.muli %convert_element_type3A_1342, %mul3A_1349 : vector<32x128xi32>
    %add3A_1351 = arith.addi %mul3A_1347, %mul3A_1350 : vector<32x128xi32>
    %add3A_1352 = arith.addi %add3A_1351, %convert_element_type3A_1344 : vector<32x128xi32>
    %select_n3A_1353 = arith.select %lt3A_191, %add3A_1352, %add3A_189 : vector<32x128xi1>, vector<32x128xi32>
    %swap3A_1354 = arith.constant 11 : index
    %swap3A_1355 = arith.constant 0 : index
    %swap3A_1356 = arith.constant 0 : index
    %swap3A_1357 = vector.load %arg5[%swap3A_1354, %swap3A_1355, %swap3A_1356] : memref<27x32x128xi32, #tpu.memory_space<vmem>>, vector<1x32x128xi32>
    %swap3A_1358 = vector.shape_cast %swap3A_1357 : vector<1x32x128xi32> to vector<32x128xi32>
    %swap3A_1359 = vector.shape_cast %select_n3A_1353 : vector<32x128xi32> to vector<1x32x128xi32>
    tpu.vector_store %arg5[%swap3A_1354, %swap3A_1355, %swap3A_1356], %swap3A_1359 {strides = array<i32>} : memref<27x32x128xi32, #tpu.memory_space<vmem>>, vector<1x32x128xi32>,
    %mul3A_1360 = arith.mulf %mul3A_1341, %logistic3A_158 : vector<32x128xf32>
    %swap3A_1361 = arith.constant 11 : index
    %swap3A_1362 = arith.constant 0 : index
    %swap3A_1363 = arith.constant 0 : index
    %swap3A_1364 = vector.load %arg6[%swap3A_1361, %swap3A_1362, %swap3A_1363] : memref<108x32x128xf32, #tpu.memory_space<vmem>>, vector<1x32x128xf32>
    %swap3A_1365 = vector.shape_cast %swap3A_1364 : vector<1x32x128xf32> to vector<32x128xf32>
    %swap3A_1366 = vector.shape_cast %mul3A_1360 : vector<32x128xf32> to vector<1x32x128xf32>
    tpu.vector_store %arg6[%swap3A_1361, %swap3A_1362, %swap3A_1363], %swap3A_1366 {strides = array<i32>} : memref<108x32x128xf32, #tpu.memory_space<vmem>>, vector<1x32x128xf32>,
    %mul3A_1367 = arith.mulf %mul3A_1341, %logistic3A_169 : vector<32x128xf32>
    %swap3A_1368 = arith.constant 38 : index
    %swap3A_1369 = arith.constant 0 : index
    %swap3A_1370 = arith.constant 0 : index
    %swap3A_1371 = vector.load %arg6[%swap3A_1368, %swap3A_1369, %swap3A_1370] : memref<108x32x128xf32, #tpu.memory_space<vmem>>, vector<1x32x128xf32>
    %swap3A_1372 = vector.shape_cast %swap3A_1371 : vector<1x32x128xf32> to vector<32x128xf32>
    %swap3A_1373 = vector.shape_cast %mul3A_1367 : vector<32x128xf32> to vector<1x32x128xf32>
    tpu.vector_store %arg6[%swap3A_1368, %swap3A_1369, %swap3A_1370], %swap3A_1373 {strides = array<i32>} : memref<108x32x128xf32, #tpu.memory_space<vmem>>, vector<1x32x128xf32>,
    %mul3A_1374 = arith.mulf %mul3A_1341, %logistic3A_180 : vector<32x128xf32>
    %swap3A_1375 = arith.constant 65 : index
    %swap3A_1376 = arith.constant 0 : index
    %swap3A_1377 = arith.constant 0 : index
    %swap3A_1378 = vector.load %arg6[%swap3A_1375, %swap3A_1376, %swap3A_1377] : memref<108x32x128xf32, #tpu.memory_space<vmem>>, vector<1x32x128xf32>
    %swap3A_1379 = vector.shape_cast %swap3A_1378 : vector<1x32x128xf32> to vector<32x128xf32>
    %swap3A_1380 = vector.shape_cast %mul3A_1374 : vector<32x128xf32> to vector<1x32x128xf32>
    tpu.vector_store %arg6[%swap3A_1375, %swap3A_1376, %swap3A_1377], %swap3A_1380 {strides = array<i32>} : memref<108x32x128xf32, #tpu.memory_space<vmem>>, vector<1x32x128xf32>,
    %swap3A_1381 = arith.constant 92 : index
    %swap3A_1382 = arith.constant 0 : index
    %swap3A_1383 = arith.constant 0 : index
    %swap3A_1384 = vector.load %arg6[%swap3A_1381, %swap3A_1382, %swap3A_1383] : memref<108x32x128xf32, #tpu.memory_space<vmem>>, vector<1x32x128xf32>
    %swap3A_1385 = vector.shape_cast %swap3A_1384 : vector<1x32x128xf32> to vector<32x128xf32>
    %swap3A_1386 = vector.shape_cast %mul3A_1341 : vector<32x128xf32> to vector<1x32x128xf32>
    tpu.vector_store %arg6[%swap3A_1381, %swap3A_1382, %swap3A_1383], %swap3A_1386 {strides = array<i32>} : memref<108x32x128xf32, #tpu.memory_space<vmem>>, vector<1x32x128xf32>,
    %add3A_1387 = arith.constant 0.000000e+00 : f32
    %add3A_1388 = vector.broadcast %add3A_1387 : f32 to vector<32x128xf32>
    %add3A_1389 = arith.addf %floor3A, %add3A_1388 : vector<32x128xf32>
    %jit3A_1390 = arith.constant 0.000000e+00 : f32
    %jit3A_1391 = arith.constant 2.550000e+02 : f32
    %max3A_1392 = vector.broadcast %jit3A_1390 : f32 to vector<32x128xf32>
    %max3A_1393 = arith.maximumf %max3A_1392, %add3A_1389 : vector<32x128xf32>
    %min3A_1394 = vector.broadcast %jit3A_1391 : f32 to vector<32x128xf32>
    %min3A_1395 = arith.minimumf %min3A_1394, %max3A_1393 : vector<32x128xf32>
    %add3A_1396 = arith.constant 0.000000e+00 : f32
    %add3A_1397 = vector.broadcast %add3A_1396 : f32 to vector<32x128xf32>
    %add3A_1398 = arith.addf %floor3A_38, %add3A_1397 : vector<32x128xf32>
    %jit3A_1399 = arith.constant 0.000000e+00 : f32
    %jit3A_1400 = arith.constant 2.550000e+02 : f32
    %max3A_1401 = vector.broadcast %jit3A_1399 : f32 to vector<32x128xf32>
    %max3A_1402 = arith.maximumf %max3A_1401, %add3A_1398 : vector<32x128xf32>
    %min3A_1403 = vector.broadcast %jit3A_1400 : f32 to vector<32x128xf32>
    %min3A_1404 = arith.minimumf %min3A_1403, %max3A_1402 : vector<32x128xf32>
    %add3A_1405 = arith.constant -1.000000e+00 : f32
    %add3A_1406 = vector.broadcast %add3A_1405 : f32 to vector<32x128xf32>
    %add3A_1407 = arith.addf %floor3A_42, %add3A_1406 : vector<32x128xf32>
    %jit3A_1408 = arith.constant 0.000000e+00 : f32
    %jit3A_1409 = arith.constant 1.500000e+01 : f32
    %max3A_1410 = vector.broadcast %jit3A_1408 : f32 to vector<32x128xf32>
    %max3A_1411 = arith.maximumf %max3A_1410, %add3A_1407 : vector<32x128xf32>
    %min3A_1412 = vector.broadcast %jit3A_1409 : f32 to vector<32x128xf32>
    %min3A_1413 = arith.minimumf %min3A_1412, %max3A_1411 : vector<32x128xf32>
    %sub3A_1414 = arith.subf %min3A_1395, %mul3A_19 : vector<32x128xf32>
    %sub3A_1415 = arith.subf %min3A_1404, %mul3A_25 : vector<32x128xf32>
    %sub3A_1416 = arith.subf %min3A_1413, %mul3A_31 : vector<32x128xf32>
    %mul3A_1417 = arith.mulf %mul3A_123, %sub3A_1414 : vector<32x128xf32>
    %mul3A_1418 = arith.mulf %mul3A_1417, %sub3A_1414 : vector<32x128xf32>
    %mul3A_1419 = arith.mulf %mul3A_129, %sub3A_1415 : vector<32x128xf32>
    %mul3A_1420 = arith.mulf %mul3A_1419, %sub3A_1415 : vector<32x128xf32>
    %add3A_1421 = arith.addf %mul3A_1418, %mul3A_1420 : vector<32x128xf32>
    %mul3A_1422 = arith.mulf %mul3A_137, %sub3A_1416 : vector<32x128xf32>
    %mul3A_1423 = arith.mulf %mul3A_1422, %sub3A_1416 : vector<32x128xf32>
    %add3A_1424 = arith.addf %add3A_1421, %mul3A_1423 : vector<32x128xf32>
    %mul3A_1425 = arith.mulf %mul3A_124, %sub3A_1414 : vector<32x128xf32>
    %mul3A_1426 = arith.mulf %mul3A_1425, %sub3A_1415 : vector<32x128xf32>
    %mul3A_1427 = arith.mulf %mul3A_125, %sub3A_1414 : vector<32x128xf32>
    %mul3A_1428 = arith.mulf %mul3A_1427, %sub3A_1416 : vector<32x128xf32>
    %add3A_1429 = arith.addf %mul3A_1426, %mul3A_1428 : vector<32x128xf32>
    %mul3A_1430 = arith.mulf %mul3A_133, %sub3A_1415 : vector<32x128xf32>
    %mul3A_1431 = arith.mulf %mul3A_1430, %sub3A_1416 : vector<32x128xf32>
    %add3A_1432 = arith.addf %add3A_1429, %mul3A_1431 : vector<32x128xf32>
    %mul3A_1433 = arith.constant 2.000000e+00 : f32
    %mul3A_1434 = vector.broadcast %mul3A_1433 : f32 to vector<32x128xf32>
    %mul3A_1435 = arith.mulf %mul3A_1434, %add3A_1432 : vector<32x128xf32>
    %add3A_1436 = arith.addf %add3A_1424, %mul3A_1435 : vector<32x128xf32>
    %mul3A_1437 = arith.constant -5.000000e-01 : f32
    %mul3A_1438 = vector.broadcast %mul3A_1437 : f32 to vector<32x128xf32>
    %mul3A_1439 = arith.mulf %mul3A_1438, %add3A_1436 : vector<32x128xf32>
    %exp3A_1440 = math.exp %mul3A_1439 : vector<32x128xf32>
    %mul3A_1441 = arith.mulf %select_n3A, %exp3A_1440 : vector<32x128xf32>
    %convert_element_type3A_1442 = arith.fptosi %min3A_1395 : vector<32x128xf32> to vector<32x128xi32>
    %convert_element_type3A_1443 = arith.fptosi %min3A_1404 : vector<32x128xf32> to vector<32x128xi32>
    %convert_element_type3A_1444 = arith.fptosi %min3A_1413 : vector<32x128xf32> to vector<32x128xi32>
    %mul3A_1445 = arith.constant 4096 : i32
    %mul3A_1446 = vector.broadcast %mul3A_1445 : i32 to vector<32x128xi32>
    %mul3A_1447 = arith.muli %convert_element_type3A_1443, %mul3A_1446 : vector<32x128xi32>
    %mul3A_1448 = arith.constant 16 : i32
    %mul3A_1449 = vector.broadcast %mul3A_1448 : i32 to vector<32x128xi32>
    %mul3A_1450 = arith.muli %convert_element_type3A_1442, %mul3A_1449 : vector<32x128xi32>
    %add3A_1451 = arith.addi %mul3A_1447, %mul3A_1450 : vector<32x128xi32>
    %add3A_1452 = arith.addi %add3A_1451, %convert_element_type3A_1444 : vector<32x128xi32>
    %select_n3A_1453 = arith.select %lt3A_191, %add3A_1452, %add3A_189 : vector<32x128xi1>, vector<32x128xi32>
    %swap3A_1454 = arith.constant 12 : index
    %swap3A_1455 = arith.constant 0 : index
    %swap3A_1456 = arith.constant 0 : index
    %swap3A_1457 = vector.load %arg5[%swap3A_1454, %swap3A_1455, %swap3A_1456] : memref<27x32x128xi32, #tpu.memory_space<vmem>>, vector<1x32x128xi32>
    %swap3A_1458 = vector.shape_cast %swap3A_1457 : vector<1x32x128xi32> to vector<32x128xi32>
    %swap3A_1459 = vector.shape_cast %select_n3A_1453 : vector<32x128xi32> to vector<1x32x128xi32>
    tpu.vector_store %arg5[%swap3A_1454, %swap3A_1455, %swap3A_1456], %swap3A_1459 {strides = array<i32>} : memref<27x32x128xi32, #tpu.memory_space<vmem>>, vector<1x32x128xi32>,
    %mul3A_1460 = arith.mulf %mul3A_1441, %logistic3A_158 : vector<32x128xf32>
    %swap3A_1461 = arith.constant 12 : index
    %swap3A_1462 = arith.constant 0 : index
    %swap3A_1463 = arith.constant 0 : index
    %swap3A_1464 = vector.load %arg6[%swap3A_1461, %swap3A_1462, %swap3A_1463] : memref<108x32x128xf32, #tpu.memory_space<vmem>>, vector<1x32x128xf32>
    %swap3A_1465 = vector.shape_cast %swap3A_1464 : vector<1x32x128xf32> to vector<32x128xf32>
    %swap3A_1466 = vector.shape_cast %mul3A_1460 : vector<32x128xf32> to vector<1x32x128xf32>
    tpu.vector_store %arg6[%swap3A_1461, %swap3A_1462, %swap3A_1463], %swap3A_1466 {strides = array<i32>} : memref<108x32x128xf32, #tpu.memory_space<vmem>>, vector<1x32x128xf32>,
    %mul3A_1467 = arith.mulf %mul3A_1441, %logistic3A_169 : vector<32x128xf32>
    %swap3A_1468 = arith.constant 39 : index
    %swap3A_1469 = arith.constant 0 : index
    %swap3A_1470 = arith.constant 0 : index
    %swap3A_1471 = vector.load %arg6[%swap3A_1468, %swap3A_1469, %swap3A_1470] : memref<108x32x128xf32, #tpu.memory_space<vmem>>, vector<1x32x128xf32>
    %swap3A_1472 = vector.shape_cast %swap3A_1471 : vector<1x32x128xf32> to vector<32x128xf32>
    %swap3A_1473 = vector.shape_cast %mul3A_1467 : vector<32x128xf32> to vector<1x32x128xf32>
    tpu.vector_store %arg6[%swap3A_1468, %swap3A_1469, %swap3A_1470], %swap3A_1473 {strides = array<i32>} : memref<108x32x128xf32, #tpu.memory_space<vmem>>, vector<1x32x128xf32>,
    %mul3A_1474 = arith.mulf %mul3A_1441, %logistic3A_180 : vector<32x128xf32>
    %swap3A_1475 = arith.constant 66 : index
    %swap3A_1476 = arith.constant 0 : index
    %swap3A_1477 = arith.constant 0 : index
    %swap3A_1478 = vector.load %arg6[%swap3A_1475, %swap3A_1476, %swap3A_1477] : memref<108x32x128xf32, #tpu.memory_space<vmem>>, vector<1x32x128xf32>
    %swap3A_1479 = vector.shape_cast %swap3A_1478 : vector<1x32x128xf32> to vector<32x128xf32>
    %swap3A_1480 = vector.shape_cast %mul3A_1474 : vector<32x128xf32> to vector<1x32x128xf32>
    tpu.vector_store %arg6[%swap3A_1475, %swap3A_1476, %swap3A_1477], %swap3A_1480 {strides = array<i32>} : memref<108x32x128xf32, #tpu.memory_space<vmem>>, vector<1x32x128xf32>,
    %swap3A_1481 = arith.constant 93 : index
    %swap3A_1482 = arith.constant 0 : index
    %swap3A_1483 = arith.constant 0 : index
    %swap3A_1484 = vector.load %arg6[%swap3A_1481, %swap3A_1482, %swap3A_1483] : memref<108x32x128xf32, #tpu.memory_space<vmem>>, vector<1x32x128xf32>
    %swap3A_1485 = vector.shape_cast %swap3A_1484 : vector<1x32x128xf32> to vector<32x128xf32>
    %swap3A_1486 = vector.shape_cast %mul3A_1441 : vector<32x128xf32> to vector<1x32x128xf32>
    tpu.vector_store %arg6[%swap3A_1481, %swap3A_1482, %swap3A_1483], %swap3A_1486 {strides = array<i32>} : memref<108x32x128xf32, #tpu.memory_space<vmem>>, vector<1x32x128xf32>,
    %add3A_1487 = arith.constant 0.000000e+00 : f32
    %add3A_1488 = vector.broadcast %add3A_1487 : f32 to vector<32x128xf32>
    %add3A_1489 = arith.addf %floor3A, %add3A_1488 : vector<32x128xf32>
    %jit3A_1490 = arith.constant 0.000000e+00 : f32
    %jit3A_1491 = arith.constant 2.550000e+02 : f32
    %max3A_1492 = vector.broadcast %jit3A_1490 : f32 to vector<32x128xf32>
    %max3A_1493 = arith.maximumf %max3A_1492, %add3A_1489 : vector<32x128xf32>
    %min3A_1494 = vector.broadcast %jit3A_1491 : f32 to vector<32x128xf32>
    %min3A_1495 = arith.minimumf %min3A_1494, %max3A_1493 : vector<32x128xf32>
    %add3A_1496 = arith.constant 0.000000e+00 : f32
    %add3A_1497 = vector.broadcast %add3A_1496 : f32 to vector<32x128xf32>
    %add3A_1498 = arith.addf %floor3A_38, %add3A_1497 : vector<32x128xf32>
    %jit3A_1499 = arith.constant 0.000000e+00 : f32
    %jit3A_1500 = arith.constant 2.550000e+02 : f32
    %max3A_1501 = vector.broadcast %jit3A_1499 : f32 to vector<32x128xf32>
    %max3A_1502 = arith.maximumf %max3A_1501, %add3A_1498 : vector<32x128xf32>
    %min3A_1503 = vector.broadcast %jit3A_1500 : f32 to vector<32x128xf32>
    %min3A_1504 = arith.minimumf %min3A_1503, %max3A_1502 : vector<32x128xf32>
    %add3A_1505 = arith.constant 0.000000e+00 : f32
    %add3A_1506 = vector.broadcast %add3A_1505 : f32 to vector<32x128xf32>
    %add3A_1507 = arith.addf %floor3A_42, %add3A_1506 : vector<32x128xf32>
    %jit3A_1508 = arith.constant 0.000000e+00 : f32
    %jit3A_1509 = arith.constant 1.500000e+01 : f32
    %max3A_1510 = vector.broadcast %jit3A_1508 : f32 to vector<32x128xf32>
    %max3A_1511 = arith.maximumf %max3A_1510, %add3A_1507 : vector<32x128xf32>
    %min3A_1512 = vector.broadcast %jit3A_1509 : f32 to vector<32x128xf32>
    %min3A_1513 = arith.minimumf %min3A_1512, %max3A_1511 : vector<32x128xf32>
    %sub3A_1514 = arith.subf %min3A_1495, %mul3A_19 : vector<32x128xf32>
    %sub3A_1515 = arith.subf %min3A_1504, %mul3A_25 : vector<32x128xf32>
    %sub3A_1516 = arith.subf %min3A_1513, %mul3A_31 : vector<32x128xf32>
    %mul3A_1517 = arith.mulf %mul3A_123, %sub3A_1514 : vector<32x128xf32>
    %mul3A_1518 = arith.mulf %mul3A_1517, %sub3A_1514 : vector<32x128xf32>
    %mul3A_1519 = arith.mulf %mul3A_129, %sub3A_1515 : vector<32x128xf32>
    %mul3A_1520 = arith.mulf %mul3A_1519, %sub3A_1515 : vector<32x128xf32>
    %add3A_1521 = arith.addf %mul3A_1518, %mul3A_1520 : vector<32x128xf32>
    %mul3A_1522 = arith.mulf %mul3A_137, %sub3A_1516 : vector<32x128xf32>
    %mul3A_1523 = arith.mulf %mul3A_1522, %sub3A_1516 : vector<32x128xf32>
    %add3A_1524 = arith.addf %add3A_1521, %mul3A_1523 : vector<32x128xf32>
    %mul3A_1525 = arith.mulf %mul3A_124, %sub3A_1514 : vector<32x128xf32>
    %mul3A_1526 = arith.mulf %mul3A_1525, %sub3A_1515 : vector<32x128xf32>
    %mul3A_1527 = arith.mulf %mul3A_125, %sub3A_1514 : vector<32x128xf32>
    %mul3A_1528 = arith.mulf %mul3A_1527, %sub3A_1516 : vector<32x128xf32>
    %add3A_1529 = arith.addf %mul3A_1526, %mul3A_1528 : vector<32x128xf32>
    %mul3A_1530 = arith.mulf %mul3A_133, %sub3A_1515 : vector<32x128xf32>
    %mul3A_1531 = arith.mulf %mul3A_1530, %sub3A_1516 : vector<32x128xf32>
    %add3A_1532 = arith.addf %add3A_1529, %mul3A_1531 : vector<32x128xf32>
    %mul3A_1533 = arith.constant 2.000000e+00 : f32
    %mul3A_1534 = vector.broadcast %mul3A_1533 : f32 to vector<32x128xf32>
    %mul3A_1535 = arith.mulf %mul3A_1534, %add3A_1532 : vector<32x128xf32>
    %add3A_1536 = arith.addf %add3A_1524, %mul3A_1535 : vector<32x128xf32>
    %mul3A_1537 = arith.constant -5.000000e-01 : f32
    %mul3A_1538 = vector.broadcast %mul3A_1537 : f32 to vector<32x128xf32>
    %mul3A_1539 = arith.mulf %mul3A_1538, %add3A_1536 : vector<32x128xf32>
    %exp3A_1540 = math.exp %mul3A_1539 : vector<32x128xf32>
    %mul3A_1541 = arith.mulf %select_n3A, %exp3A_1540 : vector<32x128xf32>
    %convert_element_type3A_1542 = arith.fptosi %min3A_1495 : vector<32x128xf32> to vector<32x128xi32>
    %convert_element_type3A_1543 = arith.fptosi %min3A_1504 : vector<32x128xf32> to vector<32x128xi32>
    %convert_element_type3A_1544 = arith.fptosi %min3A_1513 : vector<32x128xf32> to vector<32x128xi32>
    %mul3A_1545 = arith.constant 4096 : i32
    %mul3A_1546 = vector.broadcast %mul3A_1545 : i32 to vector<32x128xi32>
    %mul3A_1547 = arith.muli %convert_element_type3A_1543, %mul3A_1546 : vector<32x128xi32>
    %mul3A_1548 = arith.constant 16 : i32
    %mul3A_1549 = vector.broadcast %mul3A_1548 : i32 to vector<32x128xi32>
    %mul3A_1550 = arith.muli %convert_element_type3A_1542, %mul3A_1549 : vector<32x128xi32>
    %add3A_1551 = arith.addi %mul3A_1547, %mul3A_1550 : vector<32x128xi32>
    %add3A_1552 = arith.addi %add3A_1551, %convert_element_type3A_1544 : vector<32x128xi32>
    %select_n3A_1553 = arith.select %lt3A_191, %add3A_1552, %add3A_189 : vector<32x128xi1>, vector<32x128xi32>
    %swap3A_1554 = arith.constant 13 : index
    %swap3A_1555 = arith.constant 0 : index
    %swap3A_1556 = arith.constant 0 : index
    %swap3A_1557 = vector.load %arg5[%swap3A_1554, %swap3A_1555, %swap3A_1556] : memref<27x32x128xi32, #tpu.memory_space<vmem>>, vector<1x32x128xi32>
    %swap3A_1558 = vector.shape_cast %swap3A_1557 : vector<1x32x128xi32> to vector<32x128xi32>
    %swap3A_1559 = vector.shape_cast %select_n3A_1553 : vector<32x128xi32> to vector<1x32x128xi32>
    tpu.vector_store %arg5[%swap3A_1554, %swap3A_1555, %swap3A_1556], %swap3A_1559 {strides = array<i32>} : memref<27x32x128xi32, #tpu.memory_space<vmem>>, vector<1x32x128xi32>,
    %mul3A_1560 = arith.mulf %mul3A_1541, %logistic3A_158 : vector<32x128xf32>
    %swap3A_1561 = arith.constant 13 : index
    %swap3A_1562 = arith.constant 0 : index
    %swap3A_1563 = arith.constant 0 : index
    %swap3A_1564 = vector.load %arg6[%swap3A_1561, %swap3A_1562, %swap3A_1563] : memref<108x32x128xf32, #tpu.memory_space<vmem>>, vector<1x32x128xf32>
    %swap3A_1565 = vector.shape_cast %swap3A_1564 : vector<1x32x128xf32> to vector<32x128xf32>
    %swap3A_1566 = vector.shape_cast %mul3A_1560 : vector<32x128xf32> to vector<1x32x128xf32>
    tpu.vector_store %arg6[%swap3A_1561, %swap3A_1562, %swap3A_1563], %swap3A_1566 {strides = array<i32>} : memref<108x32x128xf32, #tpu.memory_space<vmem>>, vector<1x32x128xf32>,
    %mul3A_1567 = arith.mulf %mul3A_1541, %logistic3A_169 : vector<32x128xf32>
    %swap3A_1568 = arith.constant 40 : index
    %swap3A_1569 = arith.constant 0 : index
    %swap3A_1570 = arith.constant 0 : index
    %swap3A_1571 = vector.load %arg6[%swap3A_1568, %swap3A_1569, %swap3A_1570] : memref<108x32x128xf32, #tpu.memory_space<vmem>>, vector<1x32x128xf32>
    %swap3A_1572 = vector.shape_cast %swap3A_1571 : vector<1x32x128xf32> to vector<32x128xf32>
    %swap3A_1573 = vector.shape_cast %mul3A_1567 : vector<32x128xf32> to vector<1x32x128xf32>
    tpu.vector_store %arg6[%swap3A_1568, %swap3A_1569, %swap3A_1570], %swap3A_1573 {strides = array<i32>} : memref<108x32x128xf32, #tpu.memory_space<vmem>>, vector<1x32x128xf32>,
    %mul3A_1574 = arith.mulf %mul3A_1541, %logistic3A_180 : vector<32x128xf32>
    %swap3A_1575 = arith.constant 67 : index
    %swap3A_1576 = arith.constant 0 : index
    %swap3A_1577 = arith.constant 0 : index
    %swap3A_1578 = vector.load %arg6[%swap3A_1575, %swap3A_1576, %swap3A_1577] : memref<108x32x128xf32, #tpu.memory_space<vmem>>, vector<1x32x128xf32>
    %swap3A_1579 = vector.shape_cast %swap3A_1578 : vector<1x32x128xf32> to vector<32x128xf32>
    %swap3A_1580 = vector.shape_cast %mul3A_1574 : vector<32x128xf32> to vector<1x32x128xf32>
    tpu.vector_store %arg6[%swap3A_1575, %swap3A_1576, %swap3A_1577], %swap3A_1580 {strides = array<i32>} : memref<108x32x128xf32, #tpu.memory_space<vmem>>, vector<1x32x128xf32>,
    %swap3A_1581 = arith.constant 94 : index
    %swap3A_1582 = arith.constant 0 : index
    %swap3A_1583 = arith.constant 0 : index
    %swap3A_1584 = vector.load %arg6[%swap3A_1581, %swap3A_1582, %swap3A_1583] : memref<108x32x128xf32, #tpu.memory_space<vmem>>, vector<1x32x128xf32>
    %swap3A_1585 = vector.shape_cast %swap3A_1584 : vector<1x32x128xf32> to vector<32x128xf32>
    %swap3A_1586 = vector.shape_cast %mul3A_1541 : vector<32x128xf32> to vector<1x32x128xf32>
    tpu.vector_store %arg6[%swap3A_1581, %swap3A_1582, %swap3A_1583], %swap3A_1586 {strides = array<i32>} : memref<108x32x128xf32, #tpu.memory_space<vmem>>, vector<1x32x128xf32>,
    %add3A_1587 = arith.constant 0.000000e+00 : f32
    %add3A_1588 = vector.broadcast %add3A_1587 : f32 to vector<32x128xf32>
    %add3A_1589 = arith.addf %floor3A, %add3A_1588 : vector<32x128xf32>
    %jit3A_1590 = arith.constant 0.000000e+00 : f32
    %jit3A_1591 = arith.constant 2.550000e+02 : f32
    %max3A_1592 = vector.broadcast %jit3A_1590 : f32 to vector<32x128xf32>
    %max3A_1593 = arith.maximumf %max3A_1592, %add3A_1589 : vector<32x128xf32>
    %min3A_1594 = vector.broadcast %jit3A_1591 : f32 to vector<32x128xf32>
    %min3A_1595 = arith.minimumf %min3A_1594, %max3A_1593 : vector<32x128xf32>
    %add3A_1596 = arith.constant 0.000000e+00 : f32
    %add3A_1597 = vector.broadcast %add3A_1596 : f32 to vector<32x128xf32>
    %add3A_1598 = arith.addf %floor3A_38, %add3A_1597 : vector<32x128xf32>
    %jit3A_1599 = arith.constant 0.000000e+00 : f32
    %jit3A_1600 = arith.constant 2.550000e+02 : f32
    %max3A_1601 = vector.broadcast %jit3A_1599 : f32 to vector<32x128xf32>
    %max3A_1602 = arith.maximumf %max3A_1601, %add3A_1598 : vector<32x128xf32>
    %min3A_1603 = vector.broadcast %jit3A_1600 : f32 to vector<32x128xf32>
    %min3A_1604 = arith.minimumf %min3A_1603, %max3A_1602 : vector<32x128xf32>
    %add3A_1605 = arith.constant 1.000000e+00 : f32
    %add3A_1606 = vector.broadcast %add3A_1605 : f32 to vector<32x128xf32>
    %add3A_1607 = arith.addf %floor3A_42, %add3A_1606 : vector<32x128xf32>
    %jit3A_1608 = arith.constant 0.000000e+00 : f32
    %jit3A_1609 = arith.constant 1.500000e+01 : f32
    %max3A_1610 = vector.broadcast %jit3A_1608 : f32 to vector<32x128xf32>
    %max3A_1611 = arith.maximumf %max3A_1610, %add3A_1607 : vector<32x128xf32>
    %min3A_1612 = vector.broadcast %jit3A_1609 : f32 to vector<32x128xf32>
    %min3A_1613 = arith.minimumf %min3A_1612, %max3A_1611 : vector<32x128xf32>
    %sub3A_1614 = arith.subf %min3A_1595, %mul3A_19 : vector<32x128xf32>
    %sub3A_1615 = arith.subf %min3A_1604, %mul3A_25 : vector<32x128xf32>
    %sub3A_1616 = arith.subf %min3A_1613, %mul3A_31 : vector<32x128xf32>
    %mul3A_1617 = arith.mulf %mul3A_123, %sub3A_1614 : vector<32x128xf32>
    %mul3A_1618 = arith.mulf %mul3A_1617, %sub3A_1614 : vector<32x128xf32>
    %mul3A_1619 = arith.mulf %mul3A_129, %sub3A_1615 : vector<32x128xf32>
    %mul3A_1620 = arith.mulf %mul3A_1619, %sub3A_1615 : vector<32x128xf32>
    %add3A_1621 = arith.addf %mul3A_1618, %mul3A_1620 : vector<32x128xf32>
    %mul3A_1622 = arith.mulf %mul3A_137, %sub3A_1616 : vector<32x128xf32>
    %mul3A_1623 = arith.mulf %mul3A_1622, %sub3A_1616 : vector<32x128xf32>
    %add3A_1624 = arith.addf %add3A_1621, %mul3A_1623 : vector<32x128xf32>
    %mul3A_1625 = arith.mulf %mul3A_124, %sub3A_1614 : vector<32x128xf32>
    %mul3A_1626 = arith.mulf %mul3A_1625, %sub3A_1615 : vector<32x128xf32>
    %mul3A_1627 = arith.mulf %mul3A_125, %sub3A_1614 : vector<32x128xf32>
    %mul3A_1628 = arith.mulf %mul3A_1627, %sub3A_1616 : vector<32x128xf32>
    %add3A_1629 = arith.addf %mul3A_1626, %mul3A_1628 : vector<32x128xf32>
    %mul3A_1630 = arith.mulf %mul3A_133, %sub3A_1615 : vector<32x128xf32>
    %mul3A_1631 = arith.mulf %mul3A_1630, %sub3A_1616 : vector<32x128xf32>
    %add3A_1632 = arith.addf %add3A_1629, %mul3A_1631 : vector<32x128xf32>
    %mul3A_1633 = arith.constant 2.000000e+00 : f32
    %mul3A_1634 = vector.broadcast %mul3A_1633 : f32 to vector<32x128xf32>
    %mul3A_1635 = arith.mulf %mul3A_1634, %add3A_1632 : vector<32x128xf32>
    %add3A_1636 = arith.addf %add3A_1624, %mul3A_1635 : vector<32x128xf32>
    %mul3A_1637 = arith.constant -5.000000e-01 : f32
    %mul3A_1638 = vector.broadcast %mul3A_1637 : f32 to vector<32x128xf32>
    %mul3A_1639 = arith.mulf %mul3A_1638, %add3A_1636 : vector<32x128xf32>
    %exp3A_1640 = math.exp %mul3A_1639 : vector<32x128xf32>
    %mul3A_1641 = arith.mulf %select_n3A, %exp3A_1640 : vector<32x128xf32>
    %convert_element_type3A_1642 = arith.fptosi %min3A_1595 : vector<32x128xf32> to vector<32x128xi32>
    %convert_element_type3A_1643 = arith.fptosi %min3A_1604 : vector<32x128xf32> to vector<32x128xi32>
    %convert_element_type3A_1644 = arith.fptosi %min3A_1613 : vector<32x128xf32> to vector<32x128xi32>
    %mul3A_1645 = arith.constant 4096 : i32
    %mul3A_1646 = vector.broadcast %mul3A_1645 : i32 to vector<32x128xi32>
    %mul3A_1647 = arith.muli %convert_element_type3A_1643, %mul3A_1646 : vector<32x128xi32>
    %mul3A_1648 = arith.constant 16 : i32
    %mul3A_1649 = vector.broadcast %mul3A_1648 : i32 to vector<32x128xi32>
    %mul3A_1650 = arith.muli %convert_element_type3A_1642, %mul3A_1649 : vector<32x128xi32>
    %add3A_1651 = arith.addi %mul3A_1647, %mul3A_1650 : vector<32x128xi32>
    %add3A_1652 = arith.addi %add3A_1651, %convert_element_type3A_1644 : vector<32x128xi32>
    %select_n3A_1653 = arith.select %lt3A_191, %add3A_1652, %add3A_189 : vector<32x128xi1>, vector<32x128xi32>
    %swap3A_1654 = arith.constant 14 : index
    %swap3A_1655 = arith.constant 0 : index
    %swap3A_1656 = arith.constant 0 : index
    %swap3A_1657 = vector.load %arg5[%swap3A_1654, %swap3A_1655, %swap3A_1656] : memref<27x32x128xi32, #tpu.memory_space<vmem>>, vector<1x32x128xi32>
    %swap3A_1658 = vector.shape_cast %swap3A_1657 : vector<1x32x128xi32> to vector<32x128xi32>
    %swap3A_1659 = vector.shape_cast %select_n3A_1653 : vector<32x128xi32> to vector<1x32x128xi32>
    tpu.vector_store %arg5[%swap3A_1654, %swap3A_1655, %swap3A_1656], %swap3A_1659 {strides = array<i32>} : memref<27x32x128xi32, #tpu.memory_space<vmem>>, vector<1x32x128xi32>,
    %mul3A_1660 = arith.mulf %mul3A_1641, %logistic3A_158 : vector<32x128xf32>
    %swap3A_1661 = arith.constant 14 : index
    %swap3A_1662 = arith.constant 0 : index
    %swap3A_1663 = arith.constant 0 : index
    %swap3A_1664 = vector.load %arg6[%swap3A_1661, %swap3A_1662, %swap3A_1663] : memref<108x32x128xf32, #tpu.memory_space<vmem>>, vector<1x32x128xf32>
    %swap3A_1665 = vector.shape_cast %swap3A_1664 : vector<1x32x128xf32> to vector<32x128xf32>
    %swap3A_1666 = vector.shape_cast %mul3A_1660 : vector<32x128xf32> to vector<1x32x128xf32>
    tpu.vector_store %arg6[%swap3A_1661, %swap3A_1662, %swap3A_1663], %swap3A_1666 {strides = array<i32>} : memref<108x32x128xf32, #tpu.memory_space<vmem>>, vector<1x32x128xf32>,
    %mul3A_1667 = arith.mulf %mul3A_1641, %logistic3A_169 : vector<32x128xf32>
    %swap3A_1668 = arith.constant 41 : index
    %swap3A_1669 = arith.constant 0 : index
    %swap3A_1670 = arith.constant 0 : index
    %swap3A_1671 = vector.load %arg6[%swap3A_1668, %swap3A_1669, %swap3A_1670] : memref<108x32x128xf32, #tpu.memory_space<vmem>>, vector<1x32x128xf32>
    %swap3A_1672 = vector.shape_cast %swap3A_1671 : vector<1x32x128xf32> to vector<32x128xf32>
    %swap3A_1673 = vector.shape_cast %mul3A_1667 : vector<32x128xf32> to vector<1x32x128xf32>
    tpu.vector_store %arg6[%swap3A_1668, %swap3A_1669, %swap3A_1670], %swap3A_1673 {strides = array<i32>} : memref<108x32x128xf32, #tpu.memory_space<vmem>>, vector<1x32x128xf32>,
    %mul3A_1674 = arith.mulf %mul3A_1641, %logistic3A_180 : vector<32x128xf32>
    %swap3A_1675 = arith.constant 68 : index
    %swap3A_1676 = arith.constant 0 : index
    %swap3A_1677 = arith.constant 0 : index
    %swap3A_1678 = vector.load %arg6[%swap3A_1675, %swap3A_1676, %swap3A_1677] : memref<108x32x128xf32, #tpu.memory_space<vmem>>, vector<1x32x128xf32>
    %swap3A_1679 = vector.shape_cast %swap3A_1678 : vector<1x32x128xf32> to vector<32x128xf32>
    %swap3A_1680 = vector.shape_cast %mul3A_1674 : vector<32x128xf32> to vector<1x32x128xf32>
    tpu.vector_store %arg6[%swap3A_1675, %swap3A_1676, %swap3A_1677], %swap3A_1680 {strides = array<i32>} : memref<108x32x128xf32, #tpu.memory_space<vmem>>, vector<1x32x128xf32>,
    %swap3A_1681 = arith.constant 95 : index
    %swap3A_1682 = arith.constant 0 : index
    %swap3A_1683 = arith.constant 0 : index
    %swap3A_1684 = vector.load %arg6[%swap3A_1681, %swap3A_1682, %swap3A_1683] : memref<108x32x128xf32, #tpu.memory_space<vmem>>, vector<1x32x128xf32>
    %swap3A_1685 = vector.shape_cast %swap3A_1684 : vector<1x32x128xf32> to vector<32x128xf32>
    %swap3A_1686 = vector.shape_cast %mul3A_1641 : vector<32x128xf32> to vector<1x32x128xf32>
    tpu.vector_store %arg6[%swap3A_1681, %swap3A_1682, %swap3A_1683], %swap3A_1686 {strides = array<i32>} : memref<108x32x128xf32, #tpu.memory_space<vmem>>, vector<1x32x128xf32>,
    %add3A_1687 = arith.constant 0.000000e+00 : f32
    %add3A_1688 = vector.broadcast %add3A_1687 : f32 to vector<32x128xf32>
    %add3A_1689 = arith.addf %floor3A, %add3A_1688 : vector<32x128xf32>
    %jit3A_1690 = arith.constant 0.000000e+00 : f32
    %jit3A_1691 = arith.constant 2.550000e+02 : f32
    %max3A_1692 = vector.broadcast %jit3A_1690 : f32 to vector<32x128xf32>
    %max3A_1693 = arith.maximumf %max3A_1692, %add3A_1689 : vector<32x128xf32>
    %min3A_1694 = vector.broadcast %jit3A_1691 : f32 to vector<32x128xf32>
    %min3A_1695 = arith.minimumf %min3A_1694, %max3A_1693 : vector<32x128xf32>
    %add3A_1696 = arith.constant 1.000000e+00 : f32
    %add3A_1697 = vector.broadcast %add3A_1696 : f32 to vector<32x128xf32>
    %add3A_1698 = arith.addf %floor3A_38, %add3A_1697 : vector<32x128xf32>
    %jit3A_1699 = arith.constant 0.000000e+00 : f32
    %jit3A_1700 = arith.constant 2.550000e+02 : f32
    %max3A_1701 = vector.broadcast %jit3A_1699 : f32 to vector<32x128xf32>
    %max3A_1702 = arith.maximumf %max3A_1701, %add3A_1698 : vector<32x128xf32>
    %min3A_1703 = vector.broadcast %jit3A_1700 : f32 to vector<32x128xf32>
    %min3A_1704 = arith.minimumf %min3A_1703, %max3A_1702 : vector<32x128xf32>
    %add3A_1705 = arith.constant -1.000000e+00 : f32
    %add3A_1706 = vector.broadcast %add3A_1705 : f32 to vector<32x128xf32>
    %add3A_1707 = arith.addf %floor3A_42, %add3A_1706 : vector<32x128xf32>
    %jit3A_1708 = arith.constant 0.000000e+00 : f32
    %jit3A_1709 = arith.constant 1.500000e+01 : f32
    %max3A_1710 = vector.broadcast %jit3A_1708 : f32 to vector<32x128xf32>
    %max3A_1711 = arith.maximumf %max3A_1710, %add3A_1707 : vector<32x128xf32>
    %min3A_1712 = vector.broadcast %jit3A_1709 : f32 to vector<32x128xf32>
    %min3A_1713 = arith.minimumf %min3A_1712, %max3A_1711 : vector<32x128xf32>
    %sub3A_1714 = arith.subf %min3A_1695, %mul3A_19 : vector<32x128xf32>
    %sub3A_1715 = arith.subf %min3A_1704, %mul3A_25 : vector<32x128xf32>
    %sub3A_1716 = arith.subf %min3A_1713, %mul3A_31 : vector<32x128xf32>
    %mul3A_1717 = arith.mulf %mul3A_123, %sub3A_1714 : vector<32x128xf32>
    %mul3A_1718 = arith.mulf %mul3A_1717, %sub3A_1714 : vector<32x128xf32>
    %mul3A_1719 = arith.mulf %mul3A_129, %sub3A_1715 : vector<32x128xf32>
    %mul3A_1720 = arith.mulf %mul3A_1719, %sub3A_1715 : vector<32x128xf32>
    %add3A_1721 = arith.addf %mul3A_1718, %mul3A_1720 : vector<32x128xf32>
    %mul3A_1722 = arith.mulf %mul3A_137, %sub3A_1716 : vector<32x128xf32>
    %mul3A_1723 = arith.mulf %mul3A_1722, %sub3A_1716 : vector<32x128xf32>
    %add3A_1724 = arith.addf %add3A_1721, %mul3A_1723 : vector<32x128xf32>
    %mul3A_1725 = arith.mulf %mul3A_124, %sub3A_1714 : vector<32x128xf32>
    %mul3A_1726 = arith.mulf %mul3A_1725, %sub3A_1715 : vector<32x128xf32>
    %mul3A_1727 = arith.mulf %mul3A_125, %sub3A_1714 : vector<32x128xf32>
    %mul3A_1728 = arith.mulf %mul3A_1727, %sub3A_1716 : vector<32x128xf32>
    %add3A_1729 = arith.addf %mul3A_1726, %mul3A_1728 : vector<32x128xf32>
    %mul3A_1730 = arith.mulf %mul3A_133, %sub3A_1715 : vector<32x128xf32>
    %mul3A_1731 = arith.mulf %mul3A_1730, %sub3A_1716 : vector<32x128xf32>
    %add3A_1732 = arith.addf %add3A_1729, %mul3A_1731 : vector<32x128xf32>
    %mul3A_1733 = arith.constant 2.000000e+00 : f32
    %mul3A_1734 = vector.broadcast %mul3A_1733 : f32 to vector<32x128xf32>
    %mul3A_1735 = arith.mulf %mul3A_1734, %add3A_1732 : vector<32x128xf32>
    %add3A_1736 = arith.addf %add3A_1724, %mul3A_1735 : vector<32x128xf32>
    %mul3A_1737 = arith.constant -5.000000e-01 : f32
    %mul3A_1738 = vector.broadcast %mul3A_1737 : f32 to vector<32x128xf32>
    %mul3A_1739 = arith.mulf %mul3A_1738, %add3A_1736 : vector<32x128xf32>
    %exp3A_1740 = math.exp %mul3A_1739 : vector<32x128xf32>
    %mul3A_1741 = arith.mulf %select_n3A, %exp3A_1740 : vector<32x128xf32>
    %convert_element_type3A_1742 = arith.fptosi %min3A_1695 : vector<32x128xf32> to vector<32x128xi32>
    %convert_element_type3A_1743 = arith.fptosi %min3A_1704 : vector<32x128xf32> to vector<32x128xi32>
    %convert_element_type3A_1744 = arith.fptosi %min3A_1713 : vector<32x128xf32> to vector<32x128xi32>
    %mul3A_1745 = arith.constant 4096 : i32
    %mul3A_1746 = vector.broadcast %mul3A_1745 : i32 to vector<32x128xi32>
    %mul3A_1747 = arith.muli %convert_element_type3A_1743, %mul3A_1746 : vector<32x128xi32>
    %mul3A_1748 = arith.constant 16 : i32
    %mul3A_1749 = vector.broadcast %mul3A_1748 : i32 to vector<32x128xi32>
    %mul3A_1750 = arith.muli %convert_element_type3A_1742, %mul3A_1749 : vector<32x128xi32>
    %add3A_1751 = arith.addi %mul3A_1747, %mul3A_1750 : vector<32x128xi32>
    %add3A_1752 = arith.addi %add3A_1751, %convert_element_type3A_1744 : vector<32x128xi32>
    %select_n3A_1753 = arith.select %lt3A_191, %add3A_1752, %add3A_189 : vector<32x128xi1>, vector<32x128xi32>
    %swap3A_1754 = arith.constant 15 : index
    %swap3A_1755 = arith.constant 0 : index
    %swap3A_1756 = arith.constant 0 : index
    %swap3A_1757 = vector.load %arg5[%swap3A_1754, %swap3A_1755, %swap3A_1756] : memref<27x32x128xi32, #tpu.memory_space<vmem>>, vector<1x32x128xi32>
    %swap3A_1758 = vector.shape_cast %swap3A_1757 : vector<1x32x128xi32> to vector<32x128xi32>
    %swap3A_1759 = vector.shape_cast %select_n3A_1753 : vector<32x128xi32> to vector<1x32x128xi32>
    tpu.vector_store %arg5[%swap3A_1754, %swap3A_1755, %swap3A_1756], %swap3A_1759 {strides = array<i32>} : memref<27x32x128xi32, #tpu.memory_space<vmem>>, vector<1x32x128xi32>,
    %mul3A_1760 = arith.mulf %mul3A_1741, %logistic3A_158 : vector<32x128xf32>
    %swap3A_1761 = arith.constant 15 : index
    %swap3A_1762 = arith.constant 0 : index
    %swap3A_1763 = arith.constant 0 : index
    %swap3A_1764 = vector.load %arg6[%swap3A_1761, %swap3A_1762, %swap3A_1763] : memref<108x32x128xf32, #tpu.memory_space<vmem>>, vector<1x32x128xf32>
    %swap3A_1765 = vector.shape_cast %swap3A_1764 : vector<1x32x128xf32> to vector<32x128xf32>
    %swap3A_1766 = vector.shape_cast %mul3A_1760 : vector<32x128xf32> to vector<1x32x128xf32>
    tpu.vector_store %arg6[%swap3A_1761, %swap3A_1762, %swap3A_1763], %swap3A_1766 {strides = array<i32>} : memref<108x32x128xf32, #tpu.memory_space<vmem>>, vector<1x32x128xf32>,
    %mul3A_1767 = arith.mulf %mul3A_1741, %logistic3A_169 : vector<32x128xf32>
    %swap3A_1768 = arith.constant 42 : index
    %swap3A_1769 = arith.constant 0 : index
    %swap3A_1770 = arith.constant 0 : index
    %swap3A_1771 = vector.load %arg6[%swap3A_1768, %swap3A_1769, %swap3A_1770] : memref<108x32x128xf32, #tpu.memory_space<vmem>>, vector<1x32x128xf32>
    %swap3A_1772 = vector.shape_cast %swap3A_1771 : vector<1x32x128xf32> to vector<32x128xf32>
    %swap3A_1773 = vector.shape_cast %mul3A_1767 : vector<32x128xf32> to vector<1x32x128xf32>
    tpu.vector_store %arg6[%swap3A_1768, %swap3A_1769, %swap3A_1770], %swap3A_1773 {strides = array<i32>} : memref<108x32x128xf32, #tpu.memory_space<vmem>>, vector<1x32x128xf32>,
    %mul3A_1774 = arith.mulf %mul3A_1741, %logistic3A_180 : vector<32x128xf32>
    %swap3A_1775 = arith.constant 69 : index
    %swap3A_1776 = arith.constant 0 : index
    %swap3A_1777 = arith.constant 0 : index
    %swap3A_1778 = vector.load %arg6[%swap3A_1775, %swap3A_1776, %swap3A_1777] : memref<108x32x128xf32, #tpu.memory_space<vmem>>, vector<1x32x128xf32>
    %swap3A_1779 = vector.shape_cast %swap3A_1778 : vector<1x32x128xf32> to vector<32x128xf32>
    %swap3A_1780 = vector.shape_cast %mul3A_1774 : vector<32x128xf32> to vector<1x32x128xf32>
    tpu.vector_store %arg6[%swap3A_1775, %swap3A_1776, %swap3A_1777], %swap3A_1780 {strides = array<i32>} : memref<108x32x128xf32, #tpu.memory_space<vmem>>, vector<1x32x128xf32>,
    %swap3A_1781 = arith.constant 96 : index
    %swap3A_1782 = arith.constant 0 : index
    %swap3A_1783 = arith.constant 0 : index
    %swap3A_1784 = vector.load %arg6[%swap3A_1781, %swap3A_1782, %swap3A_1783] : memref<108x32x128xf32, #tpu.memory_space<vmem>>, vector<1x32x128xf32>
    %swap3A_1785 = vector.shape_cast %swap3A_1784 : vector<1x32x128xf32> to vector<32x128xf32>
    %swap3A_1786 = vector.shape_cast %mul3A_1741 : vector<32x128xf32> to vector<1x32x128xf32>
    tpu.vector_store %arg6[%swap3A_1781, %swap3A_1782, %swap3A_1783], %swap3A_1786 {strides = array<i32>} : memref<108x32x128xf32, #tpu.memory_space<vmem>>, vector<1x32x128xf32>,
    %add3A_1787 = arith.constant 0.000000e+00 : f32
    %add3A_1788 = vector.broadcast %add3A_1787 : f32 to vector<32x128xf32>
    %add3A_1789 = arith.addf %floor3A, %add3A_1788 : vector<32x128xf32>
    %jit3A_1790 = arith.constant 0.000000e+00 : f32
    %jit3A_1791 = arith.constant 2.550000e+02 : f32
    %max3A_1792 = vector.broadcast %jit3A_1790 : f32 to vector<32x128xf32>
    %max3A_1793 = arith.maximumf %max3A_1792, %add3A_1789 : vector<32x128xf32>
    %min3A_1794 = vector.broadcast %jit3A_1791 : f32 to vector<32x128xf32>
    %min3A_1795 = arith.minimumf %min3A_1794, %max3A_1793 : vector<32x128xf32>
    %add3A_1796 = arith.constant 1.000000e+00 : f32
    %add3A_1797 = vector.broadcast %add3A_1796 : f32 to vector<32x128xf32>
    %add3A_1798 = arith.addf %floor3A_38, %add3A_1797 : vector<32x128xf32>
    %jit3A_1799 = arith.constant 0.000000e+00 : f32
    %jit3A_1800 = arith.constant 2.550000e+02 : f32
    %max3A_1801 = vector.broadcast %jit3A_1799 : f32 to vector<32x128xf32>
    %max3A_1802 = arith.maximumf %max3A_1801, %add3A_1798 : vector<32x128xf32>
    %min3A_1803 = vector.broadcast %jit3A_1800 : f32 to vector<32x128xf32>
    %min3A_1804 = arith.minimumf %min3A_1803, %max3A_1802 : vector<32x128xf32>
    %add3A_1805 = arith.constant 0.000000e+00 : f32
    %add3A_1806 = vector.broadcast %add3A_1805 : f32 to vector<32x128xf32>
    %add3A_1807 = arith.addf %floor3A_42, %add3A_1806 : vector<32x128xf32>
    %jit3A_1808 = arith.constant 0.000000e+00 : f32
    %jit3A_1809 = arith.constant 1.500000e+01 : f32
    %max3A_1810 = vector.broadcast %jit3A_1808 : f32 to vector<32x128xf32>
    %max3A_1811 = arith.maximumf %max3A_1810, %add3A_1807 : vector<32x128xf32>
    %min3A_1812 = vector.broadcast %jit3A_1809 : f32 to vector<32x128xf32>
    %min3A_1813 = arith.minimumf %min3A_1812, %max3A_1811 : vector<32x128xf32>
    %sub3A_1814 = arith.subf %min3A_1795, %mul3A_19 : vector<32x128xf32>
    %sub3A_1815 = arith.subf %min3A_1804, %mul3A_25 : vector<32x128xf32>
    %sub3A_1816 = arith.subf %min3A_1813, %mul3A_31 : vector<32x128xf32>
    %mul3A_1817 = arith.mulf %mul3A_123, %sub3A_1814 : vector<32x128xf32>
    %mul3A_1818 = arith.mulf %mul3A_1817, %sub3A_1814 : vector<32x128xf32>
    %mul3A_1819 = arith.mulf %mul3A_129, %sub3A_1815 : vector<32x128xf32>
    %mul3A_1820 = arith.mulf %mul3A_1819, %sub3A_1815 : vector<32x128xf32>
    %add3A_1821 = arith.addf %mul3A_1818, %mul3A_1820 : vector<32x128xf32>
    %mul3A_1822 = arith.mulf %mul3A_137, %sub3A_1816 : vector<32x128xf32>
    %mul3A_1823 = arith.mulf %mul3A_1822, %sub3A_1816 : vector<32x128xf32>
    %add3A_1824 = arith.addf %add3A_1821, %mul3A_1823 : vector<32x128xf32>
    %mul3A_1825 = arith.mulf %mul3A_124, %sub3A_1814 : vector<32x128xf32>
    %mul3A_1826 = arith.mulf %mul3A_1825, %sub3A_1815 : vector<32x128xf32>
    %mul3A_1827 = arith.mulf %mul3A_125, %sub3A_1814 : vector<32x128xf32>
    %mul3A_1828 = arith.mulf %mul3A_1827, %sub3A_1816 : vector<32x128xf32>
    %add3A_1829 = arith.addf %mul3A_1826, %mul3A_1828 : vector<32x128xf32>
    %mul3A_1830 = arith.mulf %mul3A_133, %sub3A_1815 : vector<32x128xf32>
    %mul3A_1831 = arith.mulf %mul3A_1830, %sub3A_1816 : vector<32x128xf32>
    %add3A_1832 = arith.addf %add3A_1829, %mul3A_1831 : vector<32x128xf32>
    %mul3A_1833 = arith.constant 2.000000e+00 : f32
    %mul3A_1834 = vector.broadcast %mul3A_1833 : f32 to vector<32x128xf32>
    %mul3A_1835 = arith.mulf %mul3A_1834, %add3A_1832 : vector<32x128xf32>
    %add3A_1836 = arith.addf %add3A_1824, %mul3A_1835 : vector<32x128xf32>
    %mul3A_1837 = arith.constant -5.000000e-01 : f32
    %mul3A_1838 = vector.broadcast %mul3A_1837 : f32 to vector<32x128xf32>
    %mul3A_1839 = arith.mulf %mul3A_1838, %add3A_1836 : vector<32x128xf32>
    %exp3A_1840 = math.exp %mul3A_1839 : vector<32x128xf32>
    %mul3A_1841 = arith.mulf %select_n3A, %exp3A_1840 : vector<32x128xf32>
    %convert_element_type3A_1842 = arith.fptosi %min3A_1795 : vector<32x128xf32> to vector<32x128xi32>
    %convert_element_type3A_1843 = arith.fptosi %min3A_1804 : vector<32x128xf32> to vector<32x128xi32>
    %convert_element_type3A_1844 = arith.fptosi %min3A_1813 : vector<32x128xf32> to vector<32x128xi32>
    %mul3A_1845 = arith.constant 4096 : i32
    %mul3A_1846 = vector.broadcast %mul3A_1845 : i32 to vector<32x128xi32>
    %mul3A_1847 = arith.muli %convert_element_type3A_1843, %mul3A_1846 : vector<32x128xi32>
    %mul3A_1848 = arith.constant 16 : i32
    %mul3A_1849 = vector.broadcast %mul3A_1848 : i32 to vector<32x128xi32>
    %mul3A_1850 = arith.muli %convert_element_type3A_1842, %mul3A_1849 : vector<32x128xi32>
    %add3A_1851 = arith.addi %mul3A_1847, %mul3A_1850 : vector<32x128xi32>
    %add3A_1852 = arith.addi %add3A_1851, %convert_element_type3A_1844 : vector<32x128xi32>
    %select_n3A_1853 = arith.select %lt3A_191, %add3A_1852, %add3A_189 : vector<32x128xi1>, vector<32x128xi32>
    %swap3A_1854 = arith.constant 16 : index
    %swap3A_1855 = arith.constant 0 : index
    %swap3A_1856 = arith.constant 0 : index
    %swap3A_1857 = vector.load %arg5[%swap3A_1854, %swap3A_1855, %swap3A_1856] : memref<27x32x128xi32, #tpu.memory_space<vmem>>, vector<1x32x128xi32>
    %swap3A_1858 = vector.shape_cast %swap3A_1857 : vector<1x32x128xi32> to vector<32x128xi32>
    %swap3A_1859 = vector.shape_cast %select_n3A_1853 : vector<32x128xi32> to vector<1x32x128xi32>
    tpu.vector_store %arg5[%swap3A_1854, %swap3A_1855, %swap3A_1856], %swap3A_1859 {strides = array<i32>} : memref<27x32x128xi32, #tpu.memory_space<vmem>>, vector<1x32x128xi32>,
    %mul3A_1860 = arith.mulf %mul3A_1841, %logistic3A_158 : vector<32x128xf32>
    %swap3A_1861 = arith.constant 16 : index
    %swap3A_1862 = arith.constant 0 : index
    %swap3A_1863 = arith.constant 0 : index
    %swap3A_1864 = vector.load %arg6[%swap3A_1861, %swap3A_1862, %swap3A_1863] : memref<108x32x128xf32, #tpu.memory_space<vmem>>, vector<1x32x128xf32>
    %swap3A_1865 = vector.shape_cast %swap3A_1864 : vector<1x32x128xf32> to vector<32x128xf32>
    %swap3A_1866 = vector.shape_cast %mul3A_1860 : vector<32x128xf32> to vector<1x32x128xf32>
    tpu.vector_store %arg6[%swap3A_1861, %swap3A_1862, %swap3A_1863], %swap3A_1866 {strides = array<i32>} : memref<108x32x128xf32, #tpu.memory_space<vmem>>, vector<1x32x128xf32>,
    %mul3A_1867 = arith.mulf %mul3A_1841, %logistic3A_169 : vector<32x128xf32>
    %swap3A_1868 = arith.constant 43 : index
    %swap3A_1869 = arith.constant 0 : index
    %swap3A_1870 = arith.constant 0 : index
    %swap3A_1871 = vector.load %arg6[%swap3A_1868, %swap3A_1869, %swap3A_1870] : memref<108x32x128xf32, #tpu.memory_space<vmem>>, vector<1x32x128xf32>
    %swap3A_1872 = vector.shape_cast %swap3A_1871 : vector<1x32x128xf32> to vector<32x128xf32>
    %swap3A_1873 = vector.shape_cast %mul3A_1867 : vector<32x128xf32> to vector<1x32x128xf32>
    tpu.vector_store %arg6[%swap3A_1868, %swap3A_1869, %swap3A_1870], %swap3A_1873 {strides = array<i32>} : memref<108x32x128xf32, #tpu.memory_space<vmem>>, vector<1x32x128xf32>,
    %mul3A_1874 = arith.mulf %mul3A_1841, %logistic3A_180 : vector<32x128xf32>
    %swap3A_1875 = arith.constant 70 : index
    %swap3A_1876 = arith.constant 0 : index
    %swap3A_1877 = arith.constant 0 : index
    %swap3A_1878 = vector.load %arg6[%swap3A_1875, %swap3A_1876, %swap3A_1877] : memref<108x32x128xf32, #tpu.memory_space<vmem>>, vector<1x32x128xf32>
    %swap3A_1879 = vector.shape_cast %swap3A_1878 : vector<1x32x128xf32> to vector<32x128xf32>
    %swap3A_1880 = vector.shape_cast %mul3A_1874 : vector<32x128xf32> to vector<1x32x128xf32>
    tpu.vector_store %arg6[%swap3A_1875, %swap3A_1876, %swap3A_1877], %swap3A_1880 {strides = array<i32>} : memref<108x32x128xf32, #tpu.memory_space<vmem>>, vector<1x32x128xf32>,
    %swap3A_1881 = arith.constant 97 : index
    %swap3A_1882 = arith.constant 0 : index
    %swap3A_1883 = arith.constant 0 : index
    %swap3A_1884 = vector.load %arg6[%swap3A_1881, %swap3A_1882, %swap3A_1883] : memref<108x32x128xf32, #tpu.memory_space<vmem>>, vector<1x32x128xf32>
    %swap3A_1885 = vector.shape_cast %swap3A_1884 : vector<1x32x128xf32> to vector<32x128xf32>
    %swap3A_1886 = vector.shape_cast %mul3A_1841 : vector<32x128xf32> to vector<1x32x128xf32>
    tpu.vector_store %arg6[%swap3A_1881, %swap3A_1882, %swap3A_1883], %swap3A_1886 {strides = array<i32>} : memref<108x32x128xf32, #tpu.memory_space<vmem>>, vector<1x32x128xf32>,
    %add3A_1887 = arith.constant 0.000000e+00 : f32
    %add3A_1888 = vector.broadcast %add3A_1887 : f32 to vector<32x128xf32>
    %add3A_1889 = arith.addf %floor3A, %add3A_1888 : vector<32x128xf32>
    %jit3A_1890 = arith.constant 0.000000e+00 : f32
    %jit3A_1891 = arith.constant 2.550000e+02 : f32
    %max3A_1892 = vector.broadcast %jit3A_1890 : f32 to vector<32x128xf32>
    %max3A_1893 = arith.maximumf %max3A_1892, %add3A_1889 : vector<32x128xf32>
    %min3A_1894 = vector.broadcast %jit3A_1891 : f32 to vector<32x128xf32>
    %min3A_1895 = arith.minimumf %min3A_1894, %max3A_1893 : vector<32x128xf32>
    %add3A_1896 = arith.constant 1.000000e+00 : f32
    %add3A_1897 = vector.broadcast %add3A_1896 : f32 to vector<32x128xf32>
    %add3A_1898 = arith.addf %floor3A_38, %add3A_1897 : vector<32x128xf32>
    %jit3A_1899 = arith.constant 0.000000e+00 : f32
    %jit3A_1900 = arith.constant 2.550000e+02 : f32
    %max3A_1901 = vector.broadcast %jit3A_1899 : f32 to vector<32x128xf32>
    %max3A_1902 = arith.maximumf %max3A_1901, %add3A_1898 : vector<32x128xf32>
    %min3A_1903 = vector.broadcast %jit3A_1900 : f32 to vector<32x128xf32>
    %min3A_1904 = arith.minimumf %min3A_1903, %max3A_1902 : vector<32x128xf32>
    %add3A_1905 = arith.constant 1.000000e+00 : f32
    %add3A_1906 = vector.broadcast %add3A_1905 : f32 to vector<32x128xf32>
    %add3A_1907 = arith.addf %floor3A_42, %add3A_1906 : vector<32x128xf32>
    %jit3A_1908 = arith.constant 0.000000e+00 : f32
    %jit3A_1909 = arith.constant 1.500000e+01 : f32
    %max3A_1910 = vector.broadcast %jit3A_1908 : f32 to vector<32x128xf32>
    %max3A_1911 = arith.maximumf %max3A_1910, %add3A_1907 : vector<32x128xf32>
    %min3A_1912 = vector.broadcast %jit3A_1909 : f32 to vector<32x128xf32>
    %min3A_1913 = arith.minimumf %min3A_1912, %max3A_1911 : vector<32x128xf32>
    %sub3A_1914 = arith.subf %min3A_1895, %mul3A_19 : vector<32x128xf32>
    %sub3A_1915 = arith.subf %min3A_1904, %mul3A_25 : vector<32x128xf32>
    %sub3A_1916 = arith.subf %min3A_1913, %mul3A_31 : vector<32x128xf32>
    %mul3A_1917 = arith.mulf %mul3A_123, %sub3A_1914 : vector<32x128xf32>
    %mul3A_1918 = arith.mulf %mul3A_1917, %sub3A_1914 : vector<32x128xf32>
    %mul3A_1919 = arith.mulf %mul3A_129, %sub3A_1915 : vector<32x128xf32>
    %mul3A_1920 = arith.mulf %mul3A_1919, %sub3A_1915 : vector<32x128xf32>
    %add3A_1921 = arith.addf %mul3A_1918, %mul3A_1920 : vector<32x128xf32>
    %mul3A_1922 = arith.mulf %mul3A_137, %sub3A_1916 : vector<32x128xf32>
    %mul3A_1923 = arith.mulf %mul3A_1922, %sub3A_1916 : vector<32x128xf32>
    %add3A_1924 = arith.addf %add3A_1921, %mul3A_1923 : vector<32x128xf32>
    %mul3A_1925 = arith.mulf %mul3A_124, %sub3A_1914 : vector<32x128xf32>
    %mul3A_1926 = arith.mulf %mul3A_1925, %sub3A_1915 : vector<32x128xf32>
    %mul3A_1927 = arith.mulf %mul3A_125, %sub3A_1914 : vector<32x128xf32>
    %mul3A_1928 = arith.mulf %mul3A_1927, %sub3A_1916 : vector<32x128xf32>
    %add3A_1929 = arith.addf %mul3A_1926, %mul3A_1928 : vector<32x128xf32>
    %mul3A_1930 = arith.mulf %mul3A_133, %sub3A_1915 : vector<32x128xf32>
    %mul3A_1931 = arith.mulf %mul3A_1930, %sub3A_1916 : vector<32x128xf32>
    %add3A_1932 = arith.addf %add3A_1929, %mul3A_1931 : vector<32x128xf32>
    %mul3A_1933 = arith.constant 2.000000e+00 : f32
    %mul3A_1934 = vector.broadcast %mul3A_1933 : f32 to vector<32x128xf32>
    %mul3A_1935 = arith.mulf %mul3A_1934, %add3A_1932 : vector<32x128xf32>
    %add3A_1936 = arith.addf %add3A_1924, %mul3A_1935 : vector<32x128xf32>
    %mul3A_1937 = arith.constant -5.000000e-01 : f32
    %mul3A_1938 = vector.broadcast %mul3A_1937 : f32 to vector<32x128xf32>
    %mul3A_1939 = arith.mulf %mul3A_1938, %add3A_1936 : vector<32x128xf32>
    %exp3A_1940 = math.exp %mul3A_1939 : vector<32x128xf32>
    %mul3A_1941 = arith.mulf %select_n3A, %exp3A_1940 : vector<32x128xf32>
    %convert_element_type3A_1942 = arith.fptosi %min3A_1895 : vector<32x128xf32> to vector<32x128xi32>
    %convert_element_type3A_1943 = arith.fptosi %min3A_1904 : vector<32x128xf32> to vector<32x128xi32>
    %convert_element_type3A_1944 = arith.fptosi %min3A_1913 : vector<32x128xf32> to vector<32x128xi32>
    %mul3A_1945 = arith.constant 4096 : i32
    %mul3A_1946 = vector.broadcast %mul3A_1945 : i32 to vector<32x128xi32>
    %mul3A_1947 = arith.muli %convert_element_type3A_1943, %mul3A_1946 : vector<32x128xi32>
    %mul3A_1948 = arith.constant 16 : i32
    %mul3A_1949 = vector.broadcast %mul3A_1948 : i32 to vector<32x128xi32>
    %mul3A_1950 = arith.muli %convert_element_type3A_1942, %mul3A_1949 : vector<32x128xi32>
    %add3A_1951 = arith.addi %mul3A_1947, %mul3A_1950 : vector<32x128xi32>
    %add3A_1952 = arith.addi %add3A_1951, %convert_element_type3A_1944 : vector<32x128xi32>
    %select_n3A_1953 = arith.select %lt3A_191, %add3A_1952, %add3A_189 : vector<32x128xi1>, vector<32x128xi32>
    %swap3A_1954 = arith.constant 17 : index
    %swap3A_1955 = arith.constant 0 : index
    %swap3A_1956 = arith.constant 0 : index
    %swap3A_1957 = vector.load %arg5[%swap3A_1954, %swap3A_1955, %swap3A_1956] : memref<27x32x128xi32, #tpu.memory_space<vmem>>, vector<1x32x128xi32>
    %swap3A_1958 = vector.shape_cast %swap3A_1957 : vector<1x32x128xi32> to vector<32x128xi32>
    %swap3A_1959 = vector.shape_cast %select_n3A_1953 : vector<32x128xi32> to vector<1x32x128xi32>
    tpu.vector_store %arg5[%swap3A_1954, %swap3A_1955, %swap3A_1956], %swap3A_1959 {strides = array<i32>} : memref<27x32x128xi32, #tpu.memory_space<vmem>>, vector<1x32x128xi32>,
    %mul3A_1960 = arith.mulf %mul3A_1941, %logistic3A_158 : vector<32x128xf32>
    %swap3A_1961 = arith.constant 17 : index
    %swap3A_1962 = arith.constant 0 : index
    %swap3A_1963 = arith.constant 0 : index
    %swap3A_1964 = vector.load %arg6[%swap3A_1961, %swap3A_1962, %swap3A_1963] : memref<108x32x128xf32, #tpu.memory_space<vmem>>, vector<1x32x128xf32>
    %swap3A_1965 = vector.shape_cast %swap3A_1964 : vector<1x32x128xf32> to vector<32x128xf32>
    %swap3A_1966 = vector.shape_cast %mul3A_1960 : vector<32x128xf32> to vector<1x32x128xf32>
    tpu.vector_store %arg6[%swap3A_1961, %swap3A_1962, %swap3A_1963], %swap3A_1966 {strides = array<i32>} : memref<108x32x128xf32, #tpu.memory_space<vmem>>, vector<1x32x128xf32>,
    %mul3A_1967 = arith.mulf %mul3A_1941, %logistic3A_169 : vector<32x128xf32>
    %swap3A_1968 = arith.constant 44 : index
    %swap3A_1969 = arith.constant 0 : index
    %swap3A_1970 = arith.constant 0 : index
    %swap3A_1971 = vector.load %arg6[%swap3A_1968, %swap3A_1969, %swap3A_1970] : memref<108x32x128xf32, #tpu.memory_space<vmem>>, vector<1x32x128xf32>
    %swap3A_1972 = vector.shape_cast %swap3A_1971 : vector<1x32x128xf32> to vector<32x128xf32>
    %swap3A_1973 = vector.shape_cast %mul3A_1967 : vector<32x128xf32> to vector<1x32x128xf32>
    tpu.vector_store %arg6[%swap3A_1968, %swap3A_1969, %swap3A_1970], %swap3A_1973 {strides = array<i32>} : memref<108x32x128xf32, #tpu.memory_space<vmem>>, vector<1x32x128xf32>,
    %mul3A_1974 = arith.mulf %mul3A_1941, %logistic3A_180 : vector<32x128xf32>
    %swap3A_1975 = arith.constant 71 : index
    %swap3A_1976 = arith.constant 0 : index
    %swap3A_1977 = arith.constant 0 : index
    %swap3A_1978 = vector.load %arg6[%swap3A_1975, %swap3A_1976, %swap3A_1977] : memref<108x32x128xf32, #tpu.memory_space<vmem>>, vector<1x32x128xf32>
    %swap3A_1979 = vector.shape_cast %swap3A_1978 : vector<1x32x128xf32> to vector<32x128xf32>
    %swap3A_1980 = vector.shape_cast %mul3A_1974 : vector<32x128xf32> to vector<1x32x128xf32>
    tpu.vector_store %arg6[%swap3A_1975, %swap3A_1976, %swap3A_1977], %swap3A_1980 {strides = array<i32>} : memref<108x32x128xf32, #tpu.memory_space<vmem>>, vector<1x32x128xf32>,
    %swap3A_1981 = arith.constant 98 : index
    %swap3A_1982 = arith.constant 0 : index
    %swap3A_1983 = arith.constant 0 : index
    %swap3A_1984 = vector.load %arg6[%swap3A_1981, %swap3A_1982, %swap3A_1983] : memref<108x32x128xf32, #tpu.memory_space<vmem>>, vector<1x32x128xf32>
    %swap3A_1985 = vector.shape_cast %swap3A_1984 : vector<1x32x128xf32> to vector<32x128xf32>
    %swap3A_1986 = vector.shape_cast %mul3A_1941 : vector<32x128xf32> to vector<1x32x128xf32>
    tpu.vector_store %arg6[%swap3A_1981, %swap3A_1982, %swap3A_1983], %swap3A_1986 {strides = array<i32>} : memref<108x32x128xf32, #tpu.memory_space<vmem>>, vector<1x32x128xf32>,
    %add3A_1987 = arith.constant 1.000000e+00 : f32
    %add3A_1988 = vector.broadcast %add3A_1987 : f32 to vector<32x128xf32>
    %add3A_1989 = arith.addf %floor3A, %add3A_1988 : vector<32x128xf32>
    %jit3A_1990 = arith.constant 0.000000e+00 : f32
    %jit3A_1991 = arith.constant 2.550000e+02 : f32
    %max3A_1992 = vector.broadcast %jit3A_1990 : f32 to vector<32x128xf32>
    %max3A_1993 = arith.maximumf %max3A_1992, %add3A_1989 : vector<32x128xf32>
    %min3A_1994 = vector.broadcast %jit3A_1991 : f32 to vector<32x128xf32>
    %min3A_1995 = arith.minimumf %min3A_1994, %max3A_1993 : vector<32x128xf32>
    %add3A_1996 = arith.constant -1.000000e+00 : f32
    %add3A_1997 = vector.broadcast %add3A_1996 : f32 to vector<32x128xf32>
    %add3A_1998 = arith.addf %floor3A_38, %add3A_1997 : vector<32x128xf32>
    %jit3A_1999 = arith.constant 0.000000e+00 : f32
    %jit3A_2000 = arith.constant 2.550000e+02 : f32
    %max3A_2001 = vector.broadcast %jit3A_1999 : f32 to vector<32x128xf32>
    %max3A_2002 = arith.maximumf %max3A_2001, %add3A_1998 : vector<32x128xf32>
    %min3A_2003 = vector.broadcast %jit3A_2000 : f32 to vector<32x128xf32>
    %min3A_2004 = arith.minimumf %min3A_2003, %max3A_2002 : vector<32x128xf32>
    %add3A_2005 = arith.constant -1.000000e+00 : f32
    %add3A_2006 = vector.broadcast %add3A_2005 : f32 to vector<32x128xf32>
    %add3A_2007 = arith.addf %floor3A_42, %add3A_2006 : vector<32x128xf32>
    %jit3A_2008 = arith.constant 0.000000e+00 : f32
    %jit3A_2009 = arith.constant 1.500000e+01 : f32
    %max3A_2010 = vector.broadcast %jit3A_2008 : f32 to vector<32x128xf32>
    %max3A_2011 = arith.maximumf %max3A_2010, %add3A_2007 : vector<32x128xf32>
    %min3A_2012 = vector.broadcast %jit3A_2009 : f32 to vector<32x128xf32>
    %min3A_2013 = arith.minimumf %min3A_2012, %max3A_2011 : vector<32x128xf32>
    %sub3A_2014 = arith.subf %min3A_1995, %mul3A_19 : vector<32x128xf32>
    %sub3A_2015 = arith.subf %min3A_2004, %mul3A_25 : vector<32x128xf32>
    %sub3A_2016 = arith.subf %min3A_2013, %mul3A_31 : vector<32x128xf32>
    %mul3A_2017 = arith.mulf %mul3A_123, %sub3A_2014 : vector<32x128xf32>
    %mul3A_2018 = arith.mulf %mul3A_2017, %sub3A_2014 : vector<32x128xf32>
    %mul3A_2019 = arith.mulf %mul3A_129, %sub3A_2015 : vector<32x128xf32>
    %mul3A_2020 = arith.mulf %mul3A_2019, %sub3A_2015 : vector<32x128xf32>
    %add3A_2021 = arith.addf %mul3A_2018, %mul3A_2020 : vector<32x128xf32>
    %mul3A_2022 = arith.mulf %mul3A_137, %sub3A_2016 : vector<32x128xf32>
    %mul3A_2023 = arith.mulf %mul3A_2022, %sub3A_2016 : vector<32x128xf32>
    %add3A_2024 = arith.addf %add3A_2021, %mul3A_2023 : vector<32x128xf32>
    %mul3A_2025 = arith.mulf %mul3A_124, %sub3A_2014 : vector<32x128xf32>
    %mul3A_2026 = arith.mulf %mul3A_2025, %sub3A_2015 : vector<32x128xf32>
    %mul3A_2027 = arith.mulf %mul3A_125, %sub3A_2014 : vector<32x128xf32>
    %mul3A_2028 = arith.mulf %mul3A_2027, %sub3A_2016 : vector<32x128xf32>
    %add3A_2029 = arith.addf %mul3A_2026, %mul3A_2028 : vector<32x128xf32>
    %mul3A_2030 = arith.mulf %mul3A_133, %sub3A_2015 : vector<32x128xf32>
    %mul3A_2031 = arith.mulf %mul3A_2030, %sub3A_2016 : vector<32x128xf32>
    %add3A_2032 = arith.addf %add3A_2029, %mul3A_2031 : vector<32x128xf32>
    %mul3A_2033 = arith.constant 2.000000e+00 : f32
    %mul3A_2034 = vector.broadcast %mul3A_2033 : f32 to vector<32x128xf32>
    %mul3A_2035 = arith.mulf %mul3A_2034, %add3A_2032 : vector<32x128xf32>
    %add3A_2036 = arith.addf %add3A_2024, %mul3A_2035 : vector<32x128xf32>
    %mul3A_2037 = arith.constant -5.000000e-01 : f32
    %mul3A_2038 = vector.broadcast %mul3A_2037 : f32 to vector<32x128xf32>
    %mul3A_2039 = arith.mulf %mul3A_2038, %add3A_2036 : vector<32x128xf32>
    %exp3A_2040 = math.exp %mul3A_2039 : vector<32x128xf32>
    %mul3A_2041 = arith.mulf %select_n3A, %exp3A_2040 : vector<32x128xf32>
    %convert_element_type3A_2042 = arith.fptosi %min3A_1995 : vector<32x128xf32> to vector<32x128xi32>
    %convert_element_type3A_2043 = arith.fptosi %min3A_2004 : vector<32x128xf32> to vector<32x128xi32>
    %convert_element_type3A_2044 = arith.fptosi %min3A_2013 : vector<32x128xf32> to vector<32x128xi32>
    %mul3A_2045 = arith.constant 4096 : i32
    %mul3A_2046 = vector.broadcast %mul3A_2045 : i32 to vector<32x128xi32>
    %mul3A_2047 = arith.muli %convert_element_type3A_2043, %mul3A_2046 : vector<32x128xi32>
    %mul3A_2048 = arith.constant 16 : i32
    %mul3A_2049 = vector.broadcast %mul3A_2048 : i32 to vector<32x128xi32>
    %mul3A_2050 = arith.muli %convert_element_type3A_2042, %mul3A_2049 : vector<32x128xi32>
    %add3A_2051 = arith.addi %mul3A_2047, %mul3A_2050 : vector<32x128xi32>
    %add3A_2052 = arith.addi %add3A_2051, %convert_element_type3A_2044 : vector<32x128xi32>
    %select_n3A_2053 = arith.select %lt3A_191, %add3A_2052, %add3A_189 : vector<32x128xi1>, vector<32x128xi32>
    %swap3A_2054 = arith.constant 18 : index
    %swap3A_2055 = arith.constant 0 : index
    %swap3A_2056 = arith.constant 0 : index
    %swap3A_2057 = vector.load %arg5[%swap3A_2054, %swap3A_2055, %swap3A_2056] : memref<27x32x128xi32, #tpu.memory_space<vmem>>, vector<1x32x128xi32>
    %swap3A_2058 = vector.shape_cast %swap3A_2057 : vector<1x32x128xi32> to vector<32x128xi32>
    %swap3A_2059 = vector.shape_cast %select_n3A_2053 : vector<32x128xi32> to vector<1x32x128xi32>
    tpu.vector_store %arg5[%swap3A_2054, %swap3A_2055, %swap3A_2056], %swap3A_2059 {strides = array<i32>} : memref<27x32x128xi32, #tpu.memory_space<vmem>>, vector<1x32x128xi32>,
    %mul3A_2060 = arith.mulf %mul3A_2041, %logistic3A_158 : vector<32x128xf32>
    %swap3A_2061 = arith.constant 18 : index
    %swap3A_2062 = arith.constant 0 : index
    %swap3A_2063 = arith.constant 0 : index
    %swap3A_2064 = vector.load %arg6[%swap3A_2061, %swap3A_2062, %swap3A_2063] : memref<108x32x128xf32, #tpu.memory_space<vmem>>, vector<1x32x128xf32>
    %swap3A_2065 = vector.shape_cast %swap3A_2064 : vector<1x32x128xf32> to vector<32x128xf32>
    %swap3A_2066 = vector.shape_cast %mul3A_2060 : vector<32x128xf32> to vector<1x32x128xf32>
    tpu.vector_store %arg6[%swap3A_2061, %swap3A_2062, %swap3A_2063], %swap3A_2066 {strides = array<i32>} : memref<108x32x128xf32, #tpu.memory_space<vmem>>, vector<1x32x128xf32>,
    %mul3A_2067 = arith.mulf %mul3A_2041, %logistic3A_169 : vector<32x128xf32>
    %swap3A_2068 = arith.constant 45 : index
    %swap3A_2069 = arith.constant 0 : index
    %swap3A_2070 = arith.constant 0 : index
    %swap3A_2071 = vector.load %arg6[%swap3A_2068, %swap3A_2069, %swap3A_2070] : memref<108x32x128xf32, #tpu.memory_space<vmem>>, vector<1x32x128xf32>
    %swap3A_2072 = vector.shape_cast %swap3A_2071 : vector<1x32x128xf32> to vector<32x128xf32>
    %swap3A_2073 = vector.shape_cast %mul3A_2067 : vector<32x128xf32> to vector<1x32x128xf32>
    tpu.vector_store %arg6[%swap3A_2068, %swap3A_2069, %swap3A_2070], %swap3A_2073 {strides = array<i32>} : memref<108x32x128xf32, #tpu.memory_space<vmem>>, vector<1x32x128xf32>,
    %mul3A_2074 = arith.mulf %mul3A_2041, %logistic3A_180 : vector<32x128xf32>
    %swap3A_2075 = arith.constant 72 : index
    %swap3A_2076 = arith.constant 0 : index
    %swap3A_2077 = arith.constant 0 : index
    %swap3A_2078 = vector.load %arg6[%swap3A_2075, %swap3A_2076, %swap3A_2077] : memref<108x32x128xf32, #tpu.memory_space<vmem>>, vector<1x32x128xf32>
    %swap3A_2079 = vector.shape_cast %swap3A_2078 : vector<1x32x128xf32> to vector<32x128xf32>
    %swap3A_2080 = vector.shape_cast %mul3A_2074 : vector<32x128xf32> to vector<1x32x128xf32>
    tpu.vector_store %arg6[%swap3A_2075, %swap3A_2076, %swap3A_2077], %swap3A_2080 {strides = array<i32>} : memref<108x32x128xf32, #tpu.memory_space<vmem>>, vector<1x32x128xf32>,
    %swap3A_2081 = arith.constant 99 : index
    %swap3A_2082 = arith.constant 0 : index
    %swap3A_2083 = arith.constant 0 : index
    %swap3A_2084 = vector.load %arg6[%swap3A_2081, %swap3A_2082, %swap3A_2083] : memref<108x32x128xf32, #tpu.memory_space<vmem>>, vector<1x32x128xf32>
    %swap3A_2085 = vector.shape_cast %swap3A_2084 : vector<1x32x128xf32> to vector<32x128xf32>
    %swap3A_2086 = vector.shape_cast %mul3A_2041 : vector<32x128xf32> to vector<1x32x128xf32>
    tpu.vector_store %arg6[%swap3A_2081, %swap3A_2082, %swap3A_2083], %swap3A_2086 {strides = array<i32>} : memref<108x32x128xf32, #tpu.memory_space<vmem>>, vector<1x32x128xf32>,
    %add3A_2087 = arith.constant 1.000000e+00 : f32
    %add3A_2088 = vector.broadcast %add3A_2087 : f32 to vector<32x128xf32>
    %add3A_2089 = arith.addf %floor3A, %add3A_2088 : vector<32x128xf32>
    %jit3A_2090 = arith.constant 0.000000e+00 : f32
    %jit3A_2091 = arith.constant 2.550000e+02 : f32
    %max3A_2092 = vector.broadcast %jit3A_2090 : f32 to vector<32x128xf32>
    %max3A_2093 = arith.maximumf %max3A_2092, %add3A_2089 : vector<32x128xf32>
    %min3A_2094 = vector.broadcast %jit3A_2091 : f32 to vector<32x128xf32>
    %min3A_2095 = arith.minimumf %min3A_2094, %max3A_2093 : vector<32x128xf32>
    %add3A_2096 = arith.constant -1.000000e+00 : f32
    %add3A_2097 = vector.broadcast %add3A_2096 : f32 to vector<32x128xf32>
    %add3A_2098 = arith.addf %floor3A_38, %add3A_2097 : vector<32x128xf32>
    %jit3A_2099 = arith.constant 0.000000e+00 : f32
    %jit3A_2100 = arith.constant 2.550000e+02 : f32
    %max3A_2101 = vector.broadcast %jit3A_2099 : f32 to vector<32x128xf32>
    %max3A_2102 = arith.maximumf %max3A_2101, %add3A_2098 : vector<32x128xf32>
    %min3A_2103 = vector.broadcast %jit3A_2100 : f32 to vector<32x128xf32>
    %min3A_2104 = arith.minimumf %min3A_2103, %max3A_2102 : vector<32x128xf32>
    %add3A_2105 = arith.constant 0.000000e+00 : f32
    %add3A_2106 = vector.broadcast %add3A_2105 : f32 to vector<32x128xf32>
    %add3A_2107 = arith.addf %floor3A_42, %add3A_2106 : vector<32x128xf32>
    %jit3A_2108 = arith.constant 0.000000e+00 : f32
    %jit3A_2109 = arith.constant 1.500000e+01 : f32
    %max3A_2110 = vector.broadcast %jit3A_2108 : f32 to vector<32x128xf32>
    %max3A_2111 = arith.maximumf %max3A_2110, %add3A_2107 : vector<32x128xf32>
    %min3A_2112 = vector.broadcast %jit3A_2109 : f32 to vector<32x128xf32>
    %min3A_2113 = arith.minimumf %min3A_2112, %max3A_2111 : vector<32x128xf32>
    %sub3A_2114 = arith.subf %min3A_2095, %mul3A_19 : vector<32x128xf32>
    %sub3A_2115 = arith.subf %min3A_2104, %mul3A_25 : vector<32x128xf32>
    %sub3A_2116 = arith.subf %min3A_2113, %mul3A_31 : vector<32x128xf32>
    %mul3A_2117 = arith.mulf %mul3A_123, %sub3A_2114 : vector<32x128xf32>
    %mul3A_2118 = arith.mulf %mul3A_2117, %sub3A_2114 : vector<32x128xf32>
    %mul3A_2119 = arith.mulf %mul3A_129, %sub3A_2115 : vector<32x128xf32>
    %mul3A_2120 = arith.mulf %mul3A_2119, %sub3A_2115 : vector<32x128xf32>
    %add3A_2121 = arith.addf %mul3A_2118, %mul3A_2120 : vector<32x128xf32>
    %mul3A_2122 = arith.mulf %mul3A_137, %sub3A_2116 : vector<32x128xf32>
    %mul3A_2123 = arith.mulf %mul3A_2122, %sub3A_2116 : vector<32x128xf32>
    %add3A_2124 = arith.addf %add3A_2121, %mul3A_2123 : vector<32x128xf32>
    %mul3A_2125 = arith.mulf %mul3A_124, %sub3A_2114 : vector<32x128xf32>
    %mul3A_2126 = arith.mulf %mul3A_2125, %sub3A_2115 : vector<32x128xf32>
    %mul3A_2127 = arith.mulf %mul3A_125, %sub3A_2114 : vector<32x128xf32>
    %mul3A_2128 = arith.mulf %mul3A_2127, %sub3A_2116 : vector<32x128xf32>
    %add3A_2129 = arith.addf %mul3A_2126, %mul3A_2128 : vector<32x128xf32>
    %mul3A_2130 = arith.mulf %mul3A_133, %sub3A_2115 : vector<32x128xf32>
    %mul3A_2131 = arith.mulf %mul3A_2130, %sub3A_2116 : vector<32x128xf32>
    %add3A_2132 = arith.addf %add3A_2129, %mul3A_2131 : vector<32x128xf32>
    %mul3A_2133 = arith.constant 2.000000e+00 : f32
    %mul3A_2134 = vector.broadcast %mul3A_2133 : f32 to vector<32x128xf32>
    %mul3A_2135 = arith.mulf %mul3A_2134, %add3A_2132 : vector<32x128xf32>
    %add3A_2136 = arith.addf %add3A_2124, %mul3A_2135 : vector<32x128xf32>
    %mul3A_2137 = arith.constant -5.000000e-01 : f32
    %mul3A_2138 = vector.broadcast %mul3A_2137 : f32 to vector<32x128xf32>
    %mul3A_2139 = arith.mulf %mul3A_2138, %add3A_2136 : vector<32x128xf32>
    %exp3A_2140 = math.exp %mul3A_2139 : vector<32x128xf32>
    %mul3A_2141 = arith.mulf %select_n3A, %exp3A_2140 : vector<32x128xf32>
    %convert_element_type3A_2142 = arith.fptosi %min3A_2095 : vector<32x128xf32> to vector<32x128xi32>
    %convert_element_type3A_2143 = arith.fptosi %min3A_2104 : vector<32x128xf32> to vector<32x128xi32>
    %convert_element_type3A_2144 = arith.fptosi %min3A_2113 : vector<32x128xf32> to vector<32x128xi32>
    %mul3A_2145 = arith.constant 4096 : i32
    %mul3A_2146 = vector.broadcast %mul3A_2145 : i32 to vector<32x128xi32>
    %mul3A_2147 = arith.muli %convert_element_type3A_2143, %mul3A_2146 : vector<32x128xi32>
    %mul3A_2148 = arith.constant 16 : i32
    %mul3A_2149 = vector.broadcast %mul3A_2148 : i32 to vector<32x128xi32>
    %mul3A_2150 = arith.muli %convert_element_type3A_2142, %mul3A_2149 : vector<32x128xi32>
    %add3A_2151 = arith.addi %mul3A_2147, %mul3A_2150 : vector<32x128xi32>
    %add3A_2152 = arith.addi %add3A_2151, %convert_element_type3A_2144 : vector<32x128xi32>
    %select_n3A_2153 = arith.select %lt3A_191, %add3A_2152, %add3A_189 : vector<32x128xi1>, vector<32x128xi32>
    %swap3A_2154 = arith.constant 19 : index
    %swap3A_2155 = arith.constant 0 : index
    %swap3A_2156 = arith.constant 0 : index
    %swap3A_2157 = vector.load %arg5[%swap3A_2154, %swap3A_2155, %swap3A_2156] : memref<27x32x128xi32, #tpu.memory_space<vmem>>, vector<1x32x128xi32>
    %swap3A_2158 = vector.shape_cast %swap3A_2157 : vector<1x32x128xi32> to vector<32x128xi32>
    %swap3A_2159 = vector.shape_cast %select_n3A_2153 : vector<32x128xi32> to vector<1x32x128xi32>
    tpu.vector_store %arg5[%swap3A_2154, %swap3A_2155, %swap3A_2156], %swap3A_2159 {strides = array<i32>} : memref<27x32x128xi32, #tpu.memory_space<vmem>>, vector<1x32x128xi32>,
    %mul3A_2160 = arith.mulf %mul3A_2141, %logistic3A_158 : vector<32x128xf32>
    %swap3A_2161 = arith.constant 19 : index
    %swap3A_2162 = arith.constant 0 : index
    %swap3A_2163 = arith.constant 0 : index
    %swap3A_2164 = vector.load %arg6[%swap3A_2161, %swap3A_2162, %swap3A_2163] : memref<108x32x128xf32, #tpu.memory_space<vmem>>, vector<1x32x128xf32>
    %swap3A_2165 = vector.shape_cast %swap3A_2164 : vector<1x32x128xf32> to vector<32x128xf32>
    %swap3A_2166 = vector.shape_cast %mul3A_2160 : vector<32x128xf32> to vector<1x32x128xf32>
    tpu.vector_store %arg6[%swap3A_2161, %swap3A_2162, %swap3A_2163], %swap3A_2166 {strides = array<i32>} : memref<108x32x128xf32, #tpu.memory_space<vmem>>, vector<1x32x128xf32>,
    %mul3A_2167 = arith.mulf %mul3A_2141, %logistic3A_169 : vector<32x128xf32>
    %swap3A_2168 = arith.constant 46 : index
    %swap3A_2169 = arith.constant 0 : index
    %swap3A_2170 = arith.constant 0 : index
    %swap3A_2171 = vector.load %arg6[%swap3A_2168, %swap3A_2169, %swap3A_2170] : memref<108x32x128xf32, #tpu.memory_space<vmem>>, vector<1x32x128xf32>
    %swap3A_2172 = vector.shape_cast %swap3A_2171 : vector<1x32x128xf32> to vector<32x128xf32>
    %swap3A_2173 = vector.shape_cast %mul3A_2167 : vector<32x128xf32> to vector<1x32x128xf32>
    tpu.vector_store %arg6[%swap3A_2168, %swap3A_2169, %swap3A_2170], %swap3A_2173 {strides = array<i32>} : memref<108x32x128xf32, #tpu.memory_space<vmem>>, vector<1x32x128xf32>,
    %mul3A_2174 = arith.mulf %mul3A_2141, %logistic3A_180 : vector<32x128xf32>
    %swap3A_2175 = arith.constant 73 : index
    %swap3A_2176 = arith.constant 0 : index
    %swap3A_2177 = arith.constant 0 : index
    %swap3A_2178 = vector.load %arg6[%swap3A_2175, %swap3A_2176, %swap3A_2177] : memref<108x32x128xf32, #tpu.memory_space<vmem>>, vector<1x32x128xf32>
    %swap3A_2179 = vector.shape_cast %swap3A_2178 : vector<1x32x128xf32> to vector<32x128xf32>
    %swap3A_2180 = vector.shape_cast %mul3A_2174 : vector<32x128xf32> to vector<1x32x128xf32>
    tpu.vector_store %arg6[%swap3A_2175, %swap3A_2176, %swap3A_2177], %swap3A_2180 {strides = array<i32>} : memref<108x32x128xf32, #tpu.memory_space<vmem>>, vector<1x32x128xf32>,
    %swap3A_2181 = arith.constant 100 : index
    %swap3A_2182 = arith.constant 0 : index
    %swap3A_2183 = arith.constant 0 : index
    %swap3A_2184 = vector.load %arg6[%swap3A_2181, %swap3A_2182, %swap3A_2183] : memref<108x32x128xf32, #tpu.memory_space<vmem>>, vector<1x32x128xf32>
    %swap3A_2185 = vector.shape_cast %swap3A_2184 : vector<1x32x128xf32> to vector<32x128xf32>
    %swap3A_2186 = vector.shape_cast %mul3A_2141 : vector<32x128xf32> to vector<1x32x128xf32>
    tpu.vector_store %arg6[%swap3A_2181, %swap3A_2182, %swap3A_2183], %swap3A_2186 {strides = array<i32>} : memref<108x32x128xf32, #tpu.memory_space<vmem>>, vector<1x32x128xf32>,
    %add3A_2187 = arith.constant 1.000000e+00 : f32
    %add3A_2188 = vector.broadcast %add3A_2187 : f32 to vector<32x128xf32>
    %add3A_2189 = arith.addf %floor3A, %add3A_2188 : vector<32x128xf32>
    %jit3A_2190 = arith.constant 0.000000e+00 : f32
    %jit3A_2191 = arith.constant 2.550000e+02 : f32
    %max3A_2192 = vector.broadcast %jit3A_2190 : f32 to vector<32x128xf32>
    %max3A_2193 = arith.maximumf %max3A_2192, %add3A_2189 : vector<32x128xf32>
    %min3A_2194 = vector.broadcast %jit3A_2191 : f32 to vector<32x128xf32>
    %min3A_2195 = arith.minimumf %min3A_2194, %max3A_2193 : vector<32x128xf32>
    %add3A_2196 = arith.constant -1.000000e+00 : f32
    %add3A_2197 = vector.broadcast %add3A_2196 : f32 to vector<32x128xf32>
    %add3A_2198 = arith.addf %floor3A_38, %add3A_2197 : vector<32x128xf32>
    %jit3A_2199 = arith.constant 0.000000e+00 : f32
    %jit3A_2200 = arith.constant 2.550000e+02 : f32
    %max3A_2201 = vector.broadcast %jit3A_2199 : f32 to vector<32x128xf32>
    %max3A_2202 = arith.maximumf %max3A_2201, %add3A_2198 : vector<32x128xf32>
    %min3A_2203 = vector.broadcast %jit3A_2200 : f32 to vector<32x128xf32>
    %min3A_2204 = arith.minimumf %min3A_2203, %max3A_2202 : vector<32x128xf32>
    %add3A_2205 = arith.constant 1.000000e+00 : f32
    %add3A_2206 = vector.broadcast %add3A_2205 : f32 to vector<32x128xf32>
    %add3A_2207 = arith.addf %floor3A_42, %add3A_2206 : vector<32x128xf32>
    %jit3A_2208 = arith.constant 0.000000e+00 : f32
    %jit3A_2209 = arith.constant 1.500000e+01 : f32
    %max3A_2210 = vector.broadcast %jit3A_2208 : f32 to vector<32x128xf32>
    %max3A_2211 = arith.maximumf %max3A_2210, %add3A_2207 : vector<32x128xf32>
    %min3A_2212 = vector.broadcast %jit3A_2209 : f32 to vector<32x128xf32>
    %min3A_2213 = arith.minimumf %min3A_2212, %max3A_2211 : vector<32x128xf32>
    %sub3A_2214 = arith.subf %min3A_2195, %mul3A_19 : vector<32x128xf32>
    %sub3A_2215 = arith.subf %min3A_2204, %mul3A_25 : vector<32x128xf32>
    %sub3A_2216 = arith.subf %min3A_2213, %mul3A_31 : vector<32x128xf32>
    %mul3A_2217 = arith.mulf %mul3A_123, %sub3A_2214 : vector<32x128xf32>
    %mul3A_2218 = arith.mulf %mul3A_2217, %sub3A_2214 : vector<32x128xf32>
    %mul3A_2219 = arith.mulf %mul3A_129, %sub3A_2215 : vector<32x128xf32>
    %mul3A_2220 = arith.mulf %mul3A_2219, %sub3A_2215 : vector<32x128xf32>
    %add3A_2221 = arith.addf %mul3A_2218, %mul3A_2220 : vector<32x128xf32>
    %mul3A_2222 = arith.mulf %mul3A_137, %sub3A_2216 : vector<32x128xf32>
    %mul3A_2223 = arith.mulf %mul3A_2222, %sub3A_2216 : vector<32x128xf32>
    %add3A_2224 = arith.addf %add3A_2221, %mul3A_2223 : vector<32x128xf32>
    %mul3A_2225 = arith.mulf %mul3A_124, %sub3A_2214 : vector<32x128xf32>
    %mul3A_2226 = arith.mulf %mul3A_2225, %sub3A_2215 : vector<32x128xf32>
    %mul3A_2227 = arith.mulf %mul3A_125, %sub3A_2214 : vector<32x128xf32>
    %mul3A_2228 = arith.mulf %mul3A_2227, %sub3A_2216 : vector<32x128xf32>
    %add3A_2229 = arith.addf %mul3A_2226, %mul3A_2228 : vector<32x128xf32>
    %mul3A_2230 = arith.mulf %mul3A_133, %sub3A_2215 : vector<32x128xf32>
    %mul3A_2231 = arith.mulf %mul3A_2230, %sub3A_2216 : vector<32x128xf32>
    %add3A_2232 = arith.addf %add3A_2229, %mul3A_2231 : vector<32x128xf32>
    %mul3A_2233 = arith.constant 2.000000e+00 : f32
    %mul3A_2234 = vector.broadcast %mul3A_2233 : f32 to vector<32x128xf32>
    %mul3A_2235 = arith.mulf %mul3A_2234, %add3A_2232 : vector<32x128xf32>
    %add3A_2236 = arith.addf %add3A_2224, %mul3A_2235 : vector<32x128xf32>
    %mul3A_2237 = arith.constant -5.000000e-01 : f32
    %mul3A_2238 = vector.broadcast %mul3A_2237 : f32 to vector<32x128xf32>
    %mul3A_2239 = arith.mulf %mul3A_2238, %add3A_2236 : vector<32x128xf32>
    %exp3A_2240 = math.exp %mul3A_2239 : vector<32x128xf32>
    %mul3A_2241 = arith.mulf %select_n3A, %exp3A_2240 : vector<32x128xf32>
    %convert_element_type3A_2242 = arith.fptosi %min3A_2195 : vector<32x128xf32> to vector<32x128xi32>
    %convert_element_type3A_2243 = arith.fptosi %min3A_2204 : vector<32x128xf32> to vector<32x128xi32>
    %convert_element_type3A_2244 = arith.fptosi %min3A_2213 : vector<32x128xf32> to vector<32x128xi32>
    %mul3A_2245 = arith.constant 4096 : i32
    %mul3A_2246 = vector.broadcast %mul3A_2245 : i32 to vector<32x128xi32>
    %mul3A_2247 = arith.muli %convert_element_type3A_2243, %mul3A_2246 : vector<32x128xi32>
    %mul3A_2248 = arith.constant 16 : i32
    %mul3A_2249 = vector.broadcast %mul3A_2248 : i32 to vector<32x128xi32>
    %mul3A_2250 = arith.muli %convert_element_type3A_2242, %mul3A_2249 : vector<32x128xi32>
    %add3A_2251 = arith.addi %mul3A_2247, %mul3A_2250 : vector<32x128xi32>
    %add3A_2252 = arith.addi %add3A_2251, %convert_element_type3A_2244 : vector<32x128xi32>
    %select_n3A_2253 = arith.select %lt3A_191, %add3A_2252, %add3A_189 : vector<32x128xi1>, vector<32x128xi32>
    %swap3A_2254 = arith.constant 20 : index
    %swap3A_2255 = arith.constant 0 : index
    %swap3A_2256 = arith.constant 0 : index
    %swap3A_2257 = vector.load %arg5[%swap3A_2254, %swap3A_2255, %swap3A_2256] : memref<27x32x128xi32, #tpu.memory_space<vmem>>, vector<1x32x128xi32>
    %swap3A_2258 = vector.shape_cast %swap3A_2257 : vector<1x32x128xi32> to vector<32x128xi32>
    %swap3A_2259 = vector.shape_cast %select_n3A_2253 : vector<32x128xi32> to vector<1x32x128xi32>
    tpu.vector_store %arg5[%swap3A_2254, %swap3A_2255, %swap3A_2256], %swap3A_2259 {strides = array<i32>} : memref<27x32x128xi32, #tpu.memory_space<vmem>>, vector<1x32x128xi32>,
    %mul3A_2260 = arith.mulf %mul3A_2241, %logistic3A_158 : vector<32x128xf32>
    %swap3A_2261 = arith.constant 20 : index
    %swap3A_2262 = arith.constant 0 : index
    %swap3A_2263 = arith.constant 0 : index
    %swap3A_2264 = vector.load %arg6[%swap3A_2261, %swap3A_2262, %swap3A_2263] : memref<108x32x128xf32, #tpu.memory_space<vmem>>, vector<1x32x128xf32>
    %swap3A_2265 = vector.shape_cast %swap3A_2264 : vector<1x32x128xf32> to vector<32x128xf32>
    %swap3A_2266 = vector.shape_cast %mul3A_2260 : vector<32x128xf32> to vector<1x32x128xf32>
    tpu.vector_store %arg6[%swap3A_2261, %swap3A_2262, %swap3A_2263], %swap3A_2266 {strides = array<i32>} : memref<108x32x128xf32, #tpu.memory_space<vmem>>, vector<1x32x128xf32>,
    %mul3A_2267 = arith.mulf %mul3A_2241, %logistic3A_169 : vector<32x128xf32>
    %swap3A_2268 = arith.constant 47 : index
    %swap3A_2269 = arith.constant 0 : index
    %swap3A_2270 = arith.constant 0 : index
    %swap3A_2271 = vector.load %arg6[%swap3A_2268, %swap3A_2269, %swap3A_2270] : memref<108x32x128xf32, #tpu.memory_space<vmem>>, vector<1x32x128xf32>
    %swap3A_2272 = vector.shape_cast %swap3A_2271 : vector<1x32x128xf32> to vector<32x128xf32>
    %swap3A_2273 = vector.shape_cast %mul3A_2267 : vector<32x128xf32> to vector<1x32x128xf32>
    tpu.vector_store %arg6[%swap3A_2268, %swap3A_2269, %swap3A_2270], %swap3A_2273 {strides = array<i32>} : memref<108x32x128xf32, #tpu.memory_space<vmem>>, vector<1x32x128xf32>,
    %mul3A_2274 = arith.mulf %mul3A_2241, %logistic3A_180 : vector<32x128xf32>
    %swap3A_2275 = arith.constant 74 : index
    %swap3A_2276 = arith.constant 0 : index
    %swap3A_2277 = arith.constant 0 : index
    %swap3A_2278 = vector.load %arg6[%swap3A_2275, %swap3A_2276, %swap3A_2277] : memref<108x32x128xf32, #tpu.memory_space<vmem>>, vector<1x32x128xf32>
    %swap3A_2279 = vector.shape_cast %swap3A_2278 : vector<1x32x128xf32> to vector<32x128xf32>
    %swap3A_2280 = vector.shape_cast %mul3A_2274 : vector<32x128xf32> to vector<1x32x128xf32>
    tpu.vector_store %arg6[%swap3A_2275, %swap3A_2276, %swap3A_2277], %swap3A_2280 {strides = array<i32>} : memref<108x32x128xf32, #tpu.memory_space<vmem>>, vector<1x32x128xf32>,
    %swap3A_2281 = arith.constant 101 : index
    %swap3A_2282 = arith.constant 0 : index
    %swap3A_2283 = arith.constant 0 : index
    %swap3A_2284 = vector.load %arg6[%swap3A_2281, %swap3A_2282, %swap3A_2283] : memref<108x32x128xf32, #tpu.memory_space<vmem>>, vector<1x32x128xf32>
    %swap3A_2285 = vector.shape_cast %swap3A_2284 : vector<1x32x128xf32> to vector<32x128xf32>
    %swap3A_2286 = vector.shape_cast %mul3A_2241 : vector<32x128xf32> to vector<1x32x128xf32>
    tpu.vector_store %arg6[%swap3A_2281, %swap3A_2282, %swap3A_2283], %swap3A_2286 {strides = array<i32>} : memref<108x32x128xf32, #tpu.memory_space<vmem>>, vector<1x32x128xf32>,
    %add3A_2287 = arith.constant 1.000000e+00 : f32
    %add3A_2288 = vector.broadcast %add3A_2287 : f32 to vector<32x128xf32>
    %add3A_2289 = arith.addf %floor3A, %add3A_2288 : vector<32x128xf32>
    %jit3A_2290 = arith.constant 0.000000e+00 : f32
    %jit3A_2291 = arith.constant 2.550000e+02 : f32
    %max3A_2292 = vector.broadcast %jit3A_2290 : f32 to vector<32x128xf32>
    %max3A_2293 = arith.maximumf %max3A_2292, %add3A_2289 : vector<32x128xf32>
    %min3A_2294 = vector.broadcast %jit3A_2291 : f32 to vector<32x128xf32>
    %min3A_2295 = arith.minimumf %min3A_2294, %max3A_2293 : vector<32x128xf32>
    %add3A_2296 = arith.constant 0.000000e+00 : f32
    %add3A_2297 = vector.broadcast %add3A_2296 : f32 to vector<32x128xf32>
    %add3A_2298 = arith.addf %floor3A_38, %add3A_2297 : vector<32x128xf32>
    %jit3A_2299 = arith.constant 0.000000e+00 : f32
    %jit3A_2300 = arith.constant 2.550000e+02 : f32
    %max3A_2301 = vector.broadcast %jit3A_2299 : f32 to vector<32x128xf32>
    %max3A_2302 = arith.maximumf %max3A_2301, %add3A_2298 : vector<32x128xf32>
    %min3A_2303 = vector.broadcast %jit3A_2300 : f32 to vector<32x128xf32>
    %min3A_2304 = arith.minimumf %min3A_2303, %max3A_2302 : vector<32x128xf32>
    %add3A_2305 = arith.constant -1.000000e+00 : f32
    %add3A_2306 = vector.broadcast %add3A_2305 : f32 to vector<32x128xf32>
    %add3A_2307 = arith.addf %floor3A_42, %add3A_2306 : vector<32x128xf32>
    %jit3A_2308 = arith.constant 0.000000e+00 : f32
    %jit3A_2309 = arith.constant 1.500000e+01 : f32
    %max3A_2310 = vector.broadcast %jit3A_2308 : f32 to vector<32x128xf32>
    %max3A_2311 = arith.maximumf %max3A_2310, %add3A_2307 : vector<32x128xf32>
    %min3A_2312 = vector.broadcast %jit3A_2309 : f32 to vector<32x128xf32>
    %min3A_2313 = arith.minimumf %min3A_2312, %max3A_2311 : vector<32x128xf32>
    %sub3A_2314 = arith.subf %min3A_2295, %mul3A_19 : vector<32x128xf32>
    %sub3A_2315 = arith.subf %min3A_2304, %mul3A_25 : vector<32x128xf32>
    %sub3A_2316 = arith.subf %min3A_2313, %mul3A_31 : vector<32x128xf32>
    %mul3A_2317 = arith.mulf %mul3A_123, %sub3A_2314 : vector<32x128xf32>
    %mul3A_2318 = arith.mulf %mul3A_2317, %sub3A_2314 : vector<32x128xf32>
    %mul3A_2319 = arith.mulf %mul3A_129, %sub3A_2315 : vector<32x128xf32>
    %mul3A_2320 = arith.mulf %mul3A_2319, %sub3A_2315 : vector<32x128xf32>
    %add3A_2321 = arith.addf %mul3A_2318, %mul3A_2320 : vector<32x128xf32>
    %mul3A_2322 = arith.mulf %mul3A_137, %sub3A_2316 : vector<32x128xf32>
    %mul3A_2323 = arith.mulf %mul3A_2322, %sub3A_2316 : vector<32x128xf32>
    %add3A_2324 = arith.addf %add3A_2321, %mul3A_2323 : vector<32x128xf32>
    %mul3A_2325 = arith.mulf %mul3A_124, %sub3A_2314 : vector<32x128xf32>
    %mul3A_2326 = arith.mulf %mul3A_2325, %sub3A_2315 : vector<32x128xf32>
    %mul3A_2327 = arith.mulf %mul3A_125, %sub3A_2314 : vector<32x128xf32>
    %mul3A_2328 = arith.mulf %mul3A_2327, %sub3A_2316 : vector<32x128xf32>
    %add3A_2329 = arith.addf %mul3A_2326, %mul3A_2328 : vector<32x128xf32>
    %mul3A_2330 = arith.mulf %mul3A_133, %sub3A_2315 : vector<32x128xf32>
    %mul3A_2331 = arith.mulf %mul3A_2330, %sub3A_2316 : vector<32x128xf32>
    %add3A_2332 = arith.addf %add3A_2329, %mul3A_2331 : vector<32x128xf32>
    %mul3A_2333 = arith.constant 2.000000e+00 : f32
    %mul3A_2334 = vector.broadcast %mul3A_2333 : f32 to vector<32x128xf32>
    %mul3A_2335 = arith.mulf %mul3A_2334, %add3A_2332 : vector<32x128xf32>
    %add3A_2336 = arith.addf %add3A_2324, %mul3A_2335 : vector<32x128xf32>
    %mul3A_2337 = arith.constant -5.000000e-01 : f32
    %mul3A_2338 = vector.broadcast %mul3A_2337 : f32 to vector<32x128xf32>
    %mul3A_2339 = arith.mulf %mul3A_2338, %add3A_2336 : vector<32x128xf32>
    %exp3A_2340 = math.exp %mul3A_2339 : vector<32x128xf32>
    %mul3A_2341 = arith.mulf %select_n3A, %exp3A_2340 : vector<32x128xf32>
    %convert_element_type3A_2342 = arith.fptosi %min3A_2295 : vector<32x128xf32> to vector<32x128xi32>
    %convert_element_type3A_2343 = arith.fptosi %min3A_2304 : vector<32x128xf32> to vector<32x128xi32>
    %convert_element_type3A_2344 = arith.fptosi %min3A_2313 : vector<32x128xf32> to vector<32x128xi32>
    %mul3A_2345 = arith.constant 4096 : i32
    %mul3A_2346 = vector.broadcast %mul3A_2345 : i32 to vector<32x128xi32>
    %mul3A_2347 = arith.muli %convert_element_type3A_2343, %mul3A_2346 : vector<32x128xi32>
    %mul3A_2348 = arith.constant 16 : i32
    %mul3A_2349 = vector.broadcast %mul3A_2348 : i32 to vector<32x128xi32>
    %mul3A_2350 = arith.muli %convert_element_type3A_2342, %mul3A_2349 : vector<32x128xi32>
    %add3A_2351 = arith.addi %mul3A_2347, %mul3A_2350 : vector<32x128xi32>
    %add3A_2352 = arith.addi %add3A_2351, %convert_element_type3A_2344 : vector<32x128xi32>
    %select_n3A_2353 = arith.select %lt3A_191, %add3A_2352, %add3A_189 : vector<32x128xi1>, vector<32x128xi32>
    %swap3A_2354 = arith.constant 21 : index
    %swap3A_2355 = arith.constant 0 : index
    %swap3A_2356 = arith.constant 0 : index
    %swap3A_2357 = vector.load %arg5[%swap3A_2354, %swap3A_2355, %swap3A_2356] : memref<27x32x128xi32, #tpu.memory_space<vmem>>, vector<1x32x128xi32>
    %swap3A_2358 = vector.shape_cast %swap3A_2357 : vector<1x32x128xi32> to vector<32x128xi32>
    %swap3A_2359 = vector.shape_cast %select_n3A_2353 : vector<32x128xi32> to vector<1x32x128xi32>
    tpu.vector_store %arg5[%swap3A_2354, %swap3A_2355, %swap3A_2356], %swap3A_2359 {strides = array<i32>} : memref<27x32x128xi32, #tpu.memory_space<vmem>>, vector<1x32x128xi32>,
    %mul3A_2360 = arith.mulf %mul3A_2341, %logistic3A_158 : vector<32x128xf32>
    %swap3A_2361 = arith.constant 21 : index
    %swap3A_2362 = arith.constant 0 : index
    %swap3A_2363 = arith.constant 0 : index
    %swap3A_2364 = vector.load %arg6[%swap3A_2361, %swap3A_2362, %swap3A_2363] : memref<108x32x128xf32, #tpu.memory_space<vmem>>, vector<1x32x128xf32>
    %swap3A_2365 = vector.shape_cast %swap3A_2364 : vector<1x32x128xf32> to vector<32x128xf32>
    %swap3A_2366 = vector.shape_cast %mul3A_2360 : vector<32x128xf32> to vector<1x32x128xf32>
    tpu.vector_store %arg6[%swap3A_2361, %swap3A_2362, %swap3A_2363], %swap3A_2366 {strides = array<i32>} : memref<108x32x128xf32, #tpu.memory_space<vmem>>, vector<1x32x128xf32>,
    %mul3A_2367 = arith.mulf %mul3A_2341, %logistic3A_169 : vector<32x128xf32>
    %swap3A_2368 = arith.constant 48 : index
    %swap3A_2369 = arith.constant 0 : index
    %swap3A_2370 = arith.constant 0 : index
    %swap3A_2371 = vector.load %arg6[%swap3A_2368, %swap3A_2369, %swap3A_2370] : memref<108x32x128xf32, #tpu.memory_space<vmem>>, vector<1x32x128xf32>
    %swap3A_2372 = vector.shape_cast %swap3A_2371 : vector<1x32x128xf32> to vector<32x128xf32>
    %swap3A_2373 = vector.shape_cast %mul3A_2367 : vector<32x128xf32> to vector<1x32x128xf32>
    tpu.vector_store %arg6[%swap3A_2368, %swap3A_2369, %swap3A_2370], %swap3A_2373 {strides = array<i32>} : memref<108x32x128xf32, #tpu.memory_space<vmem>>, vector<1x32x128xf32>,
    %mul3A_2374 = arith.mulf %mul3A_2341, %logistic3A_180 : vector<32x128xf32>
    %swap3A_2375 = arith.constant 75 : index
    %swap3A_2376 = arith.constant 0 : index
    %swap3A_2377 = arith.constant 0 : index
    %swap3A_2378 = vector.load %arg6[%swap3A_2375, %swap3A_2376, %swap3A_2377] : memref<108x32x128xf32, #tpu.memory_space<vmem>>, vector<1x32x128xf32>
    %swap3A_2379 = vector.shape_cast %swap3A_2378 : vector<1x32x128xf32> to vector<32x128xf32>
    %swap3A_2380 = vector.shape_cast %mul3A_2374 : vector<32x128xf32> to vector<1x32x128xf32>
    tpu.vector_store %arg6[%swap3A_2375, %swap3A_2376, %swap3A_2377], %swap3A_2380 {strides = array<i32>} : memref<108x32x128xf32, #tpu.memory_space<vmem>>, vector<1x32x128xf32>,
    %swap3A_2381 = arith.constant 102 : index
    %swap3A_2382 = arith.constant 0 : index
    %swap3A_2383 = arith.constant 0 : index
    %swap3A_2384 = vector.load %arg6[%swap3A_2381, %swap3A_2382, %swap3A_2383] : memref<108x32x128xf32, #tpu.memory_space<vmem>>, vector<1x32x128xf32>
    %swap3A_2385 = vector.shape_cast %swap3A_2384 : vector<1x32x128xf32> to vector<32x128xf32>
    %swap3A_2386 = vector.shape_cast %mul3A_2341 : vector<32x128xf32> to vector<1x32x128xf32>
    tpu.vector_store %arg6[%swap3A_2381, %swap3A_2382, %swap3A_2383], %swap3A_2386 {strides = array<i32>} : memref<108x32x128xf32, #tpu.memory_space<vmem>>, vector<1x32x128xf32>,
    %add3A_2387 = arith.constant 1.000000e+00 : f32
    %add3A_2388 = vector.broadcast %add3A_2387 : f32 to vector<32x128xf32>
    %add3A_2389 = arith.addf %floor3A, %add3A_2388 : vector<32x128xf32>
    %jit3A_2390 = arith.constant 0.000000e+00 : f32
    %jit3A_2391 = arith.constant 2.550000e+02 : f32
    %max3A_2392 = vector.broadcast %jit3A_2390 : f32 to vector<32x128xf32>
    %max3A_2393 = arith.maximumf %max3A_2392, %add3A_2389 : vector<32x128xf32>
    %min3A_2394 = vector.broadcast %jit3A_2391 : f32 to vector<32x128xf32>
    %min3A_2395 = arith.minimumf %min3A_2394, %max3A_2393 : vector<32x128xf32>
    %add3A_2396 = arith.constant 0.000000e+00 : f32
    %add3A_2397 = vector.broadcast %add3A_2396 : f32 to vector<32x128xf32>
    %add3A_2398 = arith.addf %floor3A_38, %add3A_2397 : vector<32x128xf32>
    %jit3A_2399 = arith.constant 0.000000e+00 : f32
    %jit3A_2400 = arith.constant 2.550000e+02 : f32
    %max3A_2401 = vector.broadcast %jit3A_2399 : f32 to vector<32x128xf32>
    %max3A_2402 = arith.maximumf %max3A_2401, %add3A_2398 : vector<32x128xf32>
    %min3A_2403 = vector.broadcast %jit3A_2400 : f32 to vector<32x128xf32>
    %min3A_2404 = arith.minimumf %min3A_2403, %max3A_2402 : vector<32x128xf32>
    %add3A_2405 = arith.constant 0.000000e+00 : f32
    %add3A_2406 = vector.broadcast %add3A_2405 : f32 to vector<32x128xf32>
    %add3A_2407 = arith.addf %floor3A_42, %add3A_2406 : vector<32x128xf32>
    %jit3A_2408 = arith.constant 0.000000e+00 : f32
    %jit3A_2409 = arith.constant 1.500000e+01 : f32
    %max3A_2410 = vector.broadcast %jit3A_2408 : f32 to vector<32x128xf32>
    %max3A_2411 = arith.maximumf %max3A_2410, %add3A_2407 : vector<32x128xf32>
    %min3A_2412 = vector.broadcast %jit3A_2409 : f32 to vector<32x128xf32>
    %min3A_2413 = arith.minimumf %min3A_2412, %max3A_2411 : vector<32x128xf32>
    %sub3A_2414 = arith.subf %min3A_2395, %mul3A_19 : vector<32x128xf32>
    %sub3A_2415 = arith.subf %min3A_2404, %mul3A_25 : vector<32x128xf32>
    %sub3A_2416 = arith.subf %min3A_2413, %mul3A_31 : vector<32x128xf32>
    %mul3A_2417 = arith.mulf %mul3A_123, %sub3A_2414 : vector<32x128xf32>
    %mul3A_2418 = arith.mulf %mul3A_2417, %sub3A_2414 : vector<32x128xf32>
    %mul3A_2419 = arith.mulf %mul3A_129, %sub3A_2415 : vector<32x128xf32>
    %mul3A_2420 = arith.mulf %mul3A_2419, %sub3A_2415 : vector<32x128xf32>
    %add3A_2421 = arith.addf %mul3A_2418, %mul3A_2420 : vector<32x128xf32>
    %mul3A_2422 = arith.mulf %mul3A_137, %sub3A_2416 : vector<32x128xf32>
    %mul3A_2423 = arith.mulf %mul3A_2422, %sub3A_2416 : vector<32x128xf32>
    %add3A_2424 = arith.addf %add3A_2421, %mul3A_2423 : vector<32x128xf32>
    %mul3A_2425 = arith.mulf %mul3A_124, %sub3A_2414 : vector<32x128xf32>
    %mul3A_2426 = arith.mulf %mul3A_2425, %sub3A_2415 : vector<32x128xf32>
    %mul3A_2427 = arith.mulf %mul3A_125, %sub3A_2414 : vector<32x128xf32>
    %mul3A_2428 = arith.mulf %mul3A_2427, %sub3A_2416 : vector<32x128xf32>
    %add3A_2429 = arith.addf %mul3A_2426, %mul3A_2428 : vector<32x128xf32>
    %mul3A_2430 = arith.mulf %mul3A_133, %sub3A_2415 : vector<32x128xf32>
    %mul3A_2431 = arith.mulf %mul3A_2430, %sub3A_2416 : vector<32x128xf32>
    %add3A_2432 = arith.addf %add3A_2429, %mul3A_2431 : vector<32x128xf32>
    %mul3A_2433 = arith.constant 2.000000e+00 : f32
    %mul3A_2434 = vector.broadcast %mul3A_2433 : f32 to vector<32x128xf32>
    %mul3A_2435 = arith.mulf %mul3A_2434, %add3A_2432 : vector<32x128xf32>
    %add3A_2436 = arith.addf %add3A_2424, %mul3A_2435 : vector<32x128xf32>
    %mul3A_2437 = arith.constant -5.000000e-01 : f32
    %mul3A_2438 = vector.broadcast %mul3A_2437 : f32 to vector<32x128xf32>
    %mul3A_2439 = arith.mulf %mul3A_2438, %add3A_2436 : vector<32x128xf32>
    %exp3A_2440 = math.exp %mul3A_2439 : vector<32x128xf32>
    %mul3A_2441 = arith.mulf %select_n3A, %exp3A_2440 : vector<32x128xf32>
    %convert_element_type3A_2442 = arith.fptosi %min3A_2395 : vector<32x128xf32> to vector<32x128xi32>
    %convert_element_type3A_2443 = arith.fptosi %min3A_2404 : vector<32x128xf32> to vector<32x128xi32>
    %convert_element_type3A_2444 = arith.fptosi %min3A_2413 : vector<32x128xf32> to vector<32x128xi32>
    %mul3A_2445 = arith.constant 4096 : i32
    %mul3A_2446 = vector.broadcast %mul3A_2445 : i32 to vector<32x128xi32>
    %mul3A_2447 = arith.muli %convert_element_type3A_2443, %mul3A_2446 : vector<32x128xi32>
    %mul3A_2448 = arith.constant 16 : i32
    %mul3A_2449 = vector.broadcast %mul3A_2448 : i32 to vector<32x128xi32>
    %mul3A_2450 = arith.muli %convert_element_type3A_2442, %mul3A_2449 : vector<32x128xi32>
    %add3A_2451 = arith.addi %mul3A_2447, %mul3A_2450 : vector<32x128xi32>
    %add3A_2452 = arith.addi %add3A_2451, %convert_element_type3A_2444 : vector<32x128xi32>
    %select_n3A_2453 = arith.select %lt3A_191, %add3A_2452, %add3A_189 : vector<32x128xi1>, vector<32x128xi32>
    %swap3A_2454 = arith.constant 22 : index
    %swap3A_2455 = arith.constant 0 : index
    %swap3A_2456 = arith.constant 0 : index
    %swap3A_2457 = vector.load %arg5[%swap3A_2454, %swap3A_2455, %swap3A_2456] : memref<27x32x128xi32, #tpu.memory_space<vmem>>, vector<1x32x128xi32>
    %swap3A_2458 = vector.shape_cast %swap3A_2457 : vector<1x32x128xi32> to vector<32x128xi32>
    %swap3A_2459 = vector.shape_cast %select_n3A_2453 : vector<32x128xi32> to vector<1x32x128xi32>
    tpu.vector_store %arg5[%swap3A_2454, %swap3A_2455, %swap3A_2456], %swap3A_2459 {strides = array<i32>} : memref<27x32x128xi32, #tpu.memory_space<vmem>>, vector<1x32x128xi32>,
    %mul3A_2460 = arith.mulf %mul3A_2441, %logistic3A_158 : vector<32x128xf32>
    %swap3A_2461 = arith.constant 22 : index
    %swap3A_2462 = arith.constant 0 : index
    %swap3A_2463 = arith.constant 0 : index
    %swap3A_2464 = vector.load %arg6[%swap3A_2461, %swap3A_2462, %swap3A_2463] : memref<108x32x128xf32, #tpu.memory_space<vmem>>, vector<1x32x128xf32>
    %swap3A_2465 = vector.shape_cast %swap3A_2464 : vector<1x32x128xf32> to vector<32x128xf32>
    %swap3A_2466 = vector.shape_cast %mul3A_2460 : vector<32x128xf32> to vector<1x32x128xf32>
    tpu.vector_store %arg6[%swap3A_2461, %swap3A_2462, %swap3A_2463], %swap3A_2466 {strides = array<i32>} : memref<108x32x128xf32, #tpu.memory_space<vmem>>, vector<1x32x128xf32>,
    %mul3A_2467 = arith.mulf %mul3A_2441, %logistic3A_169 : vector<32x128xf32>
    %swap3A_2468 = arith.constant 49 : index
    %swap3A_2469 = arith.constant 0 : index
    %swap3A_2470 = arith.constant 0 : index
    %swap3A_2471 = vector.load %arg6[%swap3A_2468, %swap3A_2469, %swap3A_2470] : memref<108x32x128xf32, #tpu.memory_space<vmem>>, vector<1x32x128xf32>
    %swap3A_2472 = vector.shape_cast %swap3A_2471 : vector<1x32x128xf32> to vector<32x128xf32>
    %swap3A_2473 = vector.shape_cast %mul3A_2467 : vector<32x128xf32> to vector<1x32x128xf32>
    tpu.vector_store %arg6[%swap3A_2468, %swap3A_2469, %swap3A_2470], %swap3A_2473 {strides = array<i32>} : memref<108x32x128xf32, #tpu.memory_space<vmem>>, vector<1x32x128xf32>,
    %mul3A_2474 = arith.mulf %mul3A_2441, %logistic3A_180 : vector<32x128xf32>
    %swap3A_2475 = arith.constant 76 : index
    %swap3A_2476 = arith.constant 0 : index
    %swap3A_2477 = arith.constant 0 : index
    %swap3A_2478 = vector.load %arg6[%swap3A_2475, %swap3A_2476, %swap3A_2477] : memref<108x32x128xf32, #tpu.memory_space<vmem>>, vector<1x32x128xf32>
    %swap3A_2479 = vector.shape_cast %swap3A_2478 : vector<1x32x128xf32> to vector<32x128xf32>
    %swap3A_2480 = vector.shape_cast %mul3A_2474 : vector<32x128xf32> to vector<1x32x128xf32>
    tpu.vector_store %arg6[%swap3A_2475, %swap3A_2476, %swap3A_2477], %swap3A_2480 {strides = array<i32>} : memref<108x32x128xf32, #tpu.memory_space<vmem>>, vector<1x32x128xf32>,
    %swap3A_2481 = arith.constant 103 : index
    %swap3A_2482 = arith.constant 0 : index
    %swap3A_2483 = arith.constant 0 : index
    %swap3A_2484 = vector.load %arg6[%swap3A_2481, %swap3A_2482, %swap3A_2483] : memref<108x32x128xf32, #tpu.memory_space<vmem>>, vector<1x32x128xf32>
    %swap3A_2485 = vector.shape_cast %swap3A_2484 : vector<1x32x128xf32> to vector<32x128xf32>
    %swap3A_2486 = vector.shape_cast %mul3A_2441 : vector<32x128xf32> to vector<1x32x128xf32>
    tpu.vector_store %arg6[%swap3A_2481, %swap3A_2482, %swap3A_2483], %swap3A_2486 {strides = array<i32>} : memref<108x32x128xf32, #tpu.memory_space<vmem>>, vector<1x32x128xf32>,
    %add3A_2487 = arith.constant 1.000000e+00 : f32
    %add3A_2488 = vector.broadcast %add3A_2487 : f32 to vector<32x128xf32>
    %add3A_2489 = arith.addf %floor3A, %add3A_2488 : vector<32x128xf32>
    %jit3A_2490 = arith.constant 0.000000e+00 : f32
    %jit3A_2491 = arith.constant 2.550000e+02 : f32
    %max3A_2492 = vector.broadcast %jit3A_2490 : f32 to vector<32x128xf32>
    %max3A_2493 = arith.maximumf %max3A_2492, %add3A_2489 : vector<32x128xf32>
    %min3A_2494 = vector.broadcast %jit3A_2491 : f32 to vector<32x128xf32>
    %min3A_2495 = arith.minimumf %min3A_2494, %max3A_2493 : vector<32x128xf32>
    %add3A_2496 = arith.constant 0.000000e+00 : f32
    %add3A_2497 = vector.broadcast %add3A_2496 : f32 to vector<32x128xf32>
    %add3A_2498 = arith.addf %floor3A_38, %add3A_2497 : vector<32x128xf32>
    %jit3A_2499 = arith.constant 0.000000e+00 : f32
    %jit3A_2500 = arith.constant 2.550000e+02 : f32
    %max3A_2501 = vector.broadcast %jit3A_2499 : f32 to vector<32x128xf32>
    %max3A_2502 = arith.maximumf %max3A_2501, %add3A_2498 : vector<32x128xf32>
    %min3A_2503 = vector.broadcast %jit3A_2500 : f32 to vector<32x128xf32>
    %min3A_2504 = arith.minimumf %min3A_2503, %max3A_2502 : vector<32x128xf32>
    %add3A_2505 = arith.constant 1.000000e+00 : f32
    %add3A_2506 = vector.broadcast %add3A_2505 : f32 to vector<32x128xf32>
    %add3A_2507 = arith.addf %floor3A_42, %add3A_2506 : vector<32x128xf32>
    %jit3A_2508 = arith.constant 0.000000e+00 : f32
    %jit3A_2509 = arith.constant 1.500000e+01 : f32
    %max3A_2510 = vector.broadcast %jit3A_2508 : f32 to vector<32x128xf32>
    %max3A_2511 = arith.maximumf %max3A_2510, %add3A_2507 : vector<32x128xf32>
    %min3A_2512 = vector.broadcast %jit3A_2509 : f32 to vector<32x128xf32>
    %min3A_2513 = arith.minimumf %min3A_2512, %max3A_2511 : vector<32x128xf32>
    %sub3A_2514 = arith.subf %min3A_2495, %mul3A_19 : vector<32x128xf32>
    %sub3A_2515 = arith.subf %min3A_2504, %mul3A_25 : vector<32x128xf32>
    %sub3A_2516 = arith.subf %min3A_2513, %mul3A_31 : vector<32x128xf32>
    %mul3A_2517 = arith.mulf %mul3A_123, %sub3A_2514 : vector<32x128xf32>
    %mul3A_2518 = arith.mulf %mul3A_2517, %sub3A_2514 : vector<32x128xf32>
    %mul3A_2519 = arith.mulf %mul3A_129, %sub3A_2515 : vector<32x128xf32>
    %mul3A_2520 = arith.mulf %mul3A_2519, %sub3A_2515 : vector<32x128xf32>
    %add3A_2521 = arith.addf %mul3A_2518, %mul3A_2520 : vector<32x128xf32>
    %mul3A_2522 = arith.mulf %mul3A_137, %sub3A_2516 : vector<32x128xf32>
    %mul3A_2523 = arith.mulf %mul3A_2522, %sub3A_2516 : vector<32x128xf32>
    %add3A_2524 = arith.addf %add3A_2521, %mul3A_2523 : vector<32x128xf32>
    %mul3A_2525 = arith.mulf %mul3A_124, %sub3A_2514 : vector<32x128xf32>
    %mul3A_2526 = arith.mulf %mul3A_2525, %sub3A_2515 : vector<32x128xf32>
    %mul3A_2527 = arith.mulf %mul3A_125, %sub3A_2514 : vector<32x128xf32>
    %mul3A_2528 = arith.mulf %mul3A_2527, %sub3A_2516 : vector<32x128xf32>
    %add3A_2529 = arith.addf %mul3A_2526, %mul3A_2528 : vector<32x128xf32>
    %mul3A_2530 = arith.mulf %mul3A_133, %sub3A_2515 : vector<32x128xf32>
    %mul3A_2531 = arith.mulf %mul3A_2530, %sub3A_2516 : vector<32x128xf32>
    %add3A_2532 = arith.addf %add3A_2529, %mul3A_2531 : vector<32x128xf32>
    %mul3A_2533 = arith.constant 2.000000e+00 : f32
    %mul3A_2534 = vector.broadcast %mul3A_2533 : f32 to vector<32x128xf32>
    %mul3A_2535 = arith.mulf %mul3A_2534, %add3A_2532 : vector<32x128xf32>
    %add3A_2536 = arith.addf %add3A_2524, %mul3A_2535 : vector<32x128xf32>
    %mul3A_2537 = arith.constant -5.000000e-01 : f32
    %mul3A_2538 = vector.broadcast %mul3A_2537 : f32 to vector<32x128xf32>
    %mul3A_2539 = arith.mulf %mul3A_2538, %add3A_2536 : vector<32x128xf32>
    %exp3A_2540 = math.exp %mul3A_2539 : vector<32x128xf32>
    %mul3A_2541 = arith.mulf %select_n3A, %exp3A_2540 : vector<32x128xf32>
    %convert_element_type3A_2542 = arith.fptosi %min3A_2495 : vector<32x128xf32> to vector<32x128xi32>
    %convert_element_type3A_2543 = arith.fptosi %min3A_2504 : vector<32x128xf32> to vector<32x128xi32>
    %convert_element_type3A_2544 = arith.fptosi %min3A_2513 : vector<32x128xf32> to vector<32x128xi32>
    %mul3A_2545 = arith.constant 4096 : i32
    %mul3A_2546 = vector.broadcast %mul3A_2545 : i32 to vector<32x128xi32>
    %mul3A_2547 = arith.muli %convert_element_type3A_2543, %mul3A_2546 : vector<32x128xi32>
    %mul3A_2548 = arith.constant 16 : i32
    %mul3A_2549 = vector.broadcast %mul3A_2548 : i32 to vector<32x128xi32>
    %mul3A_2550 = arith.muli %convert_element_type3A_2542, %mul3A_2549 : vector<32x128xi32>
    %add3A_2551 = arith.addi %mul3A_2547, %mul3A_2550 : vector<32x128xi32>
    %add3A_2552 = arith.addi %add3A_2551, %convert_element_type3A_2544 : vector<32x128xi32>
    %select_n3A_2553 = arith.select %lt3A_191, %add3A_2552, %add3A_189 : vector<32x128xi1>, vector<32x128xi32>
    %swap3A_2554 = arith.constant 23 : index
    %swap3A_2555 = arith.constant 0 : index
    %swap3A_2556 = arith.constant 0 : index
    %swap3A_2557 = vector.load %arg5[%swap3A_2554, %swap3A_2555, %swap3A_2556] : memref<27x32x128xi32, #tpu.memory_space<vmem>>, vector<1x32x128xi32>
    %swap3A_2558 = vector.shape_cast %swap3A_2557 : vector<1x32x128xi32> to vector<32x128xi32>
    %swap3A_2559 = vector.shape_cast %select_n3A_2553 : vector<32x128xi32> to vector<1x32x128xi32>
    tpu.vector_store %arg5[%swap3A_2554, %swap3A_2555, %swap3A_2556], %swap3A_2559 {strides = array<i32>} : memref<27x32x128xi32, #tpu.memory_space<vmem>>, vector<1x32x128xi32>,
    %mul3A_2560 = arith.mulf %mul3A_2541, %logistic3A_158 : vector<32x128xf32>
    %swap3A_2561 = arith.constant 23 : index
    %swap3A_2562 = arith.constant 0 : index
    %swap3A_2563 = arith.constant 0 : index
    %swap3A_2564 = vector.load %arg6[%swap3A_2561, %swap3A_2562, %swap3A_2563] : memref<108x32x128xf32, #tpu.memory_space<vmem>>, vector<1x32x128xf32>
    %swap3A_2565 = vector.shape_cast %swap3A_2564 : vector<1x32x128xf32> to vector<32x128xf32>
    %swap3A_2566 = vector.shape_cast %mul3A_2560 : vector<32x128xf32> to vector<1x32x128xf32>
    tpu.vector_store %arg6[%swap3A_2561, %swap3A_2562, %swap3A_2563], %swap3A_2566 {strides = array<i32>} : memref<108x32x128xf32, #tpu.memory_space<vmem>>, vector<1x32x128xf32>,
    %mul3A_2567 = arith.mulf %mul3A_2541, %logistic3A_169 : vector<32x128xf32>
    %swap3A_2568 = arith.constant 50 : index
    %swap3A_2569 = arith.constant 0 : index
    %swap3A_2570 = arith.constant 0 : index
    %swap3A_2571 = vector.load %arg6[%swap3A_2568, %swap3A_2569, %swap3A_2570] : memref<108x32x128xf32, #tpu.memory_space<vmem>>, vector<1x32x128xf32>
    %swap3A_2572 = vector.shape_cast %swap3A_2571 : vector<1x32x128xf32> to vector<32x128xf32>
    %swap3A_2573 = vector.shape_cast %mul3A_2567 : vector<32x128xf32> to vector<1x32x128xf32>
    tpu.vector_store %arg6[%swap3A_2568, %swap3A_2569, %swap3A_2570], %swap3A_2573 {strides = array<i32>} : memref<108x32x128xf32, #tpu.memory_space<vmem>>, vector<1x32x128xf32>,
    %mul3A_2574 = arith.mulf %mul3A_2541, %logistic3A_180 : vector<32x128xf32>
    %swap3A_2575 = arith.constant 77 : index
    %swap3A_2576 = arith.constant 0 : index
    %swap3A_2577 = arith.constant 0 : index
    %swap3A_2578 = vector.load %arg6[%swap3A_2575, %swap3A_2576, %swap3A_2577] : memref<108x32x128xf32, #tpu.memory_space<vmem>>, vector<1x32x128xf32>
    %swap3A_2579 = vector.shape_cast %swap3A_2578 : vector<1x32x128xf32> to vector<32x128xf32>
    %swap3A_2580 = vector.shape_cast %mul3A_2574 : vector<32x128xf32> to vector<1x32x128xf32>
    tpu.vector_store %arg6[%swap3A_2575, %swap3A_2576, %swap3A_2577], %swap3A_2580 {strides = array<i32>} : memref<108x32x128xf32, #tpu.memory_space<vmem>>, vector<1x32x128xf32>,
    %swap3A_2581 = arith.constant 104 : index
    %swap3A_2582 = arith.constant 0 : index
    %swap3A_2583 = arith.constant 0 : index
    %swap3A_2584 = vector.load %arg6[%swap3A_2581, %swap3A_2582, %swap3A_2583] : memref<108x32x128xf32, #tpu.memory_space<vmem>>, vector<1x32x128xf32>
    %swap3A_2585 = vector.shape_cast %swap3A_2584 : vector<1x32x128xf32> to vector<32x128xf32>
    %swap3A_2586 = vector.shape_cast %mul3A_2541 : vector<32x128xf32> to vector<1x32x128xf32>
    tpu.vector_store %arg6[%swap3A_2581, %swap3A_2582, %swap3A_2583], %swap3A_2586 {strides = array<i32>} : memref<108x32x128xf32, #tpu.memory_space<vmem>>, vector<1x32x128xf32>,
    %add3A_2587 = arith.constant 1.000000e+00 : f32
    %add3A_2588 = vector.broadcast %add3A_2587 : f32 to vector<32x128xf32>
    %add3A_2589 = arith.addf %floor3A, %add3A_2588 : vector<32x128xf32>
    %jit3A_2590 = arith.constant 0.000000e+00 : f32
    %jit3A_2591 = arith.constant 2.550000e+02 : f32
    %max3A_2592 = vector.broadcast %jit3A_2590 : f32 to vector<32x128xf32>
    %max3A_2593 = arith.maximumf %max3A_2592, %add3A_2589 : vector<32x128xf32>
    %min3A_2594 = vector.broadcast %jit3A_2591 : f32 to vector<32x128xf32>
    %min3A_2595 = arith.minimumf %min3A_2594, %max3A_2593 : vector<32x128xf32>
    %add3A_2596 = arith.constant 1.000000e+00 : f32
    %add3A_2597 = vector.broadcast %add3A_2596 : f32 to vector<32x128xf32>
    %add3A_2598 = arith.addf %floor3A_38, %add3A_2597 : vector<32x128xf32>
    %jit3A_2599 = arith.constant 0.000000e+00 : f32
    %jit3A_2600 = arith.constant 2.550000e+02 : f32
    %max3A_2601 = vector.broadcast %jit3A_2599 : f32 to vector<32x128xf32>
    %max3A_2602 = arith.maximumf %max3A_2601, %add3A_2598 : vector<32x128xf32>
    %min3A_2603 = vector.broadcast %jit3A_2600 : f32 to vector<32x128xf32>
    %min3A_2604 = arith.minimumf %min3A_2603, %max3A_2602 : vector<32x128xf32>
    %add3A_2605 = arith.constant -1.000000e+00 : f32
    %add3A_2606 = vector.broadcast %add3A_2605 : f32 to vector<32x128xf32>
    %add3A_2607 = arith.addf %floor3A_42, %add3A_2606 : vector<32x128xf32>
    %jit3A_2608 = arith.constant 0.000000e+00 : f32
    %jit3A_2609 = arith.constant 1.500000e+01 : f32
    %max3A_2610 = vector.broadcast %jit3A_2608 : f32 to vector<32x128xf32>
    %max3A_2611 = arith.maximumf %max3A_2610, %add3A_2607 : vector<32x128xf32>
    %min3A_2612 = vector.broadcast %jit3A_2609 : f32 to vector<32x128xf32>
    %min3A_2613 = arith.minimumf %min3A_2612, %max3A_2611 : vector<32x128xf32>
    %sub3A_2614 = arith.subf %min3A_2595, %mul3A_19 : vector<32x128xf32>
    %sub3A_2615 = arith.subf %min3A_2604, %mul3A_25 : vector<32x128xf32>
    %sub3A_2616 = arith.subf %min3A_2613, %mul3A_31 : vector<32x128xf32>
    %mul3A_2617 = arith.mulf %mul3A_123, %sub3A_2614 : vector<32x128xf32>
    %mul3A_2618 = arith.mulf %mul3A_2617, %sub3A_2614 : vector<32x128xf32>
    %mul3A_2619 = arith.mulf %mul3A_129, %sub3A_2615 : vector<32x128xf32>
    %mul3A_2620 = arith.mulf %mul3A_2619, %sub3A_2615 : vector<32x128xf32>
    %add3A_2621 = arith.addf %mul3A_2618, %mul3A_2620 : vector<32x128xf32>
    %mul3A_2622 = arith.mulf %mul3A_137, %sub3A_2616 : vector<32x128xf32>
    %mul3A_2623 = arith.mulf %mul3A_2622, %sub3A_2616 : vector<32x128xf32>
    %add3A_2624 = arith.addf %add3A_2621, %mul3A_2623 : vector<32x128xf32>
    %mul3A_2625 = arith.mulf %mul3A_124, %sub3A_2614 : vector<32x128xf32>
    %mul3A_2626 = arith.mulf %mul3A_2625, %sub3A_2615 : vector<32x128xf32>
    %mul3A_2627 = arith.mulf %mul3A_125, %sub3A_2614 : vector<32x128xf32>
    %mul3A_2628 = arith.mulf %mul3A_2627, %sub3A_2616 : vector<32x128xf32>
    %add3A_2629 = arith.addf %mul3A_2626, %mul3A_2628 : vector<32x128xf32>
    %mul3A_2630 = arith.mulf %mul3A_133, %sub3A_2615 : vector<32x128xf32>
    %mul3A_2631 = arith.mulf %mul3A_2630, %sub3A_2616 : vector<32x128xf32>
    %add3A_2632 = arith.addf %add3A_2629, %mul3A_2631 : vector<32x128xf32>
    %mul3A_2633 = arith.constant 2.000000e+00 : f32
    %mul3A_2634 = vector.broadcast %mul3A_2633 : f32 to vector<32x128xf32>
    %mul3A_2635 = arith.mulf %mul3A_2634, %add3A_2632 : vector<32x128xf32>
    %add3A_2636 = arith.addf %add3A_2624, %mul3A_2635 : vector<32x128xf32>
    %mul3A_2637 = arith.constant -5.000000e-01 : f32
    %mul3A_2638 = vector.broadcast %mul3A_2637 : f32 to vector<32x128xf32>
    %mul3A_2639 = arith.mulf %mul3A_2638, %add3A_2636 : vector<32x128xf32>
    %exp3A_2640 = math.exp %mul3A_2639 : vector<32x128xf32>
    %mul3A_2641 = arith.mulf %select_n3A, %exp3A_2640 : vector<32x128xf32>
    %convert_element_type3A_2642 = arith.fptosi %min3A_2595 : vector<32x128xf32> to vector<32x128xi32>
    %convert_element_type3A_2643 = arith.fptosi %min3A_2604 : vector<32x128xf32> to vector<32x128xi32>
    %convert_element_type3A_2644 = arith.fptosi %min3A_2613 : vector<32x128xf32> to vector<32x128xi32>
    %mul3A_2645 = arith.constant 4096 : i32
    %mul3A_2646 = vector.broadcast %mul3A_2645 : i32 to vector<32x128xi32>
    %mul3A_2647 = arith.muli %convert_element_type3A_2643, %mul3A_2646 : vector<32x128xi32>
    %mul3A_2648 = arith.constant 16 : i32
    %mul3A_2649 = vector.broadcast %mul3A_2648 : i32 to vector<32x128xi32>
    %mul3A_2650 = arith.muli %convert_element_type3A_2642, %mul3A_2649 : vector<32x128xi32>
    %add3A_2651 = arith.addi %mul3A_2647, %mul3A_2650 : vector<32x128xi32>
    %add3A_2652 = arith.addi %add3A_2651, %convert_element_type3A_2644 : vector<32x128xi32>
    %select_n3A_2653 = arith.select %lt3A_191, %add3A_2652, %add3A_189 : vector<32x128xi1>, vector<32x128xi32>
    %swap3A_2654 = arith.constant 24 : index
    %swap3A_2655 = arith.constant 0 : index
    %swap3A_2656 = arith.constant 0 : index
    %swap3A_2657 = vector.load %arg5[%swap3A_2654, %swap3A_2655, %swap3A_2656] : memref<27x32x128xi32, #tpu.memory_space<vmem>>, vector<1x32x128xi32>
    %swap3A_2658 = vector.shape_cast %swap3A_2657 : vector<1x32x128xi32> to vector<32x128xi32>
    %swap3A_2659 = vector.shape_cast %select_n3A_2653 : vector<32x128xi32> to vector<1x32x128xi32>
    tpu.vector_store %arg5[%swap3A_2654, %swap3A_2655, %swap3A_2656], %swap3A_2659 {strides = array<i32>} : memref<27x32x128xi32, #tpu.memory_space<vmem>>, vector<1x32x128xi32>,
    %mul3A_2660 = arith.mulf %mul3A_2641, %logistic3A_158 : vector<32x128xf32>
    %swap3A_2661 = arith.constant 24 : index
    %swap3A_2662 = arith.constant 0 : index
    %swap3A_2663 = arith.constant 0 : index
    %swap3A_2664 = vector.load %arg6[%swap3A_2661, %swap3A_2662, %swap3A_2663] : memref<108x32x128xf32, #tpu.memory_space<vmem>>, vector<1x32x128xf32>
    %swap3A_2665 = vector.shape_cast %swap3A_2664 : vector<1x32x128xf32> to vector<32x128xf32>
    %swap3A_2666 = vector.shape_cast %mul3A_2660 : vector<32x128xf32> to vector<1x32x128xf32>
    tpu.vector_store %arg6[%swap3A_2661, %swap3A_2662, %swap3A_2663], %swap3A_2666 {strides = array<i32>} : memref<108x32x128xf32, #tpu.memory_space<vmem>>, vector<1x32x128xf32>,
    %mul3A_2667 = arith.mulf %mul3A_2641, %logistic3A_169 : vector<32x128xf32>
    %swap3A_2668 = arith.constant 51 : index
    %swap3A_2669 = arith.constant 0 : index
    %swap3A_2670 = arith.constant 0 : index
    %swap3A_2671 = vector.load %arg6[%swap3A_2668, %swap3A_2669, %swap3A_2670] : memref<108x32x128xf32, #tpu.memory_space<vmem>>, vector<1x32x128xf32>
    %swap3A_2672 = vector.shape_cast %swap3A_2671 : vector<1x32x128xf32> to vector<32x128xf32>
    %swap3A_2673 = vector.shape_cast %mul3A_2667 : vector<32x128xf32> to vector<1x32x128xf32>
    tpu.vector_store %arg6[%swap3A_2668, %swap3A_2669, %swap3A_2670], %swap3A_2673 {strides = array<i32>} : memref<108x32x128xf32, #tpu.memory_space<vmem>>, vector<1x32x128xf32>,
    %mul3A_2674 = arith.mulf %mul3A_2641, %logistic3A_180 : vector<32x128xf32>
    %swap3A_2675 = arith.constant 78 : index
    %swap3A_2676 = arith.constant 0 : index
    %swap3A_2677 = arith.constant 0 : index
    %swap3A_2678 = vector.load %arg6[%swap3A_2675, %swap3A_2676, %swap3A_2677] : memref<108x32x128xf32, #tpu.memory_space<vmem>>, vector<1x32x128xf32>
    %swap3A_2679 = vector.shape_cast %swap3A_2678 : vector<1x32x128xf32> to vector<32x128xf32>
    %swap3A_2680 = vector.shape_cast %mul3A_2674 : vector<32x128xf32> to vector<1x32x128xf32>
    tpu.vector_store %arg6[%swap3A_2675, %swap3A_2676, %swap3A_2677], %swap3A_2680 {strides = array<i32>} : memref<108x32x128xf32, #tpu.memory_space<vmem>>, vector<1x32x128xf32>,
    %swap3A_2681 = arith.constant 105 : index
    %swap3A_2682 = arith.constant 0 : index
    %swap3A_2683 = arith.constant 0 : index
    %swap3A_2684 = vector.load %arg6[%swap3A_2681, %swap3A_2682, %swap3A_2683] : memref<108x32x128xf32, #tpu.memory_space<vmem>>, vector<1x32x128xf32>
    %swap3A_2685 = vector.shape_cast %swap3A_2684 : vector<1x32x128xf32> to vector<32x128xf32>
    %swap3A_2686 = vector.shape_cast %mul3A_2641 : vector<32x128xf32> to vector<1x32x128xf32>
    tpu.vector_store %arg6[%swap3A_2681, %swap3A_2682, %swap3A_2683], %swap3A_2686 {strides = array<i32>} : memref<108x32x128xf32, #tpu.memory_space<vmem>>, vector<1x32x128xf32>,
    %add3A_2687 = arith.constant 1.000000e+00 : f32
    %add3A_2688 = vector.broadcast %add3A_2687 : f32 to vector<32x128xf32>
    %add3A_2689 = arith.addf %floor3A, %add3A_2688 : vector<32x128xf32>
    %jit3A_2690 = arith.constant 0.000000e+00 : f32
    %jit3A_2691 = arith.constant 2.550000e+02 : f32
    %max3A_2692 = vector.broadcast %jit3A_2690 : f32 to vector<32x128xf32>
    %max3A_2693 = arith.maximumf %max3A_2692, %add3A_2689 : vector<32x128xf32>
    %min3A_2694 = vector.broadcast %jit3A_2691 : f32 to vector<32x128xf32>
    %min3A_2695 = arith.minimumf %min3A_2694, %max3A_2693 : vector<32x128xf32>
    %add3A_2696 = arith.constant 1.000000e+00 : f32
    %add3A_2697 = vector.broadcast %add3A_2696 : f32 to vector<32x128xf32>
    %add3A_2698 = arith.addf %floor3A_38, %add3A_2697 : vector<32x128xf32>
    %jit3A_2699 = arith.constant 0.000000e+00 : f32
    %jit3A_2700 = arith.constant 2.550000e+02 : f32
    %max3A_2701 = vector.broadcast %jit3A_2699 : f32 to vector<32x128xf32>
    %max3A_2702 = arith.maximumf %max3A_2701, %add3A_2698 : vector<32x128xf32>
    %min3A_2703 = vector.broadcast %jit3A_2700 : f32 to vector<32x128xf32>
    %min3A_2704 = arith.minimumf %min3A_2703, %max3A_2702 : vector<32x128xf32>
    %add3A_2705 = arith.constant 0.000000e+00 : f32
    %add3A_2706 = vector.broadcast %add3A_2705 : f32 to vector<32x128xf32>
    %add3A_2707 = arith.addf %floor3A_42, %add3A_2706 : vector<32x128xf32>
    %jit3A_2708 = arith.constant 0.000000e+00 : f32
    %jit3A_2709 = arith.constant 1.500000e+01 : f32
    %max3A_2710 = vector.broadcast %jit3A_2708 : f32 to vector<32x128xf32>
    %max3A_2711 = arith.maximumf %max3A_2710, %add3A_2707 : vector<32x128xf32>
    %min3A_2712 = vector.broadcast %jit3A_2709 : f32 to vector<32x128xf32>
    %min3A_2713 = arith.minimumf %min3A_2712, %max3A_2711 : vector<32x128xf32>
    %sub3A_2714 = arith.subf %min3A_2695, %mul3A_19 : vector<32x128xf32>
    %sub3A_2715 = arith.subf %min3A_2704, %mul3A_25 : vector<32x128xf32>
    %sub3A_2716 = arith.subf %min3A_2713, %mul3A_31 : vector<32x128xf32>
    %mul3A_2717 = arith.mulf %mul3A_123, %sub3A_2714 : vector<32x128xf32>
    %mul3A_2718 = arith.mulf %mul3A_2717, %sub3A_2714 : vector<32x128xf32>
    %mul3A_2719 = arith.mulf %mul3A_129, %sub3A_2715 : vector<32x128xf32>
    %mul3A_2720 = arith.mulf %mul3A_2719, %sub3A_2715 : vector<32x128xf32>
    %add3A_2721 = arith.addf %mul3A_2718, %mul3A_2720 : vector<32x128xf32>
    %mul3A_2722 = arith.mulf %mul3A_137, %sub3A_2716 : vector<32x128xf32>
    %mul3A_2723 = arith.mulf %mul3A_2722, %sub3A_2716 : vector<32x128xf32>
    %add3A_2724 = arith.addf %add3A_2721, %mul3A_2723 : vector<32x128xf32>
    %mul3A_2725 = arith.mulf %mul3A_124, %sub3A_2714 : vector<32x128xf32>
    %mul3A_2726 = arith.mulf %mul3A_2725, %sub3A_2715 : vector<32x128xf32>
    %mul3A_2727 = arith.mulf %mul3A_125, %sub3A_2714 : vector<32x128xf32>
    %mul3A_2728 = arith.mulf %mul3A_2727, %sub3A_2716 : vector<32x128xf32>
    %add3A_2729 = arith.addf %mul3A_2726, %mul3A_2728 : vector<32x128xf32>
    %mul3A_2730 = arith.mulf %mul3A_133, %sub3A_2715 : vector<32x128xf32>
    %mul3A_2731 = arith.mulf %mul3A_2730, %sub3A_2716 : vector<32x128xf32>
    %add3A_2732 = arith.addf %add3A_2729, %mul3A_2731 : vector<32x128xf32>
    %mul3A_2733 = arith.constant 2.000000e+00 : f32
    %mul3A_2734 = vector.broadcast %mul3A_2733 : f32 to vector<32x128xf32>
    %mul3A_2735 = arith.mulf %mul3A_2734, %add3A_2732 : vector<32x128xf32>
    %add3A_2736 = arith.addf %add3A_2724, %mul3A_2735 : vector<32x128xf32>
    %mul3A_2737 = arith.constant -5.000000e-01 : f32
    %mul3A_2738 = vector.broadcast %mul3A_2737 : f32 to vector<32x128xf32>
    %mul3A_2739 = arith.mulf %mul3A_2738, %add3A_2736 : vector<32x128xf32>
    %exp3A_2740 = math.exp %mul3A_2739 : vector<32x128xf32>
    %mul3A_2741 = arith.mulf %select_n3A, %exp3A_2740 : vector<32x128xf32>
    %convert_element_type3A_2742 = arith.fptosi %min3A_2695 : vector<32x128xf32> to vector<32x128xi32>
    %convert_element_type3A_2743 = arith.fptosi %min3A_2704 : vector<32x128xf32> to vector<32x128xi32>
    %convert_element_type3A_2744 = arith.fptosi %min3A_2713 : vector<32x128xf32> to vector<32x128xi32>
    %mul3A_2745 = arith.constant 4096 : i32
    %mul3A_2746 = vector.broadcast %mul3A_2745 : i32 to vector<32x128xi32>
    %mul3A_2747 = arith.muli %convert_element_type3A_2743, %mul3A_2746 : vector<32x128xi32>
    %mul3A_2748 = arith.constant 16 : i32
    %mul3A_2749 = vector.broadcast %mul3A_2748 : i32 to vector<32x128xi32>
    %mul3A_2750 = arith.muli %convert_element_type3A_2742, %mul3A_2749 : vector<32x128xi32>
    %add3A_2751 = arith.addi %mul3A_2747, %mul3A_2750 : vector<32x128xi32>
    %add3A_2752 = arith.addi %add3A_2751, %convert_element_type3A_2744 : vector<32x128xi32>
    %select_n3A_2753 = arith.select %lt3A_191, %add3A_2752, %add3A_189 : vector<32x128xi1>, vector<32x128xi32>
    %swap3A_2754 = arith.constant 25 : index
    %swap3A_2755 = arith.constant 0 : index
    %swap3A_2756 = arith.constant 0 : index
    %swap3A_2757 = vector.load %arg5[%swap3A_2754, %swap3A_2755, %swap3A_2756] : memref<27x32x128xi32, #tpu.memory_space<vmem>>, vector<1x32x128xi32>
    %swap3A_2758 = vector.shape_cast %swap3A_2757 : vector<1x32x128xi32> to vector<32x128xi32>
    %swap3A_2759 = vector.shape_cast %select_n3A_2753 : vector<32x128xi32> to vector<1x32x128xi32>
    tpu.vector_store %arg5[%swap3A_2754, %swap3A_2755, %swap3A_2756], %swap3A_2759 {strides = array<i32>} : memref<27x32x128xi32, #tpu.memory_space<vmem>>, vector<1x32x128xi32>,
    %mul3A_2760 = arith.mulf %mul3A_2741, %logistic3A_158 : vector<32x128xf32>
    %swap3A_2761 = arith.constant 25 : index
    %swap3A_2762 = arith.constant 0 : index
    %swap3A_2763 = arith.constant 0 : index
    %swap3A_2764 = vector.load %arg6[%swap3A_2761, %swap3A_2762, %swap3A_2763] : memref<108x32x128xf32, #tpu.memory_space<vmem>>, vector<1x32x128xf32>
    %swap3A_2765 = vector.shape_cast %swap3A_2764 : vector<1x32x128xf32> to vector<32x128xf32>
    %swap3A_2766 = vector.shape_cast %mul3A_2760 : vector<32x128xf32> to vector<1x32x128xf32>
    tpu.vector_store %arg6[%swap3A_2761, %swap3A_2762, %swap3A_2763], %swap3A_2766 {strides = array<i32>} : memref<108x32x128xf32, #tpu.memory_space<vmem>>, vector<1x32x128xf32>,
    %mul3A_2767 = arith.mulf %mul3A_2741, %logistic3A_169 : vector<32x128xf32>
    %swap3A_2768 = arith.constant 52 : index
    %swap3A_2769 = arith.constant 0 : index
    %swap3A_2770 = arith.constant 0 : index
    %swap3A_2771 = vector.load %arg6[%swap3A_2768, %swap3A_2769, %swap3A_2770] : memref<108x32x128xf32, #tpu.memory_space<vmem>>, vector<1x32x128xf32>
    %swap3A_2772 = vector.shape_cast %swap3A_2771 : vector<1x32x128xf32> to vector<32x128xf32>
    %swap3A_2773 = vector.shape_cast %mul3A_2767 : vector<32x128xf32> to vector<1x32x128xf32>
    tpu.vector_store %arg6[%swap3A_2768, %swap3A_2769, %swap3A_2770], %swap3A_2773 {strides = array<i32>} : memref<108x32x128xf32, #tpu.memory_space<vmem>>, vector<1x32x128xf32>,
    %mul3A_2774 = arith.mulf %mul3A_2741, %logistic3A_180 : vector<32x128xf32>
    %swap3A_2775 = arith.constant 79 : index
    %swap3A_2776 = arith.constant 0 : index
    %swap3A_2777 = arith.constant 0 : index
    %swap3A_2778 = vector.load %arg6[%swap3A_2775, %swap3A_2776, %swap3A_2777] : memref<108x32x128xf32, #tpu.memory_space<vmem>>, vector<1x32x128xf32>
    %swap3A_2779 = vector.shape_cast %swap3A_2778 : vector<1x32x128xf32> to vector<32x128xf32>
    %swap3A_2780 = vector.shape_cast %mul3A_2774 : vector<32x128xf32> to vector<1x32x128xf32>
    tpu.vector_store %arg6[%swap3A_2775, %swap3A_2776, %swap3A_2777], %swap3A_2780 {strides = array<i32>} : memref<108x32x128xf32, #tpu.memory_space<vmem>>, vector<1x32x128xf32>,
    %swap3A_2781 = arith.constant 106 : index
    %swap3A_2782 = arith.constant 0 : index
    %swap3A_2783 = arith.constant 0 : index
    %swap3A_2784 = vector.load %arg6[%swap3A_2781, %swap3A_2782, %swap3A_2783] : memref<108x32x128xf32, #tpu.memory_space<vmem>>, vector<1x32x128xf32>
    %swap3A_2785 = vector.shape_cast %swap3A_2784 : vector<1x32x128xf32> to vector<32x128xf32>
    %swap3A_2786 = vector.shape_cast %mul3A_2741 : vector<32x128xf32> to vector<1x32x128xf32>
    tpu.vector_store %arg6[%swap3A_2781, %swap3A_2782, %swap3A_2783], %swap3A_2786 {strides = array<i32>} : memref<108x32x128xf32, #tpu.memory_space<vmem>>, vector<1x32x128xf32>,
    %add3A_2787 = arith.constant 1.000000e+00 : f32
    %add3A_2788 = vector.broadcast %add3A_2787 : f32 to vector<32x128xf32>
    %add3A_2789 = arith.addf %floor3A, %add3A_2788 : vector<32x128xf32>
    %jit3A_2790 = arith.constant 0.000000e+00 : f32
    %jit3A_2791 = arith.constant 2.550000e+02 : f32
    %max3A_2792 = vector.broadcast %jit3A_2790 : f32 to vector<32x128xf32>
    %max3A_2793 = arith.maximumf %max3A_2792, %add3A_2789 : vector<32x128xf32>
    %min3A_2794 = vector.broadcast %jit3A_2791 : f32 to vector<32x128xf32>
    %min3A_2795 = arith.minimumf %min3A_2794, %max3A_2793 : vector<32x128xf32>
    %add3A_2796 = arith.constant 1.000000e+00 : f32
    %add3A_2797 = vector.broadcast %add3A_2796 : f32 to vector<32x128xf32>
    %add3A_2798 = arith.addf %floor3A_38, %add3A_2797 : vector<32x128xf32>
    %jit3A_2799 = arith.constant 0.000000e+00 : f32
    %jit3A_2800 = arith.constant 2.550000e+02 : f32
    %max3A_2801 = vector.broadcast %jit3A_2799 : f32 to vector<32x128xf32>
    %max3A_2802 = arith.maximumf %max3A_2801, %add3A_2798 : vector<32x128xf32>
    %min3A_2803 = vector.broadcast %jit3A_2800 : f32 to vector<32x128xf32>
    %min3A_2804 = arith.minimumf %min3A_2803, %max3A_2802 : vector<32x128xf32>
    %add3A_2805 = arith.constant 1.000000e+00 : f32
    %add3A_2806 = vector.broadcast %add3A_2805 : f32 to vector<32x128xf32>
    %add3A_2807 = arith.addf %floor3A_42, %add3A_2806 : vector<32x128xf32>
    %jit3A_2808 = arith.constant 0.000000e+00 : f32
    %jit3A_2809 = arith.constant 1.500000e+01 : f32
    %max3A_2810 = vector.broadcast %jit3A_2808 : f32 to vector<32x128xf32>
    %max3A_2811 = arith.maximumf %max3A_2810, %add3A_2807 : vector<32x128xf32>
    %min3A_2812 = vector.broadcast %jit3A_2809 : f32 to vector<32x128xf32>
    %min3A_2813 = arith.minimumf %min3A_2812, %max3A_2811 : vector<32x128xf32>
    %sub3A_2814 = arith.subf %min3A_2795, %mul3A_19 : vector<32x128xf32>
    %sub3A_2815 = arith.subf %min3A_2804, %mul3A_25 : vector<32x128xf32>
    %sub3A_2816 = arith.subf %min3A_2813, %mul3A_31 : vector<32x128xf32>
    %mul3A_2817 = arith.mulf %mul3A_123, %sub3A_2814 : vector<32x128xf32>
    %mul3A_2818 = arith.mulf %mul3A_2817, %sub3A_2814 : vector<32x128xf32>
    %mul3A_2819 = arith.mulf %mul3A_129, %sub3A_2815 : vector<32x128xf32>
    %mul3A_2820 = arith.mulf %mul3A_2819, %sub3A_2815 : vector<32x128xf32>
    %add3A_2821 = arith.addf %mul3A_2818, %mul3A_2820 : vector<32x128xf32>
    %mul3A_2822 = arith.mulf %mul3A_137, %sub3A_2816 : vector<32x128xf32>
    %mul3A_2823 = arith.mulf %mul3A_2822, %sub3A_2816 : vector<32x128xf32>
    %add3A_2824 = arith.addf %add3A_2821, %mul3A_2823 : vector<32x128xf32>
    %mul3A_2825 = arith.mulf %mul3A_124, %sub3A_2814 : vector<32x128xf32>
    %mul3A_2826 = arith.mulf %mul3A_2825, %sub3A_2815 : vector<32x128xf32>
    %mul3A_2827 = arith.mulf %mul3A_125, %sub3A_2814 : vector<32x128xf32>
    %mul3A_2828 = arith.mulf %mul3A_2827, %sub3A_2816 : vector<32x128xf32>
    %add3A_2829 = arith.addf %mul3A_2826, %mul3A_2828 : vector<32x128xf32>
    %mul3A_2830 = arith.mulf %mul3A_133, %sub3A_2815 : vector<32x128xf32>
    %mul3A_2831 = arith.mulf %mul3A_2830, %sub3A_2816 : vector<32x128xf32>
    %add3A_2832 = arith.addf %add3A_2829, %mul3A_2831 : vector<32x128xf32>
    %mul3A_2833 = arith.constant 2.000000e+00 : f32
    %mul3A_2834 = vector.broadcast %mul3A_2833 : f32 to vector<32x128xf32>
    %mul3A_2835 = arith.mulf %mul3A_2834, %add3A_2832 : vector<32x128xf32>
    %add3A_2836 = arith.addf %add3A_2824, %mul3A_2835 : vector<32x128xf32>
    %mul3A_2837 = arith.constant -5.000000e-01 : f32
    %mul3A_2838 = vector.broadcast %mul3A_2837 : f32 to vector<32x128xf32>
    %mul3A_2839 = arith.mulf %mul3A_2838, %add3A_2836 : vector<32x128xf32>
    %exp3A_2840 = math.exp %mul3A_2839 : vector<32x128xf32>
    %mul3A_2841 = arith.mulf %select_n3A, %exp3A_2840 : vector<32x128xf32>
    %convert_element_type3A_2842 = arith.fptosi %min3A_2795 : vector<32x128xf32> to vector<32x128xi32>
    %convert_element_type3A_2843 = arith.fptosi %min3A_2804 : vector<32x128xf32> to vector<32x128xi32>
    %convert_element_type3A_2844 = arith.fptosi %min3A_2813 : vector<32x128xf32> to vector<32x128xi32>
    %mul3A_2845 = arith.constant 4096 : i32
    %mul3A_2846 = vector.broadcast %mul3A_2845 : i32 to vector<32x128xi32>
    %mul3A_2847 = arith.muli %convert_element_type3A_2843, %mul3A_2846 : vector<32x128xi32>
    %mul3A_2848 = arith.constant 16 : i32
    %mul3A_2849 = vector.broadcast %mul3A_2848 : i32 to vector<32x128xi32>
    %mul3A_2850 = arith.muli %convert_element_type3A_2842, %mul3A_2849 : vector<32x128xi32>
    %add3A_2851 = arith.addi %mul3A_2847, %mul3A_2850 : vector<32x128xi32>
    %add3A_2852 = arith.addi %add3A_2851, %convert_element_type3A_2844 : vector<32x128xi32>
    %select_n3A_2853 = arith.select %lt3A_191, %add3A_2852, %add3A_189 : vector<32x128xi1>, vector<32x128xi32>
    %swap3A_2854 = arith.constant 26 : index
    %swap3A_2855 = arith.constant 0 : index
    %swap3A_2856 = arith.constant 0 : index
    %swap3A_2857 = vector.load %arg5[%swap3A_2854, %swap3A_2855, %swap3A_2856] : memref<27x32x128xi32, #tpu.memory_space<vmem>>, vector<1x32x128xi32>
    %swap3A_2858 = vector.shape_cast %swap3A_2857 : vector<1x32x128xi32> to vector<32x128xi32>
    %swap3A_2859 = vector.shape_cast %select_n3A_2853 : vector<32x128xi32> to vector<1x32x128xi32>
    tpu.vector_store %arg5[%swap3A_2854, %swap3A_2855, %swap3A_2856], %swap3A_2859 {strides = array<i32>} : memref<27x32x128xi32, #tpu.memory_space<vmem>>, vector<1x32x128xi32>,
    %mul3A_2860 = arith.mulf %mul3A_2841, %logistic3A_158 : vector<32x128xf32>
    %swap3A_2861 = arith.constant 26 : index
    %swap3A_2862 = arith.constant 0 : index
    %swap3A_2863 = arith.constant 0 : index
    %swap3A_2864 = vector.load %arg6[%swap3A_2861, %swap3A_2862, %swap3A_2863] : memref<108x32x128xf32, #tpu.memory_space<vmem>>, vector<1x32x128xf32>
    %swap3A_2865 = vector.shape_cast %swap3A_2864 : vector<1x32x128xf32> to vector<32x128xf32>
    %swap3A_2866 = vector.shape_cast %mul3A_2860 : vector<32x128xf32> to vector<1x32x128xf32>
    tpu.vector_store %arg6[%swap3A_2861, %swap3A_2862, %swap3A_2863], %swap3A_2866 {strides = array<i32>} : memref<108x32x128xf32, #tpu.memory_space<vmem>>, vector<1x32x128xf32>,
    %mul3A_2867 = arith.mulf %mul3A_2841, %logistic3A_169 : vector<32x128xf32>
    %swap3A_2868 = arith.constant 53 : index
    %swap3A_2869 = arith.constant 0 : index
    %swap3A_2870 = arith.constant 0 : index
    %swap3A_2871 = vector.load %arg6[%swap3A_2868, %swap3A_2869, %swap3A_2870] : memref<108x32x128xf32, #tpu.memory_space<vmem>>, vector<1x32x128xf32>
    %swap3A_2872 = vector.shape_cast %swap3A_2871 : vector<1x32x128xf32> to vector<32x128xf32>
    %swap3A_2873 = vector.shape_cast %mul3A_2867 : vector<32x128xf32> to vector<1x32x128xf32>
    tpu.vector_store %arg6[%swap3A_2868, %swap3A_2869, %swap3A_2870], %swap3A_2873 {strides = array<i32>} : memref<108x32x128xf32, #tpu.memory_space<vmem>>, vector<1x32x128xf32>,
    %mul3A_2874 = arith.mulf %mul3A_2841, %logistic3A_180 : vector<32x128xf32>
    %swap3A_2875 = arith.constant 80 : index
    %swap3A_2876 = arith.constant 0 : index
    %swap3A_2877 = arith.constant 0 : index
    %swap3A_2878 = vector.load %arg6[%swap3A_2875, %swap3A_2876, %swap3A_2877] : memref<108x32x128xf32, #tpu.memory_space<vmem>>, vector<1x32x128xf32>
    %swap3A_2879 = vector.shape_cast %swap3A_2878 : vector<1x32x128xf32> to vector<32x128xf32>
    %swap3A_2880 = vector.shape_cast %mul3A_2874 : vector<32x128xf32> to vector<1x32x128xf32>
    tpu.vector_store %arg6[%swap3A_2875, %swap3A_2876, %swap3A_2877], %swap3A_2880 {strides = array<i32>} : memref<108x32x128xf32, #tpu.memory_space<vmem>>, vector<1x32x128xf32>,
    %swap3A_2881 = arith.constant 107 : index
    %swap3A_2882 = arith.constant 0 : index
    %swap3A_2883 = arith.constant 0 : index
    %swap3A_2884 = vector.load %arg6[%swap3A_2881, %swap3A_2882, %swap3A_2883] : memref<108x32x128xf32, #tpu.memory_space<vmem>>, vector<1x32x128xf32>
    %swap3A_2885 = vector.shape_cast %swap3A_2884 : vector<1x32x128xf32> to vector<32x128xf32>
    %swap3A_2886 = vector.shape_cast %mul3A_2841 : vector<32x128xf32> to vector<1x32x128xf32>
    tpu.vector_store %arg6[%swap3A_2881, %swap3A_2882, %swap3A_2883], %swap3A_2886 {strides = array<i32>} : memref<108x32x128xf32, #tpu.memory_space<vmem>>, vector<1x32x128xf32>,
    return
  }
  func.func @transform_0(%arg0: i32) -> (i32, i32, i32) {
    %c0_i32 = arith.constant 0 : i32
    %c0_i32_0 = arith.constant 0 : i32
    %c0_i32_1 = arith.constant 0 : i32
    return %c0_i32, %arg0, %c0_i32_0 : i32, i32, i32
  }
  func.func @transform_1(%arg0: i32) -> (i32, i32, i32) {
    %c0_i32 = arith.constant 0 : i32
    %c0_i32_0 = arith.constant 0 : i32
    %c0_i32_1 = arith.constant 0 : i32
    return %c0_i32, %arg0, %c0_i32_0 : i32, i32, i32
  }
  func.func @transform_2(%arg0: i32) -> (i32, i32, i32) {
    %c0_i32 = arith.constant 0 : i32
    %c0_i32_0 = arith.constant 0 : i32
    %c0_i32_1 = arith.constant 0 : i32
    return %c0_i32, %arg0, %c0_i32_0 : i32, i32, i32
  }
  func.func @transform_3(%arg0: i32) -> (i32, i32, i32) {
    %c0_i32 = arith.constant 0 : i32
    %c0_i32_0 = arith.constant 0 : i32
    %c0_i32_1 = arith.constant 0 : i32
    return %c0_i32, %arg0, %c0_i32_0 : i32, i32, i32
  }
  func.func @transform_4(%arg0: i32) -> (i32, i32, i32) {
    %c0_i32 = arith.constant 0 : i32
    %c0_i32_0 = arith.constant 0 : i32
    %c0_i32_1 = arith.constant 0 : i32
    return %c0_i32, %arg0, %c0_i32_0 : i32, i32, i32
  }
  func.func @transform_5(%arg0: i32) -> (i32, i32, i32) {
    %c0_i32 = arith.constant 0 : i32
    %c0_i32_0 = arith.constant 0 : i32
    %c0_i32_1 = arith.constant 0 : i32
    return %c0_i32, %arg0, %c0_i32_0 : i32, i32, i32
  }
}

module attributes {stable_mosaic.version = 14 : i64} {
  func.func @_blend_body(%arg0: i32, %arg1: memref<4x1024x128xf32, #tpu.memory_space<vmem>>, %arg2: memref<3x1024x128xf32, #tpu.memory_space<vmem>>) attributes {dimension_semantics = [#tpu.dimension_semantics<arbitrary>], iteration_bounds = array<i64: 8>, scalar_prefetch = 0 : i64, scratch_operands = 0 : i64, tpu.core_type = #tpu.core_type<tc>, window_params = [{transform_indices = @transform_0, window_bounds = array<i64: 4, 1024, 128>}, {transform_indices = @transform_1, window_bounds = array<i64: 3, 1024, 128>}]} {
    %get3A = arith.constant 3 : index
    %get3A_0 = arith.constant 0 : index
    %get3A_1 = arith.constant 0 : index
    %get3A_2 = vector.load %arg1[%get3A, %get3A_0, %get3A_1] : memref<4x1024x128xf32, #tpu.memory_space<vmem>>, vector<1x1024x128xf32>
    %get3A_3 = vector.shape_cast %get3A_2 : vector<1x1024x128xf32> to vector<1024x128xf32>
    %sub3A = arith.constant 1.000000e+00 : f32
    %sub3A_4 = vector.broadcast %sub3A : f32 to vector<1024x128xf32>
    %sub3A_5 = arith.subf %sub3A_4, %get3A_3 : vector<1024x128xf32>
    %jit3A = arith.constant 0.000000e+00 : f32
    %jit3A_6 = arith.constant 1.000000e+00 : f32
    %max3A = vector.broadcast %jit3A : f32 to vector<1024x128xf32>
    %max3A_7 = arith.maximumf %max3A, %sub3A_5 : vector<1024x128xf32>
    %min3A = vector.broadcast %jit3A_6 : f32 to vector<1024x128xf32>
    %min3A_8 = arith.minimumf %min3A, %max3A_7 : vector<1024x128xf32>
    %get3A_9 = arith.constant 0 : index
    %get3A_10 = arith.constant 0 : index
    %get3A_11 = arith.constant 0 : index
    %get3A_12 = vector.load %arg1[%get3A_9, %get3A_10, %get3A_11] : memref<4x1024x128xf32, #tpu.memory_space<vmem>>, vector<1x1024x128xf32>
    %get3A_13 = vector.shape_cast %get3A_12 : vector<1x1024x128xf32> to vector<1024x128xf32>
    %add3A = arith.addf %get3A_13, %min3A_8 : vector<1024x128xf32>
    %jit3A_14 = arith.constant 0.000000e+00 : f32
    %jit3A_15 = arith.constant 1.000000e+00 : f32
    %max3A_16 = vector.broadcast %jit3A_14 : f32 to vector<1024x128xf32>
    %max3A_17 = arith.maximumf %max3A_16, %add3A : vector<1024x128xf32>
    %min3A_18 = vector.broadcast %jit3A_15 : f32 to vector<1024x128xf32>
    %min3A_19 = arith.minimumf %min3A_18, %max3A_17 : vector<1024x128xf32>
    %swap3A = arith.constant 0 : index
    %swap3A_20 = arith.constant 0 : index
    %swap3A_21 = arith.constant 0 : index
    %swap3A_22 = vector.load %arg2[%swap3A, %swap3A_20, %swap3A_21] : memref<3x1024x128xf32, #tpu.memory_space<vmem>>, vector<1x1024x128xf32>
    %swap3A_23 = vector.shape_cast %swap3A_22 : vector<1x1024x128xf32> to vector<1024x128xf32>
    %swap3A_24 = vector.shape_cast %min3A_19 : vector<1024x128xf32> to vector<1x1024x128xf32>
    tpu.vector_store %arg2[%swap3A, %swap3A_20, %swap3A_21], %swap3A_24 {strides = array<i32>} : memref<3x1024x128xf32, #tpu.memory_space<vmem>>, vector<1x1024x128xf32>,
    %get3A_25 = arith.constant 1 : index
    %get3A_26 = arith.constant 0 : index
    %get3A_27 = arith.constant 0 : index
    %get3A_28 = vector.load %arg1[%get3A_25, %get3A_26, %get3A_27] : memref<4x1024x128xf32, #tpu.memory_space<vmem>>, vector<1x1024x128xf32>
    %get3A_29 = vector.shape_cast %get3A_28 : vector<1x1024x128xf32> to vector<1024x128xf32>
    %add3A_30 = arith.addf %get3A_29, %min3A_8 : vector<1024x128xf32>
    %jit3A_31 = arith.constant 0.000000e+00 : f32
    %jit3A_32 = arith.constant 1.000000e+00 : f32
    %max3A_33 = vector.broadcast %jit3A_31 : f32 to vector<1024x128xf32>
    %max3A_34 = arith.maximumf %max3A_33, %add3A_30 : vector<1024x128xf32>
    %min3A_35 = vector.broadcast %jit3A_32 : f32 to vector<1024x128xf32>
    %min3A_36 = arith.minimumf %min3A_35, %max3A_34 : vector<1024x128xf32>
    %swap3A_37 = arith.constant 1 : index
    %swap3A_38 = arith.constant 0 : index
    %swap3A_39 = arith.constant 0 : index
    %swap3A_40 = vector.load %arg2[%swap3A_37, %swap3A_38, %swap3A_39] : memref<3x1024x128xf32, #tpu.memory_space<vmem>>, vector<1x1024x128xf32>
    %swap3A_41 = vector.shape_cast %swap3A_40 : vector<1x1024x128xf32> to vector<1024x128xf32>
    %swap3A_42 = vector.shape_cast %min3A_36 : vector<1024x128xf32> to vector<1x1024x128xf32>
    tpu.vector_store %arg2[%swap3A_37, %swap3A_38, %swap3A_39], %swap3A_42 {strides = array<i32>} : memref<3x1024x128xf32, #tpu.memory_space<vmem>>, vector<1x1024x128xf32>,
    %get3A_43 = arith.constant 2 : index
    %get3A_44 = arith.constant 0 : index
    %get3A_45 = arith.constant 0 : index
    %get3A_46 = vector.load %arg1[%get3A_43, %get3A_44, %get3A_45] : memref<4x1024x128xf32, #tpu.memory_space<vmem>>, vector<1x1024x128xf32>
    %get3A_47 = vector.shape_cast %get3A_46 : vector<1x1024x128xf32> to vector<1024x128xf32>
    %add3A_48 = arith.addf %get3A_47, %min3A_8 : vector<1024x128xf32>
    %jit3A_49 = arith.constant 0.000000e+00 : f32
    %jit3A_50 = arith.constant 1.000000e+00 : f32
    %max3A_51 = vector.broadcast %jit3A_49 : f32 to vector<1024x128xf32>
    %max3A_52 = arith.maximumf %max3A_51, %add3A_48 : vector<1024x128xf32>
    %min3A_53 = vector.broadcast %jit3A_50 : f32 to vector<1024x128xf32>
    %min3A_54 = arith.minimumf %min3A_53, %max3A_52 : vector<1024x128xf32>
    %swap3A_55 = arith.constant 2 : index
    %swap3A_56 = arith.constant 0 : index
    %swap3A_57 = arith.constant 0 : index
    %swap3A_58 = vector.load %arg2[%swap3A_55, %swap3A_56, %swap3A_57] : memref<3x1024x128xf32, #tpu.memory_space<vmem>>, vector<1x1024x128xf32>
    %swap3A_59 = vector.shape_cast %swap3A_58 : vector<1x1024x128xf32> to vector<1024x128xf32>
    %swap3A_60 = vector.shape_cast %min3A_54 : vector<1024x128xf32> to vector<1x1024x128xf32>
    tpu.vector_store %arg2[%swap3A_55, %swap3A_56, %swap3A_57], %swap3A_60 {strides = array<i32>} : memref<3x1024x128xf32, #tpu.memory_space<vmem>>, vector<1x1024x128xf32>,
    return
  }
  func.func @transform_0(%arg0: i32) -> (i32, i32, i32) {
    %c0_i32 = arith.constant 0 : i32
    %c0_i32_0 = arith.constant 0 : i32
    %c0_i32_1 = arith.constant 0 : i32
    return %c0_i32, %arg0, %c0_i32_0 : i32, i32, i32
  }
  func.func @transform_1(%arg0: i32) -> (i32, i32, i32) {
    %c0_i32 = arith.constant 0 : i32
    %c0_i32_0 = arith.constant 0 : i32
    %c0_i32_1 = arith.constant 0 : i32
    return %c0_i32, %arg0, %c0_i32_0 : i32, i32, i32
  }
}

</mosaic_0001>

<sc_bundles>
// kernel: kernel.5.cloned.1.call-start
scs
__scs_entry_jumppad:
0x0: {  	(pc) =	sbr.rel $0x88, $3  }
0x1: {  	(tag) =	ssettag $0x0;
	lr =	simm.s32 $0x1  }
0x2: {  	[smem:$0x3F9D] =	sst lr;
	_ =	strace $0xD0000000  }
0x3: {  	_ = 	snop  }
0x4: {  	_ = 	snop  }
0x5: {  	_ = 	snop  }
0x6: {  	_ = 	snop  }
0x7: {  	_ = 	snop  }
__scs_overlays_trampoline_lowered:
0x8: {  	[smem:$0x3FAC] =	sst s0  }
0x9: {  	[smem:$0x3FAD] =	sst s1  }
0xa: {  	[smem:$0x3FAE] =	sst s2  }
0xb: {  	[smem:$0x3FAF] =	sst s3  }
0xc: {  	[smem:$0x3FB0] =	sst s4  }
0xd: {  	[smem:$0x3FB1] =	sst s5  }
0xe: {  	[smem:$0x3FB2] =	sst s6  }
0xf: {  	[smem:$0x3FB3] =	sst s7  }
0x10: {  	[smem:$0x3FB4] =	sst s8  }
0x11: {  	[smem:$0x3FB5] =	sst s9;
	s0 =	simm.s32 @!p0 $0x0  }
0x12: {  	s1 =	sld [smem:$0x3F9B];
	s0 =	simm.s32 @p0 $0x1  }
0x13: {  	[smem:$0x3FB6] =	sst s0;
	s0 =	simm.s32 @!p1 $0x0  }
0x14: {  	s2 =	sld [smem:$0x3F9A];
	s0 =	simm.s32 @p1 $0x1  }
0x15: {  	[smem:$0x3FB7] =	sst s0;
	s0 =	simm.s32 @!p2 $0x0  }
0x16: {  	s3 =	sld [smem:$0x3FDB];
	s0 =	simm.s32 @p2 $0x1  }
0x17: {  	s4 =	simm.s32 $0x1BF5;
	[smem:$0x3FB9] =	sst s0  }
0x18: {  	s0 =	sld [smem:$0x3F9C];
	_ =	swait.ge [sflag:s4], $0x0  }
0x19: {  	s7 =	sld [smem:$0x3F9D]  }
0x1a: {  	s8 =	sadd.s32 $0xFFFFE003, lr  }
0x1b: {  	s9 =	sadd.s32 $0xFFFFFEF7, lr;
	s5 =	simm.s32 $0xFFFFFFFF;
	p2 =	slt.u32 s8, $0xFFFFF086  }
0x1c: {  	p1 =	slt.u32 s9, $0xF7A;
	s5 =	simm.s32 @!p2 $0x0  }
0x1d: {  	s5 =	simm.s32 @p1 $0x1;
	p0 =	seq.s32 s7, s2  }
0x1e: {  	s7 =	smul.u32 @!p0 $0xF7A, s2;
	p2 =	seq.s32 @!p0 s5, $0x0  }
0x1f: {  	s9 =	smul.u32 $0xF7A, s1;
	s8 =	simm.s32 @!p0 $0x1BF5;
	p2 =	por !p2, p0  }
0x20: {  	[sflag:s8] =	ssyncset.s32 @!p0 $0xFFFFF086;
	s6 =	sadd.s32 @!p0 s3, s7;
	s7 =	simm.s32 @!p0 $0x108  }
0x21: {  	s3 =	sadd.s32 s3, s9;
	s6 =	sadd.s32 @!p0 $0x88, s6;
	s7 =	simm.s32 @p2 $0x1082  }
0x22: {  	[simem:s7], [sflag:s8] =	dma.local @!p0 [hbm:s6], $0xF7A  }
0x23: {  	s9 =	sor.u32 $0xD0000000, s2;
	s6 =	simm.s32 $0x108;
	_ =	swait.ge @!p0 [sflag:s8], $0x0  }
0x24: {  	s3 =	sadd.s32 $0x88, s3;
	s6 =	simm.s32 @!p1 $0x1082;
	[sflag:s4] =	ssyncset.s32 $0xFFFFF086  }
0x25: {  	[simem:s6], [sflag:s4] =	dma.local [hbm:s3], $0xF7A  }
0x26: {  	[smem:$0x3F9D] =	sst s1;
	(tag) =	ssettag s2;
	_ =	strace s9  }
0x27: {  	s1 =	sld [smem:$0x3FAD]  }
0x28: {  	s2 =	sld [smem:$0x3FAE]  }
0x29: {  	s4 =	sld [smem:$0x3FB0]  }
0x2a: {  	p0 =	seq.s32 s5, $0x0;
	s5 =	sld [smem:$0x3FB1]  }
0x2b: {  	s6 =	sld [smem:$0x3FB2]  }
0x2c: {  	s7 =	sld [smem:$0x3FB3]  }
0x2d: {  	s3 =	simm.s32 $0x108;
	s8 =	sld [smem:$0x3FB4]  }
0x2e: {  	s3 =	simm.s32 @!p0 $0x1082;
	s9 =	sld [smem:$0x3FB5]  }
0x2f: {  	lr =	sadd.s32 s0, s3;
	s0 =	sld [smem:$0x3FAC]  }
0x30: {  	s3 =	sld [smem:$0x3FAF]  }
0x31: {  	[smem:$0x3FB8] =	sst s10  }
0x32: {  	s10 =	sld [smem:$0x3FB6];
	_ =	sdelay $0x3  }
0x33: {  	p0 =	seq.s32 s10, $0x1;
	s10 =	sld [smem:$0x3FB8];
	_ =	sdelay $0x3  }
0x34: {  	[smem:$0x3FB8] =	sst s10  }
0x35: {  	s10 =	sld [smem:$0x3FB7];
	_ =	sdelay $0x3  }
0x36: {  	p1 =	seq.s32 s10, $0x1;
	s10 =	sld [smem:$0x3FB8];
	_ =	sdelay $0x3  }
0x37: {  	[smem:$0x3FB8] =	sst s10  }
0x38: {  	s10 =	sld [smem:$0x3FB9]  }
0x39: {  	_ = 	snop;
	(pc) =	sbr.ind lr, $3  }
0x3a: {  	_ = 	snop  }
0x3b: {  	_ = 	snop  }
0x3c: {  	p2 =	seq.s32 s10, $0x1;
	s10 =	sld [smem:$0x3FB8]  }
0x3d: {  	_ =	shalt  }
0x3e: {  	_ =	shalt  }
0x3f: {  	_ =	shalt  }
0x40: {  	_ =	shalt  }
0x41: {  	_ =	shalt  }
0x42: {  	_ =	shalt  }
0x43: {  	_ =	shalt  }
0x44: {  	_ =	shalt  }
0x45: {  	_ =	shalt  }
0x46: {  	_ =	shalt  }
0x47: {  	_ =	shalt  }
0x48: {  	_ =	shalt  }
0x49: {  	_ =	shalt  }
0x4a: {  	_ =	shalt  }
0x4b: {  	_ =	shalt  }
0x4c: {  	_ =	shalt  }
0x4d: {  	_ =	shalt  }
0x4e: {  	_ =	shalt  }
0x4f: {  	_ =	shalt  }
0x50: {  	_ =	shalt  }
0x51: {  	_ =	shalt  }
0x52: {  	_ =	shalt  }
0x53: {  	_ =	shalt  }
0x54: {  	_ =	shalt  }
0x55: {  	_ =	shalt  }
0x56: {  	_ =	shalt  }
0x57: {  	_ =	shalt  }
0x58: {  	_ =	shalt  }
0x59: {  	_ =	shalt  }
0x5a: {  	_ =	shalt  }
0x5b: {  	_ =	shalt  }
0x5c: {  	_ =	shalt  }
0x5d: {  	_ =	shalt  }
0x5e: {  	_ =	shalt  }
0x5f: {  	_ =	shalt  }
0x60: {  	_ =	shalt  }
0x61: {  	_ =	shalt  }
0x62: {  	_ =	shalt  }
0x63: {  	_ =	shalt  }
0x64: {  	_ =	shalt  }
0x65: {  	_ =	shalt  }
0x66: {  	_ =	shalt  }
0x67: {  	_ =	shalt  }
0x68: {  	_ =	shalt  }
0x69: {  	_ =	shalt  }
0x6a: {  	_ =	shalt  }
0x6b: {  	_ =	shalt  }
0x6c: {  	_ =	shalt  }
0x6d: {  	_ =	shalt  }
0x6e: {  	_ =	shalt  }
0x6f: {  	_ =	shalt  }
0x70: {  	_ =	shalt  }
0x71: {  	_ =	shalt  }
0x72: {  	_ =	shalt  }
0x73: {  	_ =	shalt  }
0x74: {  	_ =	shalt  }
0x75: {  	_ =	shalt  }
0x76: {  	_ =	shalt  }
0x77: {  	_ =	shalt  }
0x78: {  	_ =	shalt  }
0x79: {  	_ =	shalt  }
0x7a: {  	_ =	shalt  }
0x7b: {  	_ =	shalt  }
0x7c: {  	_ =	shalt  }
0x7d: {  	_ =	shalt  }
0x7e: {  	_ =	shalt  }
0x7f: {  	_ =	shalt  }
0x80: {  	_ =	shalt  }
0x81: {  	_ =	shalt  }
0x82: {  	_ =	shalt  }
0x83: {  	_ =	shalt  }
0x84: {  	_ =	shalt  }
0x85: {  	_ =	shalt  }
0x86: {  	_ =	shalt  }
0x87: {  	_ =	shalt  }
.Lfunc_end0:
.L_simem_size_0:
called_computation_lowered:
.L_overlay_start_0:
0x88: {  	s2 =	sld [smem:$0x3FD9]  }
0x89: {  	s3 =	sld [smem:$0x3FFE];
	_ =	sdelay $0x1  }
0x8a: {  	s1 =	srdreg.scid  }
0x8b: {  	s0 =	sand.u32 $0x1, s1  }
0x8c: {  	s16 =	sshll.u32 s0, $0xA;
	s2 =	sadd.s32 s3, s2  }
0x8d: {  	s2 =	sadd.s32 s2, s16  }
0x8e: {  	[smem:$0x3FC4] =	sst s2  }
0x8f: {  	_ = 	snop  }
0x90: {  	(tm) =	ssettm $0x1  }
0x91: {  	s17 =	sld [smem:$0x3FFB];
	_ =	sdelay $0x3  }
0x92: {  	_ =	strace s17  }
0x93: {  	s2 =	sld [smem:$0x3FFC];
	_ =	sdelay $0x3  }
0x94: {  	_ =	strace s2  }
0x95: {  	s2 =	sld [smem:$0x3FFD];
	_ =	sdelay $0x3  }
0x96: {  	_ =	strace s2  }
0x97: {  	_ =	strace $0x8FFFFFFF  }
0x98: {  	s18 =	sld [smem:$0x3FDB];
	_ =	sdelay $0x1  }
0x99: {  	s19 =	simm.s32 $_scs_section_size  }
0x9a: {  	s4 =	simm.s32 $_size__tile_overlayer_lowered;
	s5 =	simm.s32 $_tile_overlayer_lowered  }
0x9b: {  	s22 =	simm.s32 $0x1BFF;
	s21 =	sshll.u32 s5, $0x1;
	s2 =	sadd.s32 s19, s18  }
0x9c: {  	s6 =	simm.s32 $0x0;
	s20 =	sshll.u32 s4, $0x1;
	s4 =	sadd.s32 s21, s2  }
0x9d: {  	[timem:s6], [sflag:s22] =	dma.local [hbm:s4], s20  }
0x9e: {  	_ =	swait.ge [sflag:s22], s20  }
0x9f: {  	s3 =	ssub.s32 $0x0, s20;
	[sflag:s22] =	ssyncset.done $0x0  }
0xa0: {  	[sflag:s22] =	ssyncadd.s32 s3;
	_ =	sdelay $0x1  }
0xa1: {  	s23 =	simm.s32 $0x1B8B  }
0xa2: {  	_ =	swait.ge [sflag:s23], $0x1  }
0xa3: {  	[sflag:s23] =	ssyncset.done $0x0  }
0xa4: {  	s25 =	simm.s32 $0x1B8E;
	s24 =	sld [smem:$0x3FFE];
	[sflag:s23] =	ssyncadd.s32 $0xFFFFFFFF  }
0xa5: {  	s26 =	simm.s32 $execute0_lowered;
	[smem:$0x3FD2] =	sst s25  }
0xa6: {  	s4 =	sshll.u32 s26, $0x1;
	_ =	strace $0x80000046;
	[dreg:$0x1] =	wrdreg $0xFFFFFFFF  }
0xa7: {  	s28 =	simm.s32 $_size_execute0_lowered;
	s2 =	sadd.s32 s2, s4;
	[dreg:$0x0] =	wrdreg $0x0  }
0xa8: {  	s4 =	sshll.u32 s28, $0x1;
	[dreg:$0x2] =	wrdreg s2  }
0xa9: {  	[dreg:$0x3] =	wrdreg s4  }
0xaa: {  	[dreg:$0x4] =	wrdreg $0xC0  }
0xab: {  	_ =	task [dreg:s6], $0x5FFFF  }
0xac: {  	[dreg:$0x1] =	wrdreg $0xFFFFFFFF  }
0xad: {  	[dreg:$0x0] =	wrdreg $0x60  }
0xae: {  	[dreg:$0x2] =	wrdreg s24  }
0xaf: {  	[dreg:$0x3] =	wrdreg $0xFE000  }
0xb0: {  	[dreg:$0x4] =	wrdreg $0x9  }
0xb1: {  	_ =	task.clear_ibuf [dreg:s6], $0x5FFFF;
	_ =	strace $0x90000046  }
0xb2: {  	s29 =	simm.s32 $0x9;
	_ =	strace $0x80000048  }
0xb3: {  	_ =	swait.ge [sflag:s29], $0x1  }
0xb4: {  	[sflag:s29] =	ssyncadd.s32 $0xFFFFFFFF  }
0xb5: {  	_ =	strace $0x90000048  }
0xb6: {  	_ =	sfence  }
0xb7: {  	s30 =	sld [smem:$0x0];
	_ =	sdelay $0x2  }
0xb8: {  	s31 =	sshll.u32 s1, $0xD;
	s1 =	sshrl.u32 s1, $0x2  }
0xb9: {  	s3 =	sand.u32 $0x4000, s31;
	s1 =	sadd.s32 s1, s30  }
0xba: {  	s0 =	sor.u32 s3, s0;
	s1 =	sshll.u32 s1, $0x11  }
0xbb: {  	s0 =	sor.u32 s1, s0  }
0xbc: {  	s0 =	sadd.s32 $0x8F2B, s0  }
0xbd: {  	[sflag:s0] =	ssyncadd.remote.s32 $0x1  }
0xbe: {  	_ =	sfence.sel $0xFFFF  }
0xbf: {  	[dreg:$0x0] =	wrdreg $0xFFFFFFFF;
	(pc) =	sbr.abs _section_cstart, $3  }
0xc0: {  	[dreg:$0x1] =	wrdreg $0xFFFFFFFF  }
0xc1: {  	_ =	task.clear_ibuf [dreg:s6], $0x2FFFF;
	_ =	strace $0x9FFFFFFF  }
0xc2: {  	(tm) =	ssettm $0x7FFFFFFF  }
0xc3: {  	_ =	shalt  }
tec
execute0_lowered:
.L_overlay_start_1:
0x0: {  	(tag) =	ssettag $0x1  }
0x1: {  	s0 =	rddreg [dreg:$0x0]  }
0x2: {  	s1 =	rddreg [dreg:$0x1];
	s3 =	simm.s32 $0x0;
	s2 =	srdreg.scid  }
0x3: {  	s19 =	stileid.u32;
	s30 =	simm.s32 $0x2F80;
	s31 =	simm.s32 $0xBE00  }
0x4: {  	[smem:$0x7FF] =	sst s3;
	s2 =	sand.u32 $0x1, s2;
	s6 =	smul.u32 $0x52B00, s19  }
0x5: {  	s9 =	sadd.s32 $0xE00, s0;
	s4 =	sadd.s32 $0xA6400, s0;
	s10 =	sadd.s32 $0x33BC00, s0  }
0x6: {  	s12 =	sshll.u32 s19, $0x10;
	s23 =	sadd.s32 $0x33C400, s0;
	_ =	strace $0x80000047  }
0x7: {  	s5 =	ssub.s32 $0x2, s2;
	s8 =	smul.u32 $0xA56000, s2;
	s17 =	sshll.u32 s2, $0x15  }
0x8: {  	s2 =	sshllo.u32 s2, $0x1;
	s7 =	sshrl.u32 s5, $0x1;
	s18 =	sshrl.u32 s6, $0x3  }
0x9: {  	s14 =	sadd.s32 $0x4FBC0, s6;
	s22 =	sor.u32 s12, s17;
	s25 =	smul.u32 $0x52B000, s2  }
0xa: {  	s2 =	sshll.u32 s2, $0x14;
	s11 =	ssub.s32 s5, s7;
	s13 =	sadd.s32 s6, s8  }
0xb: {  	s5 =	sadd.s32 s9, s18;
	s8 =	sadd.s32 s8, s14;
	s15 =	sshrl.u32 s14, $0x3  }
0xc: {  	s18 =	sadd.s32 $0x33CC00, s0;
	s0 =	sadd.s32 $0x33D400, s0;
	s2 =	sor.u32 s12, s2  }
0xd: {  	s20 =	sshrl.u32 s13, $0x3;
	s16 =	sshrl.u32 s8, $0x3;
	s8 =	sadd.s32 s9, s15  }
0xe: {  	s15 =	sshrl.u32 s22, $0x3;
	s6 =	sadd.s32 s6, s25;
	s7 =	sadd.s32 s4, s20  }
0xf: {  	s14 =	sadd.s32 s14, s25;
	s21 =	sadd.s32 s4, s16;
	[dreg:$0x3] =	wrdreg s7  }
0x10: {  	s2 =	sshrl.u32 s2, $0x3;
	s24 =	sadd.s32 s10, s15;
	[dreg:$0x4] =	wrdreg s21  }
0x11: {  	s25 =	sadd.s32 $0x530E80, s13;
	s20 =	sadd.s32 s15, s23;
	[dreg:$0x5] =	wrdreg s24  }
0x12: {  	s26 =	sadd.s32 s15, s18;
	s15 =	sadd.s32 s15, s0;
	[dreg:$0x6] =	wrdreg s20  }
0x13: {  	s6 =	sshrl.u32 s6, $0x3;
	s17 =	sshrl.u32 s14, $0x3;
	[dreg:$0x7] =	wrdreg s26  }
0x14: {  	s22 =	sadd.s32 s2, s18;
	s0 =	sadd.s32 s2, s0;
	[dreg:$0x8] =	wrdreg s15  }
0x15: {  	s7 =	sadd.s32 s12, s1;
	s6 =	sadd.s32 s4, s6;
	[dreg:$0xd] =	wrdreg s22  }
0x16: {  	s20 =	sadd.s32 s10, s2;
	s21 =	sadd.s32 s2, s23;
	[dreg:$0xe] =	wrdreg s0  }
0x17: {  	s23 =	smul.u32 $0xA560, s19;
	s24 =	sadd.s32 $0x2F40, s13;
	s26 =	sadd.s32 $0x52DF40, s13  }
0x18: {  	s0 =	sshrl.u32 s25, $0x3;
	s10 =	simm.s32 $0x2F40;
	[dreg:$0x9] =	wrdreg s6  }
0x19: {  	s12 =	simm.s32 $0x0;
	s6 =	sadd.s32 s4, s17;
	[dreg:$0xb] =	wrdreg s20  }
0x1a: {  	[dreg:$0xc] =	wrdreg s21;
	s20 =	smax.u32 s11, $0x1;
	s21 =	sadd.s32 $0x5E80, s13  }
0x1b: {  	s2 =	sshrl.u32 s24, $0x3;
	s24 =	sadd.s32 s0, s4;
	s28 =	sadd.s32 $0x8000, s7  }
0x1c: {  	s29 =	sadd.s32 $0xC000, s7;
	s0 =	simm.s32 $0x3;
	s11 =	simm.s32 $0x2  }
0x1d: {  	[dreg:$0xa] =	wrdreg s6;
	s22 =	sadd.s32 s23, s9;
	s6 =	sshrl.u32 s26, $0x3  }
0x1e: {  	s23 =	sadd.s32 s2, s4;
	s26 =	sadd.s32 $0x4000, s7;
	s2 =	simm.s32 $0x5F00  }
0x1f: {  	v0 =	vimm.f32 $0.0e+00;
	s9 =	simm.s32 $0x1;
	s25 =	sadd.s32 s6, s4;
	s6 =	simm.s32 $0x8E80  }
.LBB2_1:
0x20: {  	[tilespmem:s3], [sflag:$0x1] =	stream.linear.gather [hbm4b:s5+s3], $0x2F40, $0x38;
	[tilespmem:$0x1FE00] =	vst v63  }
0x21: {  	s13 =	rddreg [dreg:$0x3]  }
0x22: {  	[tilespmem:s30], [sflag:$0x1] =	stream.linear.gather [hbm4b:s13+s3], $0x2F40, $0x38;
	[tilespmem:$0x1FE00] =	vst v63  }
0x23: {  	s14 =	simm.s32 $0x0;
	s13 =	simm.s32 $0x40  }
.LBB2_2:
0x24: {  	p0 =	sne.s32 s13, $0xFFC0;
	[tilespmem:s14+$0xBE00] =	vst v0;
	s14 =	smov.u32 s13;
	s13 =	sadd.s32 $0x40, s13  }
.Ltmp0:
0x25: {  	(pc) =	sbr.rel @p0 .LBB2_2-.Ltmp0, $2  }
0x26: {  	_ =	sdelay $0x2  }
0x27: {  	s14 =	sshra.s32 s14, $0x2  }
0x28: {  	[tilespmem:s14+$0xBE00] =	vst v0  }
0x29: {  	[spmem:s7] =	stream.linear.scatter [tilespmem:s31], [sflag:$0x3], $0x4000, $0x38;
	[tilespmem:$0x1FE00] =	vst v63  }
0x2a: {  	_ =	swait.ge [sflag:s0], $0x4000  }
0x2b: {  	[sflag:s0] =	ssyncset.done $0x0  }
0x2c: {  	[sflag:s0] =	ssyncadd.s32 $0xFFFFC000  }
0x2d: {  	[spmem:s26] =	stream.linear.scatter [tilespmem:s31], [sflag:$0x3], $0x4000, $0x38;
	[tilespmem:$0x1FE00] =	vst v63  }
0x2e: {  	_ =	swait.ge [sflag:s0], $0x4000  }
0x2f: {  	[sflag:s0] =	ssyncset.done $0x0  }
0x30: {  	[sflag:s0] =	ssyncadd.s32 $0xFFFFC000  }
0x31: {  	[spmem:s28] =	stream.linear.scatter [tilespmem:s31], [sflag:$0x3], $0x4000, $0x38;
	[tilespmem:$0x1FE00] =	vst v63  }
0x32: {  	_ =	swait.ge [sflag:s0], $0x4000  }
0x33: {  	[sflag:s0] =	ssyncset.done $0x0  }
0x34: {  	[sflag:s0] =	ssyncadd.s32 $0xFFFFC000  }
0x35: {  	[spmem:s29] =	stream.linear.scatter [tilespmem:s31], [sflag:$0x3], $0x4000, $0x38;
	[tilespmem:$0x1FE00] =	vst v63  }
0x36: {  	_ =	swait.ge [sflag:s0], $0x4000  }
0x37: {  	[sflag:s0] =	ssyncset.done $0x0  }
0x38: {  	s13 =	sadd.s32 $0x0, s22;
	[sflag:s0] =	ssyncadd.s32 $0xFFFFC000  }
0x39: {  	s16 =	sadd.s32 $0x5E8, s13;
	[bflag:$0x0] =	sbarrier.arrive $0xFFFF  }
0x3a: {  	[tilespmem:s2], [sflag:$0x2] =	stream.linear.gather [hbm4b:s16+s3], $0x2F40, $0x38;
	[tilespmem:$0x1FE00] =	vst v63  }
0x3b: {  	s17 =	sadd.s32 $0x0, s23  }
0x3c: {  	[tilespmem:s6], [sflag:$0x2] =	stream.linear.gather [hbm4b:s17+s3], $0x2F40, $0x38;
	[tilespmem:$0x1FE00] =	vst v63  }
0x3d: {  	_ =	swait.ge [sflag:s9], $0x2F40  }
0x3e: {  	[sflag:s9] =	ssyncset.done $0x0  }
0x3f: {  	[sflag:s9] =	ssyncadd.s32 $0xFFFFD0C0  }
0x40: {  	_ =	swait.ge [sflag:s9], $0x2F40  }
0x41: {  	[sflag:s9] =	ssyncset.done $0x0  }
0x42: {  	[sflag:s9] =	ssyncadd.s32 $0xFFFFD0C0  }
0x43: {  	[spmem:s1] =	stream.indirect.scatter.add.f32 [tilespmem:s30], [sflag:$0x3], $0x1, s3, s10, $0xb8;
	[tilespmem:$0x1FE00] =	vst v63  }
0x44: {  	_ =	swait.ge [sflag:s0], $0x2F40  }
0x45: {  	[sflag:s0] =	ssyncset.done $0x0  }
0x46: {  	s18 =	sshrl.u32 s21, $0x3;
	s13 =	sadd.s32 $0xBD0, s13;
	[sflag:s0] =	ssyncadd.s32 $0xFFFFD0C0  }
0x47: {  	[tilespmem:s3], [sflag:$0x1] =	stream.linear.gather [hbm4b:s13+s3], $0x2F40, $0x38;
	[tilespmem:$0x1FE00] =	vst v63  }
0x48: {  	s19 =	sadd.s32 s4, s18  }
0x49: {  	[tilespmem:s30], [sflag:$0x1] =	stream.linear.gather [hbm4b:s19+s3], $0x2F40, $0x38;
	[tilespmem:$0x1FE00] =	vst v63  }
0x4a: {  	_ =	swait.ge [sflag:s11], $0x2F40  }
0x4b: {  	[sflag:s11] =	ssyncset.done $0x0  }
0x4c: {  	[sflag:s11] =	ssyncadd.s32 $0xFFFFD0C0  }
0x4d: {  	_ =	swait.ge [sflag:s11], $0x2F40  }
0x4e: {  	[sflag:s11] =	ssyncset.done $0x0  }
0x4f: {  	[sflag:s11] =	ssyncadd.s32 $0xFFFFD0C0  }
0x50: {  	[spmem:s1] =	stream.indirect.scatter.add.f32 [tilespmem:s6], [sflag:$0x3], $0x1, s2, s10, $0xb8;
	[tilespmem:$0x1FE00] =	vst v63  }
0x51: {  	s14 =	simm.s32 $0xBD0;
	s15 =	sadd.s32 $0xBD0, s22;
	_ =	swait.ge [sflag:s0], $0x2F40  }
0x52: {  	s16 =	simm.s32 $0x17A0;
	s13 =	sadd.s32 $0x5E80, s21;
	[sflag:s0] =	ssyncset.done $0x0  }
.LBB2_4:
0x53: {  	s17 =	sadd.s32 $0x5E8, s15  }
0x54: {  	[sflag:s0] =	ssyncadd.s32 $0xFFFFD0C0;
	s18 =	smov.u32 s16;
	s19 =	sadd.s32 $0xBD0, s16  }
0x55: {  	[tilespmem:s2], [sflag:$0x2] =	stream.linear.gather [hbm4b:s17+s3], $0x2F40, $0x38;
	[tilespmem:$0x1FE00] =	vst v63  }
0x56: {  	p0 =	sne.s32 s16, $0x8DC0;
	s16 =	sadd.s32 s14, s23;
	s14 =	smov.u32 s18  }
0x57: {  	[tilespmem:s6], [sflag:$0x2] =	stream.linear.gather [hbm4b:s16+s3], $0x2F40, $0x38;
	[tilespmem:$0x1FE00] =	vst v63  }
0x58: {  	_ =	swait.ge [sflag:s9], $0x2F40  }
0x59: {  	[sflag:s9] =	ssyncset.done $0x0  }
0x5a: {  	[sflag:s9] =	ssyncadd.s32 $0xFFFFD0C0  }
0x5b: {  	_ =	swait.ge [sflag:s9], $0x2F40  }
0x5c: {  	[sflag:s9] =	ssyncset.done $0x0  }
0x5d: {  	[sflag:s9] =	ssyncadd.s32 $0xFFFFD0C0  }
0x5e: {  	[spmem:s1] =	stream.indirect.scatter.add.f32 [tilespmem:s30], [sflag:$0x3], $0x1, s3, s10, $0xb8;
	[tilespmem:$0x1FE00] =	vst v63  }
0x5f: {  	_ =	swait.ge [sflag:s0], $0x2F40  }
0x60: {  	[sflag:s0] =	ssyncset.done $0x0  }
0x61: {  	s15 =	sadd.s32 $0xBD0, s15;
	s16 =	sshrl.u32 s13, $0x3;
	[sflag:s0] =	ssyncadd.s32 $0xFFFFD0C0  }
0x62: {  	[tilespmem:s3], [sflag:$0x1] =	stream.linear.gather [hbm4b:s15+s3], $0x2F40, $0x38;
	[tilespmem:$0x1FE00] =	vst v63  }
0x63: {  	s15 =	sadd.s32 s4, s16  }
0x64: {  	[tilespmem:s30], [sflag:$0x1] =	stream.linear.gather [hbm4b:s15+s3], $0x2F40, $0x38;
	[tilespmem:$0x1FE00] =	vst v63  }
0x65: {  	_ =	swait.ge [sflag:s11], $0x2F40  }
0x66: {  	[sflag:s11] =	ssyncset.done $0x0  }
0x67: {  	[sflag:s11] =	ssyncadd.s32 $0xFFFFD0C0  }
0x68: {  	_ =	swait.ge [sflag:s11], $0x2F40  }
.Ltmp1:
0x69: {  	[sflag:s11] =	ssyncset.done $0x0;
	(pc) =	sbr.rel @p0 .LBB2_4-.Ltmp1, $4  }
0x6a: {  	[sflag:s11] =	ssyncadd.s32 $0xFFFFD0C0  }
0x6b: {  	[spmem:s1] =	stream.indirect.scatter.add.f32 [tilespmem:s6], [sflag:$0x3], $0x1, s2, s10, $0xb8;
	[tilespmem:$0x1FE00] =	vst v63  }
0x6c: {  	s13 =	sadd.s32 $0x5E80, s13;
	_ =	swait.ge [sflag:s0], $0x2F40  }
0x6d: {  	s16 =	smov.u32 s19;
	s15 =	sadd.s32 s14, s22;
	[sflag:s0] =	ssyncset.done $0x0  }
0x6e: {  	s16 =	sadd.s32 $0x5E8, s15;
	[sflag:s0] =	ssyncadd.s32 $0xFFFFD0C0  }
0x6f: {  	[tilespmem:s2], [sflag:$0x2] =	stream.linear.gather [hbm4b:s16+s3], $0x2F40, $0x38;
	[tilespmem:$0x1FE00] =	vst v63  }
0x70: {  	s14 =	sadd.s32 s14, s23  }
0x71: {  	[tilespmem:s6], [sflag:$0x2] =	stream.linear.gather [hbm4b:s14+s3], $0x2F40, $0x38;
	[tilespmem:$0x1FE00] =	vst v63  }
0x72: {  	_ =	swait.ge [sflag:s9], $0x2F40  }
0x73: {  	[sflag:s9] =	ssyncset.done $0x0  }
0x74: {  	[sflag:s9] =	ssyncadd.s32 $0xFFFFD0C0  }
0x75: {  	_ =	swait.ge [sflag:s9], $0x2F40  }
0x76: {  	[sflag:s9] =	ssyncset.done $0x0  }
0x77: {  	[sflag:s9] =	ssyncadd.s32 $0xFFFFD0C0  }
0x78: {  	[spmem:s1] =	stream.indirect.scatter.add.f32 [tilespmem:s30], [sflag:$0x3], $0x1, s3, s10, $0xb8;
	[tilespmem:$0x1FE00] =	vst v63  }
0x79: {  	_ =	swait.ge [sflag:s0], $0x2F40  }
0x7a: {  	[sflag:s0] =	ssyncset.done $0x0  }
0x7b: {  	s18 =	sadd.s32 $0xBD0, s15;
	s13 =	sshrl.u32 s13, $0x3;
	[sflag:s0] =	ssyncadd.s32 $0xFFFFD0C0  }
0x7c: {  	[tilespmem:s3], [sflag:$0x1] =	stream.linear.gather [hbm4b:s18+s3], $0x2F40, $0x38;
	[tilespmem:$0x1FE00] =	vst v63  }
0x7d: {  	s13 =	sadd.s32 s4, s13  }
0x7e: {  	[tilespmem:s30], [sflag:$0x1] =	stream.linear.gather [hbm4b:s13+s3], $0x2F40, $0x38;
	[tilespmem:$0x1FE00] =	vst v63  }
0x7f: {  	_ =	swait.ge [sflag:s11], $0x2F40  }
0x80: {  	[sflag:s11] =	ssyncset.done $0x0  }
0x81: {  	[sflag:s11] =	ssyncadd.s32 $0xFFFFD0C0  }
0x82: {  	_ =	swait.ge [sflag:s11], $0x2F40  }
0x83: {  	[sflag:s11] =	ssyncset.done $0x0  }
0x84: {  	[sflag:s11] =	ssyncadd.s32 $0xFFFFD0C0  }
0x85: {  	[spmem:s1] =	stream.indirect.scatter.add.f32 [tilespmem:s6], [sflag:$0x3], $0x1, s2, s10, $0xb8;
	[tilespmem:$0x1FE00] =	vst v63  }
0x86: {  	_ =	swait.ge [sflag:s0], $0x2F40  }
0x87: {  	[sflag:s0] =	ssyncset.done $0x0  }
0x88: {  	s13 =	simm.s32 $0x0;
	[sflag:s0] =	ssyncadd.s32 $0xFFFFD0C0  }
0x89: {  	[tilespmem:s2], [sflag:$0x2] =	stream.linear.gather [hbm4b:s8+s13], $0x2F40, $0x38;
	[tilespmem:$0x1FE00] =	vst v63  }
0x8a: {  	s19 =	rddreg [dreg:$0x4]  }
0x8b: {  	[tilespmem:s6], [sflag:$0x2] =	stream.linear.gather [hbm4b:s19+s13], $0x2F40, $0x38;
	[tilespmem:$0x1FE00] =	vst v63  }
0x8c: {  	_ =	swait.ge [sflag:s9], $0x2F40  }
0x8d: {  	[sflag:s9] =	ssyncset.done $0x0  }
0x8e: {  	[sflag:s9] =	ssyncadd.s32 $0xFFFFD0C0  }
0x8f: {  	_ =	swait.ge [sflag:s9], $0x2F40  }
0x90: {  	[sflag:s9] =	ssyncset.done $0x0  }
0x91: {  	[sflag:s9] =	ssyncadd.s32 $0xFFFFD0C0  }
0x92: {  	[spmem:s1] =	stream.indirect.scatter.add.f32 [tilespmem:s30], [sflag:$0x3], $0x1, s13, s10, $0xb8;
	[tilespmem:$0x1FE00] =	vst v63  }
0x93: {  	_ =	swait.ge [sflag:s0], $0x2F40  }
0x94: {  	[sflag:s0] =	ssyncset.done $0x0  }
0x95: {  	[sflag:s0] =	ssyncadd.s32 $0xFFFFD0C0  }
0x96: {  	_ =	swait.ge [sflag:s11], $0x2F40  }
0x97: {  	[sflag:s11] =	ssyncset.done $0x0  }
0x98: {  	[sflag:s11] =	ssyncadd.s32 $0xFFFFD0C0  }
0x99: {  	_ =	swait.ge [sflag:s11], $0x2F40  }
0x9a: {  	[sflag:s11] =	ssyncset.done $0x0  }
0x9b: {  	[sflag:s11] =	ssyncadd.s32 $0xFFFFD0C0  }
0x9c: {  	[spmem:s1] =	stream.indirect.scatter.add.f32 [tilespmem:s6], [sflag:$0x3], $0x1, s2, s10, $0xb8;
	[tilespmem:$0x1FE00] =	vst v63  }
0x9d: {  	_ =	swait.ge [sflag:s0], $0x2F40  }
0x9e: {  	[sflag:s0] =	ssyncset.done $0x0  }
0x9f: {  	[sflag:s0] =	ssyncadd.s32 $0xFFFFD0C0  }
0xa0: {  	[bflag:$0x0] =	sbarrier.arrive $0xFFFF  }
0xa1: {  	[tilespmem:s31], [sflag:$0x3] =	stream.linear.gather [spmem:s7], $0x4000, $0x38;
	[tilespmem:$0x1FE00] =	vst v63  }
0xa2: {  	_ =	swait.ge [sflag:s0], $0x4000  }
0xa3: {  	[sflag:s0] =	ssyncset.done $0x0  }
0xa4: {  	s15 =	rddreg [dreg:$0x5];
	[sflag:s0] =	ssyncadd.s32 $0xFFFFC000  }
0xa5: {  	[hbm4b:s15+s13] =	stream.linear.scatter [tilespmem:s31], [sflag:$0x3], $0x4000, $0x38;
	[tilespmem:$0x1FE00] =	vst v63  }
0xa6: {  	_ =	swait.ge [sflag:s0], $0x4000  }
0xa7: {  	[sflag:s0] =	ssyncset.done $0x0  }
0xa8: {  	[sflag:s0] =	ssyncadd.s32 $0xFFFFC000  }
0xa9: {  	[tilespmem:s31], [sflag:$0x3] =	stream.linear.gather [spmem:s26], $0x4000, $0x38;
	[tilespmem:$0x1FE00] =	vst v63  }
0xaa: {  	_ =	swait.ge [sflag:s0], $0x4000  }
0xab: {  	[sflag:s0] =	ssyncset.done $0x0  }
0xac: {  	s16 =	rddreg [dreg:$0x6];
	[sflag:s0] =	ssyncadd.s32 $0xFFFFC000  }
0xad: {  	[hbm4b:s16+s13] =	stream.linear.scatter [tilespmem:s31], [sflag:$0x3], $0x4000, $0x38;
	[tilespmem:$0x1FE00] =	vst v63  }
0xae: {  	_ =	swait.ge [sflag:s0], $0x4000  }
0xaf: {  	[sflag:s0] =	ssyncset.done $0x0  }
0xb0: {  	[sflag:s0] =	ssyncadd.s32 $0xFFFFC000  }
0xb1: {  	[tilespmem:s31], [sflag:$0x3] =	stream.linear.gather [spmem:s28], $0x4000, $0x38;
	[tilespmem:$0x1FE00] =	vst v63  }
0xb2: {  	_ =	swait.ge [sflag:s0], $0x4000  }
0xb3: {  	[sflag:s0] =	ssyncset.done $0x0  }
0xb4: {  	s17 =	rddreg [dreg:$0x7];
	[sflag:s0] =	ssyncadd.s32 $0xFFFFC000  }
0xb5: {  	[hbm4b:s17+s13] =	stream.linear.scatter [tilespmem:s31], [sflag:$0x3], $0x4000, $0x38;
	[tilespmem:$0x1FE00] =	vst v63  }
0xb6: {  	_ =	swait.ge [sflag:s0], $0x4000  }
0xb7: {  	[sflag:s0] =	ssyncset.done $0x0  }
0xb8: {  	[sflag:s0] =	ssyncadd.s32 $0xFFFFC000  }
0xb9: {  	[tilespmem:s31], [sflag:$0x3] =	stream.linear.gather [spmem:s29], $0x4000, $0x38;
	[tilespmem:$0x1FE00] =	vst v63  }
0xba: {  	_ =	swait.ge [sflag:s0], $0x4000  }
0xbb: {  	[sflag:s0] =	ssyncset.done $0x0  }
0xbc: {  	s18 =	rddreg [dreg:$0x8];
	[sflag:s0] =	ssyncadd.s32 $0xFFFFC000  }
0xbd: {  	[hbm4b:s18+s13] =	stream.linear.scatter [tilespmem:s31], [sflag:$0x3], $0x4000, $0x38;
	[tilespmem:$0x1FE00] =	vst v63  }
0xbe: {  	_ =	swait.ge [sflag:s0], $0x4000  }
0xbf: {  	[sflag:s0] =	ssyncset.done $0x0  }
0xc0: {  	[sflag:s0] =	ssyncadd.s32 $0xFFFFC000  }
0xc1: {  	[tilespmem:s13], [sflag:$0x1] =	stream.linear.gather [hbm4b:s5+s13], $0x2F40, $0x38;
	[tilespmem:$0x1FE00] =	vst v63  }
0xc2: {  	s19 =	rddreg [dreg:$0x9]  }
0xc3: {  	[tilespmem:s30], [sflag:$0x1] =	stream.linear.gather [hbm4b:s19+s13], $0x2F40, $0x38;
	[tilespmem:$0x1FE00] =	vst v63  }
0xc4: {  	s14 =	simm.s32 $0x0;
	s13 =	simm.s32 $0x40  }
.LBB2_6:
0xc5: {  	p0 =	sne.s32 s13, $0xFFC0;
	[tilespmem:s14+$0xBE00] =	vst v0;
	s14 =	smov.u32 s13;
	s13 =	sadd.s32 $0x40, s13  }
.Ltmp2:
0xc6: {  	(pc) =	sbr.rel @p0 .LBB2_6-.Ltmp2, $2  }
0xc7: {  	_ =	sdelay $0x2  }
0xc8: {  	s14 =	sshra.s32 s14, $0x2  }
0xc9: {  	[tilespmem:s14+$0xBE00] =	vst v0  }
0xca: {  	[spmem:s7] =	stream.linear.scatter [tilespmem:s31], [sflag:$0x3], $0x4000, $0x38;
	[tilespmem:$0x1FE00] =	vst v63  }
0xcb: {  	_ =	swait.ge [sflag:s0], $0x4000  }
0xcc: {  	[sflag:s0] =	ssyncset.done $0x0  }
0xcd: {  	[sflag:s0] =	ssyncadd.s32 $0xFFFFC000  }
0xce: {  	[spmem:s26] =	stream.linear.scatter [tilespmem:s31], [sflag:$0x3], $0x4000, $0x38;
	[tilespmem:$0x1FE00] =	vst v63  }
0xcf: {  	_ =	swait.ge [sflag:s0], $0x4000  }
0xd0: {  	[sflag:s0] =	ssyncset.done $0x0  }
0xd1: {  	[sflag:s0] =	ssyncadd.s32 $0xFFFFC000  }
0xd2: {  	[spmem:s28] =	stream.linear.scatter [tilespmem:s31], [sflag:$0x3], $0x4000, $0x38;
	[tilespmem:$0x1FE00] =	vst v63  }
0xd3: {  	_ =	swait.ge [sflag:s0], $0x4000  }
0xd4: {  	[sflag:s0] =	ssyncset.done $0x0  }
0xd5: {  	[sflag:s0] =	ssyncadd.s32 $0xFFFFC000  }
0xd6: {  	[spmem:s29] =	stream.linear.scatter [tilespmem:s31], [sflag:$0x3], $0x4000, $0x38;
	[tilespmem:$0x1FE00] =	vst v63  }
0xd7: {  	_ =	swait.ge [sflag:s0], $0x4000  }
0xd8: {  	[sflag:s0] =	ssyncset.done $0x0  }
0xd9: {  	s13 =	sadd.s32 $0x0, s22;
	[sflag:s0] =	ssyncadd.s32 $0xFFFFC000  }
0xda: {  	s17 =	sadd.s32 $0x5E8, s13;
	[bflag:$0x0] =	sbarrier.arrive $0xFFFF  }
0xdb: {  	[tilespmem:s2], [sflag:$0x2] =	stream.linear.gather [hbm4b:s17+s3], $0x2F40, $0x38;
	[tilespmem:$0x1FE00] =	vst v63  }
0xdc: {  	s18 =	sadd.s32 $0x0, s25  }
0xdd: {  	[tilespmem:s6], [sflag:$0x2] =	stream.linear.gather [hbm4b:s18+s3], $0x2F40, $0x38;
	[tilespmem:$0x1FE00] =	vst v63  }
0xde: {  	_ =	swait.ge [sflag:s9], $0x2F40  }
0xdf: {  	[sflag:s9] =	ssyncset.done $0x0  }
0xe0: {  	[sflag:s9] =	ssyncadd.s32 $0xFFFFD0C0  }
0xe1: {  	_ =	swait.ge [sflag:s9], $0x2F40  }
0xe2: {  	[sflag:s9] =	ssyncset.done $0x0  }
0xe3: {  	[sflag:s9] =	ssyncadd.s32 $0xFFFFD0C0  }
0xe4: {  	[spmem:s1] =	stream.indirect.scatter.add.f32 [tilespmem:s30], [sflag:$0x3], $0x1, s3, s10, $0xb8;
	[tilespmem:$0x1FE00] =	vst v63  }
0xe5: {  	_ =	swait.ge [sflag:s0], $0x2F40  }
0xe6: {  	[sflag:s0] =	ssyncset.done $0x0  }
0xe7: {  	s13 =	sadd.s32 $0xBD0, s13;
	[sflag:s0] =	ssyncadd.s32 $0xFFFFD0C0  }
0xe8: {  	[tilespmem:s3], [sflag:$0x1] =	stream.linear.gather [hbm4b:s13+s3], $0x2F40, $0x38;
	[tilespmem:$0x1FE00] =	vst v63  }
0xe9: {  	s19 =	sadd.s32 $0x0, s24  }
0xea: {  	[tilespmem:s30], [sflag:$0x1] =	stream.linear.gather [hbm4b:s19+s3], $0x2F40, $0x38;
	[tilespmem:$0x1FE00] =	vst v63  }
0xeb: {  	_ =	swait.ge [sflag:s11], $0x2F40  }
0xec: {  	[sflag:s11] =	ssyncset.done $0x0  }
0xed: {  	[sflag:s11] =	ssyncadd.s32 $0xFFFFD0C0  }
0xee: {  	_ =	swait.ge [sflag:s11], $0x2F40  }
0xef: {  	[sflag:s11] =	ssyncset.done $0x0  }
0xf0: {  	[sflag:s11] =	ssyncadd.s32 $0xFFFFD0C0  }
0xf1: {  	[spmem:s1] =	stream.indirect.scatter.add.f32 [tilespmem:s6], [sflag:$0x3], $0x1, s2, s10, $0xb8;
	[tilespmem:$0x1FE00] =	vst v63  }
0xf2: {  	s15 =	simm.s32 $0x17A0;
	_ =	swait.ge [sflag:s0], $0x2F40  }
0xf3: {  	s14 =	sadd.s32 $0xBD0, s22;
	s13 =	simm.s32 $0xBD0;
	[sflag:s0] =	ssyncset.done $0x0  }
.LBB2_8:
0xf4: {  	s16 =	sadd.s32 $0x5E8, s14  }
0xf5: {  	[sflag:s0] =	ssyncadd.s32 $0xFFFFD0C0;
	s17 =	smov.u32 s15;
	s18 =	sadd.s32 $0xBD0, s15  }
0xf6: {  	[tilespmem:s2], [sflag:$0x2] =	stream.linear.gather [hbm4b:s16+s3], $0x2F40, $0x38;
	[tilespmem:$0x1FE00] =	vst v63  }
0xf7: {  	p0 =	sne.s32 s15, $0x8DC0;
	s15 =	sadd.s32 s13, s25  }
0xf8: {  	[tilespmem:s6], [sflag:$0x2] =	stream.linear.gather [hbm4b:s15+s3], $0x2F40, $0x38;
	[tilespmem:$0x1FE00] =	vst v63  }
0xf9: {  	_ =	swait.ge [sflag:s9], $0x2F40  }
0xfa: {  	[sflag:s9] =	ssyncset.done $0x0  }
0xfb: {  	[sflag:s9] =	ssyncadd.s32 $0xFFFFD0C0  }
0xfc: {  	_ =	swait.ge [sflag:s9], $0x2F40  }
0xfd: {  	[sflag:s9] =	ssyncset.done $0x0  }
0xfe: {  	[sflag:s9] =	ssyncadd.s32 $0xFFFFD0C0  }
0xff: {  	[spmem:s1] =	stream.indirect.scatter.add.f32 [tilespmem:s30], [sflag:$0x3], $0x1, s3, s10, $0xb8;
	[tilespmem:$0x1FE00] =	vst v63  }
0x100: {  	_ =	swait.ge [sflag:s0], $0x2F40  }
0x101: {  	[sflag:s0] =	ssyncset.done $0x0  }
0x102: {  	s14 =	sadd.s32 $0xBD0, s14;
	[sflag:s0] =	ssyncadd.s32 $0xFFFFD0C0  }
0x103: {  	[tilespmem:s3], [sflag:$0x1] =	stream.linear.gather [hbm4b:s14+s3], $0x2F40, $0x38;
	[tilespmem:$0x1FE00] =	vst v63  }
0x104: {  	s14 =	sadd.s32 s13, s24;
	s13 =	smov.u32 s17  }
0x105: {  	[tilespmem:s30], [sflag:$0x1] =	stream.linear.gather [hbm4b:s14+s3], $0x2F40, $0x38;
	[tilespmem:$0x1FE00] =	vst v63  }
0x106: {  	_ =	swait.ge [sflag:s11], $0x2F40  }
0x107: {  	[sflag:s11] =	ssyncset.done $0x0  }
0x108: {  	[sflag:s11] =	ssyncadd.s32 $0xFFFFD0C0  }
0x109: {  	_ =	swait.ge [sflag:s11], $0x2F40  }
.Ltmp3:
0x10a: {  	[sflag:s11] =	ssyncset.done $0x0;
	(pc) =	sbr.rel @p0 .LBB2_8-.Ltmp3, $4  }
0x10b: {  	[sflag:s11] =	ssyncadd.s32 $0xFFFFD0C0  }
0x10c: {  	[spmem:s1] =	stream.indirect.scatter.add.f32 [tilespmem:s6], [sflag:$0x3], $0x1, s2, s10, $0xb8;
	[tilespmem:$0x1FE00] =	vst v63  }
0x10d: {  	_ =	swait.ge [sflag:s0], $0x2F40  }
0x10e: {  	s15 =	smov.u32 s18;
	s14 =	sadd.s32 s13, s22;
	[sflag:s0] =	ssyncset.done $0x0  }
0x10f: {  	s15 =	sadd.s32 $0x5E8, s14;
	[sflag:s0] =	ssyncadd.s32 $0xFFFFD0C0  }
0x110: {  	[tilespmem:s2], [sflag:$0x2] =	stream.linear.gather [hbm4b:s15+s3], $0x2F40, $0x38;
	[tilespmem:$0x1FE00] =	vst v63  }
0x111: {  	s18 =	sadd.s32 s13, s25  }
0x112: {  	[tilespmem:s6], [sflag:$0x2] =	stream.linear.gather [hbm4b:s18+s3], $0x2F40, $0x38;
	[tilespmem:$0x1FE00] =	vst v63  }
0x113: {  	_ =	swait.ge [sflag:s9], $0x2F40  }
0x114: {  	[sflag:s9] =	ssyncset.done $0x0  }
0x115: {  	[sflag:s9] =	ssyncadd.s32 $0xFFFFD0C0  }
0x116: {  	_ =	swait.ge [sflag:s9], $0x2F40  }
0x117: {  	[sflag:s9] =	ssyncset.done $0x0  }
0x118: {  	[sflag:s9] =	ssyncadd.s32 $0xFFFFD0C0  }
0x119: {  	[spmem:s1] =	stream.indirect.scatter.add.f32 [tilespmem:s30], [sflag:$0x3], $0x1, s3, s10, $0xb8;
	[tilespmem:$0x1FE00] =	vst v63  }
0x11a: {  	_ =	swait.ge [sflag:s0], $0x2F40  }
0x11b: {  	[sflag:s0] =	ssyncset.done $0x0  }
0x11c: {  	s19 =	sadd.s32 $0xBD0, s14;
	[sflag:s0] =	ssyncadd.s32 $0xFFFFD0C0  }
0x11d: {  	[tilespmem:s3], [sflag:$0x1] =	stream.linear.gather [hbm4b:s19+s3], $0x2F40, $0x38;
	[tilespmem:$0x1FE00] =	vst v63  }
0x11e: {  	s14 =	sadd.s32 s13, s24  }
0x11f: {  	[tilespmem:s30], [sflag:$0x1] =	stream.linear.gather [hbm4b:s14+s3], $0x2F40, $0x38;
	[tilespmem:$0x1FE00] =	vst v63  }
0x120: {  	_ =	swait.ge [sflag:s11], $0x2F40  }
0x121: {  	[sflag:s11] =	ssyncset.done $0x0  }
0x122: {  	[sflag:s11] =	ssyncadd.s32 $0xFFFFD0C0  }
0x123: {  	_ =	swait.ge [sflag:s11], $0x2F40  }
0x124: {  	[sflag:s11] =	ssyncset.done $0x0  }
0x125: {  	[sflag:s11] =	ssyncadd.s32 $0xFFFFD0C0  }
0x126: {  	[spmem:s1] =	stream.indirect.scatter.add.f32 [tilespmem:s6], [sflag:$0x3], $0x1, s2, s10, $0xb8;
	[tilespmem:$0x1FE00] =	vst v63  }
0x127: {  	_ =	swait.ge [sflag:s0], $0x2F40  }
0x128: {  	[sflag:s0] =	ssyncset.done $0x0  }
0x129: {  	[sflag:s0] =	ssyncadd.s32 $0xFFFFD0C0  }
0x12a: {  	[tilespmem:s2], [sflag:$0x2] =	stream.linear.gather [hbm4b:s8+s3], $0x2F40, $0x38;
	[tilespmem:$0x1FE00] =	vst v63  }
0x12b: {  	s15 =	rddreg [dreg:$0xa]  }
0x12c: {  	[tilespmem:s6], [sflag:$0x2] =	stream.linear.gather [hbm4b:s15+s3], $0x2F40, $0x38;
	[tilespmem:$0x1FE00] =	vst v63  }
0x12d: {  	_ =	swait.ge [sflag:s9], $0x2F40  }
0x12e: {  	[sflag:s9] =	ssyncset.done $0x0  }
0x12f: {  	[sflag:s9] =	ssyncadd.s32 $0xFFFFD0C0  }
0x130: {  	_ =	swait.ge [sflag:s9], $0x2F40  }
0x131: {  	[sflag:s9] =	ssyncset.done $0x0  }
0x132: {  	[sflag:s9] =	ssyncadd.s32 $0xFFFFD0C0  }
0x133: {  	[spmem:s1] =	stream.indirect.scatter.add.f32 [tilespmem:s30], [sflag:$0x3], $0x1, s3, s10, $0xb8;
	[tilespmem:$0x1FE00] =	vst v63  }
0x134: {  	_ =	swait.ge [sflag:s0], $0x2F40  }
0x135: {  	[sflag:s0] =	ssyncset.done $0x0  }
0x136: {  	[sflag:s0] =	ssyncadd.s32 $0xFFFFD0C0  }
0x137: {  	_ =	swait.ge [sflag:s11], $0x2F40  }
0x138: {  	[sflag:s11] =	ssyncset.done $0x0  }
0x139: {  	[sflag:s11] =	ssyncadd.s32 $0xFFFFD0C0  }
0x13a: {  	_ =	swait.ge [sflag:s11], $0x2F40  }
0x13b: {  	[sflag:s11] =	ssyncset.done $0x0  }
0x13c: {  	[sflag:s11] =	ssyncadd.s32 $0xFFFFD0C0  }
0x13d: {  	[spmem:s1] =	stream.indirect.scatter.add.f32 [tilespmem:s6], [sflag:$0x3], $0x1, s2, s10, $0xb8;
	[tilespmem:$0x1FE00] =	vst v63  }
0x13e: {  	_ =	swait.ge [sflag:s0], $0x2F40  }
0x13f: {  	[sflag:s0] =	ssyncset.done $0x0  }
0x140: {  	[sflag:s0] =	ssyncadd.s32 $0xFFFFD0C0  }
0x141: {  	[bflag:$0x0] =	sbarrier.arrive $0xFFFF  }
0x142: {  	[tilespmem:s31], [sflag:$0x3] =	stream.linear.gather [spmem:s7], $0x4000, $0x38;
	[tilespmem:$0x1FE00] =	vst v63  }
0x143: {  	_ =	swait.ge [sflag:s0], $0x4000  }
0x144: {  	[sflag:s0] =	ssyncset.done $0x0  }
0x145: {  	s16 =	rddreg [dreg:$0xb];
	[sflag:s0] =	ssyncadd.s32 $0xFFFFC000  }
0x146: {  	[hbm4b:s16+s3] =	stream.linear.scatter [tilespmem:s31], [sflag:$0x3], $0x4000, $0x38;
	[tilespmem:$0x1FE00] =	vst v63  }
0x147: {  	_ =	swait.ge [sflag:s0], $0x4000  }
0x148: {  	[sflag:s0] =	ssyncset.done $0x0  }
0x149: {  	[sflag:s0] =	ssyncadd.s32 $0xFFFFC000  }
0x14a: {  	[tilespmem:s31], [sflag:$0x3] =	stream.linear.gather [spmem:s26], $0x4000, $0x38;
	[tilespmem:$0x1FE00] =	vst v63  }
0x14b: {  	_ =	swait.ge [sflag:s0], $0x4000  }
0x14c: {  	[sflag:s0] =	ssyncset.done $0x0  }
0x14d: {  	s17 =	rddreg [dreg:$0xc];
	[sflag:s0] =	ssyncadd.s32 $0xFFFFC000  }
0x14e: {  	[hbm4b:s17+s3] =	stream.linear.scatter [tilespmem:s31], [sflag:$0x3], $0x4000, $0x38;
	[tilespmem:$0x1FE00] =	vst v63  }
0x14f: {  	_ =	swait.ge [sflag:s0], $0x4000  }
0x150: {  	[sflag:s0] =	ssyncset.done $0x0  }
0x151: {  	[sflag:s0] =	ssyncadd.s32 $0xFFFFC000  }
0x152: {  	[tilespmem:s31], [sflag:$0x3] =	stream.linear.gather [spmem:s28], $0x4000, $0x38;
	[tilespmem:$0x1FE00] =	vst v63  }
0x153: {  	_ =	swait.ge [sflag:s0], $0x4000  }
0x154: {  	[sflag:s0] =	ssyncset.done $0x0  }
0x155: {  	s18 =	rddreg [dreg:$0xd];
	[sflag:s0] =	ssyncadd.s32 $0xFFFFC000  }
0x156: {  	[hbm4b:s18+s3] =	stream.linear.scatter [tilespmem:s31], [sflag:$0x3], $0x4000, $0x38;
	[tilespmem:$0x1FE00] =	vst v63  }
0x157: {  	_ =	swait.ge [sflag:s0], $0x4000  }
0x158: {  	[sflag:s0] =	ssyncset.done $0x0  }
0x159: {  	[sflag:s0] =	ssyncadd.s32 $0xFFFFC000  }
0x15a: {  	[tilespmem:s31], [sflag:$0x3] =	stream.linear.gather [spmem:s29], $0x4000, $0x38;
	[tilespmem:$0x1FE00] =	vst v63  }
0x15b: {  	s12 =	sadd.s32 $0x1, s12;
	_ =	swait.ge [sflag:s0], $0x4000  }
0x15c: {  	p0 =	sne.s32 s12, s20;
	[sflag:s0] =	ssyncset.done $0x0  }
.Ltmp4:
0x15d: {  	s19 =	rddreg [dreg:$0xe];
	[sflag:s0] =	ssyncadd.s32 $0xFFFFC000;
	(pc) =	sbr.rel @p0 .LBB2_1-.Ltmp4, $4  }
0x15e: {  	[hbm4b:s19+s3] =	stream.linear.scatter [tilespmem:s31], [sflag:$0x3], $0x4000, $0x38;
	[tilespmem:$0x1FE00] =	vst v63  }
0x15f: {  	_ =	swait.ge [sflag:s0], $0x4000  }
0x160: {  	[sflag:s0] =	ssyncset.done $0x0  }
0x161: {  	[sflag:s0] =	ssyncadd.s32 $0xFFFFC000  }
0x162: {  	_ =	sfence.sel $0x180000  }
0x163: {  	[bflag:$0x0] =	sbarrier.arrive $0xFFFF  }
0x164: {  	_ =	strace $0x90000047  }
0x165: {  	s0 =	stileid.u32;
	[bflag:$0x2] =	sbarrier.arrive $0xFFFF  }
0x166: {  	p0 =	sne.s32 s0, $0x0;
	s0 =	rddreg [dreg:$0x2]  }
0x167: {  	s0 =	sadd.s32 @!p0 $0x100000, s0  }
0x168: {  	[sflag:s0] =	ssyncadd.tile.s32 @!p0 $0x1;
	_ =	shalt  }
.Lfunc_end2:
_tile_overlayer_lowered:
.L_overlay_start_2:
0x169: {  	(tag) =	ssettag $0x2  }
0x16a: {  	s0 =	rddreg [dreg:$0x0];
	s2 =	stileid.u32  }
0x16b: {  	s1 =	rddreg [dreg:$0x1];
	p0 =	sne.s32 s2, $0x0  }
0x16c: {  	s3 =	rddreg [dreg:$0x2];
	[bflag:$0x3] =	sbarrier.arrive $0xFFFF;
	s2 =	simm.s32 @!p0 $0x1C03  }
0x16d: {  	[timem:s3], [sflag:s2] =	dma.local @!p0 [hbm:s0], s1  }
0x16e: {  	s0 =	simm.s32 @!p0 $0x3  }
0x16f: {  	_ =	swait.ge @!p0 [sflag:s0], s1  }
0x170: {  	s1 =	ssub.s32 @!p0 $0x0, s1;
	[sflag:s0] =	ssyncset.done @!p0 $0x0  }
0x171: {  	[sflag:s0] =	ssyncadd.s32 @!p0 s1  }
0x172: {  	[bflag:$0x3] =	sbarrier.arrive $0xFFFF  }
0x173: {  	_ =	shalt  }

</sc_bundles>
